<compile_context>
chip_gen: v7x
topology: tpu7x:2x2x1
jax: 0.10.2.dev20260603
libtpu: 0.0.44.dev20260713+nightly
codegen_flags: <defaults>
</compile_context>

<pallas_src>
import functools

import jax
import jax.numpy as jnp
from jax import lax
from jax.experimental import pallas as pl
from jax.experimental.pallas import tpu as pltpu
from jax.experimental.pallas import tpu_sc as plsc

B = 4
S = 2048
D = 1024
H = D // 2
MD0, MD1, MD2 = 2050, 64, 64
OFFSET = 2

NC = 2
NS = 16
ROWS = B * S
ROWS_PER_T = ROWS // NS
CHUNK = 16
NCHUNK = ROWS_PER_T // CHUNK
NBUF = 4


def _shift_right(x, k, fill):
    pad = jnp.full((B, k), fill, dtype=x.dtype)
    return jnp.concatenate([pad, x[:, : S - k]], axis=1)


def _cumsum(x):
    k = 1
    while k < S:
        x = x + _shift_right(x, k, 0)
        k *= 2
    return x


def _cummax(x, fill):
    k = 1
    while k < S:
        x = jnp.maximum(x, _shift_right(x, k, fill))
        k *= 2
    return x


def _maps_body(ids_ref, m0_ref, m1_ref, m2_ref, cnt_ref):
    tok = ids_ref[...]
    c1 = jnp.logical_and(tok >= 5, tok <= 8)
    c2 = jnp.logical_and(tok >= 9, tok <= 10)
    i32 = jnp.int32
    t = lax.broadcasted_iota(i32, (B, S), 1)
    e = (tok == 1).astype(i32)
    done = _cumsum(e) > 0
    s1 = _cumsum(c1.astype(i32))
    cc2 = _cumsum(c2.astype(i32))
    lastreset = _cummax(jnp.where(jnp.logical_or(c1, c2), t, -1), -1)
    n0raw = jnp.where(lastreset >= 0, t - lastreset, t + 1 + OFFSET)
    ov0 = n0raw == MD0
    n0 = jnp.where(ov0, 0, n0raw)
    v = _cummax(jnp.where(c2, s1, 0), 0)
    n1c = s1 - v
    wrap1 = jnp.logical_and(c1, (n1c & 63) == 0)
    w = _cumsum(wrap1.astype(i32))
    n1 = (n1c & 63) + ov0.astype(i32)
    n2 = (cc2 + w) & 63
    m0_ref[...] = jnp.where(done, MD0 - 1, n0)
    m1_ref[...] = jnp.where(done, MD1 - 1, n1)
    m2_ref[...] = jnp.where(done, MD2 - 1, n2)
    p = jnp.sum(jnp.logical_not(done).astype(i32), axis=1, keepdims=True)
    sel = t == (p - 1)
    f0 = jnp.sum(jnp.where(sel, n0, 0), axis=1, keepdims=True)
    f1 = jnp.sum(jnp.where(sel, n1, 0), axis=1, keepdims=True)
    f2 = jnp.sum(jnp.where(sel, n2, 0), axis=1, keepdims=True)
    f0 = jnp.where(p == 0, OFFSET, f0)
    f1 = jnp.where(p == 0, 0, f1)
    f2 = jnp.where(p == 0, 0, f2)
    col = lax.broadcasted_iota(i32, (B, 128), 1)
    cnt = jnp.where(col == 0, f0, jnp.where(col == 1, f1, jnp.where(col == 2, f2, 0)))
    cnt_ref[...] = cnt


def _compute_maps(input_ids, interpret=False):
    out = pl.pallas_call(
        _maps_body,
        out_shape=[
            jax.ShapeDtypeStruct((B, S), jnp.int32),
            jax.ShapeDtypeStruct((B, S), jnp.int32),
            jax.ShapeDtypeStruct((B, S), jnp.int32),
            jax.ShapeDtypeStruct((B, 128), jnp.int32),
        ],
        interpret=interpret,
    )(input_ids)
    return out


def _gather_body(m0h, m1h, m2h, e0h, e1h, e2h, outh,
                 i0, i1, i2, ba, bb, bc, bd, loc1, loc2,
                 sa0, sa1, sb0, sb1, ssa0, ssa1, ssb0, ssb1, si):
    c = lax.axis_index("c")
    s = lax.axis_index("s")
    base = s * ROWS_PER_T

    ci0 = pltpu.async_copy(m0h.at[pl.ds(base, ROWS_PER_T)], i0, si)
    pltpu.sync_copy(e1h.at[pl.ds(c * MD1, MD1)], loc1)
    pltpu.sync_copy(e2h.at[pl.ds(c * MD2, MD2)], loc2)
    ci0.wait()
    ci1 = pltpu.async_copy(m1h.at[pl.ds(base, ROWS_PER_T)], i1, si)
    ci2 = pltpu.async_copy(m2h.at[pl.ds(base, ROWS_PER_T)], i2, si)
    off = c * MD0

    @plsc.parallel_loop(0, ROWS_PER_T // 16, 1, unroll=4)
    def rebase(h):
        sl = pl.ds(h * 16, 16)
        i0.at[sl][...] = i0.at[sl][...] + off

    ci1.wait()
    ci2.wait()

    def do_adds(buf, ci):
        m1s, m2s = [], []
        for h in range(CHUNK // 16):
            sl = pl.ds(ci * CHUNK + h * 16, 16)
            i1v = i1.at[sl][...]
            i2v = i2.at[sl][...]
            for r in range(16):
                m1s.append(i1v[r])
                m2s.append(i2v[r])

        @plsc.parallel_loop(0, H // 16, 1)
        def col_body(cb):
            csl = pl.ds(cb * 16, 16)
            for row in range(CHUNK):
                v = loc1.at[m1s[row], csl][...] + loc2.at[m2s[row], csl][...]
                plsc.addupdate(buf.at[row, csl], v)

    bufs = (ba, bb, bc, bd)
    gsems = (sa0, sa1, sb0, sb1)
    ssems = (ssa0, ssa1, ssb0, ssb1)

    def gather_start(k, ci):
        pltpu.async_copy(e0h.at[i0.at[pl.ds(ci * CHUNK, CHUNK)]],
                         bufs[k], gsems[k])

    def gather_wait(k, ci):
        pltpu.make_async_copy(e0h.at[i0.at[pl.ds(ci * CHUNK, CHUNK)]],
                              bufs[k], gsems[k]).wait()

    def out_ref(ci):
        return outh.at[pl.ds(base + ci * CHUNK, CHUNK), c]

    def scatter_start(k, ci):
        pltpu.async_copy(bufs[k], out_ref(ci), ssems[k])

    def scatter_wait(k, ci):
        pltpu.make_async_copy(bufs[k], out_ref(ci), ssems[k]).wait()

    gather_start(0, 0)
    gather_start(1, 1)

    def step_quad(g, carry):
        ci0 = g * NBUF

        def one(k, ci):
            nk = (k + 2) % NBUF

            @pl.when(jnp.logical_and(ci + 2 < NCHUNK, ci >= 2))
            def _():
                scatter_wait(nk, ci - 2)

            @pl.when(ci + 2 < NCHUNK)
            def _():
                gather_start(nk, ci + 2)

            gather_wait(k, ci)
            do_adds(bufs[k], ci)
            scatter_start(k, ci)

        for k in range(NBUF):
            one(k, ci0 + k)
        return carry

    lax.fori_loop(0, NCHUNK // NBUF, step_quad, 0, unroll=False)
    for k in range(NBUF):
        scatter_wait(k, NCHUNK - NBUF + k)


def _gather_sum(m0f, m1f, m2f, e0s, e1s, e2s):
    mesh = plsc.VectorSubcoreMesh(
        core_axis_name="c", subcore_axis_name="s",
        num_cores=NC, num_subcores=NS)
    kern = pl.kernel(
        _gather_body,
        out_type=jax.ShapeDtypeStruct((ROWS, NC, H), jnp.float32),
        mesh=mesh,
        compiler_params=pltpu.CompilerParams(needs_layout_passes=False),
        scratch_types=[
            pltpu.VMEM((ROWS_PER_T,), jnp.int32),
            pltpu.VMEM((ROWS_PER_T,), jnp.int32),
            pltpu.VMEM((ROWS_PER_T,), jnp.int32),
            pltpu.VMEM((CHUNK, H), jnp.float32),
            pltpu.VMEM((CHUNK, H), jnp.float32),
            pltpu.VMEM((CHUNK, H), jnp.float32),
            pltpu.VMEM((CHUNK, H), jnp.float32),
            pltpu.VMEM((MD1, H), jnp.float32),
            pltpu.VMEM((MD2, H), jnp.float32),
            pltpu.SemaphoreType.DMA,
            pltpu.SemaphoreType.DMA,
            pltpu.SemaphoreType.DMA,
            pltpu.SemaphoreType.DMA,
            pltpu.SemaphoreType.DMA,
            pltpu.SemaphoreType.DMA,
            pltpu.SemaphoreType.DMA,
            pltpu.SemaphoreType.DMA,
            pltpu.SemaphoreType.DMA,
        ],
    )
    return kern(m0f, m1f, m2f, e0s, e1s, e2s)


@jax.jit
def kernel(input_ids, emb0, emb1, emb2):
    m0, m1, m2, cnt = _compute_maps(input_ids)
    counters = cnt[:, :3]
    e0s = jnp.concatenate([emb0[:, :H], emb0[:, H:]], axis=0)
    e1s = jnp.concatenate([emb1[:, :H], emb1[:, H:]], axis=0)
    e2s = jnp.concatenate([emb2[:, :H], emb2[:, H:]], axis=0)
    out = _gather_sum(m0.reshape(ROWS), m1.reshape(ROWS), m2.reshape(ROWS),
                      e0s, e1s, e2s)
    return out.reshape(B, S, D), counters

# --- scband reference (transcript-rebuilt; emitter-appended) ---
"""Pipeline reference for scband-dim-positional-embedding-15676630631236 (READ-ONLY COPY).

The authoritative reference and input builder live on the scoring server;
editing this copy changes nothing except your own understanding.
"""

import jax, jax.numpy as jnp
import numpy as np

OFFSET = 2
MAX_DIM_LENS = [2050, 64, 64]  # max_dim_lens after __init__ applies offset to dim 0
COUNTER_DIM = 3
EMB_D = 1024
VOCAB = 32000
BATCH = 4
SEQ = 2048

_lut = np.zeros((VOCAB,), dtype=np.int32)
for _i, _keys in enumerate([[5, 6, 7, 8], [9, 10]]):
    for _k in _keys:
        _lut[_k] = _i + 1
KEY_LUT = jnp.asarray(_lut)
MD = jnp.asarray(np.array(MAX_DIM_LENS, dtype=np.int32))


def setup_inputs(seed: int = 0) -> dict:
    key = jax.random.key(seed)
    k1, k2, k3, k4 = jax.random.split(key, 4)
    input_ids = jax.random.randint(k1, (BATCH, SEQ), 0, VOCAB, dtype=jnp.int32)
    emb0 = jax.random.normal(k2, (MAX_DIM_LENS[0], EMB_D), dtype=jnp.float32) * 0.02
    emb1 = jax.random.normal(k3, (MAX_DIM_LENS[1], EMB_D), dtype=jnp.float32) * 0.02
    emb2 = jax.random.normal(k4, (MAX_DIM_LENS[2], EMB_D), dtype=jnp.float32) * 0.02
    return {"input_ids": input_ids, "emb0": emb0, "emb1": emb1, "emb2": emb2}


def _token_step(state, token):
    counters, done = state
    done = jnp.logical_or(done, token == 1)  # break on EOS token id 1
    c = KEY_LUT[token]
    nc = counters.at[c].add(1)
    idxs = jnp.arange(COUNTER_DIM)
    nc = jnp.where(idxs < c, 0, nc)  # zero counters below the triggered one
    carry = jnp.int32(0)
    vals = []
    for j in range(COUNTER_DIM):
        active = j >= c
        v = nc[j] + carry
        overflow = jnp.logical_and(active, v >= MD[j])
        vj = jnp.where(active, jnp.where(overflow, jnp.int32(0), v), nc[j])
        carry = jnp.where(active, jnp.where(overflow, jnp.int32(1), jnp.int32(0)), carry)
        vals.append(vj)
    nc = jnp.stack(vals)
    out_map = jnp.where(done, MD - 1, nc)  # default index max_dim_lens[j]-1 after break
    counters_out = jnp.where(done, counters, nc)
    return (counters_out, done), out_map


def _seq_maps(seq):
    init = (jnp.array([OFFSET, 0, 0], dtype=jnp.int32), jnp.array(False))
    (final_counters, _), maps = jax.lax.scan(_token_step, init, seq)
    return maps, final_counters


def reference(input_ids, emb0, emb1, emb2):
    # maps: [B, S, COUNTER_DIM]; counters: [B, COUNTER_DIM]
    maps, counters = jax.vmap(_seq_maps)(input_ids)
    # dropout is identity in eval mode; sum the three positional embedding lookups
    out = emb0[maps[..., 0]] + emb1[maps[..., 1]] + emb2[maps[..., 2]]
    return out, counters

if __name__ == "__main__":
    import jax
    _d = setup_inputs()
    print(jax.jit(kernel)(*tuple(_d.values())))

</pallas_src>

<mosaic_0001>
#map = affine_map<(d0, d1) -> (0)>
#map1 = affine_map<(d0, d1) -> (0, 0)>
#map2 = affine_map<(d0, d1) -> (0, 0, 0)>
module attributes {stable_mosaic.version = 14 : i64} {
  func.func @_gather_body(%arg0: i32, %arg1: i32, %arg2: memref<8192xi32, #tpu.memory_space<hbm>>, %arg3: memref<8192xi32, #tpu.memory_space<hbm>>, %arg4: memref<8192xi32, #tpu.memory_space<hbm>>, %arg5: memref<4100x512xf32, #tpu.memory_space<hbm>>, %arg6: memref<128x512xf32, #tpu.memory_space<hbm>>, %arg7: memref<128x512xf32, #tpu.memory_space<hbm>>, %arg8: memref<8192x2x512xf32, #tpu.memory_space<hbm>>, %arg9: memref<512xi32, #tpu.memory_space<vmem>>, %arg10: memref<512xi32, #tpu.memory_space<vmem>>, %arg11: memref<512xi32, #tpu.memory_space<vmem>>, %arg12: memref<16x512xf32, #tpu.memory_space<vmem>>, %arg13: memref<16x512xf32, #tpu.memory_space<vmem>>, %arg14: memref<16x512xf32, #tpu.memory_space<vmem>>, %arg15: memref<16x512xf32, #tpu.memory_space<vmem>>, %arg16: memref<64x512xf32, #tpu.memory_space<vmem>>, %arg17: memref<64x512xf32, #tpu.memory_space<vmem>>, %arg18: memref<!tpu.dma_semaphore, #tpu.memory_space<semaphore_mem>>, %arg19: memref<!tpu.dma_semaphore, #tpu.memory_space<semaphore_mem>>, %arg20: memref<!tpu.dma_semaphore, #tpu.memory_space<semaphore_mem>>, %arg21: memref<!tpu.dma_semaphore, #tpu.memory_space<semaphore_mem>>, %arg22: memref<!tpu.dma_semaphore, #tpu.memory_space<semaphore_mem>>, %arg23: memref<!tpu.dma_semaphore, #tpu.memory_space<semaphore_mem>>, %arg24: memref<!tpu.dma_semaphore, #tpu.memory_space<semaphore_mem>>, %arg25: memref<!tpu.dma_semaphore, #tpu.memory_space<semaphore_mem>>, %arg26: memref<!tpu.dma_semaphore, #tpu.memory_space<semaphore_mem>>) attributes {dimension_semantics = [#tpu.dimension_semantics<core_parallel>, #tpu.dimension_semantics<subcore_parallel>], iteration_bounds = array<i64: 2, 16>, scalar_prefetch = 0 : i64, scratch_operands = 18 : i64, tpu.core_type = #tpu.core_type<sc_vector_subcore>, window_params = [{transform_indices = #map}, {transform_indices = #map}, {transform_indices = #map}, {transform_indices = #map1}, {transform_indices = #map1}, {transform_indices = #map1}, {transform_indices = #map2}]} {
    %mul3A = arith.constant 512 : i32
    %mul3A_0 = arith.muli %arg1, %mul3A : i32
    %dma_start3A = tpu.memref_slice %arg2[%mul3A_0] : memref<8192xi32, #tpu.memory_space<hbm>> -> memref<512xi32, #tpu.memory_space<hbm>>
    %dma_start3A_1 = tpu.memref_slice %arg2[%mul3A_0] : memref<8192xi32, #tpu.memory_space<hbm>> -> memref<512xi32, #tpu.memory_space<hbm>>
    tpu.enqueue_dma source(%dma_start3A_1 : memref<512xi32, #tpu.memory_space<hbm>>) target(%arg9 : memref<512xi32, #tpu.memory_space<vmem>>) target_semaphore(%arg26 : memref<!tpu.dma_semaphore, #tpu.memory_space<semaphore_mem>>)
    %mul3A_2 = arith.constant 64 : i32
    %mul3A_3 = arith.muli %arg0, %mul3A_2 : i32
    "tpu.region"() ({
      %run_scoped3A = tpu.sem_alloc : memref<!tpu.dma_semaphore, #tpu.memory_space<semaphore_mem>>
      %dma_start3A_65 = arith.constant 0 : i32
      %dma_start3A_66 = tpu.memref_slice %arg6[%mul3A_3, %dma_start3A_65] : memref<128x512xf32, #tpu.memory_space<hbm>> -> memref<64x512xf32, #tpu.memory_space<hbm>>
      %dma_start3A_67 = arith.constant 0 : i32
      %dma_start3A_68 = tpu.memref_slice %arg6[%mul3A_3, %dma_start3A_67] : memref<128x512xf32, #tpu.memory_space<hbm>> -> memref<64x512xf32, #tpu.memory_space<hbm>>
      tpu.enqueue_dma source(%dma_start3A_68 : memref<64x512xf32, #tpu.memory_space<hbm>>) target(%arg16 : memref<64x512xf32, #tpu.memory_space<vmem>>) target_semaphore(%run_scoped3A : memref<!tpu.dma_semaphore, #tpu.memory_space<semaphore_mem>>)
      %dma_wait3A_69 = arith.constant 0 : i32
      %dma_wait3A_70 = tpu.memref_slice %arg6[%mul3A_3, %dma_wait3A_69] : memref<128x512xf32, #tpu.memory_space<hbm>> -> memref<64x512xf32, #tpu.memory_space<hbm>>
      %dma_wait3A_71 = arith.constant 0 : i32
      %dma_wait3A_72 = tpu.memref_slice %arg6[%mul3A_3, %dma_wait3A_71] : memref<128x512xf32, #tpu.memory_space<hbm>> -> memref<64x512xf32, #tpu.memory_space<hbm>>
      tpu.wait_dma2 semaphore(%run_scoped3A : memref<!tpu.dma_semaphore, #tpu.memory_space<semaphore_mem>>) src(%dma_wait3A_72 : memref<64x512xf32, #tpu.memory_space<hbm>>) dst(%arg16 : memref<64x512xf32, #tpu.memory_space<vmem>>)
      tpu.yield
    }) : () -> ()
    %mul3A_4 = arith.constant 64 : i32
    %mul3A_5 = arith.muli %arg0, %mul3A_4 : i32
    "tpu.region"() ({
      %run_scoped3A = tpu.sem_alloc : memref<!tpu.dma_semaphore, #tpu.memory_space<semaphore_mem>>
      %dma_start3A_65 = arith.constant 0 : i32
      %dma_start3A_66 = tpu.memref_slice %arg7[%mul3A_5, %dma_start3A_65] : memref<128x512xf32, #tpu.memory_space<hbm>> -> memref<64x512xf32, #tpu.memory_space<hbm>>
      %dma_start3A_67 = arith.constant 0 : i32
      %dma_start3A_68 = tpu.memref_slice %arg7[%mul3A_5, %dma_start3A_67] : memref<128x512xf32, #tpu.memory_space<hbm>> -> memref<64x512xf32, #tpu.memory_space<hbm>>
      tpu.enqueue_dma source(%dma_start3A_68 : memref<64x512xf32, #tpu.memory_space<hbm>>) target(%arg17 : memref<64x512xf32, #tpu.memory_space<vmem>>) target_semaphore(%run_scoped3A : memref<!tpu.dma_semaphore, #tpu.memory_space<semaphore_mem>>)
      %dma_wait3A_69 = arith.constant 0 : i32
      %dma_wait3A_70 = tpu.memref_slice %arg7[%mul3A_5, %dma_wait3A_69] : memref<128x512xf32, #tpu.memory_space<hbm>> -> memref<64x512xf32, #tpu.memory_space<hbm>>
      %dma_wait3A_71 = arith.constant 0 : i32
      %dma_wait3A_72 = tpu.memref_slice %arg7[%mul3A_5, %dma_wait3A_71] : memref<128x512xf32, #tpu.memory_space<hbm>> -> memref<64x512xf32, #tpu.memory_space<hbm>>
      tpu.wait_dma2 semaphore(%run_scoped3A : memref<!tpu.dma_semaphore, #tpu.memory_space<semaphore_mem>>) src(%dma_wait3A_72 : memref<64x512xf32, #tpu.memory_space<hbm>>) dst(%arg17 : memref<64x512xf32, #tpu.memory_space<vmem>>)
      tpu.yield
    }) : () -> ()
    %dma_wait3A = tpu.memref_slice %arg2[%mul3A_0] : memref<8192xi32, #tpu.memory_space<hbm>> -> memref<512xi32, #tpu.memory_space<hbm>>
    %dma_wait3A_6 = tpu.memref_slice %arg2[%mul3A_0] : memref<8192xi32, #tpu.memory_space<hbm>> -> memref<512xi32, #tpu.memory_space<hbm>>
    tpu.wait_dma2 semaphore(%arg26 : memref<!tpu.dma_semaphore, #tpu.memory_space<semaphore_mem>>) src(%dma_wait3A_6 : memref<512xi32, #tpu.memory_space<hbm>>) dst(%arg9 : memref<512xi32, #tpu.memory_space<vmem>>)
    %dma_start3A_7 = tpu.memref_slice %arg3[%mul3A_0] : memref<8192xi32, #tpu.memory_space<hbm>> -> memref<512xi32, #tpu.memory_space<hbm>>
    %dma_start3A_8 = tpu.memref_slice %arg3[%mul3A_0] : memref<8192xi32, #tpu.memory_space<hbm>> -> memref<512xi32, #tpu.memory_space<hbm>>
    tpu.enqueue_dma source(%dma_start3A_8 : memref<512xi32, #tpu.memory_space<hbm>>) target(%arg10 : memref<512xi32, #tpu.memory_space<vmem>>) target_semaphore(%arg26 : memref<!tpu.dma_semaphore, #tpu.memory_space<semaphore_mem>>)
    %dma_start3A_9 = tpu.memref_slice %arg4[%mul3A_0] : memref<8192xi32, #tpu.memory_space<hbm>> -> memref<512xi32, #tpu.memory_space<hbm>>
    %dma_start3A_10 = tpu.memref_slice %arg4[%mul3A_0] : memref<8192xi32, #tpu.memory_space<hbm>> -> memref<512xi32, #tpu.memory_space<hbm>>
    tpu.enqueue_dma source(%dma_start3A_10 : memref<512xi32, #tpu.memory_space<hbm>>) target(%arg11 : memref<512xi32, #tpu.memory_space<vmem>>) target_semaphore(%arg26 : memref<!tpu.dma_semaphore, #tpu.memory_space<semaphore_mem>>)
    %mul3A_11 = arith.constant 2050 : i32
    %mul3A_12 = arith.muli %arg0, %mul3A_11 : i32
    %parallel_loop3A = arith.constant 0 : i32
    %parallel_loop3A_13 = arith.constant 32 : i32
    %parallel_loop3A_14 = arith.constant 1 : i32
    scf.for %parallel_loop3A_65 = %parallel_loop3A to %parallel_loop3A_13 step %parallel_loop3A_14  : i32 {
      %parallel_loop3A_66 = arith.constant 16 : i32
      %parallel_loop3A_67 = arith.muli %parallel_loop3A_65, %parallel_loop3A_66 : i32
      %parallel_loop3A_68 = arith.index_cast %parallel_loop3A_67 : i32 to index
      %parallel_loop3A_69 = tpu.vector_load %arg9[%parallel_loop3A_68] {strides = array<i32>} : memref<512xi32, #tpu.memory_space<vmem>>, vector<16xi32>,
      %parallel_loop3A_70 = vector.broadcast %mul3A_12 : i32 to vector<16xi32>
      %parallel_loop3A_71 = arith.addi %parallel_loop3A_69, %parallel_loop3A_70 : vector<16xi32>
      %parallel_loop3A_72 = arith.index_cast %parallel_loop3A_67 : i32 to index
      %parallel_loop3A_73 = tpu.vector_load %arg9[%parallel_loop3A_72] {strides = array<i32>} : memref<512xi32, #tpu.memory_space<vmem>>, vector<16xi32>,
      tpu.vector_store %arg9[%parallel_loop3A_72], %parallel_loop3A_71 {strides = array<i32>} : memref<512xi32, #tpu.memory_space<vmem>>, vector<16xi32>,
    } {sc.loop_unroll_factor = 4 : i64, sc.parallel_access}
    %dma_wait3A_15 = tpu.memref_slice %arg3[%mul3A_0] : memref<8192xi32, #tpu.memory_space<hbm>> -> memref<512xi32, #tpu.memory_space<hbm>>
    %dma_wait3A_16 = tpu.memref_slice %arg3[%mul3A_0] : memref<8192xi32, #tpu.memory_space<hbm>> -> memref<512xi32, #tpu.memory_space<hbm>>
    tpu.wait_dma2 semaphore(%arg26 : memref<!tpu.dma_semaphore, #tpu.memory_space<semaphore_mem>>) src(%dma_wait3A_16 : memref<512xi32, #tpu.memory_space<hbm>>) dst(%arg10 : memref<512xi32, #tpu.memory_space<vmem>>)
    %dma_wait3A_17 = tpu.memref_slice %arg4[%mul3A_0] : memref<8192xi32, #tpu.memory_space<hbm>> -> memref<512xi32, #tpu.memory_space<hbm>>
    %dma_wait3A_18 = tpu.memref_slice %arg4[%mul3A_0] : memref<8192xi32, #tpu.memory_space<hbm>> -> memref<512xi32, #tpu.memory_space<hbm>>
    tpu.wait_dma2 semaphore(%arg26 : memref<!tpu.dma_semaphore, #tpu.memory_space<semaphore_mem>>) src(%dma_wait3A_18 : memref<512xi32, #tpu.memory_space<hbm>>) dst(%arg11 : memref<512xi32, #tpu.memory_space<vmem>>)
    %dma_start3A_19 = arith.constant 0 : i32
    %dma_start3A_20 = tpu.memref_slice %arg9[%dma_start3A_19] : memref<512xi32, #tpu.memory_space<vmem>> -> memref<16xi32, #tpu.memory_space<vmem>>
    %dma_start3A_21 = arith.constant 0 : i32
    %dma_start3A_22 = arith.constant 0 : i32
    %dma_start3A_23 = tpu.memref_slice %arg5[%dma_start3A_21, %dma_start3A_22] : memref<4100x512xf32, #tpu.memory_space<hbm>> -> memref<4100x512xf32, #tpu.memory_space<hbm>>
    tpu.enqueue_indirect_dma source(%dma_start3A_23 : memref<4100x512xf32, #tpu.memory_space<hbm>>) target(%arg12 : memref<16x512xf32, #tpu.memory_space<vmem>>) offsets(%dma_start3A_20 : memref<16xi32, #tpu.memory_space<vmem>>) semaphore(%arg18 : memref<!tpu.dma_semaphore, #tpu.memory_space<semaphore_mem>>)
    %dma_start3A_24 = arith.constant 16 : i32
    %dma_start3A_25 = tpu.memref_slice %arg9[%dma_start3A_24] : memref<512xi32, #tpu.memory_space<vmem>> -> memref<16xi32, #tpu.memory_space<vmem>>
    %dma_start3A_26 = arith.constant 0 : i32
    %dma_start3A_27 = arith.constant 0 : i32
    %dma_start3A_28 = tpu.memref_slice %arg5[%dma_start3A_26, %dma_start3A_27] : memref<4100x512xf32, #tpu.memory_space<hbm>> -> memref<4100x512xf32, #tpu.memory_space<hbm>>
    tpu.enqueue_indirect_dma source(%dma_start3A_28 : memref<4100x512xf32, #tpu.memory_space<hbm>>) target(%arg13 : memref<16x512xf32, #tpu.memory_space<vmem>>) offsets(%dma_start3A_25 : memref<16xi32, #tpu.memory_space<vmem>>) semaphore(%arg19 : memref<!tpu.dma_semaphore, #tpu.memory_space<semaphore_mem>>)
    %scan3A = arith.constant 0 : i32
    %scan3A_29 = arith.constant 0 : i32
    %scan3A_30 = arith.constant 8 : i32
    %scan3A_31 = arith.addi %scan3A_29, %scan3A_30 : i32
    %scan3A_32 = arith.constant 1 : i32
    scf.for %scan3A_65 = %scan3A_29 to %scan3A_31 step %scan3A_32  : i32 {
      %mul3A_66 = arith.constant 4 : i32
      %mul3A_67 = arith.muli %scan3A_65, %mul3A_66 : i32
      %add3A_68 = arith.constant 0 : i32
      %add3A_69 = arith.addi %mul3A_67, %add3A_68 : i32
      %add3A_70 = arith.constant 2 : i32
      %add3A_71 = arith.addi %add3A_69, %add3A_70 : i32
      %lt3A = arith.constant 32 : i32
      %lt3A_72 = arith.cmpi slt, %add3A_71, %lt3A : i32
      %ge3A = arith.constant 2 : i32
      %ge3A_73 = arith.cmpi sge, %add3A_69, %ge3A : i32
      %and3A = arith.andi %lt3A_72, %ge3A_73 : i1
      %convert_element_type3A = arith.extui %and3A : i1 to i32
      %cond3A = arith.constant 0 : i32
      %cond3A_74 = arith.cmpi ne, %convert_element_type3A, %cond3A : i32
      scf.if %cond3A_74 {
        %sub3A = arith.constant 2 : i32
        %sub3A_496 = arith.subi %add3A_69, %sub3A : i32
        %mul3A_497 = arith.constant 16 : i32
        %mul3A_498 = arith.muli %sub3A_496, %mul3A_497 : i32
        %add3A_499 = arith.addi %mul3A_0, %mul3A_498 : i32
        %dma_wait3A_500 = arith.constant 0 : i32
        %dma_wait3A_501 = tpu.memref_slice %arg8[%add3A_499, %arg0, %dma_wait3A_500] : memref<8192x2x512xf32, #tpu.memory_space<hbm>> -> memref<16x1x512xf32, #tpu.memory_space<hbm>>
        %dma_wait3A_502 = tpu.memref_squeeze %dma_wait3A_501 : memref<16x1x512xf32, #tpu.memory_space<hbm>> -> memref<16x512xf32, #tpu.memory_space<hbm>>
        %dma_wait3A_503 = arith.constant 0 : i32
        %dma_wait3A_504 = tpu.memref_slice %arg8[%add3A_499, %arg0, %dma_wait3A_503] : memref<8192x2x512xf32, #tpu.memory_space<hbm>> -> memref<16x1x512xf32, #tpu.memory_space<hbm>>
        %dma_wait3A_505 = tpu.memref_squeeze %dma_wait3A_504 : memref<16x1x512xf32, #tpu.memory_space<hbm>> -> memref<16x512xf32, #tpu.memory_space<hbm>>
        tpu.wait_dma2 semaphore(%arg24 : memref<!tpu.dma_semaphore, #tpu.memory_space<semaphore_mem>>) src(%arg14 : memref<16x512xf32, #tpu.memory_space<vmem>>) dst(%dma_wait3A_505 : memref<16x512xf32, #tpu.memory_space<hbm>>)
      } else {
      }
      %add3A_75 = arith.constant 2 : i32
      %add3A_76 = arith.addi %add3A_69, %add3A_75 : i32
      %lt3A_77 = arith.constant 32 : i32
      %lt3A_78 = arith.cmpi slt, %add3A_76, %lt3A_77 : i32
      %convert_element_type3A_79 = arith.extui %lt3A_78 : i1 to i32
      %cond3A_80 = arith.constant 0 : i32
      %cond3A_81 = arith.cmpi ne, %convert_element_type3A_79, %cond3A_80 : i32
      scf.if %cond3A_81 {
        %add3A_496 = arith.constant 2 : i32
        %add3A_497 = arith.addi %add3A_69, %add3A_496 : i32
        %mul3A_498 = arith.constant 16 : i32
        %mul3A_499 = arith.muli %add3A_497, %mul3A_498 : i32
        %dma_start3A_500 = tpu.memref_slice %arg9[%mul3A_499] : memref<512xi32, #tpu.memory_space<vmem>> -> memref<16xi32, #tpu.memory_space<vmem>>
        %dma_start3A_501 = arith.constant 0 : i32
        %dma_start3A_502 = arith.constant 0 : i32
        %dma_start3A_503 = tpu.memref_slice %arg5[%dma_start3A_501, %dma_start3A_502] : memref<4100x512xf32, #tpu.memory_space<hbm>> -> memref<4100x512xf32, #tpu.memory_space<hbm>>
        tpu.enqueue_indirect_dma source(%dma_start3A_503 : memref<4100x512xf32, #tpu.memory_space<hbm>>) target(%arg14 : memref<16x512xf32, #tpu.memory_space<vmem>>) offsets(%dma_start3A_500 : memref<16xi32, #tpu.memory_space<vmem>>) semaphore(%arg20 : memref<!tpu.dma_semaphore, #tpu.memory_space<semaphore_mem>>)
      } else {
      }
      %mul3A_82 = arith.constant 16 : i32
      %mul3A_83 = arith.muli %add3A_69, %mul3A_82 : i32
      %dma_wait3A_84 = tpu.memref_slice %arg9[%mul3A_83] : memref<512xi32, #tpu.memory_space<vmem>> -> memref<16xi32, #tpu.memory_space<vmem>>
      %dma_wait3A_85 = arith.constant 0 : i32
      %dma_wait3A_86 = arith.constant 0 : i32
      %dma_wait3A_87 = tpu.memref_slice %arg5[%dma_wait3A_85, %dma_wait3A_86] : memref<4100x512xf32, #tpu.memory_space<hbm>> -> memref<4100x512xf32, #tpu.memory_space<hbm>>
      tpu.wait_indirect_dma semaphore(%arg18 : memref<!tpu.dma_semaphore, #tpu.memory_space<semaphore_mem>>) src(%dma_wait3A_87 : memref<4100x512xf32, #tpu.memory_space<hbm>>) dst(%arg12 : memref<16x512xf32, #tpu.memory_space<vmem>>)
      %mul3A_88 = arith.constant 16 : i32
      %mul3A_89 = arith.muli %add3A_69, %mul3A_88 : i32
      %add3A_90 = arith.constant 0 : i32
      %add3A_91 = arith.addi %mul3A_89, %add3A_90 : i32
      %get3A = arith.index_cast %add3A_91 : i32 to index
      %get3A_92 = tpu.vector_load %arg10[%get3A] {strides = array<i32>} : memref<512xi32, #tpu.memory_space<vmem>>, vector<16xi32>,
      %get3A_93 = arith.index_cast %add3A_91 : i32 to index
      %get3A_94 = tpu.vector_load %arg11[%get3A_93] {strides = array<i32>} : memref<512xi32, #tpu.memory_space<vmem>>, vector<16xi32>,
      %slice3A = vector.extract_strided_slice %get3A_92 {offsets = [0], sizes = [1], strides = [1]} : vector<16xi32> to vector<1xi32>
      %squeeze3A = vector.extract %slice3A[0] : i32 from vector<1xi32>
      %slice3A_95 = vector.extract_strided_slice %get3A_94 {offsets = [0], sizes = [1], strides = [1]} : vector<16xi32> to vector<1xi32>
      %squeeze3A_96 = vector.extract %slice3A_95[0] : i32 from vector<1xi32>
      %slice3A_97 = vector.extract_strided_slice %get3A_92 {offsets = [1], sizes = [1], strides = [1]} : vector<16xi32> to vector<1xi32>
      %squeeze3A_98 = vector.extract %slice3A_97[0] : i32 from vector<1xi32>
      %slice3A_99 = vector.extract_strided_slice %get3A_94 {offsets = [1], sizes = [1], strides = [1]} : vector<16xi32> to vector<1xi32>
      %squeeze3A_100 = vector.extract %slice3A_99[0] : i32 from vector<1xi32>
      %slice3A_101 = vector.extract_strided_slice %get3A_92 {offsets = [2], sizes = [1], strides = [1]} : vector<16xi32> to vector<1xi32>
      %squeeze3A_102 = vector.extract %slice3A_101[0] : i32 from vector<1xi32>
      %slice3A_103 = vector.extract_strided_slice %get3A_94 {offsets = [2], sizes = [1], strides = [1]} : vector<16xi32> to vector<1xi32>
      %squeeze3A_104 = vector.extract %slice3A_103[0] : i32 from vector<1xi32>
      %slice3A_105 = vector.extract_strided_slice %get3A_92 {offsets = [3], sizes = [1], strides = [1]} : vector<16xi32> to vector<1xi32>
      %squeeze3A_106 = vector.extract %slice3A_105[0] : i32 from vector<1xi32>
      %slice3A_107 = vector.extract_strided_slice %get3A_94 {offsets = [3], sizes = [1], strides = [1]} : vector<16xi32> to vector<1xi32>
      %squeeze3A_108 = vector.extract %slice3A_107[0] : i32 from vector<1xi32>
      %slice3A_109 = vector.extract_strided_slice %get3A_92 {offsets = [4], sizes = [1], strides = [1]} : vector<16xi32> to vector<1xi32>
      %squeeze3A_110 = vector.extract %slice3A_109[0] : i32 from vector<1xi32>
      %slice3A_111 = vector.extract_strided_slice %get3A_94 {offsets = [4], sizes = [1], strides = [1]} : vector<16xi32> to vector<1xi32>
      %squeeze3A_112 = vector.extract %slice3A_111[0] : i32 from vector<1xi32>
      %slice3A_113 = vector.extract_strided_slice %get3A_92 {offsets = [5], sizes = [1], strides = [1]} : vector<16xi32> to vector<1xi32>
      %squeeze3A_114 = vector.extract %slice3A_113[0] : i32 from vector<1xi32>
      %slice3A_115 = vector.extract_strided_slice %get3A_94 {offsets = [5], sizes = [1], strides = [1]} : vector<16xi32> to vector<1xi32>
      %squeeze3A_116 = vector.extract %slice3A_115[0] : i32 from vector<1xi32>
      %slice3A_117 = vector.extract_strided_slice %get3A_92 {offsets = [6], sizes = [1], strides = [1]} : vector<16xi32> to vector<1xi32>
      %squeeze3A_118 = vector.extract %slice3A_117[0] : i32 from vector<1xi32>
      %slice3A_119 = vector.extract_strided_slice %get3A_94 {offsets = [6], sizes = [1], strides = [1]} : vector<16xi32> to vector<1xi32>
      %squeeze3A_120 = vector.extract %slice3A_119[0] : i32 from vector<1xi32>
      %slice3A_121 = vector.extract_strided_slice %get3A_92 {offsets = [7], sizes = [1], strides = [1]} : vector<16xi32> to vector<1xi32>
      %squeeze3A_122 = vector.extract %slice3A_121[0] : i32 from vector<1xi32>
      %slice3A_123 = vector.extract_strided_slice %get3A_94 {offsets = [7], sizes = [1], strides = [1]} : vector<16xi32> to vector<1xi32>
      %squeeze3A_124 = vector.extract %slice3A_123[0] : i32 from vector<1xi32>
      %slice3A_125 = vector.extract_strided_slice %get3A_92 {offsets = [8], sizes = [1], strides = [1]} : vector<16xi32> to vector<1xi32>
      %squeeze3A_126 = vector.extract %slice3A_125[0] : i32 from vector<1xi32>
      %slice3A_127 = vector.extract_strided_slice %get3A_94 {offsets = [8], sizes = [1], strides = [1]} : vector<16xi32> to vector<1xi32>
      %squeeze3A_128 = vector.extract %slice3A_127[0] : i32 from vector<1xi32>
      %slice3A_129 = vector.extract_strided_slice %get3A_92 {offsets = [9], sizes = [1], strides = [1]} : vector<16xi32> to vector<1xi32>
      %squeeze3A_130 = vector.extract %slice3A_129[0] : i32 from vector<1xi32>
      %slice3A_131 = vector.extract_strided_slice %get3A_94 {offsets = [9], sizes = [1], strides = [1]} : vector<16xi32> to vector<1xi32>
      %squeeze3A_132 = vector.extract %slice3A_131[0] : i32 from vector<1xi32>
      %slice3A_133 = vector.extract_strided_slice %get3A_92 {offsets = [10], sizes = [1], strides = [1]} : vector<16xi32> to vector<1xi32>
      %squeeze3A_134 = vector.extract %slice3A_133[0] : i32 from vector<1xi32>
      %slice3A_135 = vector.extract_strided_slice %get3A_94 {offsets = [10], sizes = [1], strides = [1]} : vector<16xi32> to vector<1xi32>
      %squeeze3A_136 = vector.extract %slice3A_135[0] : i32 from vector<1xi32>
      %slice3A_137 = vector.extract_strided_slice %get3A_92 {offsets = [11], sizes = [1], strides = [1]} : vector<16xi32> to vector<1xi32>
      %squeeze3A_138 = vector.extract %slice3A_137[0] : i32 from vector<1xi32>
      %slice3A_139 = vector.extract_strided_slice %get3A_94 {offsets = [11], sizes = [1], strides = [1]} : vector<16xi32> to vector<1xi32>
      %squeeze3A_140 = vector.extract %slice3A_139[0] : i32 from vector<1xi32>
      %slice3A_141 = vector.extract_strided_slice %get3A_92 {offsets = [12], sizes = [1], strides = [1]} : vector<16xi32> to vector<1xi32>
      %squeeze3A_142 = vector.extract %slice3A_141[0] : i32 from vector<1xi32>
      %slice3A_143 = vector.extract_strided_slice %get3A_94 {offsets = [12], sizes = [1], strides = [1]} : vector<16xi32> to vector<1xi32>
      %squeeze3A_144 = vector.extract %slice3A_143[0] : i32 from vector<1xi32>
      %slice3A_145 = vector.extract_strided_slice %get3A_92 {offsets = [13], sizes = [1], strides = [1]} : vector<16xi32> to vector<1xi32>
      %squeeze3A_146 = vector.extract %slice3A_145[0] : i32 from vector<1xi32>
      %slice3A_147 = vector.extract_strided_slice %get3A_94 {offsets = [13], sizes = [1], strides = [1]} : vector<16xi32> to vector<1xi32>
      %squeeze3A_148 = vector.extract %slice3A_147[0] : i32 from vector<1xi32>
      %slice3A_149 = vector.extract_strided_slice %get3A_92 {offsets = [14], sizes = [1], strides = [1]} : vector<16xi32> to vector<1xi32>
      %squeeze3A_150 = vector.extract %slice3A_149[0] : i32 from vector<1xi32>
      %slice3A_151 = vector.extract_strided_slice %get3A_94 {offsets = [14], sizes = [1], strides = [1]} : vector<16xi32> to vector<1xi32>
      %squeeze3A_152 = vector.extract %slice3A_151[0] : i32 from vector<1xi32>
      %slice3A_153 = vector.extract_strided_slice %get3A_92 {offsets = [15], sizes = [1], strides = [1]} : vector<16xi32> to vector<1xi32>
      %squeeze3A_154 = vector.extract %slice3A_153[0] : i32 from vector<1xi32>
      %slice3A_155 = vector.extract_strided_slice %get3A_94 {offsets = [15], sizes = [1], strides = [1]} : vector<16xi32> to vector<1xi32>
      %squeeze3A_156 = vector.extract %slice3A_155[0] : i32 from vector<1xi32>
      %parallel_loop3A_157 = arith.constant 0 : i32
      %parallel_loop3A_158 = arith.constant 32 : i32
      %parallel_loop3A_159 = arith.constant 1 : i32
      scf.for %parallel_loop3A_496 = %parallel_loop3A_157 to %parallel_loop3A_158 step %parallel_loop3A_159  : i32 {
        %parallel_loop3A_497 = arith.constant 16 : i32
        %parallel_loop3A_498 = arith.muli %parallel_loop3A_496, %parallel_loop3A_497 : i32
        %parallel_loop3A_499 = arith.index_cast %squeeze3A : i32 to index
        %parallel_loop3A_500 = arith.index_cast %parallel_loop3A_498 : i32 to index
        %parallel_loop3A_501 = tpu.vector_load %arg16[%parallel_loop3A_499, %parallel_loop3A_500] {strides = array<i32>} : memref<64x512xf32, #tpu.memory_space<vmem>>, vector<16xf32>,
        %parallel_loop3A_502 = arith.index_cast %squeeze3A_96 : i32 to index
        %parallel_loop3A_503 = arith.index_cast %parallel_loop3A_498 : i32 to index
        %parallel_loop3A_504 = tpu.vector_load %arg17[%parallel_loop3A_502, %parallel_loop3A_503] {strides = array<i32>} : memref<64x512xf32, #tpu.memory_space<vmem>>, vector<16xf32>,
        %parallel_loop3A_505 = arith.addf %parallel_loop3A_501, %parallel_loop3A_504 : vector<16xf32>
        %parallel_loop3A_506 = arith.constant 0 : i32
        %parallel_loop3A_507 = arith.index_cast %parallel_loop3A_506 : i32 to index
        %parallel_loop3A_508 = arith.index_cast %parallel_loop3A_498 : i32 to index
        %parallel_loop3A_509 = tpu.vector_load %arg12[%parallel_loop3A_507, %parallel_loop3A_508] {strides = array<i32>} : memref<16x512xf32, #tpu.memory_space<vmem>>, vector<16xf32>,
        tpu.vector_store %arg12[%parallel_loop3A_507, %parallel_loop3A_508], %parallel_loop3A_505 {add = true, strides = array<i32>} : memref<16x512xf32, #tpu.memory_space<vmem>>, vector<16xf32>,
        %parallel_loop3A_510 = arith.index_cast %squeeze3A_98 : i32 to index
        %parallel_loop3A_511 = arith.index_cast %parallel_loop3A_498 : i32 to index
        %parallel_loop3A_512 = tpu.vector_load %arg16[%parallel_loop3A_510, %parallel_loop3A_511] {strides = array<i32>} : memref<64x512xf32, #tpu.memory_space<vmem>>, vector<16xf32>,
        %parallel_loop3A_513 = arith.index_cast %squeeze3A_100 : i32 to index
        %parallel_loop3A_514 = arith.index_cast %parallel_loop3A_498 : i32 to index
        %parallel_loop3A_515 = tpu.vector_load %arg17[%parallel_loop3A_513, %parallel_loop3A_514] {strides = array<i32>} : memref<64x512xf32, #tpu.memory_space<vmem>>, vector<16xf32>,
        %parallel_loop3A_516 = arith.addf %parallel_loop3A_512, %parallel_loop3A_515 : vector<16xf32>
        %parallel_loop3A_517 = arith.constant 1 : i32
        %parallel_loop3A_518 = arith.index_cast %parallel_loop3A_517 : i32 to index
        %parallel_loop3A_519 = arith.index_cast %parallel_loop3A_498 : i32 to index
        %parallel_loop3A_520 = tpu.vector_load %arg12[%parallel_loop3A_518, %parallel_loop3A_519] {strides = array<i32>} : memref<16x512xf32, #tpu.memory_space<vmem>>, vector<16xf32>,
        tpu.vector_store %arg12[%parallel_loop3A_518, %parallel_loop3A_519], %parallel_loop3A_516 {add = true, strides = array<i32>} : memref<16x512xf32, #tpu.memory_space<vmem>>, vector<16xf32>,
        %parallel_loop3A_521 = arith.index_cast %squeeze3A_102 : i32 to index
        %parallel_loop3A_522 = arith.index_cast %parallel_loop3A_498 : i32 to index
        %parallel_loop3A_523 = tpu.vector_load %arg16[%parallel_loop3A_521, %parallel_loop3A_522] {strides = array<i32>} : memref<64x512xf32, #tpu.memory_space<vmem>>, vector<16xf32>,
        %parallel_loop3A_524 = arith.index_cast %squeeze3A_104 : i32 to index
        %parallel_loop3A_525 = arith.index_cast %parallel_loop3A_498 : i32 to index
        %parallel_loop3A_526 = tpu.vector_load %arg17[%parallel_loop3A_524, %parallel_loop3A_525] {strides = array<i32>} : memref<64x512xf32, #tpu.memory_space<vmem>>, vector<16xf32>,
        %parallel_loop3A_527 = arith.addf %parallel_loop3A_523, %parallel_loop3A_526 : vector<16xf32>
        %parallel_loop3A_528 = arith.constant 2 : i32
        %parallel_loop3A_529 = arith.index_cast %parallel_loop3A_528 : i32 to index
        %parallel_loop3A_530 = arith.index_cast %parallel_loop3A_498 : i32 to index
        %parallel_loop3A_531 = tpu.vector_load %arg12[%parallel_loop3A_529, %parallel_loop3A_530] {strides = array<i32>} : memref<16x512xf32, #tpu.memory_space<vmem>>, vector<16xf32>,
        tpu.vector_store %arg12[%parallel_loop3A_529, %parallel_loop3A_530], %parallel_loop3A_527 {add = true, strides = array<i32>} : memref<16x512xf32, #tpu.memory_space<vmem>>, vector<16xf32>,
        %parallel_loop3A_532 = arith.index_cast %squeeze3A_106 : i32 to index
        %parallel_loop3A_533 = arith.index_cast %parallel_loop3A_498 : i32 to index
        %parallel_loop3A_534 = tpu.vector_load %arg16[%parallel_loop3A_532, %parallel_loop3A_533] {strides = array<i32>} : memref<64x512xf32, #tpu.memory_space<vmem>>, vector<16xf32>,
        %parallel_loop3A_535 = arith.index_cast %squeeze3A_108 : i32 to index
        %parallel_loop3A_536 = arith.index_cast %parallel_loop3A_498 : i32 to index
        %parallel_loop3A_537 = tpu.vector_load %arg17[%parallel_loop3A_535, %parallel_loop3A_536] {strides = array<i32>} : memref<64x512xf32, #tpu.memory_space<vmem>>, vector<16xf32>,
        %parallel_loop3A_538 = arith.addf %parallel_loop3A_534, %parallel_loop3A_537 : vector<16xf32>
        %parallel_loop3A_539 = arith.constant 3 : i32
        %parallel_loop3A_540 = arith.index_cast %parallel_loop3A_539 : i32 to index
        %parallel_loop3A_541 = arith.index_cast %parallel_loop3A_498 : i32 to index
        %parallel_loop3A_542 = tpu.vector_load %arg12[%parallel_loop3A_540, %parallel_loop3A_541] {strides = array<i32>} : memref<16x512xf32, #tpu.memory_space<vmem>>, vector<16xf32>,
        tpu.vector_store %arg12[%parallel_loop3A_540, %parallel_loop3A_541], %parallel_loop3A_538 {add = true, strides = array<i32>} : memref<16x512xf32, #tpu.memory_space<vmem>>, vector<16xf32>,
        %parallel_loop3A_543 = arith.index_cast %squeeze3A_110 : i32 to index
        %parallel_loop3A_544 = arith.index_cast %parallel_loop3A_498 : i32 to index
        %parallel_loop3A_545 = tpu.vector_load %arg16[%parallel_loop3A_543, %parallel_loop3A_544] {strides = array<i32>} : memref<64x512xf32, #tpu.memory_space<vmem>>, vector<16xf32>,
        %parallel_loop3A_546 = arith.index_cast %squeeze3A_112 : i32 to index
        %parallel_loop3A_547 = arith.index_cast %parallel_loop3A_498 : i32 to index
        %parallel_loop3A_548 = tpu.vector_load %arg17[%parallel_loop3A_546, %parallel_loop3A_547] {strides = array<i32>} : memref<64x512xf32, #tpu.memory_space<vmem>>, vector<16xf32>,
        %parallel_loop3A_549 = arith.addf %parallel_loop3A_545, %parallel_loop3A_548 : vector<16xf32>
        %parallel_loop3A_550 = arith.constant 4 : i32
        %parallel_loop3A_551 = arith.index_cast %parallel_loop3A_550 : i32 to index
        %parallel_loop3A_552 = arith.index_cast %parallel_loop3A_498 : i32 to index
        %parallel_loop3A_553 = tpu.vector_load %arg12[%parallel_loop3A_551, %parallel_loop3A_552] {strides = array<i32>} : memref<16x512xf32, #tpu.memory_space<vmem>>, vector<16xf32>,
        tpu.vector_store %arg12[%parallel_loop3A_551, %parallel_loop3A_552], %parallel_loop3A_549 {add = true, strides = array<i32>} : memref<16x512xf32, #tpu.memory_space<vmem>>, vector<16xf32>,
        %parallel_loop3A_554 = arith.index_cast %squeeze3A_114 : i32 to index
        %parallel_loop3A_555 = arith.index_cast %parallel_loop3A_498 : i32 to index
        %parallel_loop3A_556 = tpu.vector_load %arg16[%parallel_loop3A_554, %parallel_loop3A_555] {strides = array<i32>} : memref<64x512xf32, #tpu.memory_space<vmem>>, vector<16xf32>,
        %parallel_loop3A_557 = arith.index_cast %squeeze3A_116 : i32 to index
        %parallel_loop3A_558 = arith.index_cast %parallel_loop3A_498 : i32 to index
        %parallel_loop3A_559 = tpu.vector_load %arg17[%parallel_loop3A_557, %parallel_loop3A_558] {strides = array<i32>} : memref<64x512xf32, #tpu.memory_space<vmem>>, vector<16xf32>,
        %parallel_loop3A_560 = arith.addf %parallel_loop3A_556, %parallel_loop3A_559 : vector<16xf32>
        %parallel_loop3A_561 = arith.constant 5 : i32
        %parallel_loop3A_562 = arith.index_cast %parallel_loop3A_561 : i32 to index
        %parallel_loop3A_563 = arith.index_cast %parallel_loop3A_498 : i32 to index
        %parallel_loop3A_564 = tpu.vector_load %arg12[%parallel_loop3A_562, %parallel_loop3A_563] {strides = array<i32>} : memref<16x512xf32, #tpu.memory_space<vmem>>, vector<16xf32>,
        tpu.vector_store %arg12[%parallel_loop3A_562, %parallel_loop3A_563], %parallel_loop3A_560 {add = true, strides = array<i32>} : memref<16x512xf32, #tpu.memory_space<vmem>>, vector<16xf32>,
        %parallel_loop3A_565 = arith.index_cast %squeeze3A_118 : i32 to index
        %parallel_loop3A_566 = arith.index_cast %parallel_loop3A_498 : i32 to index
        %parallel_loop3A_567 = tpu.vector_load %arg16[%parallel_loop3A_565, %parallel_loop3A_566] {strides = array<i32>} : memref<64x512xf32, #tpu.memory_space<vmem>>, vector<16xf32>,
        %parallel_loop3A_568 = arith.index_cast %squeeze3A_120 : i32 to index
        %parallel_loop3A_569 = arith.index_cast %parallel_loop3A_498 : i32 to index
        %parallel_loop3A_570 = tpu.vector_load %arg17[%parallel_loop3A_568, %parallel_loop3A_569] {strides = array<i32>} : memref<64x512xf32, #tpu.memory_space<vmem>>, vector<16xf32>,
        %parallel_loop3A_571 = arith.addf %parallel_loop3A_567, %parallel_loop3A_570 : vector<16xf32>
        %parallel_loop3A_572 = arith.constant 6 : i32
        %parallel_loop3A_573 = arith.index_cast %parallel_loop3A_572 : i32 to index
        %parallel_loop3A_574 = arith.index_cast %parallel_loop3A_498 : i32 to index
        %parallel_loop3A_575 = tpu.vector_load %arg12[%parallel_loop3A_573, %parallel_loop3A_574] {strides = array<i32>} : memref<16x512xf32, #tpu.memory_space<vmem>>, vector<16xf32>,
        tpu.vector_store %arg12[%parallel_loop3A_573, %parallel_loop3A_574], %parallel_loop3A_571 {add = true, strides = array<i32>} : memref<16x512xf32, #tpu.memory_space<vmem>>, vector<16xf32>,
        %parallel_loop3A_576 = arith.index_cast %squeeze3A_122 : i32 to index
        %parallel_loop3A_577 = arith.index_cast %parallel_loop3A_498 : i32 to index
        %parallel_loop3A_578 = tpu.vector_load %arg16[%parallel_loop3A_576, %parallel_loop3A_577] {strides = array<i32>} : memref<64x512xf32, #tpu.memory_space<vmem>>, vector<16xf32>,
        %parallel_loop3A_579 = arith.index_cast %squeeze3A_124 : i32 to index
        %parallel_loop3A_580 = arith.index_cast %parallel_loop3A_498 : i32 to index
        %parallel_loop3A_581 = tpu.vector_load %arg17[%parallel_loop3A_579, %parallel_loop3A_580] {strides = array<i32>} : memref<64x512xf32, #tpu.memory_space<vmem>>, vector<16xf32>,
        %parallel_loop3A_582 = arith.addf %parallel_loop3A_578, %parallel_loop3A_581 : vector<16xf32>
        %parallel_loop3A_583 = arith.constant 7 : i32
        %parallel_loop3A_584 = arith.index_cast %parallel_loop3A_583 : i32 to index
        %parallel_loop3A_585 = arith.index_cast %parallel_loop3A_498 : i32 to index
        %parallel_loop3A_586 = tpu.vector_load %arg12[%parallel_loop3A_584, %parallel_loop3A_585] {strides = array<i32>} : memref<16x512xf32, #tpu.memory_space<vmem>>, vector<16xf32>,
        tpu.vector_store %arg12[%parallel_loop3A_584, %parallel_loop3A_585], %parallel_loop3A_582 {add = true, strides = array<i32>} : memref<16x512xf32, #tpu.memory_space<vmem>>, vector<16xf32>,
        %parallel_loop3A_587 = arith.index_cast %squeeze3A_126 : i32 to index
        %parallel_loop3A_588 = arith.index_cast %parallel_loop3A_498 : i32 to index
        %parallel_loop3A_589 = tpu.vector_load %arg16[%parallel_loop3A_587, %parallel_loop3A_588] {strides = array<i32>} : memref<64x512xf32, #tpu.memory_space<vmem>>, vector<16xf32>,
        %parallel_loop3A_590 = arith.index_cast %squeeze3A_128 : i32 to index
        %parallel_loop3A_591 = arith.index_cast %parallel_loop3A_498 : i32 to index
        %parallel_loop3A_592 = tpu.vector_load %arg17[%parallel_loop3A_590, %parallel_loop3A_591] {strides = array<i32>} : memref<64x512xf32, #tpu.memory_space<vmem>>, vector<16xf32>,
        %parallel_loop3A_593 = arith.addf %parallel_loop3A_589, %parallel_loop3A_592 : vector<16xf32>
        %parallel_loop3A_594 = arith.constant 8 : i32
        %parallel_loop3A_595 = arith.index_cast %parallel_loop3A_594 : i32 to index
        %parallel_loop3A_596 = arith.index_cast %parallel_loop3A_498 : i32 to index
        %parallel_loop3A_597 = tpu.vector_load %arg12[%parallel_loop3A_595, %parallel_loop3A_596] {strides = array<i32>} : memref<16x512xf32, #tpu.memory_space<vmem>>, vector<16xf32>,
        tpu.vector_store %arg12[%parallel_loop3A_595, %parallel_loop3A_596], %parallel_loop3A_593 {add = true, strides = array<i32>} : memref<16x512xf32, #tpu.memory_space<vmem>>, vector<16xf32>,
        %parallel_loop3A_598 = arith.index_cast %squeeze3A_130 : i32 to index
        %parallel_loop3A_599 = arith.index_cast %parallel_loop3A_498 : i32 to index
        %parallel_loop3A_600 = tpu.vector_load %arg16[%parallel_loop3A_598, %parallel_loop3A_599] {strides = array<i32>} : memref<64x512xf32, #tpu.memory_space<vmem>>, vector<16xf32>,
        %parallel_loop3A_601 = arith.index_cast %squeeze3A_132 : i32 to index
        %parallel_loop3A_602 = arith.index_cast %parallel_loop3A_498 : i32 to index
        %parallel_loop3A_603 = tpu.vector_load %arg17[%parallel_loop3A_601, %parallel_loop3A_602] {strides = array<i32>} : memref<64x512xf32, #tpu.memory_space<vmem>>, vector<16xf32>,
        %parallel_loop3A_604 = arith.addf %parallel_loop3A_600, %parallel_loop3A_603 : vector<16xf32>
        %parallel_loop3A_605 = arith.constant 9 : i32
        %parallel_loop3A_606 = arith.index_cast %parallel_loop3A_605 : i32 to index
        %parallel_loop3A_607 = arith.index_cast %parallel_loop3A_498 : i32 to index
        %parallel_loop3A_608 = tpu.vector_load %arg12[%parallel_loop3A_606, %parallel_loop3A_607] {strides = array<i32>} : memref<16x512xf32, #tpu.memory_space<vmem>>, vector<16xf32>,
        tpu.vector_store %arg12[%parallel_loop3A_606, %parallel_loop3A_607], %parallel_loop3A_604 {add = true, strides = array<i32>} : memref<16x512xf32, #tpu.memory_space<vmem>>, vector<16xf32>,
        %parallel_loop3A_609 = arith.index_cast %squeeze3A_134 : i32 to index
        %parallel_loop3A_610 = arith.index_cast %parallel_loop3A_498 : i32 to index
        %parallel_loop3A_611 = tpu.vector_load %arg16[%parallel_loop3A_609, %parallel_loop3A_610] {strides = array<i32>} : memref<64x512xf32, #tpu.memory_space<vmem>>, vector<16xf32>,
        %parallel_loop3A_612 = arith.index_cast %squeeze3A_136 : i32 to index
        %parallel_loop3A_613 = arith.index_cast %parallel_loop3A_498 : i32 to index
        %parallel_loop3A_614 = tpu.vector_load %arg17[%parallel_loop3A_612, %parallel_loop3A_613] {strides = array<i32>} : memref<64x512xf32, #tpu.memory_space<vmem>>, vector<16xf32>,
        %parallel_loop3A_615 = arith.addf %parallel_loop3A_611, %parallel_loop3A_614 : vector<16xf32>
        %parallel_loop3A_616 = arith.constant 10 : i32
        %parallel_loop3A_617 = arith.index_cast %parallel_loop3A_616 : i32 to index
        %parallel_loop3A_618 = arith.index_cast %parallel_loop3A_498 : i32 to index
        %parallel_loop3A_619 = tpu.vector_load %arg12[%parallel_loop3A_617, %parallel_loop3A_618] {strides = array<i32>} : memref<16x512xf32, #tpu.memory_space<vmem>>, vector<16xf32>,
        tpu.vector_store %arg12[%parallel_loop3A_617, %parallel_loop3A_618], %parallel_loop3A_615 {add = true, strides = array<i32>} : memref<16x512xf32, #tpu.memory_space<vmem>>, vector<16xf32>,
        %parallel_loop3A_620 = arith.index_cast %squeeze3A_138 : i32 to index
        %parallel_loop3A_621 = arith.index_cast %parallel_loop3A_498 : i32 to index
        %parallel_loop3A_622 = tpu.vector_load %arg16[%parallel_loop3A_620, %parallel_loop3A_621] {strides = array<i32>} : memref<64x512xf32, #tpu.memory_space<vmem>>, vector<16xf32>,
        %parallel_loop3A_623 = arith.index_cast %squeeze3A_140 : i32 to index
        %parallel_loop3A_624 = arith.index_cast %parallel_loop3A_498 : i32 to index
        %parallel_loop3A_625 = tpu.vector_load %arg17[%parallel_loop3A_623, %parallel_loop3A_624] {strides = array<i32>} : memref<64x512xf32, #tpu.memory_space<vmem>>, vector<16xf32>,
        %parallel_loop3A_626 = arith.addf %parallel_loop3A_622, %parallel_loop3A_625 : vector<16xf32>
        %parallel_loop3A_627 = arith.constant 11 : i32
        %parallel_loop3A_628 = arith.index_cast %parallel_loop3A_627 : i32 to index
        %parallel_loop3A_629 = arith.index_cast %parallel_loop3A_498 : i32 to index
        %parallel_loop3A_630 = tpu.vector_load %arg12[%parallel_loop3A_628, %parallel_loop3A_629] {strides = array<i32>} : memref<16x512xf32, #tpu.memory_space<vmem>>, vector<16xf32>,
        tpu.vector_store %arg12[%parallel_loop3A_628, %parallel_loop3A_629], %parallel_loop3A_626 {add = true, strides = array<i32>} : memref<16x512xf32, #tpu.memory_space<vmem>>, vector<16xf32>,
        %parallel_loop3A_631 = arith.index_cast %squeeze3A_142 : i32 to index
        %parallel_loop3A_632 = arith.index_cast %parallel_loop3A_498 : i32 to index
        %parallel_loop3A_633 = tpu.vector_load %arg16[%parallel_loop3A_631, %parallel_loop3A_632] {strides = array<i32>} : memref<64x512xf32, #tpu.memory_space<vmem>>, vector<16xf32>,
        %parallel_loop3A_634 = arith.index_cast %squeeze3A_144 : i32 to index
        %parallel_loop3A_635 = arith.index_cast %parallel_loop3A_498 : i32 to index
        %parallel_loop3A_636 = tpu.vector_load %arg17[%parallel_loop3A_634, %parallel_loop3A_635] {strides = array<i32>} : memref<64x512xf32, #tpu.memory_space<vmem>>, vector<16xf32>,
        %parallel_loop3A_637 = arith.addf %parallel_loop3A_633, %parallel_loop3A_636 : vector<16xf32>
        %parallel_loop3A_638 = arith.constant 12 : i32
        %parallel_loop3A_639 = arith.index_cast %parallel_loop3A_638 : i32 to index
        %parallel_loop3A_640 = arith.index_cast %parallel_loop3A_498 : i32 to index
        %parallel_loop3A_641 = tpu.vector_load %arg12[%parallel_loop3A_639, %parallel_loop3A_640] {strides = array<i32>} : memref<16x512xf32, #tpu.memory_space<vmem>>, vector<16xf32>,
        tpu.vector_store %arg12[%parallel_loop3A_639, %parallel_loop3A_640], %parallel_loop3A_637 {add = true, strides = array<i32>} : memref<16x512xf32, #tpu.memory_space<vmem>>, vector<16xf32>,
        %parallel_loop3A_642 = arith.index_cast %squeeze3A_146 : i32 to index
        %parallel_loop3A_643 = arith.index_cast %parallel_loop3A_498 : i32 to index
        %parallel_loop3A_644 = tpu.vector_load %arg16[%parallel_loop3A_642, %parallel_loop3A_643] {strides = array<i32>} : memref<64x512xf32, #tpu.memory_space<vmem>>, vector<16xf32>,
        %parallel_loop3A_645 = arith.index_cast %squeeze3A_148 : i32 to index
        %parallel_loop3A_646 = arith.index_cast %parallel_loop3A_498 : i32 to index
        %parallel_loop3A_647 = tpu.vector_load %arg17[%parallel_loop3A_645, %parallel_loop3A_646] {strides = array<i32>} : memref<64x512xf32, #tpu.memory_space<vmem>>, vector<16xf32>,
        %parallel_loop3A_648 = arith.addf %parallel_loop3A_644, %parallel_loop3A_647 : vector<16xf32>
        %parallel_loop3A_649 = arith.constant 13 : i32
        %parallel_loop3A_650 = arith.index_cast %parallel_loop3A_649 : i32 to index
        %parallel_loop3A_651 = arith.index_cast %parallel_loop3A_498 : i32 to index
        %parallel_loop3A_652 = tpu.vector_load %arg12[%parallel_loop3A_650, %parallel_loop3A_651] {strides = array<i32>} : memref<16x512xf32, #tpu.memory_space<vmem>>, vector<16xf32>,
        tpu.vector_store %arg12[%parallel_loop3A_650, %parallel_loop3A_651], %parallel_loop3A_648 {add = true, strides = array<i32>} : memref<16x512xf32, #tpu.memory_space<vmem>>, vector<16xf32>,
        %parallel_loop3A_653 = arith.index_cast %squeeze3A_150 : i32 to index
        %parallel_loop3A_654 = arith.index_cast %parallel_loop3A_498 : i32 to index
        %parallel_loop3A_655 = tpu.vector_load %arg16[%parallel_loop3A_653, %parallel_loop3A_654] {strides = array<i32>} : memref<64x512xf32, #tpu.memory_space<vmem>>, vector<16xf32>,
        %parallel_loop3A_656 = arith.index_cast %squeeze3A_152 : i32 to index
        %parallel_loop3A_657 = arith.index_cast %parallel_loop3A_498 : i32 to index
        %parallel_loop3A_658 = tpu.vector_load %arg17[%parallel_loop3A_656, %parallel_loop3A_657] {strides = array<i32>} : memref<64x512xf32, #tpu.memory_space<vmem>>, vector<16xf32>,
        %parallel_loop3A_659 = arith.addf %parallel_loop3A_655, %parallel_loop3A_658 : vector<16xf32>
        %parallel_loop3A_660 = arith.constant 14 : i32
        %parallel_loop3A_661 = arith.index_cast %parallel_loop3A_660 : i32 to index
        %parallel_loop3A_662 = arith.index_cast %parallel_loop3A_498 : i32 to index
        %parallel_loop3A_663 = tpu.vector_load %arg12[%parallel_loop3A_661, %parallel_loop3A_662] {strides = array<i32>} : memref<16x512xf32, #tpu.memory_space<vmem>>, vector<16xf32>,
        tpu.vector_store %arg12[%parallel_loop3A_661, %parallel_loop3A_662], %parallel_loop3A_659 {add = true, strides = array<i32>} : memref<16x512xf32, #tpu.memory_space<vmem>>, vector<16xf32>,
        %parallel_loop3A_664 = arith.index_cast %squeeze3A_154 : i32 to index
        %parallel_loop3A_665 = arith.index_cast %parallel_loop3A_498 : i32 to index
        %parallel_loop3A_666 = tpu.vector_load %arg16[%parallel_loop3A_664, %parallel_loop3A_665] {strides = array<i32>} : memref<64x512xf32, #tpu.memory_space<vmem>>, vector<16xf32>,
        %parallel_loop3A_667 = arith.index_cast %squeeze3A_156 : i32 to index
        %parallel_loop3A_668 = arith.index_cast %parallel_loop3A_498 : i32 to index
        %parallel_loop3A_669 = tpu.vector_load %arg17[%parallel_loop3A_667, %parallel_loop3A_668] {strides = array<i32>} : memref<64x512xf32, #tpu.memory_space<vmem>>, vector<16xf32>,
        %parallel_loop3A_670 = arith.addf %parallel_loop3A_666, %parallel_loop3A_669 : vector<16xf32>
        %parallel_loop3A_671 = arith.constant 15 : i32
        %parallel_loop3A_672 = arith.index_cast %parallel_loop3A_671 : i32 to index
        %parallel_loop3A_673 = arith.index_cast %parallel_loop3A_498 : i32 to index
        %parallel_loop3A_674 = tpu.vector_load %arg12[%parallel_loop3A_672, %parallel_loop3A_673] {strides = array<i32>} : memref<16x512xf32, #tpu.memory_space<vmem>>, vector<16xf32>,
        tpu.vector_store %arg12[%parallel_loop3A_672, %parallel_loop3A_673], %parallel_loop3A_670 {add = true, strides = array<i32>} : memref<16x512xf32, #tpu.memory_space<vmem>>, vector<16xf32>,
      } {sc.loop_unroll_factor = 1 : i64, sc.parallel_access}
      %mul3A_160 = arith.constant 16 : i32
      %mul3A_161 = arith.muli %add3A_69, %mul3A_160 : i32
      %add3A_162 = arith.addi %mul3A_0, %mul3A_161 : i32
      %dma_start3A_163 = arith.constant 0 : i32
      %dma_start3A_164 = tpu.memref_slice %arg8[%add3A_162, %arg0, %dma_start3A_163] : memref<8192x2x512xf32, #tpu.memory_space<hbm>> -> memref<16x1x512xf32, #tpu.memory_space<hbm>>
      %dma_start3A_165 = tpu.memref_squeeze %dma_start3A_164 : memref<16x1x512xf32, #tpu.memory_space<hbm>> -> memref<16x512xf32, #tpu.memory_space<hbm>>
      %dma_start3A_166 = arith.constant 0 : i32
      %dma_start3A_167 = tpu.memref_slice %arg8[%add3A_162, %arg0, %dma_start3A_166] : memref<8192x2x512xf32, #tpu.memory_space<hbm>> -> memref<16x1x512xf32, #tpu.memory_space<hbm>>
      %dma_start3A_168 = tpu.memref_squeeze %dma_start3A_167 : memref<16x1x512xf32, #tpu.memory_space<hbm>> -> memref<16x512xf32, #tpu.memory_space<hbm>>
      tpu.enqueue_dma source(%arg12 : memref<16x512xf32, #tpu.memory_space<vmem>>) target(%dma_start3A_168 : memref<16x512xf32, #tpu.memory_space<hbm>>) target_semaphore(%arg22 : memref<!tpu.dma_semaphore, #tpu.memory_space<semaphore_mem>>)
      %add3A_169 = arith.constant 1 : i32
      %add3A_170 = arith.addi %mul3A_67, %add3A_169 : i32
      %add3A_171 = arith.constant 2 : i32
      %add3A_172 = arith.addi %add3A_170, %add3A_171 : i32
      %lt3A_173 = arith.constant 32 : i32
      %lt3A_174 = arith.cmpi slt, %add3A_172, %lt3A_173 : i32
      %ge3A_175 = arith.constant 2 : i32
      %ge3A_176 = arith.cmpi sge, %add3A_170, %ge3A_175 : i32
      %and3A_177 = arith.andi %lt3A_174, %ge3A_176 : i1
      %convert_element_type3A_178 = arith.extui %and3A_177 : i1 to i32
      %cond3A_179 = arith.constant 0 : i32
      %cond3A_180 = arith.cmpi ne, %convert_element_type3A_178, %cond3A_179 : i32
      scf.if %cond3A_180 {
        %sub3A = arith.constant 2 : i32
        %sub3A_496 = arith.subi %add3A_170, %sub3A : i32
        %mul3A_497 = arith.constant 16 : i32
        %mul3A_498 = arith.muli %sub3A_496, %mul3A_497 : i32
        %add3A_499 = arith.addi %mul3A_0, %mul3A_498 : i32
        %dma_wait3A_500 = arith.constant 0 : i32
        %dma_wait3A_501 = tpu.memref_slice %arg8[%add3A_499, %arg0, %dma_wait3A_500] : memref<8192x2x512xf32, #tpu.memory_space<hbm>> -> memref<16x1x512xf32, #tpu.memory_space<hbm>>
        %dma_wait3A_502 = tpu.memref_squeeze %dma_wait3A_501 : memref<16x1x512xf32, #tpu.memory_space<hbm>> -> memref<16x512xf32, #tpu.memory_space<hbm>>
        %dma_wait3A_503 = arith.constant 0 : i32
        %dma_wait3A_504 = tpu.memref_slice %arg8[%add3A_499, %arg0, %dma_wait3A_503] : memref<8192x2x512xf32, #tpu.memory_space<hbm>> -> memref<16x1x512xf32, #tpu.memory_space<hbm>>
        %dma_wait3A_505 = tpu.memref_squeeze %dma_wait3A_504 : memref<16x1x512xf32, #tpu.memory_space<hbm>> -> memref<16x512xf32, #tpu.memory_space<hbm>>
        tpu.wait_dma2 semaphore(%arg25 : memref<!tpu.dma_semaphore, #tpu.memory_space<semaphore_mem>>) src(%arg15 : memref<16x512xf32, #tpu.memory_space<vmem>>) dst(%dma_wait3A_505 : memref<16x512xf32, #tpu.memory_space<hbm>>)
      } else {
      }
      %add3A_181 = arith.constant 2 : i32
      %add3A_182 = arith.addi %add3A_170, %add3A_181 : i32
      %lt3A_183 = arith.constant 32 : i32
      %lt3A_184 = arith.cmpi slt, %add3A_182, %lt3A_183 : i32
      %convert_element_type3A_185 = arith.extui %lt3A_184 : i1 to i32
      %cond3A_186 = arith.constant 0 : i32
      %cond3A_187 = arith.cmpi ne, %convert_element_type3A_185, %cond3A_186 : i32
      scf.if %cond3A_187 {
        %add3A_496 = arith.constant 2 : i32
        %add3A_497 = arith.addi %add3A_170, %add3A_496 : i32
        %mul3A_498 = arith.constant 16 : i32
        %mul3A_499 = arith.muli %add3A_497, %mul3A_498 : i32
        %dma_start3A_500 = tpu.memref_slice %arg9[%mul3A_499] : memref<512xi32, #tpu.memory_space<vmem>> -> memref<16xi32, #tpu.memory_space<vmem>>
        %dma_start3A_501 = arith.constant 0 : i32
        %dma_start3A_502 = arith.constant 0 : i32
        %dma_start3A_503 = tpu.memref_slice %arg5[%dma_start3A_501, %dma_start3A_502] : memref<4100x512xf32, #tpu.memory_space<hbm>> -> memref<4100x512xf32, #tpu.memory_space<hbm>>
        tpu.enqueue_indirect_dma source(%dma_start3A_503 : memref<4100x512xf32, #tpu.memory_space<hbm>>) target(%arg15 : memref<16x512xf32, #tpu.memory_space<vmem>>) offsets(%dma_start3A_500 : memref<16xi32, #tpu.memory_space<vmem>>) semaphore(%arg21 : memref<!tpu.dma_semaphore, #tpu.memory_space<semaphore_mem>>)
      } else {
      }
      %mul3A_188 = arith.constant 16 : i32
      %mul3A_189 = arith.muli %add3A_170, %mul3A_188 : i32
      %dma_wait3A_190 = tpu.memref_slice %arg9[%mul3A_189] : memref<512xi32, #tpu.memory_space<vmem>> -> memref<16xi32, #tpu.memory_space<vmem>>
      %dma_wait3A_191 = arith.constant 0 : i32
      %dma_wait3A_192 = arith.constant 0 : i32
      %dma_wait3A_193 = tpu.memref_slice %arg5[%dma_wait3A_191, %dma_wait3A_192] : memref<4100x512xf32, #tpu.memory_space<hbm>> -> memref<4100x512xf32, #tpu.memory_space<hbm>>
      tpu.wait_indirect_dma semaphore(%arg19 : memref<!tpu.dma_semaphore, #tpu.memory_space<semaphore_mem>>) src(%dma_wait3A_193 : memref<4100x512xf32, #tpu.memory_space<hbm>>) dst(%arg13 : memref<16x512xf32, #tpu.memory_space<vmem>>)
      %mul3A_194 = arith.constant 16 : i32
      %mul3A_195 = arith.muli %add3A_170, %mul3A_194 : i32
      %add3A_196 = arith.constant 0 : i32
      %add3A_197 = arith.addi %mul3A_195, %add3A_196 : i32
      %get3A_198 = arith.index_cast %add3A_197 : i32 to index
      %get3A_199 = tpu.vector_load %arg10[%get3A_198] {strides = array<i32>} : memref<512xi32, #tpu.memory_space<vmem>>, vector<16xi32>,
      %get3A_200 = arith.index_cast %add3A_197 : i32 to index
      %get3A_201 = tpu.vector_load %arg11[%get3A_200] {strides = array<i32>} : memref<512xi32, #tpu.memory_space<vmem>>, vector<16xi32>,
      %slice3A_202 = vector.extract_strided_slice %get3A_199 {offsets = [0], sizes = [1], strides = [1]} : vector<16xi32> to vector<1xi32>
      %squeeze3A_203 = vector.extract %slice3A_202[0] : i32 from vector<1xi32>
      %slice3A_204 = vector.extract_strided_slice %get3A_201 {offsets = [0], sizes = [1], strides = [1]} : vector<16xi32> to vector<1xi32>
      %squeeze3A_205 = vector.extract %slice3A_204[0] : i32 from vector<1xi32>
      %slice3A_206 = vector.extract_strided_slice %get3A_199 {offsets = [1], sizes = [1], strides = [1]} : vector<16xi32> to vector<1xi32>
      %squeeze3A_207 = vector.extract %slice3A_206[0] : i32 from vector<1xi32>
      %slice3A_208 = vector.extract_strided_slice %get3A_201 {offsets = [1], sizes = [1], strides = [1]} : vector<16xi32> to vector<1xi32>
      %squeeze3A_209 = vector.extract %slice3A_208[0] : i32 from vector<1xi32>
      %slice3A_210 = vector.extract_strided_slice %get3A_199 {offsets = [2], sizes = [1], strides = [1]} : vector<16xi32> to vector<1xi32>
      %squeeze3A_211 = vector.extract %slice3A_210[0] : i32 from vector<1xi32>
      %slice3A_212 = vector.extract_strided_slice %get3A_201 {offsets = [2], sizes = [1], strides = [1]} : vector<16xi32> to vector<1xi32>
      %squeeze3A_213 = vector.extract %slice3A_212[0] : i32 from vector<1xi32>
      %slice3A_214 = vector.extract_strided_slice %get3A_199 {offsets = [3], sizes = [1], strides = [1]} : vector<16xi32> to vector<1xi32>
      %squeeze3A_215 = vector.extract %slice3A_214[0] : i32 from vector<1xi32>
      %slice3A_216 = vector.extract_strided_slice %get3A_201 {offsets = [3], sizes = [1], strides = [1]} : vector<16xi32> to vector<1xi32>
      %squeeze3A_217 = vector.extract %slice3A_216[0] : i32 from vector<1xi32>
      %slice3A_218 = vector.extract_strided_slice %get3A_199 {offsets = [4], sizes = [1], strides = [1]} : vector<16xi32> to vector<1xi32>
      %squeeze3A_219 = vector.extract %slice3A_218[0] : i32 from vector<1xi32>
      %slice3A_220 = vector.extract_strided_slice %get3A_201 {offsets = [4], sizes = [1], strides = [1]} : vector<16xi32> to vector<1xi32>
      %squeeze3A_221 = vector.extract %slice3A_220[0] : i32 from vector<1xi32>
      %slice3A_222 = vector.extract_strided_slice %get3A_199 {offsets = [5], sizes = [1], strides = [1]} : vector<16xi32> to vector<1xi32>
      %squeeze3A_223 = vector.extract %slice3A_222[0] : i32 from vector<1xi32>
      %slice3A_224 = vector.extract_strided_slice %get3A_201 {offsets = [5], sizes = [1], strides = [1]} : vector<16xi32> to vector<1xi32>
      %squeeze3A_225 = vector.extract %slice3A_224[0] : i32 from vector<1xi32>
      %slice3A_226 = vector.extract_strided_slice %get3A_199 {offsets = [6], sizes = [1], strides = [1]} : vector<16xi32> to vector<1xi32>
      %squeeze3A_227 = vector.extract %slice3A_226[0] : i32 from vector<1xi32>
      %slice3A_228 = vector.extract_strided_slice %get3A_201 {offsets = [6], sizes = [1], strides = [1]} : vector<16xi32> to vector<1xi32>
      %squeeze3A_229 = vector.extract %slice3A_228[0] : i32 from vector<1xi32>
      %slice3A_230 = vector.extract_strided_slice %get3A_199 {offsets = [7], sizes = [1], strides = [1]} : vector<16xi32> to vector<1xi32>
      %squeeze3A_231 = vector.extract %slice3A_230[0] : i32 from vector<1xi32>
      %slice3A_232 = vector.extract_strided_slice %get3A_201 {offsets = [7], sizes = [1], strides = [1]} : vector<16xi32> to vector<1xi32>
      %squeeze3A_233 = vector.extract %slice3A_232[0] : i32 from vector<1xi32>
      %slice3A_234 = vector.extract_strided_slice %get3A_199 {offsets = [8], sizes = [1], strides = [1]} : vector<16xi32> to vector<1xi32>
      %squeeze3A_235 = vector.extract %slice3A_234[0] : i32 from vector<1xi32>
      %slice3A_236 = vector.extract_strided_slice %get3A_201 {offsets = [8], sizes = [1], strides = [1]} : vector<16xi32> to vector<1xi32>
      %squeeze3A_237 = vector.extract %slice3A_236[0] : i32 from vector<1xi32>
      %slice3A_238 = vector.extract_strided_slice %get3A_199 {offsets = [9], sizes = [1], strides = [1]} : vector<16xi32> to vector<1xi32>
      %squeeze3A_239 = vector.extract %slice3A_238[0] : i32 from vector<1xi32>
      %slice3A_240 = vector.extract_strided_slice %get3A_201 {offsets = [9], sizes = [1], strides = [1]} : vector<16xi32> to vector<1xi32>
      %squeeze3A_241 = vector.extract %slice3A_240[0] : i32 from vector<1xi32>
      %slice3A_242 = vector.extract_strided_slice %get3A_199 {offsets = [10], sizes = [1], strides = [1]} : vector<16xi32> to vector<1xi32>
      %squeeze3A_243 = vector.extract %slice3A_242[0] : i32 from vector<1xi32>
      %slice3A_244 = vector.extract_strided_slice %get3A_201 {offsets = [10], sizes = [1], strides = [1]} : vector<16xi32> to vector<1xi32>
      %squeeze3A_245 = vector.extract %slice3A_244[0] : i32 from vector<1xi32>
      %slice3A_246 = vector.extract_strided_slice %get3A_199 {offsets = [11], sizes = [1], strides = [1]} : vector<16xi32> to vector<1xi32>
      %squeeze3A_247 = vector.extract %slice3A_246[0] : i32 from vector<1xi32>
      %slice3A_248 = vector.extract_strided_slice %get3A_201 {offsets = [11], sizes = [1], strides = [1]} : vector<16xi32> to vector<1xi32>
      %squeeze3A_249 = vector.extract %slice3A_248[0] : i32 from vector<1xi32>
      %slice3A_250 = vector.extract_strided_slice %get3A_199 {offsets = [12], sizes = [1], strides = [1]} : vector<16xi32> to vector<1xi32>
      %squeeze3A_251 = vector.extract %slice3A_250[0] : i32 from vector<1xi32>
      %slice3A_252 = vector.extract_strided_slice %get3A_201 {offsets = [12], sizes = [1], strides = [1]} : vector<16xi32> to vector<1xi32>
      %squeeze3A_253 = vector.extract %slice3A_252[0] : i32 from vector<1xi32>
      %slice3A_254 = vector.extract_strided_slice %get3A_199 {offsets = [13], sizes = [1], strides = [1]} : vector<16xi32> to vector<1xi32>
      %squeeze3A_255 = vector.extract %slice3A_254[0] : i32 from vector<1xi32>
      %slice3A_256 = vector.extract_strided_slice %get3A_201 {offsets = [13], sizes = [1], strides = [1]} : vector<16xi32> to vector<1xi32>
      %squeeze3A_257 = vector.extract %slice3A_256[0] : i32 from vector<1xi32>
      %slice3A_258 = vector.extract_strided_slice %get3A_199 {offsets = [14], sizes = [1], strides = [1]} : vector<16xi32> to vector<1xi32>
      %squeeze3A_259 = vector.extract %slice3A_258[0] : i32 from vector<1xi32>
      %slice3A_260 = vector.extract_strided_slice %get3A_201 {offsets = [14], sizes = [1], strides = [1]} : vector<16xi32> to vector<1xi32>
      %squeeze3A_261 = vector.extract %slice3A_260[0] : i32 from vector<1xi32>
      %slice3A_262 = vector.extract_strided_slice %get3A_199 {offsets = [15], sizes = [1], strides = [1]} : vector<16xi32> to vector<1xi32>
      %squeeze3A_263 = vector.extract %slice3A_262[0] : i32 from vector<1xi32>
      %slice3A_264 = vector.extract_strided_slice %get3A_201 {offsets = [15], sizes = [1], strides = [1]} : vector<16xi32> to vector<1xi32>
      %squeeze3A_265 = vector.extract %slice3A_264[0] : i32 from vector<1xi32>
      %parallel_loop3A_266 = arith.constant 0 : i32
      %parallel_loop3A_267 = arith.constant 32 : i32
      %parallel_loop3A_268 = arith.constant 1 : i32
      scf.for %parallel_loop3A_496 = %parallel_loop3A_266 to %parallel_loop3A_267 step %parallel_loop3A_268  : i32 {
        %parallel_loop3A_497 = arith.constant 16 : i32
        %parallel_loop3A_498 = arith.muli %parallel_loop3A_496, %parallel_loop3A_497 : i32
        %parallel_loop3A_499 = arith.index_cast %squeeze3A_203 : i32 to index
        %parallel_loop3A_500 = arith.index_cast %parallel_loop3A_498 : i32 to index
        %parallel_loop3A_501 = tpu.vector_load %arg16[%parallel_loop3A_499, %parallel_loop3A_500] {strides = array<i32>} : memref<64x512xf32, #tpu.memory_space<vmem>>, vector<16xf32>,
        %parallel_loop3A_502 = arith.index_cast %squeeze3A_205 : i32 to index
        %parallel_loop3A_503 = arith.index_cast %parallel_loop3A_498 : i32 to index
        %parallel_loop3A_504 = tpu.vector_load %arg17[%parallel_loop3A_502, %parallel_loop3A_503] {strides = array<i32>} : memref<64x512xf32, #tpu.memory_space<vmem>>, vector<16xf32>,
        %parallel_loop3A_505 = arith.addf %parallel_loop3A_501, %parallel_loop3A_504 : vector<16xf32>
        %parallel_loop3A_506 = arith.constant 0 : i32
        %parallel_loop3A_507 = arith.index_cast %parallel_loop3A_506 : i32 to index
        %parallel_loop3A_508 = arith.index_cast %parallel_loop3A_498 : i32 to index
        %parallel_loop3A_509 = tpu.vector_load %arg13[%parallel_loop3A_507, %parallel_loop3A_508] {strides = array<i32>} : memref<16x512xf32, #tpu.memory_space<vmem>>, vector<16xf32>,
        tpu.vector_store %arg13[%parallel_loop3A_507, %parallel_loop3A_508], %parallel_loop3A_505 {add = true, strides = array<i32>} : memref<16x512xf32, #tpu.memory_space<vmem>>, vector<16xf32>,
        %parallel_loop3A_510 = arith.index_cast %squeeze3A_207 : i32 to index
        %parallel_loop3A_511 = arith.index_cast %parallel_loop3A_498 : i32 to index
        %parallel_loop3A_512 = tpu.vector_load %arg16[%parallel_loop3A_510, %parallel_loop3A_511] {strides = array<i32>} : memref<64x512xf32, #tpu.memory_space<vmem>>, vector<16xf32>,
        %parallel_loop3A_513 = arith.index_cast %squeeze3A_209 : i32 to index
        %parallel_loop3A_514 = arith.index_cast %parallel_loop3A_498 : i32 to index
        %parallel_loop3A_515 = tpu.vector_load %arg17[%parallel_loop3A_513, %parallel_loop3A_514] {strides = array<i32>} : memref<64x512xf32, #tpu.memory_space<vmem>>, vector<16xf32>,
        %parallel_loop3A_516 = arith.addf %parallel_loop3A_512, %parallel_loop3A_515 : vector<16xf32>
        %parallel_loop3A_517 = arith.constant 1 : i32
        %parallel_loop3A_518 = arith.index_cast %parallel_loop3A_517 : i32 to index
        %parallel_loop3A_519 = arith.index_cast %parallel_loop3A_498 : i32 to index
        %parallel_loop3A_520 = tpu.vector_load %arg13[%parallel_loop3A_518, %parallel_loop3A_519] {strides = array<i32>} : memref<16x512xf32, #tpu.memory_space<vmem>>, vector<16xf32>,
        tpu.vector_store %arg13[%parallel_loop3A_518, %parallel_loop3A_519], %parallel_loop3A_516 {add = true, strides = array<i32>} : memref<16x512xf32, #tpu.memory_space<vmem>>, vector<16xf32>,
        %parallel_loop3A_521 = arith.index_cast %squeeze3A_211 : i32 to index
        %parallel_loop3A_522 = arith.index_cast %parallel_loop3A_498 : i32 to index
        %parallel_loop3A_523 = tpu.vector_load %arg16[%parallel_loop3A_521, %parallel_loop3A_522] {strides = array<i32>} : memref<64x512xf32, #tpu.memory_space<vmem>>, vector<16xf32>,
        %parallel_loop3A_524 = arith.index_cast %squeeze3A_213 : i32 to index
        %parallel_loop3A_525 = arith.index_cast %parallel_loop3A_498 : i32 to index
        %parallel_loop3A_526 = tpu.vector_load %arg17[%parallel_loop3A_524, %parallel_loop3A_525] {strides = array<i32>} : memref<64x512xf32, #tpu.memory_space<vmem>>, vector<16xf32>,
        %parallel_loop3A_527 = arith.addf %parallel_loop3A_523, %parallel_loop3A_526 : vector<16xf32>
        %parallel_loop3A_528 = arith.constant 2 : i32
        %parallel_loop3A_529 = arith.index_cast %parallel_loop3A_528 : i32 to index
        %parallel_loop3A_530 = arith.index_cast %parallel_loop3A_498 : i32 to index
        %parallel_loop3A_531 = tpu.vector_load %arg13[%parallel_loop3A_529, %parallel_loop3A_530] {strides = array<i32>} : memref<16x512xf32, #tpu.memory_space<vmem>>, vector<16xf32>,
        tpu.vector_store %arg13[%parallel_loop3A_529, %parallel_loop3A_530], %parallel_loop3A_527 {add = true, strides = array<i32>} : memref<16x512xf32, #tpu.memory_space<vmem>>, vector<16xf32>,
        %parallel_loop3A_532 = arith.index_cast %squeeze3A_215 : i32 to index
        %parallel_loop3A_533 = arith.index_cast %parallel_loop3A_498 : i32 to index
        %parallel_loop3A_534 = tpu.vector_load %arg16[%parallel_loop3A_532, %parallel_loop3A_533] {strides = array<i32>} : memref<64x512xf32, #tpu.memory_space<vmem>>, vector<16xf32>,
        %parallel_loop3A_535 = arith.index_cast %squeeze3A_217 : i32 to index
        %parallel_loop3A_536 = arith.index_cast %parallel_loop3A_498 : i32 to index
        %parallel_loop3A_537 = tpu.vector_load %arg17[%parallel_loop3A_535, %parallel_loop3A_536] {strides = array<i32>} : memref<64x512xf32, #tpu.memory_space<vmem>>, vector<16xf32>,
        %parallel_loop3A_538 = arith.addf %parallel_loop3A_534, %parallel_loop3A_537 : vector<16xf32>
        %parallel_loop3A_539 = arith.constant 3 : i32
        %parallel_loop3A_540 = arith.index_cast %parallel_loop3A_539 : i32 to index
        %parallel_loop3A_541 = arith.index_cast %parallel_loop3A_498 : i32 to index
        %parallel_loop3A_542 = tpu.vector_load %arg13[%parallel_loop3A_540, %parallel_loop3A_541] {strides = array<i32>} : memref<16x512xf32, #tpu.memory_space<vmem>>, vector<16xf32>,
        tpu.vector_store %arg13[%parallel_loop3A_540, %parallel_loop3A_541], %parallel_loop3A_538 {add = true, strides = array<i32>} : memref<16x512xf32, #tpu.memory_space<vmem>>, vector<16xf32>,
        %parallel_loop3A_543 = arith.index_cast %squeeze3A_219 : i32 to index
        %parallel_loop3A_544 = arith.index_cast %parallel_loop3A_498 : i32 to index
        %parallel_loop3A_545 = tpu.vector_load %arg16[%parallel_loop3A_543, %parallel_loop3A_544] {strides = array<i32>} : memref<64x512xf32, #tpu.memory_space<vmem>>, vector<16xf32>,
        %parallel_loop3A_546 = arith.index_cast %squeeze3A_221 : i32 to index
        %parallel_loop3A_547 = arith.index_cast %parallel_loop3A_498 : i32 to index
        %parallel_loop3A_548 = tpu.vector_load %arg17[%parallel_loop3A_546, %parallel_loop3A_547] {strides = array<i32>} : memref<64x512xf32, #tpu.memory_space<vmem>>, vector<16xf32>,
        %parallel_loop3A_549 = arith.addf %parallel_loop3A_545, %parallel_loop3A_548 : vector<16xf32>
        %parallel_loop3A_550 = arith.constant 4 : i32
        %parallel_loop3A_551 = arith.index_cast %parallel_loop3A_550 : i32 to index
        %parallel_loop3A_552 = arith.index_cast %parallel_loop3A_498 : i32 to index
        %parallel_loop3A_553 = tpu.vector_load %arg13[%parallel_loop3A_551, %parallel_loop3A_552] {strides = array<i32>} : memref<16x512xf32, #tpu.memory_space<vmem>>, vector<16xf32>,
        tpu.vector_store %arg13[%parallel_loop3A_551, %parallel_loop3A_552], %parallel_loop3A_549 {add = true, strides = array<i32>} : memref<16x512xf32, #tpu.memory_space<vmem>>, vector<16xf32>,
        %parallel_loop3A_554 = arith.index_cast %squeeze3A_223 : i32 to index
        %parallel_loop3A_555 = arith.index_cast %parallel_loop3A_498 : i32 to index
        %parallel_loop3A_556 = tpu.vector_load %arg16[%parallel_loop3A_554, %parallel_loop3A_555] {strides = array<i32>} : memref<64x512xf32, #tpu.memory_space<vmem>>, vector<16xf32>,
        %parallel_loop3A_557 = arith.index_cast %squeeze3A_225 : i32 to index
        %parallel_loop3A_558 = arith.index_cast %parallel_loop3A_498 : i32 to index
        %parallel_loop3A_559 = tpu.vector_load %arg17[%parallel_loop3A_557, %parallel_loop3A_558] {strides = array<i32>} : memref<64x512xf32, #tpu.memory_space<vmem>>, vector<16xf32>,
        %parallel_loop3A_560 = arith.addf %parallel_loop3A_556, %parallel_loop3A_559 : vector<16xf32>
        %parallel_loop3A_561 = arith.constant 5 : i32
        %parallel_loop3A_562 = arith.index_cast %parallel_loop3A_561 : i32 to index
        %parallel_loop3A_563 = arith.index_cast %parallel_loop3A_498 : i32 to index
        %parallel_loop3A_564 = tpu.vector_load %arg13[%parallel_loop3A_562, %parallel_loop3A_563] {strides = array<i32>} : memref<16x512xf32, #tpu.memory_space<vmem>>, vector<16xf32>,
        tpu.vector_store %arg13[%parallel_loop3A_562, %parallel_loop3A_563], %parallel_loop3A_560 {add = true, strides = array<i32>} : memref<16x512xf32, #tpu.memory_space<vmem>>, vector<16xf32>,
        %parallel_loop3A_565 = arith.index_cast %squeeze3A_227 : i32 to index
        %parallel_loop3A_566 = arith.index_cast %parallel_loop3A_498 : i32 to index
        %parallel_loop3A_567 = tpu.vector_load %arg16[%parallel_loop3A_565, %parallel_loop3A_566] {strides = array<i32>} : memref<64x512xf32, #tpu.memory_space<vmem>>, vector<16xf32>,
        %parallel_loop3A_568 = arith.index_cast %squeeze3A_229 : i32 to index
        %parallel_loop3A_569 = arith.index_cast %parallel_loop3A_498 : i32 to index
        %parallel_loop3A_570 = tpu.vector_load %arg17[%parallel_loop3A_568, %parallel_loop3A_569] {strides = array<i32>} : memref<64x512xf32, #tpu.memory_space<vmem>>, vector<16xf32>,
        %parallel_loop3A_571 = arith.addf %parallel_loop3A_567, %parallel_loop3A_570 : vector<16xf32>
        %parallel_loop3A_572 = arith.constant 6 : i32
        %parallel_loop3A_573 = arith.index_cast %parallel_loop3A_572 : i32 to index
        %parallel_loop3A_574 = arith.index_cast %parallel_loop3A_498 : i32 to index
        %parallel_loop3A_575 = tpu.vector_load %arg13[%parallel_loop3A_573, %parallel_loop3A_574] {strides = array<i32>} : memref<16x512xf32, #tpu.memory_space<vmem>>, vector<16xf32>,
        tpu.vector_store %arg13[%parallel_loop3A_573, %parallel_loop3A_574], %parallel_loop3A_571 {add = true, strides = array<i32>} : memref<16x512xf32, #tpu.memory_space<vmem>>, vector<16xf32>,
        %parallel_loop3A_576 = arith.index_cast %squeeze3A_231 : i32 to index
        %parallel_loop3A_577 = arith.index_cast %parallel_loop3A_498 : i32 to index
        %parallel_loop3A_578 = tpu.vector_load %arg16[%parallel_loop3A_576, %parallel_loop3A_577] {strides = array<i32>} : memref<64x512xf32, #tpu.memory_space<vmem>>, vector<16xf32>,
        %parallel_loop3A_579 = arith.index_cast %squeeze3A_233 : i32 to index
        %parallel_loop3A_580 = arith.index_cast %parallel_loop3A_498 : i32 to index
        %parallel_loop3A_581 = tpu.vector_load %arg17[%parallel_loop3A_579, %parallel_loop3A_580] {strides = array<i32>} : memref<64x512xf32, #tpu.memory_space<vmem>>, vector<16xf32>,
        %parallel_loop3A_582 = arith.addf %parallel_loop3A_578, %parallel_loop3A_581 : vector<16xf32>
        %parallel_loop3A_583 = arith.constant 7 : i32
        %parallel_loop3A_584 = arith.index_cast %parallel_loop3A_583 : i32 to index
        %parallel_loop3A_585 = arith.index_cast %parallel_loop3A_498 : i32 to index
        %parallel_loop3A_586 = tpu.vector_load %arg13[%parallel_loop3A_584, %parallel_loop3A_585] {strides = array<i32>} : memref<16x512xf32, #tpu.memory_space<vmem>>, vector<16xf32>,
        tpu.vector_store %arg13[%parallel_loop3A_584, %parallel_loop3A_585], %parallel_loop3A_582 {add = true, strides = array<i32>} : memref<16x512xf32, #tpu.memory_space<vmem>>, vector<16xf32>,
        %parallel_loop3A_587 = arith.index_cast %squeeze3A_235 : i32 to index
        %parallel_loop3A_588 = arith.index_cast %parallel_loop3A_498 : i32 to index
        %parallel_loop3A_589 = tpu.vector_load %arg16[%parallel_loop3A_587, %parallel_loop3A_588] {strides = array<i32>} : memref<64x512xf32, #tpu.memory_space<vmem>>, vector<16xf32>,
        %parallel_loop3A_590 = arith.index_cast %squeeze3A_237 : i32 to index
        %parallel_loop3A_591 = arith.index_cast %parallel_loop3A_498 : i32 to index
        %parallel_loop3A_592 = tpu.vector_load %arg17[%parallel_loop3A_590, %parallel_loop3A_591] {strides = array<i32>} : memref<64x512xf32, #tpu.memory_space<vmem>>, vector<16xf32>,
        %parallel_loop3A_593 = arith.addf %parallel_loop3A_589, %parallel_loop3A_592 : vector<16xf32>
        %parallel_loop3A_594 = arith.constant 8 : i32
        %parallel_loop3A_595 = arith.index_cast %parallel_loop3A_594 : i32 to index
        %parallel_loop3A_596 = arith.index_cast %parallel_loop3A_498 : i32 to index
        %parallel_loop3A_597 = tpu.vector_load %arg13[%parallel_loop3A_595, %parallel_loop3A_596] {strides = array<i32>} : memref<16x512xf32, #tpu.memory_space<vmem>>, vector<16xf32>,
        tpu.vector_store %arg13[%parallel_loop3A_595, %parallel_loop3A_596], %parallel_loop3A_593 {add = true, strides = array<i32>} : memref<16x512xf32, #tpu.memory_space<vmem>>, vector<16xf32>,
        %parallel_loop3A_598 = arith.index_cast %squeeze3A_239 : i32 to index
        %parallel_loop3A_599 = arith.index_cast %parallel_loop3A_498 : i32 to index
        %parallel_loop3A_600 = tpu.vector_load %arg16[%parallel_loop3A_598, %parallel_loop3A_599] {strides = array<i32>} : memref<64x512xf32, #tpu.memory_space<vmem>>, vector<16xf32>,
        %parallel_loop3A_601 = arith.index_cast %squeeze3A_241 : i32 to index
        %parallel_loop3A_602 = arith.index_cast %parallel_loop3A_498 : i32 to index
        %parallel_loop3A_603 = tpu.vector_load %arg17[%parallel_loop3A_601, %parallel_loop3A_602] {strides = array<i32>} : memref<64x512xf32, #tpu.memory_space<vmem>>, vector<16xf32>,
        %parallel_loop3A_604 = arith.addf %parallel_loop3A_600, %parallel_loop3A_603 : vector<16xf32>
        %parallel_loop3A_605 = arith.constant 9 : i32
        %parallel_loop3A_606 = arith.index_cast %parallel_loop3A_605 : i32 to index
        %parallel_loop3A_607 = arith.index_cast %parallel_loop3A_498 : i32 to index
        %parallel_loop3A_608 = tpu.vector_load %arg13[%parallel_loop3A_606, %parallel_loop3A_607] {strides = array<i32>} : memref<16x512xf32, #tpu.memory_space<vmem>>, vector<16xf32>,
        tpu.vector_store %arg13[%parallel_loop3A_606, %parallel_loop3A_607], %parallel_loop3A_604 {add = true, strides = array<i32>} : memref<16x512xf32, #tpu.memory_space<vmem>>, vector<16xf32>,
        %parallel_loop3A_609 = arith.index_cast %squeeze3A_243 : i32 to index
        %parallel_loop3A_610 = arith.index_cast %parallel_loop3A_498 : i32 to index
        %parallel_loop3A_611 = tpu.vector_load %arg16[%parallel_loop3A_609, %parallel_loop3A_610] {strides = array<i32>} : memref<64x512xf32, #tpu.memory_space<vmem>>, vector<16xf32>,
        %parallel_loop3A_612 = arith.index_cast %squeeze3A_245 : i32 to index
        %parallel_loop3A_613 = arith.index_cast %parallel_loop3A_498 : i32 to index
        %parallel_loop3A_614 = tpu.vector_load %arg17[%parallel_loop3A_612, %parallel_loop3A_613] {strides = array<i32>} : memref<64x512xf32, #tpu.memory_space<vmem>>, vector<16xf32>,
        %parallel_loop3A_615 = arith.addf %parallel_loop3A_611, %parallel_loop3A_614 : vector<16xf32>
        %parallel_loop3A_616 = arith.constant 10 : i32
        %parallel_loop3A_617 = arith.index_cast %parallel_loop3A_616 : i32 to index
        %parallel_loop3A_618 = arith.index_cast %parallel_loop3A_498 : i32 to index
        %parallel_loop3A_619 = tpu.vector_load %arg13[%parallel_loop3A_617, %parallel_loop3A_618] {strides = array<i32>} : memref<16x512xf32, #tpu.memory_space<vmem>>, vector<16xf32>,
        tpu.vector_store %arg13[%parallel_loop3A_617, %parallel_loop3A_618], %parallel_loop3A_615 {add = true, strides = array<i32>} : memref<16x512xf32, #tpu.memory_space<vmem>>, vector<16xf32>,
        %parallel_loop3A_620 = arith.index_cast %squeeze3A_247 : i32 to index
        %parallel_loop3A_621 = arith.index_cast %parallel_loop3A_498 : i32 to index
        %parallel_loop3A_622 = tpu.vector_load %arg16[%parallel_loop3A_620, %parallel_loop3A_621] {strides = array<i32>} : memref<64x512xf32, #tpu.memory_space<vmem>>, vector<16xf32>,
        %parallel_loop3A_623 = arith.index_cast %squeeze3A_249 : i32 to index
        %parallel_loop3A_624 = arith.index_cast %parallel_loop3A_498 : i32 to index
        %parallel_loop3A_625 = tpu.vector_load %arg17[%parallel_loop3A_623, %parallel_loop3A_624] {strides = array<i32>} : memref<64x512xf32, #tpu.memory_space<vmem>>, vector<16xf32>,
        %parallel_loop3A_626 = arith.addf %parallel_loop3A_622, %parallel_loop3A_625 : vector<16xf32>
        %parallel_loop3A_627 = arith.constant 11 : i32
        %parallel_loop3A_628 = arith.index_cast %parallel_loop3A_627 : i32 to index
        %parallel_loop3A_629 = arith.index_cast %parallel_loop3A_498 : i32 to index
        %parallel_loop3A_630 = tpu.vector_load %arg13[%parallel_loop3A_628, %parallel_loop3A_629] {strides = array<i32>} : memref<16x512xf32, #tpu.memory_space<vmem>>, vector<16xf32>,
        tpu.vector_store %arg13[%parallel_loop3A_628, %parallel_loop3A_629], %parallel_loop3A_626 {add = true, strides = array<i32>} : memref<16x512xf32, #tpu.memory_space<vmem>>, vector<16xf32>,
        %parallel_loop3A_631 = arith.index_cast %squeeze3A_251 : i32 to index
        %parallel_loop3A_632 = arith.index_cast %parallel_loop3A_498 : i32 to index
        %parallel_loop3A_633 = tpu.vector_load %arg16[%parallel_loop3A_631, %parallel_loop3A_632] {strides = array<i32>} : memref<64x512xf32, #tpu.memory_space<vmem>>, vector<16xf32>,
        %parallel_loop3A_634 = arith.index_cast %squeeze3A_253 : i32 to index
        %parallel_loop3A_635 = arith.index_cast %parallel_loop3A_498 : i32 to index
        %parallel_loop3A_636 = tpu.vector_load %arg17[%parallel_loop3A_634, %parallel_loop3A_635] {strides = array<i32>} : memref<64x512xf32, #tpu.memory_space<vmem>>, vector<16xf32>,
        %parallel_loop3A_637 = arith.addf %parallel_loop3A_633, %parallel_loop3A_636 : vector<16xf32>
        %parallel_loop3A_638 = arith.constant 12 : i32
        %parallel_loop3A_639 = arith.index_cast %parallel_loop3A_638 : i32 to index
        %parallel_loop3A_640 = arith.index_cast %parallel_loop3A_498 : i32 to index
        %parallel_loop3A_641 = tpu.vector_load %arg13[%parallel_loop3A_639, %parallel_loop3A_640] {strides = array<i32>} : memref<16x512xf32, #tpu.memory_space<vmem>>, vector<16xf32>,
        tpu.vector_store %arg13[%parallel_loop3A_639, %parallel_loop3A_640], %parallel_loop3A_637 {add = true, strides = array<i32>} : memref<16x512xf32, #tpu.memory_space<vmem>>, vector<16xf32>,
        %parallel_loop3A_642 = arith.index_cast %squeeze3A_255 : i32 to index
        %parallel_loop3A_643 = arith.index_cast %parallel_loop3A_498 : i32 to index
        %parallel_loop3A_644 = tpu.vector_load %arg16[%parallel_loop3A_642, %parallel_loop3A_643] {strides = array<i32>} : memref<64x512xf32, #tpu.memory_space<vmem>>, vector<16xf32>,
        %parallel_loop3A_645 = arith.index_cast %squeeze3A_257 : i32 to index
        %parallel_loop3A_646 = arith.index_cast %parallel_loop3A_498 : i32 to index
        %parallel_loop3A_647 = tpu.vector_load %arg17[%parallel_loop3A_645, %parallel_loop3A_646] {strides = array<i32>} : memref<64x512xf32, #tpu.memory_space<vmem>>, vector<16xf32>,
        %parallel_loop3A_648 = arith.addf %parallel_loop3A_644, %parallel_loop3A_647 : vector<16xf32>
        %parallel_loop3A_649 = arith.constant 13 : i32
        %parallel_loop3A_650 = arith.index_cast %parallel_loop3A_649 : i32 to index
        %parallel_loop3A_651 = arith.index_cast %parallel_loop3A_498 : i32 to index
        %parallel_loop3A_652 = tpu.vector_load %arg13[%parallel_loop3A_650, %parallel_loop3A_651] {strides = array<i32>} : memref<16x512xf32, #tpu.memory_space<vmem>>, vector<16xf32>,
        tpu.vector_store %arg13[%parallel_loop3A_650, %parallel_loop3A_651], %parallel_loop3A_648 {add = true, strides = array<i32>} : memref<16x512xf32, #tpu.memory_space<vmem>>, vector<16xf32>,
        %parallel_loop3A_653 = arith.index_cast %squeeze3A_259 : i32 to index
        %parallel_loop3A_654 = arith.index_cast %parallel_loop3A_498 : i32 to index
        %parallel_loop3A_655 = tpu.vector_load %arg16[%parallel_loop3A_653, %parallel_loop3A_654] {strides = array<i32>} : memref<64x512xf32, #tpu.memory_space<vmem>>, vector<16xf32>,
        %parallel_loop3A_656 = arith.index_cast %squeeze3A_261 : i32 to index
        %parallel_loop3A_657 = arith.index_cast %parallel_loop3A_498 : i32 to index
        %parallel_loop3A_658 = tpu.vector_load %arg17[%parallel_loop3A_656, %parallel_loop3A_657] {strides = array<i32>} : memref<64x512xf32, #tpu.memory_space<vmem>>, vector<16xf32>,
        %parallel_loop3A_659 = arith.addf %parallel_loop3A_655, %parallel_loop3A_658 : vector<16xf32>
        %parallel_loop3A_660 = arith.constant 14 : i32
        %parallel_loop3A_661 = arith.index_cast %parallel_loop3A_660 : i32 to index
        %parallel_loop3A_662 = arith.index_cast %parallel_loop3A_498 : i32 to index
        %parallel_loop3A_663 = tpu.vector_load %arg13[%parallel_loop3A_661, %parallel_loop3A_662] {strides = array<i32>} : memref<16x512xf32, #tpu.memory_space<vmem>>, vector<16xf32>,
        tpu.vector_store %arg13[%parallel_loop3A_661, %parallel_loop3A_662], %parallel_loop3A_659 {add = true, strides = array<i32>} : memref<16x512xf32, #tpu.memory_space<vmem>>, vector<16xf32>,
        %parallel_loop3A_664 = arith.index_cast %squeeze3A_263 : i32 to index
        %parallel_loop3A_665 = arith.index_cast %parallel_loop3A_498 : i32 to index
        %parallel_loop3A_666 = tpu.vector_load %arg16[%parallel_loop3A_664, %parallel_loop3A_665] {strides = array<i32>} : memref<64x512xf32, #tpu.memory_space<vmem>>, vector<16xf32>,
        %parallel_loop3A_667 = arith.index_cast %squeeze3A_265 : i32 to index
        %parallel_loop3A_668 = arith.index_cast %parallel_loop3A_498 : i32 to index
        %parallel_loop3A_669 = tpu.vector_load %arg17[%parallel_loop3A_667, %parallel_loop3A_668] {strides = array<i32>} : memref<64x512xf32, #tpu.memory_space<vmem>>, vector<16xf32>,
        %parallel_loop3A_670 = arith.addf %parallel_loop3A_666, %parallel_loop3A_669 : vector<16xf32>
        %parallel_loop3A_671 = arith.constant 15 : i32
        %parallel_loop3A_672 = arith.index_cast %parallel_loop3A_671 : i32 to index
        %parallel_loop3A_673 = arith.index_cast %parallel_loop3A_498 : i32 to index
        %parallel_loop3A_674 = tpu.vector_load %arg13[%parallel_loop3A_672, %parallel_loop3A_673] {strides = array<i32>} : memref<16x512xf32, #tpu.memory_space<vmem>>, vector<16xf32>,
        tpu.vector_store %arg13[%parallel_loop3A_672, %parallel_loop3A_673], %parallel_loop3A_670 {add = true, strides = array<i32>} : memref<16x512xf32, #tpu.memory_space<vmem>>, vector<16xf32>,
      } {sc.loop_unroll_factor = 1 : i64, sc.parallel_access}
      %mul3A_269 = arith.constant 16 : i32
      %mul3A_270 = arith.muli %add3A_170, %mul3A_269 : i32
      %add3A_271 = arith.addi %mul3A_0, %mul3A_270 : i32
      %dma_start3A_272 = arith.constant 0 : i32
      %dma_start3A_273 = tpu.memref_slice %arg8[%add3A_271, %arg0, %dma_start3A_272] : memref<8192x2x512xf32, #tpu.memory_space<hbm>> -> memref<16x1x512xf32, #tpu.memory_space<hbm>>
      %dma_start3A_274 = tpu.memref_squeeze %dma_start3A_273 : memref<16x1x512xf32, #tpu.memory_space<hbm>> -> memref<16x512xf32, #tpu.memory_space<hbm>>
      %dma_start3A_275 = arith.constant 0 : i32
      %dma_start3A_276 = tpu.memref_slice %arg8[%add3A_271, %arg0, %dma_start3A_275] : memref<8192x2x512xf32, #tpu.memory_space<hbm>> -> memref<16x1x512xf32, #tpu.memory_space<hbm>>
      %dma_start3A_277 = tpu.memref_squeeze %dma_start3A_276 : memref<16x1x512xf32, #tpu.memory_space<hbm>> -> memref<16x512xf32, #tpu.memory_space<hbm>>
      tpu.enqueue_dma source(%arg13 : memref<16x512xf32, #tpu.memory_space<vmem>>) target(%dma_start3A_277 : memref<16x512xf32, #tpu.memory_space<hbm>>) target_semaphore(%arg23 : memref<!tpu.dma_semaphore, #tpu.memory_space<semaphore_mem>>)
      %add3A_278 = arith.constant 2 : i32
      %add3A_279 = arith.addi %mul3A_67, %add3A_278 : i32
      %add3A_280 = arith.constant 2 : i32
      %add3A_281 = arith.addi %add3A_279, %add3A_280 : i32
      %lt3A_282 = arith.constant 32 : i32
      %lt3A_283 = arith.cmpi slt, %add3A_281, %lt3A_282 : i32
      %ge3A_284 = arith.constant 2 : i32
      %ge3A_285 = arith.cmpi sge, %add3A_279, %ge3A_284 : i32
      %and3A_286 = arith.andi %lt3A_283, %ge3A_285 : i1
      %convert_element_type3A_287 = arith.extui %and3A_286 : i1 to i32
      %cond3A_288 = arith.constant 0 : i32
      %cond3A_289 = arith.cmpi ne, %convert_element_type3A_287, %cond3A_288 : i32
      scf.if %cond3A_289 {
        %sub3A = arith.constant 2 : i32
        %sub3A_496 = arith.subi %add3A_279, %sub3A : i32
        %mul3A_497 = arith.constant 16 : i32
        %mul3A_498 = arith.muli %sub3A_496, %mul3A_497 : i32
        %add3A_499 = arith.addi %mul3A_0, %mul3A_498 : i32
        %dma_wait3A_500 = arith.constant 0 : i32
        %dma_wait3A_501 = tpu.memref_slice %arg8[%add3A_499, %arg0, %dma_wait3A_500] : memref<8192x2x512xf32, #tpu.memory_space<hbm>> -> memref<16x1x512xf32, #tpu.memory_space<hbm>>
        %dma_wait3A_502 = tpu.memref_squeeze %dma_wait3A_501 : memref<16x1x512xf32, #tpu.memory_space<hbm>> -> memref<16x512xf32, #tpu.memory_space<hbm>>
        %dma_wait3A_503 = arith.constant 0 : i32
        %dma_wait3A_504 = tpu.memref_slice %arg8[%add3A_499, %arg0, %dma_wait3A_503] : memref<8192x2x512xf32, #tpu.memory_space<hbm>> -> memref<16x1x512xf32, #tpu.memory_space<hbm>>
        %dma_wait3A_505 = tpu.memref_squeeze %dma_wait3A_504 : memref<16x1x512xf32, #tpu.memory_space<hbm>> -> memref<16x512xf32, #tpu.memory_space<hbm>>
        tpu.wait_dma2 semaphore(%arg22 : memref<!tpu.dma_semaphore, #tpu.memory_space<semaphore_mem>>) src(%arg12 : memref<16x512xf32, #tpu.memory_space<vmem>>) dst(%dma_wait3A_505 : memref<16x512xf32, #tpu.memory_space<hbm>>)
      } else {
      }
      %add3A_290 = arith.constant 2 : i32
      %add3A_291 = arith.addi %add3A_279, %add3A_290 : i32
      %lt3A_292 = arith.constant 32 : i32
      %lt3A_293 = arith.cmpi slt, %add3A_291, %lt3A_292 : i32
      %convert_element_type3A_294 = arith.extui %lt3A_293 : i1 to i32
      %cond3A_295 = arith.constant 0 : i32
      %cond3A_296 = arith.cmpi ne, %convert_element_type3A_294, %cond3A_295 : i32
      scf.if %cond3A_296 {
        %add3A_496 = arith.constant 2 : i32
        %add3A_497 = arith.addi %add3A_279, %add3A_496 : i32
        %mul3A_498 = arith.constant 16 : i32
        %mul3A_499 = arith.muli %add3A_497, %mul3A_498 : i32
        %dma_start3A_500 = tpu.memref_slice %arg9[%mul3A_499] : memref<512xi32, #tpu.memory_space<vmem>> -> memref<16xi32, #tpu.memory_space<vmem>>
        %dma_start3A_501 = arith.constant 0 : i32
        %dma_start3A_502 = arith.constant 0 : i32
        %dma_start3A_503 = tpu.memref_slice %arg5[%dma_start3A_501, %dma_start3A_502] : memref<4100x512xf32, #tpu.memory_space<hbm>> -> memref<4100x512xf32, #tpu.memory_space<hbm>>
        tpu.enqueue_indirect_dma source(%dma_start3A_503 : memref<4100x512xf32, #tpu.memory_space<hbm>>) target(%arg12 : memref<16x512xf32, #tpu.memory_space<vmem>>) offsets(%dma_start3A_500 : memref<16xi32, #tpu.memory_space<vmem>>) semaphore(%arg18 : memref<!tpu.dma_semaphore, #tpu.memory_space<semaphore_mem>>)
      } else {
      }
      %mul3A_297 = arith.constant 16 : i32
      %mul3A_298 = arith.muli %add3A_279, %mul3A_297 : i32
      %dma_wait3A_299 = tpu.memref_slice %arg9[%mul3A_298] : memref<512xi32, #tpu.memory_space<vmem>> -> memref<16xi32, #tpu.memory_space<vmem>>
      %dma_wait3A_300 = arith.constant 0 : i32
      %dma_wait3A_301 = arith.constant 0 : i32
      %dma_wait3A_302 = tpu.memref_slice %arg5[%dma_wait3A_300, %dma_wait3A_301] : memref<4100x512xf32, #tpu.memory_space<hbm>> -> memref<4100x512xf32, #tpu.memory_space<hbm>>
      tpu.wait_indirect_dma semaphore(%arg20 : memref<!tpu.dma_semaphore, #tpu.memory_space<semaphore_mem>>) src(%dma_wait3A_302 : memref<4100x512xf32, #tpu.memory_space<hbm>>) dst(%arg14 : memref<16x512xf32, #tpu.memory_space<vmem>>)
      %mul3A_303 = arith.constant 16 : i32
      %mul3A_304 = arith.muli %add3A_279, %mul3A_303 : i32
      %add3A_305 = arith.constant 0 : i32
      %add3A_306 = arith.addi %mul3A_304, %add3A_305 : i32
      %get3A_307 = arith.index_cast %add3A_306 : i32 to index
      %get3A_308 = tpu.vector_load %arg10[%get3A_307] {strides = array<i32>} : memref<512xi32, #tpu.memory_space<vmem>>, vector<16xi32>,
      %get3A_309 = arith.index_cast %add3A_306 : i32 to index
      %get3A_310 = tpu.vector_load %arg11[%get3A_309] {strides = array<i32>} : memref<512xi32, #tpu.memory_space<vmem>>, vector<16xi32>,
      %slice3A_311 = vector.extract_strided_slice %get3A_308 {offsets = [0], sizes = [1], strides = [1]} : vector<16xi32> to vector<1xi32>
      %squeeze3A_312 = vector.extract %slice3A_311[0] : i32 from vector<1xi32>
      %slice3A_313 = vector.extract_strided_slice %get3A_310 {offsets = [0], sizes = [1], strides = [1]} : vector<16xi32> to vector<1xi32>
      %squeeze3A_314 = vector.extract %slice3A_313[0] : i32 from vector<1xi32>
      %slice3A_315 = vector.extract_strided_slice %get3A_308 {offsets = [1], sizes = [1], strides = [1]} : vector<16xi32> to vector<1xi32>
      %squeeze3A_316 = vector.extract %slice3A_315[0] : i32 from vector<1xi32>
      %slice3A_317 = vector.extract_strided_slice %get3A_310 {offsets = [1], sizes = [1], strides = [1]} : vector<16xi32> to vector<1xi32>
      %squeeze3A_318 = vector.extract %slice3A_317[0] : i32 from vector<1xi32>
      %slice3A_319 = vector.extract_strided_slice %get3A_308 {offsets = [2], sizes = [1], strides = [1]} : vector<16xi32> to vector<1xi32>
      %squeeze3A_320 = vector.extract %slice3A_319[0] : i32 from vector<1xi32>
      %slice3A_321 = vector.extract_strided_slice %get3A_310 {offsets = [2], sizes = [1], strides = [1]} : vector<16xi32> to vector<1xi32>
      %squeeze3A_322 = vector.extract %slice3A_321[0] : i32 from vector<1xi32>
      %slice3A_323 = vector.extract_strided_slice %get3A_308 {offsets = [3], sizes = [1], strides = [1]} : vector<16xi32> to vector<1xi32>
      %squeeze3A_324 = vector.extract %slice3A_323[0] : i32 from vector<1xi32>
      %slice3A_325 = vector.extract_strided_slice %get3A_310 {offsets = [3], sizes = [1], strides = [1]} : vector<16xi32> to vector<1xi32>
      %squeeze3A_326 = vector.extract %slice3A_325[0] : i32 from vector<1xi32>
      %slice3A_327 = vector.extract_strided_slice %get3A_308 {offsets = [4], sizes = [1], strides = [1]} : vector<16xi32> to vector<1xi32>
      %squeeze3A_328 = vector.extract %slice3A_327[0] : i32 from vector<1xi32>
      %slice3A_329 = vector.extract_strided_slice %get3A_310 {offsets = [4], sizes = [1], strides = [1]} : vector<16xi32> to vector<1xi32>
      %squeeze3A_330 = vector.extract %slice3A_329[0] : i32 from vector<1xi32>
      %slice3A_331 = vector.extract_strided_slice %get3A_308 {offsets = [5], sizes = [1], strides = [1]} : vector<16xi32> to vector<1xi32>
      %squeeze3A_332 = vector.extract %slice3A_331[0] : i32 from vector<1xi32>
      %slice3A_333 = vector.extract_strided_slice %get3A_310 {offsets = [5], sizes = [1], strides = [1]} : vector<16xi32> to vector<1xi32>
      %squeeze3A_334 = vector.extract %slice3A_333[0] : i32 from vector<1xi32>
      %slice3A_335 = vector.extract_strided_slice %get3A_308 {offsets = [6], sizes = [1], strides = [1]} : vector<16xi32> to vector<1xi32>
      %squeeze3A_336 = vector.extract %slice3A_335[0] : i32 from vector<1xi32>
      %slice3A_337 = vector.extract_strided_slice %get3A_310 {offsets = [6], sizes = [1], strides = [1]} : vector<16xi32> to vector<1xi32>
      %squeeze3A_338 = vector.extract %slice3A_337[0] : i32 from vector<1xi32>
      %slice3A_339 = vector.extract_strided_slice %get3A_308 {offsets = [7], sizes = [1], strides = [1]} : vector<16xi32> to vector<1xi32>
      %squeeze3A_340 = vector.extract %slice3A_339[0] : i32 from vector<1xi32>
      %slice3A_341 = vector.extract_strided_slice %get3A_310 {offsets = [7], sizes = [1], strides = [1]} : vector<16xi32> to vector<1xi32>
      %squeeze3A_342 = vector.extract %slice3A_341[0] : i32 from vector<1xi32>
      %slice3A_343 = vector.extract_strided_slice %get3A_308 {offsets = [8], sizes = [1], strides = [1]} : vector<16xi32> to vector<1xi32>
      %squeeze3A_344 = vector.extract %slice3A_343[0] : i32 from vector<1xi32>
      %slice3A_345 = vector.extract_strided_slice %get3A_310 {offsets = [8], sizes = [1], strides = [1]} : vector<16xi32> to vector<1xi32>
      %squeeze3A_346 = vector.extract %slice3A_345[0] : i32 from vector<1xi32>
      %slice3A_347 = vector.extract_strided_slice %get3A_308 {offsets = [9], sizes = [1], strides = [1]} : vector<16xi32> to vector<1xi32>
      %squeeze3A_348 = vector.extract %slice3A_347[0] : i32 from vector<1xi32>
      %slice3A_349 = vector.extract_strided_slice %get3A_310 {offsets = [9], sizes = [1], strides = [1]} : vector<16xi32> to vector<1xi32>
      %squeeze3A_350 = vector.extract %slice3A_349[0] : i32 from vector<1xi32>
      %slice3A_351 = vector.extract_strided_slice %get3A_308 {offsets = [10], sizes = [1], strides = [1]} : vector<16xi32> to vector<1xi32>
      %squeeze3A_352 = vector.extract %slice3A_351[0] : i32 from vector<1xi32>
      %slice3A_353 = vector.extract_strided_slice %get3A_310 {offsets = [10], sizes = [1], strides = [1]} : vector<16xi32> to vector<1xi32>
      %squeeze3A_354 = vector.extract %slice3A_353[0] : i32 from vector<1xi32>
      %slice3A_355 = vector.extract_strided_slice %get3A_308 {offsets = [11], sizes = [1], strides = [1]} : vector<16xi32> to vector<1xi32>
      %squeeze3A_356 = vector.extract %slice3A_355[0] : i32 from vector<1xi32>
      %slice3A_357 = vector.extract_strided_slice %get3A_310 {offsets = [11], sizes = [1], strides = [1]} : vector<16xi32> to vector<1xi32>
      %squeeze3A_358 = vector.extract %slice3A_357[0] : i32 from vector<1xi32>
      %slice3A_359 = vector.extract_strided_slice %get3A_308 {offsets = [12], sizes = [1], strides = [1]} : vector<16xi32> to vector<1xi32>
      %squeeze3A_360 = vector.extract %slice3A_359[0] : i32 from vector<1xi32>
      %slice3A_361 = vector.extract_strided_slice %get3A_310 {offsets = [12], sizes = [1], strides = [1]} : vector<16xi32> to vector<1xi32>
      %squeeze3A_362 = vector.extract %slice3A_361[0] : i32 from vector<1xi32>
      %slice3A_363 = vector.extract_strided_slice %get3A_308 {offsets = [13], sizes = [1], strides = [1]} : vector<16xi32> to vector<1xi32>
      %squeeze3A_364 = vector.extract %slice3A_363[0] : i32 from vector<1xi32>
      %slice3A_365 = vector.extract_strided_slice %get3A_310 {offsets = [13], sizes = [1], strides = [1]} : vector<16xi32> to vector<1xi32>
      %squeeze3A_366 = vector.extract %slice3A_365[0] : i32 from vector<1xi32>
      %slice3A_367 = vector.extract_strided_slice %get3A_308 {offsets = [14], sizes = [1], strides = [1]} : vector<16xi32> to vector<1xi32>
      %squeeze3A_368 = vector.extract %slice3A_367[0] : i32 from vector<1xi32>
      %slice3A_369 = vector.extract_strided_slice %get3A_310 {offsets = [14], sizes = [1], strides = [1]} : vector<16xi32> to vector<1xi32>
      %squeeze3A_370 = vector.extract %slice3A_369[0] : i32 from vector<1xi32>
      %slice3A_371 = vector.extract_strided_slice %get3A_308 {offsets = [15], sizes = [1], strides = [1]} : vector<16xi32> to vector<1xi32>
      %squeeze3A_372 = vector.extract %slice3A_371[0] : i32 from vector<1xi32>
      %slice3A_373 = vector.extract_strided_slice %get3A_310 {offsets = [15], sizes = [1], strides = [1]} : vector<16xi32> to vector<1xi32>
      %squeeze3A_374 = vector.extract %slice3A_373[0] : i32 from vector<1xi32>
      %parallel_loop3A_375 = arith.constant 0 : i32
      %parallel_loop3A_376 = arith.constant 32 : i32
      %parallel_loop3A_377 = arith.constant 1 : i32
      scf.for %parallel_loop3A_496 = %parallel_loop3A_375 to %parallel_loop3A_376 step %parallel_loop3A_377  : i32 {
        %parallel_loop3A_497 = arith.constant 16 : i32
        %parallel_loop3A_498 = arith.muli %parallel_loop3A_496, %parallel_loop3A_497 : i32
        %parallel_loop3A_499 = arith.index_cast %squeeze3A_312 : i32 to index
        %parallel_loop3A_500 = arith.index_cast %parallel_loop3A_498 : i32 to index
        %parallel_loop3A_501 = tpu.vector_load %arg16[%parallel_loop3A_499, %parallel_loop3A_500] {strides = array<i32>} : memref<64x512xf32, #tpu.memory_space<vmem>>, vector<16xf32>,
        %parallel_loop3A_502 = arith.index_cast %squeeze3A_314 : i32 to index
        %parallel_loop3A_503 = arith.index_cast %parallel_loop3A_498 : i32 to index
        %parallel_loop3A_504 = tpu.vector_load %arg17[%parallel_loop3A_502, %parallel_loop3A_503] {strides = array<i32>} : memref<64x512xf32, #tpu.memory_space<vmem>>, vector<16xf32>,
        %parallel_loop3A_505 = arith.addf %parallel_loop3A_501, %parallel_loop3A_504 : vector<16xf32>
        %parallel_loop3A_506 = arith.constant 0 : i32
        %parallel_loop3A_507 = arith.index_cast %parallel_loop3A_506 : i32 to index
        %parallel_loop3A_508 = arith.index_cast %parallel_loop3A_498 : i32 to index
        %parallel_loop3A_509 = tpu.vector_load %arg14[%parallel_loop3A_507, %parallel_loop3A_508] {strides = array<i32>} : memref<16x512xf32, #tpu.memory_space<vmem>>, vector<16xf32>,
        tpu.vector_store %arg14[%parallel_loop3A_507, %parallel_loop3A_508], %parallel_loop3A_505 {add = true, strides = array<i32>} : memref<16x512xf32, #tpu.memory_space<vmem>>, vector<16xf32>,
        %parallel_loop3A_510 = arith.index_cast %squeeze3A_316 : i32 to index
        %parallel_loop3A_511 = arith.index_cast %parallel_loop3A_498 : i32 to index
        %parallel_loop3A_512 = tpu.vector_load %arg16[%parallel_loop3A_510, %parallel_loop3A_511] {strides = array<i32>} : memref<64x512xf32, #tpu.memory_space<vmem>>, vector<16xf32>,
        %parallel_loop3A_513 = arith.index_cast %squeeze3A_318 : i32 to index
        %parallel_loop3A_514 = arith.index_cast %parallel_loop3A_498 : i32 to index
        %parallel_loop3A_515 = tpu.vector_load %arg17[%parallel_loop3A_513, %parallel_loop3A_514] {strides = array<i32>} : memref<64x512xf32, #tpu.memory_space<vmem>>, vector<16xf32>,
        %parallel_loop3A_516 = arith.addf %parallel_loop3A_512, %parallel_loop3A_515 : vector<16xf32>
        %parallel_loop3A_517 = arith.constant 1 : i32
        %parallel_loop3A_518 = arith.index_cast %parallel_loop3A_517 : i32 to index
        %parallel_loop3A_519 = arith.index_cast %parallel_loop3A_498 : i32 to index
        %parallel_loop3A_520 = tpu.vector_load %arg14[%parallel_loop3A_518, %parallel_loop3A_519] {strides = array<i32>} : memref<16x512xf32, #tpu.memory_space<vmem>>, vector<16xf32>,
        tpu.vector_store %arg14[%parallel_loop3A_518, %parallel_loop3A_519], %parallel_loop3A_516 {add = true, strides = array<i32>} : memref<16x512xf32, #tpu.memory_space<vmem>>, vector<16xf32>,
        %parallel_loop3A_521 = arith.index_cast %squeeze3A_320 : i32 to index
        %parallel_loop3A_522 = arith.index_cast %parallel_loop3A_498 : i32 to index
        %parallel_loop3A_523 = tpu.vector_load %arg16[%parallel_loop3A_521, %parallel_loop3A_522] {strides = array<i32>} : memref<64x512xf32, #tpu.memory_space<vmem>>, vector<16xf32>,
        %parallel_loop3A_524 = arith.index_cast %squeeze3A_322 : i32 to index
        %parallel_loop3A_525 = arith.index_cast %parallel_loop3A_498 : i32 to index
        %parallel_loop3A_526 = tpu.vector_load %arg17[%parallel_loop3A_524, %parallel_loop3A_525] {strides = array<i32>} : memref<64x512xf32, #tpu.memory_space<vmem>>, vector<16xf32>,
        %parallel_loop3A_527 = arith.addf %parallel_loop3A_523, %parallel_loop3A_526 : vector<16xf32>
        %parallel_loop3A_528 = arith.constant 2 : i32
        %parallel_loop3A_529 = arith.index_cast %parallel_loop3A_528 : i32 to index
        %parallel_loop3A_530 = arith.index_cast %parallel_loop3A_498 : i32 to index
        %parallel_loop3A_531 = tpu.vector_load %arg14[%parallel_loop3A_529, %parallel_loop3A_530] {strides = array<i32>} : memref<16x512xf32, #tpu.memory_space<vmem>>, vector<16xf32>,
        tpu.vector_store %arg14[%parallel_loop3A_529, %parallel_loop3A_530], %parallel_loop3A_527 {add = true, strides = array<i32>} : memref<16x512xf32, #tpu.memory_space<vmem>>, vector<16xf32>,
        %parallel_loop3A_532 = arith.index_cast %squeeze3A_324 : i32 to index
        %parallel_loop3A_533 = arith.index_cast %parallel_loop3A_498 : i32 to index
        %parallel_loop3A_534 = tpu.vector_load %arg16[%parallel_loop3A_532, %parallel_loop3A_533] {strides = array<i32>} : memref<64x512xf32, #tpu.memory_space<vmem>>, vector<16xf32>,
        %parallel_loop3A_535 = arith.index_cast %squeeze3A_326 : i32 to index
        %parallel_loop3A_536 = arith.index_cast %parallel_loop3A_498 : i32 to index
        %parallel_loop3A_537 = tpu.vector_load %arg17[%parallel_loop3A_535, %parallel_loop3A_536] {strides = array<i32>} : memref<64x512xf32, #tpu.memory_space<vmem>>, vector<16xf32>,
        %parallel_loop3A_538 = arith.addf %parallel_loop3A_534, %parallel_loop3A_537 : vector<16xf32>
        %parallel_loop3A_539 = arith.constant 3 : i32
        %parallel_loop3A_540 = arith.index_cast %parallel_loop3A_539 : i32 to index
        %parallel_loop3A_541 = arith.index_cast %parallel_loop3A_498 : i32 to index
        %parallel_loop3A_542 = tpu.vector_load %arg14[%parallel_loop3A_540, %parallel_loop3A_541] {strides = array<i32>} : memref<16x512xf32, #tpu.memory_space<vmem>>, vector<16xf32>,
        tpu.vector_store %arg14[%parallel_loop3A_540, %parallel_loop3A_541], %parallel_loop3A_538 {add = true, strides = array<i32>} : memref<16x512xf32, #tpu.memory_space<vmem>>, vector<16xf32>,
        %parallel_loop3A_543 = arith.index_cast %squeeze3A_328 : i32 to index
        %parallel_loop3A_544 = arith.index_cast %parallel_loop3A_498 : i32 to index
        %parallel_loop3A_545 = tpu.vector_load %arg16[%parallel_loop3A_543, %parallel_loop3A_544] {strides = array<i32>} : memref<64x512xf32, #tpu.memory_space<vmem>>, vector<16xf32>,
        %parallel_loop3A_546 = arith.index_cast %squeeze3A_330 : i32 to index
        %parallel_loop3A_547 = arith.index_cast %parallel_loop3A_498 : i32 to index
        %parallel_loop3A_548 = tpu.vector_load %arg17[%parallel_loop3A_546, %parallel_loop3A_547] {strides = array<i32>} : memref<64x512xf32, #tpu.memory_space<vmem>>, vector<16xf32>,
        %parallel_loop3A_549 = arith.addf %parallel_loop3A_545, %parallel_loop3A_548 : vector<16xf32>
        %parallel_loop3A_550 = arith.constant 4 : i32
        %parallel_loop3A_551 = arith.index_cast %parallel_loop3A_550 : i32 to index
        %parallel_loop3A_552 = arith.index_cast %parallel_loop3A_498 : i32 to index
        %parallel_loop3A_553 = tpu.vector_load %arg14[%parallel_loop3A_551, %parallel_loop3A_552] {strides = array<i32>} : memref<16x512xf32, #tpu.memory_space<vmem>>, vector<16xf32>,
        tpu.vector_store %arg14[%parallel_loop3A_551, %parallel_loop3A_552], %parallel_loop3A_549 {add = true, strides = array<i32>} : memref<16x512xf32, #tpu.memory_space<vmem>>, vector<16xf32>,
        %parallel_loop3A_554 = arith.index_cast %squeeze3A_332 : i32 to index
        %parallel_loop3A_555 = arith.index_cast %parallel_loop3A_498 : i32 to index
        %parallel_loop3A_556 = tpu.vector_load %arg16[%parallel_loop3A_554, %parallel_loop3A_555] {strides = array<i32>} : memref<64x512xf32, #tpu.memory_space<vmem>>, vector<16xf32>,
        %parallel_loop3A_557 = arith.index_cast %squeeze3A_334 : i32 to index
        %parallel_loop3A_558 = arith.index_cast %parallel_loop3A_498 : i32 to index
        %parallel_loop3A_559 = tpu.vector_load %arg17[%parallel_loop3A_557, %parallel_loop3A_558] {strides = array<i32>} : memref<64x512xf32, #tpu.memory_space<vmem>>, vector<16xf32>,
        %parallel_loop3A_560 = arith.addf %parallel_loop3A_556, %parallel_loop3A_559 : vector<16xf32>
        %parallel_loop3A_561 = arith.constant 5 : i32
        %parallel_loop3A_562 = arith.index_cast %parallel_loop3A_561 : i32 to index
        %parallel_loop3A_563 = arith.index_cast %parallel_loop3A_498 : i32 to index
        %parallel_loop3A_564 = tpu.vector_load %arg14[%parallel_loop3A_562, %parallel_loop3A_563] {strides = array<i32>} : memref<16x512xf32, #tpu.memory_space<vmem>>, vector<16xf32>,
        tpu.vector_store %arg14[%parallel_loop3A_562, %parallel_loop3A_563], %parallel_loop3A_560 {add = true, strides = array<i32>} : memref<16x512xf32, #tpu.memory_space<vmem>>, vector<16xf32>,
        %parallel_loop3A_565 = arith.index_cast %squeeze3A_336 : i32 to index
        %parallel_loop3A_566 = arith.index_cast %parallel_loop3A_498 : i32 to index
        %parallel_loop3A_567 = tpu.vector_load %arg16[%parallel_loop3A_565, %parallel_loop3A_566] {strides = array<i32>} : memref<64x512xf32, #tpu.memory_space<vmem>>, vector<16xf32>,
        %parallel_loop3A_568 = arith.index_cast %squeeze3A_338 : i32 to index
        %parallel_loop3A_569 = arith.index_cast %parallel_loop3A_498 : i32 to index
        %parallel_loop3A_570 = tpu.vector_load %arg17[%parallel_loop3A_568, %parallel_loop3A_569] {strides = array<i32>} : memref<64x512xf32, #tpu.memory_space<vmem>>, vector<16xf32>,
        %parallel_loop3A_571 = arith.addf %parallel_loop3A_567, %parallel_loop3A_570 : vector<16xf32>
        %parallel_loop3A_572 = arith.constant 6 : i32
        %parallel_loop3A_573 = arith.index_cast %parallel_loop3A_572 : i32 to index
        %parallel_loop3A_574 = arith.index_cast %parallel_loop3A_498 : i32 to index
        %parallel_loop3A_575 = tpu.vector_load %arg14[%parallel_loop3A_573, %parallel_loop3A_574] {strides = array<i32>} : memref<16x512xf32, #tpu.memory_space<vmem>>, vector<16xf32>,
        tpu.vector_store %arg14[%parallel_loop3A_573, %parallel_loop3A_574], %parallel_loop3A_571 {add = true, strides = array<i32>} : memref<16x512xf32, #tpu.memory_space<vmem>>, vector<16xf32>,
        %parallel_loop3A_576 = arith.index_cast %squeeze3A_340 : i32 to index
        %parallel_loop3A_577 = arith.index_cast %parallel_loop3A_498 : i32 to index
        %parallel_loop3A_578 = tpu.vector_load %arg16[%parallel_loop3A_576, %parallel_loop3A_577] {strides = array<i32>} : memref<64x512xf32, #tpu.memory_space<vmem>>, vector<16xf32>,
        %parallel_loop3A_579 = arith.index_cast %squeeze3A_342 : i32 to index
        %parallel_loop3A_580 = arith.index_cast %parallel_loop3A_498 : i32 to index
        %parallel_loop3A_581 = tpu.vector_load %arg17[%parallel_loop3A_579, %parallel_loop3A_580] {strides = array<i32>} : memref<64x512xf32, #tpu.memory_space<vmem>>, vector<16xf32>,
        %parallel_loop3A_582 = arith.addf %parallel_loop3A_578, %parallel_loop3A_581 : vector<16xf32>
        %parallel_loop3A_583 = arith.constant 7 : i32
        %parallel_loop3A_584 = arith.index_cast %parallel_loop3A_583 : i32 to index
        %parallel_loop3A_585 = arith.index_cast %parallel_loop3A_498 : i32 to index
        %parallel_loop3A_586 = tpu.vector_load %arg14[%parallel_loop3A_584, %parallel_loop3A_585] {strides = array<i32>} : memref<16x512xf32, #tpu.memory_space<vmem>>, vector<16xf32>,
        tpu.vector_store %arg14[%parallel_loop3A_584, %parallel_loop3A_585], %parallel_loop3A_582 {add = true, strides = array<i32>} : memref<16x512xf32, #tpu.memory_space<vmem>>, vector<16xf32>,
        %parallel_loop3A_587 = arith.index_cast %squeeze3A_344 : i32 to index
        %parallel_loop3A_588 = arith.index_cast %parallel_loop3A_498 : i32 to index
        %parallel_loop3A_589 = tpu.vector_load %arg16[%parallel_loop3A_587, %parallel_loop3A_588] {strides = array<i32>} : memref<64x512xf32, #tpu.memory_space<vmem>>, vector<16xf32>,
        %parallel_loop3A_590 = arith.index_cast %squeeze3A_346 : i32 to index
        %parallel_loop3A_591 = arith.index_cast %parallel_loop3A_498 : i32 to index
        %parallel_loop3A_592 = tpu.vector_load %arg17[%parallel_loop3A_590, %parallel_loop3A_591] {strides = array<i32>} : memref<64x512xf32, #tpu.memory_space<vmem>>, vector<16xf32>,
        %parallel_loop3A_593 = arith.addf %parallel_loop3A_589, %parallel_loop3A_592 : vector<16xf32>
        %parallel_loop3A_594 = arith.constant 8 : i32
        %parallel_loop3A_595 = arith.index_cast %parallel_loop3A_594 : i32 to index
        %parallel_loop3A_596 = arith.index_cast %parallel_loop3A_498 : i32 to index
        %parallel_loop3A_597 = tpu.vector_load %arg14[%parallel_loop3A_595, %parallel_loop3A_596] {strides = array<i32>} : memref<16x512xf32, #tpu.memory_space<vmem>>, vector<16xf32>,
        tpu.vector_store %arg14[%parallel_loop3A_595, %parallel_loop3A_596], %parallel_loop3A_593 {add = true, strides = array<i32>} : memref<16x512xf32, #tpu.memory_space<vmem>>, vector<16xf32>,
        %parallel_loop3A_598 = arith.index_cast %squeeze3A_348 : i32 to index
        %parallel_loop3A_599 = arith.index_cast %parallel_loop3A_498 : i32 to index
        %parallel_loop3A_600 = tpu.vector_load %arg16[%parallel_loop3A_598, %parallel_loop3A_599] {strides = array<i32>} : memref<64x512xf32, #tpu.memory_space<vmem>>, vector<16xf32>,
        %parallel_loop3A_601 = arith.index_cast %squeeze3A_350 : i32 to index
        %parallel_loop3A_602 = arith.index_cast %parallel_loop3A_498 : i32 to index
        %parallel_loop3A_603 = tpu.vector_load %arg17[%parallel_loop3A_601, %parallel_loop3A_602] {strides = array<i32>} : memref<64x512xf32, #tpu.memory_space<vmem>>, vector<16xf32>,
        %parallel_loop3A_604 = arith.addf %parallel_loop3A_600, %parallel_loop3A_603 : vector<16xf32>
        %parallel_loop3A_605 = arith.constant 9 : i32
        %parallel_loop3A_606 = arith.index_cast %parallel_loop3A_605 : i32 to index
        %parallel_loop3A_607 = arith.index_cast %parallel_loop3A_498 : i32 to index
        %parallel_loop3A_608 = tpu.vector_load %arg14[%parallel_loop3A_606, %parallel_loop3A_607] {strides = array<i32>} : memref<16x512xf32, #tpu.memory_space<vmem>>, vector<16xf32>,
        tpu.vector_store %arg14[%parallel_loop3A_606, %parallel_loop3A_607], %parallel_loop3A_604 {add = true, strides = array<i32>} : memref<16x512xf32, #tpu.memory_space<vmem>>, vector<16xf32>,
        %parallel_loop3A_609 = arith.index_cast %squeeze3A_352 : i32 to index
        %parallel_loop3A_610 = arith.index_cast %parallel_loop3A_498 : i32 to index
        %parallel_loop3A_611 = tpu.vector_load %arg16[%parallel_loop3A_609, %parallel_loop3A_610] {strides = array<i32>} : memref<64x512xf32, #tpu.memory_space<vmem>>, vector<16xf32>,
        %parallel_loop3A_612 = arith.index_cast %squeeze3A_354 : i32 to index
        %parallel_loop3A_613 = arith.index_cast %parallel_loop3A_498 : i32 to index
        %parallel_loop3A_614 = tpu.vector_load %arg17[%parallel_loop3A_612, %parallel_loop3A_613] {strides = array<i32>} : memref<64x512xf32, #tpu.memory_space<vmem>>, vector<16xf32>,
        %parallel_loop3A_615 = arith.addf %parallel_loop3A_611, %parallel_loop3A_614 : vector<16xf32>
        %parallel_loop3A_616 = arith.constant 10 : i32
        %parallel_loop3A_617 = arith.index_cast %parallel_loop3A_616 : i32 to index
        %parallel_loop3A_618 = arith.index_cast %parallel_loop3A_498 : i32 to index
        %parallel_loop3A_619 = tpu.vector_load %arg14[%parallel_loop3A_617, %parallel_loop3A_618] {strides = array<i32>} : memref<16x512xf32, #tpu.memory_space<vmem>>, vector<16xf32>,
        tpu.vector_store %arg14[%parallel_loop3A_617, %parallel_loop3A_618], %parallel_loop3A_615 {add = true, strides = array<i32>} : memref<16x512xf32, #tpu.memory_space<vmem>>, vector<16xf32>,
        %parallel_loop3A_620 = arith.index_cast %squeeze3A_356 : i32 to index
        %parallel_loop3A_621 = arith.index_cast %parallel_loop3A_498 : i32 to index
        %parallel_loop3A_622 = tpu.vector_load %arg16[%parallel_loop3A_620, %parallel_loop3A_621] {strides = array<i32>} : memref<64x512xf32, #tpu.memory_space<vmem>>, vector<16xf32>,
        %parallel_loop3A_623 = arith.index_cast %squeeze3A_358 : i32 to index
        %parallel_loop3A_624 = arith.index_cast %parallel_loop3A_498 : i32 to index
        %parallel_loop3A_625 = tpu.vector_load %arg17[%parallel_loop3A_623, %parallel_loop3A_624] {strides = array<i32>} : memref<64x512xf32, #tpu.memory_space<vmem>>, vector<16xf32>,
        %parallel_loop3A_626 = arith.addf %parallel_loop3A_622, %parallel_loop3A_625 : vector<16xf32>
        %parallel_loop3A_627 = arith.constant 11 : i32
        %parallel_loop3A_628 = arith.index_cast %parallel_loop3A_627 : i32 to index
        %parallel_loop3A_629 = arith.index_cast %parallel_loop3A_498 : i32 to index
        %parallel_loop3A_630 = tpu.vector_load %arg14[%parallel_loop3A_628, %parallel_loop3A_629] {strides = array<i32>} : memref<16x512xf32, #tpu.memory_space<vmem>>, vector<16xf32>,
        tpu.vector_store %arg14[%parallel_loop3A_628, %parallel_loop3A_629], %parallel_loop3A_626 {add = true, strides = array<i32>} : memref<16x512xf32, #tpu.memory_space<vmem>>, vector<16xf32>,
        %parallel_loop3A_631 = arith.index_cast %squeeze3A_360 : i32 to index
        %parallel_loop3A_632 = arith.index_cast %parallel_loop3A_498 : i32 to index
        %parallel_loop3A_633 = tpu.vector_load %arg16[%parallel_loop3A_631, %parallel_loop3A_632] {strides = array<i32>} : memref<64x512xf32, #tpu.memory_space<vmem>>, vector<16xf32>,
        %parallel_loop3A_634 = arith.index_cast %squeeze3A_362 : i32 to index
        %parallel_loop3A_635 = arith.index_cast %parallel_loop3A_498 : i32 to index
        %parallel_loop3A_636 = tpu.vector_load %arg17[%parallel_loop3A_634, %parallel_loop3A_635] {strides = array<i32>} : memref<64x512xf32, #tpu.memory_space<vmem>>, vector<16xf32>,
        %parallel_loop3A_637 = arith.addf %parallel_loop3A_633, %parallel_loop3A_636 : vector<16xf32>
        %parallel_loop3A_638 = arith.constant 12 : i32
        %parallel_loop3A_639 = arith.index_cast %parallel_loop3A_638 : i32 to index
        %parallel_loop3A_640 = arith.index_cast %parallel_loop3A_498 : i32 to index
        %parallel_loop3A_641 = tpu.vector_load %arg14[%parallel_loop3A_639, %parallel_loop3A_640] {strides = array<i32>} : memref<16x512xf32, #tpu.memory_space<vmem>>, vector<16xf32>,
        tpu.vector_store %arg14[%parallel_loop3A_639, %parallel_loop3A_640], %parallel_loop3A_637 {add = true, strides = array<i32>} : memref<16x512xf32, #tpu.memory_space<vmem>>, vector<16xf32>,
        %parallel_loop3A_642 = arith.index_cast %squeeze3A_364 : i32 to index
        %parallel_loop3A_643 = arith.index_cast %parallel_loop3A_498 : i32 to index
        %parallel_loop3A_644 = tpu.vector_load %arg16[%parallel_loop3A_642, %parallel_loop3A_643] {strides = array<i32>} : memref<64x512xf32, #tpu.memory_space<vmem>>, vector<16xf32>,
        %parallel_loop3A_645 = arith.index_cast %squeeze3A_366 : i32 to index
        %parallel_loop3A_646 = arith.index_cast %parallel_loop3A_498 : i32 to index
        %parallel_loop3A_647 = tpu.vector_load %arg17[%parallel_loop3A_645, %parallel_loop3A_646] {strides = array<i32>} : memref<64x512xf32, #tpu.memory_space<vmem>>, vector<16xf32>,
        %parallel_loop3A_648 = arith.addf %parallel_loop3A_644, %parallel_loop3A_647 : vector<16xf32>
        %parallel_loop3A_649 = arith.constant 13 : i32
        %parallel_loop3A_650 = arith.index_cast %parallel_loop3A_649 : i32 to index
        %parallel_loop3A_651 = arith.index_cast %parallel_loop3A_498 : i32 to index
        %parallel_loop3A_652 = tpu.vector_load %arg14[%parallel_loop3A_650, %parallel_loop3A_651] {strides = array<i32>} : memref<16x512xf32, #tpu.memory_space<vmem>>, vector<16xf32>,
        tpu.vector_store %arg14[%parallel_loop3A_650, %parallel_loop3A_651], %parallel_loop3A_648 {add = true, strides = array<i32>} : memref<16x512xf32, #tpu.memory_space<vmem>>, vector<16xf32>,
        %parallel_loop3A_653 = arith.index_cast %squeeze3A_368 : i32 to index
        %parallel_loop3A_654 = arith.index_cast %parallel_loop3A_498 : i32 to index
        %parallel_loop3A_655 = tpu.vector_load %arg16[%parallel_loop3A_653, %parallel_loop3A_654] {strides = array<i32>} : memref<64x512xf32, #tpu.memory_space<vmem>>, vector<16xf32>,
        %parallel_loop3A_656 = arith.index_cast %squeeze3A_370 : i32 to index
        %parallel_loop3A_657 = arith.index_cast %parallel_loop3A_498 : i32 to index
        %parallel_loop3A_658 = tpu.vector_load %arg17[%parallel_loop3A_656, %parallel_loop3A_657] {strides = array<i32>} : memref<64x512xf32, #tpu.memory_space<vmem>>, vector<16xf32>,
        %parallel_loop3A_659 = arith.addf %parallel_loop3A_655, %parallel_loop3A_658 : vector<16xf32>
        %parallel_loop3A_660 = arith.constant 14 : i32
        %parallel_loop3A_661 = arith.index_cast %parallel_loop3A_660 : i32 to index
        %parallel_loop3A_662 = arith.index_cast %parallel_loop3A_498 : i32 to index
        %parallel_loop3A_663 = tpu.vector_load %arg14[%parallel_loop3A_661, %parallel_loop3A_662] {strides = array<i32>} : memref<16x512xf32, #tpu.memory_space<vmem>>, vector<16xf32>,
        tpu.vector_store %arg14[%parallel_loop3A_661, %parallel_loop3A_662], %parallel_loop3A_659 {add = true, strides = array<i32>} : memref<16x512xf32, #tpu.memory_space<vmem>>, vector<16xf32>,
        %parallel_loop3A_664 = arith.index_cast %squeeze3A_372 : i32 to index
        %parallel_loop3A_665 = arith.index_cast %parallel_loop3A_498 : i32 to index
        %parallel_loop3A_666 = tpu.vector_load %arg16[%parallel_loop3A_664, %parallel_loop3A_665] {strides = array<i32>} : memref<64x512xf32, #tpu.memory_space<vmem>>, vector<16xf32>,
        %parallel_loop3A_667 = arith.index_cast %squeeze3A_374 : i32 to index
        %parallel_loop3A_668 = arith.index_cast %parallel_loop3A_498 : i32 to index
        %parallel_loop3A_669 = tpu.vector_load %arg17[%parallel_loop3A_667, %parallel_loop3A_668] {strides = array<i32>} : memref<64x512xf32, #tpu.memory_space<vmem>>, vector<16xf32>,
        %parallel_loop3A_670 = arith.addf %parallel_loop3A_666, %parallel_loop3A_669 : vector<16xf32>
        %parallel_loop3A_671 = arith.constant 15 : i32
        %parallel_loop3A_672 = arith.index_cast %parallel_loop3A_671 : i32 to index
        %parallel_loop3A_673 = arith.index_cast %parallel_loop3A_498 : i32 to index
        %parallel_loop3A_674 = tpu.vector_load %arg14[%parallel_loop3A_672, %parallel_loop3A_673] {strides = array<i32>} : memref<16x512xf32, #tpu.memory_space<vmem>>, vector<16xf32>,
        tpu.vector_store %arg14[%parallel_loop3A_672, %parallel_loop3A_673], %parallel_loop3A_670 {add = true, strides = array<i32>} : memref<16x512xf32, #tpu.memory_space<vmem>>, vector<16xf32>,
      } {sc.loop_unroll_factor = 1 : i64, sc.parallel_access}
      %mul3A_378 = arith.constant 16 : i32
      %mul3A_379 = arith.muli %add3A_279, %mul3A_378 : i32
      %add3A_380 = arith.addi %mul3A_0, %mul3A_379 : i32
      %dma_start3A_381 = arith.constant 0 : i32
      %dma_start3A_382 = tpu.memref_slice %arg8[%add3A_380, %arg0, %dma_start3A_381] : memref<8192x2x512xf32, #tpu.memory_space<hbm>> -> memref<16x1x512xf32, #tpu.memory_space<hbm>>
      %dma_start3A_383 = tpu.memref_squeeze %dma_start3A_382 : memref<16x1x512xf32, #tpu.memory_space<hbm>> -> memref<16x512xf32, #tpu.memory_space<hbm>>
      %dma_start3A_384 = arith.constant 0 : i32
      %dma_start3A_385 = tpu.memref_slice %arg8[%add3A_380, %arg0, %dma_start3A_384] : memref<8192x2x512xf32, #tpu.memory_space<hbm>> -> memref<16x1x512xf32, #tpu.memory_space<hbm>>
      %dma_start3A_386 = tpu.memref_squeeze %dma_start3A_385 : memref<16x1x512xf32, #tpu.memory_space<hbm>> -> memref<16x512xf32, #tpu.memory_space<hbm>>
      tpu.enqueue_dma source(%arg14 : memref<16x512xf32, #tpu.memory_space<vmem>>) target(%dma_start3A_386 : memref<16x512xf32, #tpu.memory_space<hbm>>) target_semaphore(%arg24 : memref<!tpu.dma_semaphore, #tpu.memory_space<semaphore_mem>>)
      %add3A_387 = arith.constant 3 : i32
      %add3A_388 = arith.addi %mul3A_67, %add3A_387 : i32
      %add3A_389 = arith.constant 2 : i32
      %add3A_390 = arith.addi %add3A_388, %add3A_389 : i32
      %lt3A_391 = arith.constant 32 : i32
      %lt3A_392 = arith.cmpi slt, %add3A_390, %lt3A_391 : i32
      %ge3A_393 = arith.constant 2 : i32
      %ge3A_394 = arith.cmpi sge, %add3A_388, %ge3A_393 : i32
      %and3A_395 = arith.andi %lt3A_392, %ge3A_394 : i1
      %convert_element_type3A_396 = arith.extui %and3A_395 : i1 to i32
      %cond3A_397 = arith.constant 0 : i32
      %cond3A_398 = arith.cmpi ne, %convert_element_type3A_396, %cond3A_397 : i32
      scf.if %cond3A_398 {
        %sub3A = arith.constant 2 : i32
        %sub3A_496 = arith.subi %add3A_388, %sub3A : i32
        %mul3A_497 = arith.constant 16 : i32
        %mul3A_498 = arith.muli %sub3A_496, %mul3A_497 : i32
        %add3A_499 = arith.addi %mul3A_0, %mul3A_498 : i32
        %dma_wait3A_500 = arith.constant 0 : i32
        %dma_wait3A_501 = tpu.memref_slice %arg8[%add3A_499, %arg0, %dma_wait3A_500] : memref<8192x2x512xf32, #tpu.memory_space<hbm>> -> memref<16x1x512xf32, #tpu.memory_space<hbm>>
        %dma_wait3A_502 = tpu.memref_squeeze %dma_wait3A_501 : memref<16x1x512xf32, #tpu.memory_space<hbm>> -> memref<16x512xf32, #tpu.memory_space<hbm>>
        %dma_wait3A_503 = arith.constant 0 : i32
        %dma_wait3A_504 = tpu.memref_slice %arg8[%add3A_499, %arg0, %dma_wait3A_503] : memref<8192x2x512xf32, #tpu.memory_space<hbm>> -> memref<16x1x512xf32, #tpu.memory_space<hbm>>
        %dma_wait3A_505 = tpu.memref_squeeze %dma_wait3A_504 : memref<16x1x512xf32, #tpu.memory_space<hbm>> -> memref<16x512xf32, #tpu.memory_space<hbm>>
        tpu.wait_dma2 semaphore(%arg23 : memref<!tpu.dma_semaphore, #tpu.memory_space<semaphore_mem>>) src(%arg13 : memref<16x512xf32, #tpu.memory_space<vmem>>) dst(%dma_wait3A_505 : memref<16x512xf32, #tpu.memory_space<hbm>>)
      } else {
      }
      %add3A_399 = arith.constant 2 : i32
      %add3A_400 = arith.addi %add3A_388, %add3A_399 : i32
      %lt3A_401 = arith.constant 32 : i32
      %lt3A_402 = arith.cmpi slt, %add3A_400, %lt3A_401 : i32
      %convert_element_type3A_403 = arith.extui %lt3A_402 : i1 to i32
      %cond3A_404 = arith.constant 0 : i32
      %cond3A_405 = arith.cmpi ne, %convert_element_type3A_403, %cond3A_404 : i32
      scf.if %cond3A_405 {
        %add3A_496 = arith.constant 2 : i32
        %add3A_497 = arith.addi %add3A_388, %add3A_496 : i32
        %mul3A_498 = arith.constant 16 : i32
        %mul3A_499 = arith.muli %add3A_497, %mul3A_498 : i32
        %dma_start3A_500 = tpu.memref_slice %arg9[%mul3A_499] : memref<512xi32, #tpu.memory_space<vmem>> -> memref<16xi32, #tpu.memory_space<vmem>>
        %dma_start3A_501 = arith.constant 0 : i32
        %dma_start3A_502 = arith.constant 0 : i32
        %dma_start3A_503 = tpu.memref_slice %arg5[%dma_start3A_501, %dma_start3A_502] : memref<4100x512xf32, #tpu.memory_space<hbm>> -> memref<4100x512xf32, #tpu.memory_space<hbm>>
        tpu.enqueue_indirect_dma source(%dma_start3A_503 : memref<4100x512xf32, #tpu.memory_space<hbm>>) target(%arg13 : memref<16x512xf32, #tpu.memory_space<vmem>>) offsets(%dma_start3A_500 : memref<16xi32, #tpu.memory_space<vmem>>) semaphore(%arg19 : memref<!tpu.dma_semaphore, #tpu.memory_space<semaphore_mem>>)
      } else {
      }
      %mul3A_406 = arith.constant 16 : i32
      %mul3A_407 = arith.muli %add3A_388, %mul3A_406 : i32
      %dma_wait3A_408 = tpu.memref_slice %arg9[%mul3A_407] : memref<512xi32, #tpu.memory_space<vmem>> -> memref<16xi32, #tpu.memory_space<vmem>>
      %dma_wait3A_409 = arith.constant 0 : i32
      %dma_wait3A_410 = arith.constant 0 : i32
      %dma_wait3A_411 = tpu.memref_slice %arg5[%dma_wait3A_409, %dma_wait3A_410] : memref<4100x512xf32, #tpu.memory_space<hbm>> -> memref<4100x512xf32, #tpu.memory_space<hbm>>
      tpu.wait_indirect_dma semaphore(%arg21 : memref<!tpu.dma_semaphore, #tpu.memory_space<semaphore_mem>>) src(%dma_wait3A_411 : memref<4100x512xf32, #tpu.memory_space<hbm>>) dst(%arg15 : memref<16x512xf32, #tpu.memory_space<vmem>>)
      %mul3A_412 = arith.constant 16 : i32
      %mul3A_413 = arith.muli %add3A_388, %mul3A_412 : i32
      %add3A_414 = arith.constant 0 : i32
      %add3A_415 = arith.addi %mul3A_413, %add3A_414 : i32
      %get3A_416 = arith.index_cast %add3A_415 : i32 to index
      %get3A_417 = tpu.vector_load %arg10[%get3A_416] {strides = array<i32>} : memref<512xi32, #tpu.memory_space<vmem>>, vector<16xi32>,
      %get3A_418 = arith.index_cast %add3A_415 : i32 to index
      %get3A_419 = tpu.vector_load %arg11[%get3A_418] {strides = array<i32>} : memref<512xi32, #tpu.memory_space<vmem>>, vector<16xi32>,
      %slice3A_420 = vector.extract_strided_slice %get3A_417 {offsets = [0], sizes = [1], strides = [1]} : vector<16xi32> to vector<1xi32>
      %squeeze3A_421 = vector.extract %slice3A_420[0] : i32 from vector<1xi32>
      %slice3A_422 = vector.extract_strided_slice %get3A_419 {offsets = [0], sizes = [1], strides = [1]} : vector<16xi32> to vector<1xi32>
      %squeeze3A_423 = vector.extract %slice3A_422[0] : i32 from vector<1xi32>
      %slice3A_424 = vector.extract_strided_slice %get3A_417 {offsets = [1], sizes = [1], strides = [1]} : vector<16xi32> to vector<1xi32>
      %squeeze3A_425 = vector.extract %slice3A_424[0] : i32 from vector<1xi32>
      %slice3A_426 = vector.extract_strided_slice %get3A_419 {offsets = [1], sizes = [1], strides = [1]} : vector<16xi32> to vector<1xi32>
      %squeeze3A_427 = vector.extract %slice3A_426[0] : i32 from vector<1xi32>
      %slice3A_428 = vector.extract_strided_slice %get3A_417 {offsets = [2], sizes = [1], strides = [1]} : vector<16xi32> to vector<1xi32>
      %squeeze3A_429 = vector.extract %slice3A_428[0] : i32 from vector<1xi32>
      %slice3A_430 = vector.extract_strided_slice %get3A_419 {offsets = [2], sizes = [1], strides = [1]} : vector<16xi32> to vector<1xi32>
      %squeeze3A_431 = vector.extract %slice3A_430[0] : i32 from vector<1xi32>
      %slice3A_432 = vector.extract_strided_slice %get3A_417 {offsets = [3], sizes = [1], strides = [1]} : vector<16xi32> to vector<1xi32>
      %squeeze3A_433 = vector.extract %slice3A_432[0] : i32 from vector<1xi32>
      %slice3A_434 = vector.extract_strided_slice %get3A_419 {offsets = [3], sizes = [1], strides = [1]} : vector<16xi32> to vector<1xi32>
      %squeeze3A_435 = vector.extract %slice3A_434[0] : i32 from vector<1xi32>
      %slice3A_436 = vector.extract_strided_slice %get3A_417 {offsets = [4], sizes = [1], strides = [1]} : vector<16xi32> to vector<1xi32>
      %squeeze3A_437 = vector.extract %slice3A_436[0] : i32 from vector<1xi32>
      %slice3A_438 = vector.extract_strided_slice %get3A_419 {offsets = [4], sizes = [1], strides = [1]} : vector<16xi32> to vector<1xi32>
      %squeeze3A_439 = vector.extract %slice3A_438[0] : i32 from vector<1xi32>
      %slice3A_440 = vector.extract_strided_slice %get3A_417 {offsets = [5], sizes = [1], strides = [1]} : vector<16xi32> to vector<1xi32>
      %squeeze3A_441 = vector.extract %slice3A_440[0] : i32 from vector<1xi32>
      %slice3A_442 = vector.extract_strided_slice %get3A_419 {offsets = [5], sizes = [1], strides = [1]} : vector<16xi32> to vector<1xi32>
      %squeeze3A_443 = vector.extract %slice3A_442[0] : i32 from vector<1xi32>
      %slice3A_444 = vector.extract_strided_slice %get3A_417 {offsets = [6], sizes = [1], strides = [1]} : vector<16xi32> to vector<1xi32>
      %squeeze3A_445 = vector.extract %slice3A_444[0] : i32 from vector<1xi32>
      %slice3A_446 = vector.extract_strided_slice %get3A_419 {offsets = [6], sizes = [1], strides = [1]} : vector<16xi32> to vector<1xi32>
      %squeeze3A_447 = vector.extract %slice3A_446[0] : i32 from vector<1xi32>
      %slice3A_448 = vector.extract_strided_slice %get3A_417 {offsets = [7], sizes = [1], strides = [1]} : vector<16xi32> to vector<1xi32>
      %squeeze3A_449 = vector.extract %slice3A_448[0] : i32 from vector<1xi32>
      %slice3A_450 = vector.extract_strided_slice %get3A_419 {offsets = [7], sizes = [1], strides = [1]} : vector<16xi32> to vector<1xi32>
      %squeeze3A_451 = vector.extract %slice3A_450[0] : i32 from vector<1xi32>
      %slice3A_452 = vector.extract_strided_slice %get3A_417 {offsets = [8], sizes = [1], strides = [1]} : vector<16xi32> to vector<1xi32>
      %squeeze3A_453 = vector.extract %slice3A_452[0] : i32 from vector<1xi32>
      %slice3A_454 = vector.extract_strided_slice %get3A_419 {offsets = [8], sizes = [1], strides = [1]} : vector<16xi32> to vector<1xi32>
      %squeeze3A_455 = vector.extract %slice3A_454[0] : i32 from vector<1xi32>
      %slice3A_456 = vector.extract_strided_slice %get3A_417 {offsets = [9], sizes = [1], strides = [1]} : vector<16xi32> to vector<1xi32>
      %squeeze3A_457 = vector.extract %slice3A_456[0] : i32 from vector<1xi32>
      %slice3A_458 = vector.extract_strided_slice %get3A_419 {offsets = [9], sizes = [1], strides = [1]} : vector<16xi32> to vector<1xi32>
      %squeeze3A_459 = vector.extract %slice3A_458[0] : i32 from vector<1xi32>
      %slice3A_460 = vector.extract_strided_slice %get3A_417 {offsets = [10], sizes = [1], strides = [1]} : vector<16xi32> to vector<1xi32>
      %squeeze3A_461 = vector.extract %slice3A_460[0] : i32 from vector<1xi32>
      %slice3A_462 = vector.extract_strided_slice %get3A_419 {offsets = [10], sizes = [1], strides = [1]} : vector<16xi32> to vector<1xi32>
      %squeeze3A_463 = vector.extract %slice3A_462[0] : i32 from vector<1xi32>
      %slice3A_464 = vector.extract_strided_slice %get3A_417 {offsets = [11], sizes = [1], strides = [1]} : vector<16xi32> to vector<1xi32>
      %squeeze3A_465 = vector.extract %slice3A_464[0] : i32 from vector<1xi32>
      %slice3A_466 = vector.extract_strided_slice %get3A_419 {offsets = [11], sizes = [1], strides = [1]} : vector<16xi32> to vector<1xi32>
      %squeeze3A_467 = vector.extract %slice3A_466[0] : i32 from vector<1xi32>
      %slice3A_468 = vector.extract_strided_slice %get3A_417 {offsets = [12], sizes = [1], strides = [1]} : vector<16xi32> to vector<1xi32>
      %squeeze3A_469 = vector.extract %slice3A_468[0] : i32 from vector<1xi32>
      %slice3A_470 = vector.extract_strided_slice %get3A_419 {offsets = [12], sizes = [1], strides = [1]} : vector<16xi32> to vector<1xi32>
      %squeeze3A_471 = vector.extract %slice3A_470[0] : i32 from vector<1xi32>
      %slice3A_472 = vector.extract_strided_slice %get3A_417 {offsets = [13], sizes = [1], strides = [1]} : vector<16xi32> to vector<1xi32>
      %squeeze3A_473 = vector.extract %slice3A_472[0] : i32 from vector<1xi32>
      %slice3A_474 = vector.extract_strided_slice %get3A_419 {offsets = [13], sizes = [1], strides = [1]} : vector<16xi32> to vector<1xi32>
      %squeeze3A_475 = vector.extract %slice3A_474[0] : i32 from vector<1xi32>
      %slice3A_476 = vector.extract_strided_slice %get3A_417 {offsets = [14], sizes = [1], strides = [1]} : vector<16xi32> to vector<1xi32>
      %squeeze3A_477 = vector.extract %slice3A_476[0] : i32 from vector<1xi32>
      %slice3A_478 = vector.extract_strided_slice %get3A_419 {offsets = [14], sizes = [1], strides = [1]} : vector<16xi32> to vector<1xi32>
      %squeeze3A_479 = vector.extract %slice3A_478[0] : i32 from vector<1xi32>
      %slice3A_480 = vector.extract_strided_slice %get3A_417 {offsets = [15], sizes = [1], strides = [1]} : vector<16xi32> to vector<1xi32>
      %squeeze3A_481 = vector.extract %slice3A_480[0] : i32 from vector<1xi32>
      %slice3A_482 = vector.extract_strided_slice %get3A_419 {offsets = [15], sizes = [1], strides = [1]} : vector<16xi32> to vector<1xi32>
      %squeeze3A_483 = vector.extract %slice3A_482[0] : i32 from vector<1xi32>
      %parallel_loop3A_484 = arith.constant 0 : i32
      %parallel_loop3A_485 = arith.constant 32 : i32
      %parallel_loop3A_486 = arith.constant 1 : i32
      scf.for %parallel_loop3A_496 = %parallel_loop3A_484 to %parallel_loop3A_485 step %parallel_loop3A_486  : i32 {
        %parallel_loop3A_497 = arith.constant 16 : i32
        %parallel_loop3A_498 = arith.muli %parallel_loop3A_496, %parallel_loop3A_497 : i32
        %parallel_loop3A_499 = arith.index_cast %squeeze3A_421 : i32 to index
        %parallel_loop3A_500 = arith.index_cast %parallel_loop3A_498 : i32 to index
        %parallel_loop3A_501 = tpu.vector_load %arg16[%parallel_loop3A_499, %parallel_loop3A_500] {strides = array<i32>} : memref<64x512xf32, #tpu.memory_space<vmem>>, vector<16xf32>,
        %parallel_loop3A_502 = arith.index_cast %squeeze3A_423 : i32 to index
        %parallel_loop3A_503 = arith.index_cast %parallel_loop3A_498 : i32 to index
        %parallel_loop3A_504 = tpu.vector_load %arg17[%parallel_loop3A_502, %parallel_loop3A_503] {strides = array<i32>} : memref<64x512xf32, #tpu.memory_space<vmem>>, vector<16xf32>,
        %parallel_loop3A_505 = arith.addf %parallel_loop3A_501, %parallel_loop3A_504 : vector<16xf32>
        %parallel_loop3A_506 = arith.constant 0 : i32
        %parallel_loop3A_507 = arith.index_cast %parallel_loop3A_506 : i32 to index
        %parallel_loop3A_508 = arith.index_cast %parallel_loop3A_498 : i32 to index
        %parallel_loop3A_509 = tpu.vector_load %arg15[%parallel_loop3A_507, %parallel_loop3A_508] {strides = array<i32>} : memref<16x512xf32, #tpu.memory_space<vmem>>, vector<16xf32>,
        tpu.vector_store %arg15[%parallel_loop3A_507, %parallel_loop3A_508], %parallel_loop3A_505 {add = true, strides = array<i32>} : memref<16x512xf32, #tpu.memory_space<vmem>>, vector<16xf32>,
        %parallel_loop3A_510 = arith.index_cast %squeeze3A_425 : i32 to index
        %parallel_loop3A_511 = arith.index_cast %parallel_loop3A_498 : i32 to index
        %parallel_loop3A_512 = tpu.vector_load %arg16[%parallel_loop3A_510, %parallel_loop3A_511] {strides = array<i32>} : memref<64x512xf32, #tpu.memory_space<vmem>>, vector<16xf32>,
        %parallel_loop3A_513 = arith.index_cast %squeeze3A_427 : i32 to index
        %parallel_loop3A_514 = arith.index_cast %parallel_loop3A_498 : i32 to index
        %parallel_loop3A_515 = tpu.vector_load %arg17[%parallel_loop3A_513, %parallel_loop3A_514] {strides = array<i32>} : memref<64x512xf32, #tpu.memory_space<vmem>>, vector<16xf32>,
        %parallel_loop3A_516 = arith.addf %parallel_loop3A_512, %parallel_loop3A_515 : vector<16xf32>
        %parallel_loop3A_517 = arith.constant 1 : i32
        %parallel_loop3A_518 = arith.index_cast %parallel_loop3A_517 : i32 to index
        %parallel_loop3A_519 = arith.index_cast %parallel_loop3A_498 : i32 to index
        %parallel_loop3A_520 = tpu.vector_load %arg15[%parallel_loop3A_518, %parallel_loop3A_519] {strides = array<i32>} : memref<16x512xf32, #tpu.memory_space<vmem>>, vector<16xf32>,
        tpu.vector_store %arg15[%parallel_loop3A_518, %parallel_loop3A_519], %parallel_loop3A_516 {add = true, strides = array<i32>} : memref<16x512xf32, #tpu.memory_space<vmem>>, vector<16xf32>,
        %parallel_loop3A_521 = arith.index_cast %squeeze3A_429 : i32 to index
        %parallel_loop3A_522 = arith.index_cast %parallel_loop3A_498 : i32 to index
        %parallel_loop3A_523 = tpu.vector_load %arg16[%parallel_loop3A_521, %parallel_loop3A_522] {strides = array<i32>} : memref<64x512xf32, #tpu.memory_space<vmem>>, vector<16xf32>,
        %parallel_loop3A_524 = arith.index_cast %squeeze3A_431 : i32 to index
        %parallel_loop3A_525 = arith.index_cast %parallel_loop3A_498 : i32 to index
        %parallel_loop3A_526 = tpu.vector_load %arg17[%parallel_loop3A_524, %parallel_loop3A_525] {strides = array<i32>} : memref<64x512xf32, #tpu.memory_space<vmem>>, vector<16xf32>,
        %parallel_loop3A_527 = arith.addf %parallel_loop3A_523, %parallel_loop3A_526 : vector<16xf32>
        %parallel_loop3A_528 = arith.constant 2 : i32
        %parallel_loop3A_529 = arith.index_cast %parallel_loop3A_528 : i32 to index
        %parallel_loop3A_530 = arith.index_cast %parallel_loop3A_498 : i32 to index
        %parallel_loop3A_531 = tpu.vector_load %arg15[%parallel_loop3A_529, %parallel_loop3A_530] {strides = array<i32>} : memref<16x512xf32, #tpu.memory_space<vmem>>, vector<16xf32>,
        tpu.vector_store %arg15[%parallel_loop3A_529, %parallel_loop3A_530], %parallel_loop3A_527 {add = true, strides = array<i32>} : memref<16x512xf32, #tpu.memory_space<vmem>>, vector<16xf32>,
        %parallel_loop3A_532 = arith.index_cast %squeeze3A_433 : i32 to index
        %parallel_loop3A_533 = arith.index_cast %parallel_loop3A_498 : i32 to index
        %parallel_loop3A_534 = tpu.vector_load %arg16[%parallel_loop3A_532, %parallel_loop3A_533] {strides = array<i32>} : memref<64x512xf32, #tpu.memory_space<vmem>>, vector<16xf32>,
        %parallel_loop3A_535 = arith.index_cast %squeeze3A_435 : i32 to index
        %parallel_loop3A_536 = arith.index_cast %parallel_loop3A_498 : i32 to index
        %parallel_loop3A_537 = tpu.vector_load %arg17[%parallel_loop3A_535, %parallel_loop3A_536] {strides = array<i32>} : memref<64x512xf32, #tpu.memory_space<vmem>>, vector<16xf32>,
        %parallel_loop3A_538 = arith.addf %parallel_loop3A_534, %parallel_loop3A_537 : vector<16xf32>
        %parallel_loop3A_539 = arith.constant 3 : i32
        %parallel_loop3A_540 = arith.index_cast %parallel_loop3A_539 : i32 to index
        %parallel_loop3A_541 = arith.index_cast %parallel_loop3A_498 : i32 to index
        %parallel_loop3A_542 = tpu.vector_load %arg15[%parallel_loop3A_540, %parallel_loop3A_541] {strides = array<i32>} : memref<16x512xf32, #tpu.memory_space<vmem>>, vector<16xf32>,
        tpu.vector_store %arg15[%parallel_loop3A_540, %parallel_loop3A_541], %parallel_loop3A_538 {add = true, strides = array<i32>} : memref<16x512xf32, #tpu.memory_space<vmem>>, vector<16xf32>,
        %parallel_loop3A_543 = arith.index_cast %squeeze3A_437 : i32 to index
        %parallel_loop3A_544 = arith.index_cast %parallel_loop3A_498 : i32 to index
        %parallel_loop3A_545 = tpu.vector_load %arg16[%parallel_loop3A_543, %parallel_loop3A_544] {strides = array<i32>} : memref<64x512xf32, #tpu.memory_space<vmem>>, vector<16xf32>,
        %parallel_loop3A_546 = arith.index_cast %squeeze3A_439 : i32 to index
        %parallel_loop3A_547 = arith.index_cast %parallel_loop3A_498 : i32 to index
        %parallel_loop3A_548 = tpu.vector_load %arg17[%parallel_loop3A_546, %parallel_loop3A_547] {strides = array<i32>} : memref<64x512xf32, #tpu.memory_space<vmem>>, vector<16xf32>,
        %parallel_loop3A_549 = arith.addf %parallel_loop3A_545, %parallel_loop3A_548 : vector<16xf32>
        %parallel_loop3A_550 = arith.constant 4 : i32
        %parallel_loop3A_551 = arith.index_cast %parallel_loop3A_550 : i32 to index
        %parallel_loop3A_552 = arith.index_cast %parallel_loop3A_498 : i32 to index
        %parallel_loop3A_553 = tpu.vector_load %arg15[%parallel_loop3A_551, %parallel_loop3A_552] {strides = array<i32>} : memref<16x512xf32, #tpu.memory_space<vmem>>, vector<16xf32>,
        tpu.vector_store %arg15[%parallel_loop3A_551, %parallel_loop3A_552], %parallel_loop3A_549 {add = true, strides = array<i32>} : memref<16x512xf32, #tpu.memory_space<vmem>>, vector<16xf32>,
        %parallel_loop3A_554 = arith.index_cast %squeeze3A_441 : i32 to index
        %parallel_loop3A_555 = arith.index_cast %parallel_loop3A_498 : i32 to index
        %parallel_loop3A_556 = tpu.vector_load %arg16[%parallel_loop3A_554, %parallel_loop3A_555] {strides = array<i32>} : memref<64x512xf32, #tpu.memory_space<vmem>>, vector<16xf32>,
        %parallel_loop3A_557 = arith.index_cast %squeeze3A_443 : i32 to index
        %parallel_loop3A_558 = arith.index_cast %parallel_loop3A_498 : i32 to index
        %parallel_loop3A_559 = tpu.vector_load %arg17[%parallel_loop3A_557, %parallel_loop3A_558] {strides = array<i32>} : memref<64x512xf32, #tpu.memory_space<vmem>>, vector<16xf32>,
        %parallel_loop3A_560 = arith.addf %parallel_loop3A_556, %parallel_loop3A_559 : vector<16xf32>
        %parallel_loop3A_561 = arith.constant 5 : i32
        %parallel_loop3A_562 = arith.index_cast %parallel_loop3A_561 : i32 to index
        %parallel_loop3A_563 = arith.index_cast %parallel_loop3A_498 : i32 to index
        %parallel_loop3A_564 = tpu.vector_load %arg15[%parallel_loop3A_562, %parallel_loop3A_563] {strides = array<i32>} : memref<16x512xf32, #tpu.memory_space<vmem>>, vector<16xf32>,
        tpu.vector_store %arg15[%parallel_loop3A_562, %parallel_loop3A_563], %parallel_loop3A_560 {add = true, strides = array<i32>} : memref<16x512xf32, #tpu.memory_space<vmem>>, vector<16xf32>,
        %parallel_loop3A_565 = arith.index_cast %squeeze3A_445 : i32 to index
        %parallel_loop3A_566 = arith.index_cast %parallel_loop3A_498 : i32 to index
        %parallel_loop3A_567 = tpu.vector_load %arg16[%parallel_loop3A_565, %parallel_loop3A_566] {strides = array<i32>} : memref<64x512xf32, #tpu.memory_space<vmem>>, vector<16xf32>,
        %parallel_loop3A_568 = arith.index_cast %squeeze3A_447 : i32 to index
        %parallel_loop3A_569 = arith.index_cast %parallel_loop3A_498 : i32 to index
        %parallel_loop3A_570 = tpu.vector_load %arg17[%parallel_loop3A_568, %parallel_loop3A_569] {strides = array<i32>} : memref<64x512xf32, #tpu.memory_space<vmem>>, vector<16xf32>,
        %parallel_loop3A_571 = arith.addf %parallel_loop3A_567, %parallel_loop3A_570 : vector<16xf32>
        %parallel_loop3A_572 = arith.constant 6 : i32
        %parallel_loop3A_573 = arith.index_cast %parallel_loop3A_572 : i32 to index
        %parallel_loop3A_574 = arith.index_cast %parallel_loop3A_498 : i32 to index
        %parallel_loop3A_575 = tpu.vector_load %arg15[%parallel_loop3A_573, %parallel_loop3A_574] {strides = array<i32>} : memref<16x512xf32, #tpu.memory_space<vmem>>, vector<16xf32>,
        tpu.vector_store %arg15[%parallel_loop3A_573, %parallel_loop3A_574], %parallel_loop3A_571 {add = true, strides = array<i32>} : memref<16x512xf32, #tpu.memory_space<vmem>>, vector<16xf32>,
        %parallel_loop3A_576 = arith.index_cast %squeeze3A_449 : i32 to index
        %parallel_loop3A_577 = arith.index_cast %parallel_loop3A_498 : i32 to index
        %parallel_loop3A_578 = tpu.vector_load %arg16[%parallel_loop3A_576, %parallel_loop3A_577] {strides = array<i32>} : memref<64x512xf32, #tpu.memory_space<vmem>>, vector<16xf32>,
        %parallel_loop3A_579 = arith.index_cast %squeeze3A_451 : i32 to index
        %parallel_loop3A_580 = arith.index_cast %parallel_loop3A_498 : i32 to index
        %parallel_loop3A_581 = tpu.vector_load %arg17[%parallel_loop3A_579, %parallel_loop3A_580] {strides = array<i32>} : memref<64x512xf32, #tpu.memory_space<vmem>>, vector<16xf32>,
        %parallel_loop3A_582 = arith.addf %parallel_loop3A_578, %parallel_loop3A_581 : vector<16xf32>
        %parallel_loop3A_583 = arith.constant 7 : i32
        %parallel_loop3A_584 = arith.index_cast %parallel_loop3A_583 : i32 to index
        %parallel_loop3A_585 = arith.index_cast %parallel_loop3A_498 : i32 to index
        %parallel_loop3A_586 = tpu.vector_load %arg15[%parallel_loop3A_584, %parallel_loop3A_585] {strides = array<i32>} : memref<16x512xf32, #tpu.memory_space<vmem>>, vector<16xf32>,
        tpu.vector_store %arg15[%parallel_loop3A_584, %parallel_loop3A_585], %parallel_loop3A_582 {add = true, strides = array<i32>} : memref<16x512xf32, #tpu.memory_space<vmem>>, vector<16xf32>,
        %parallel_loop3A_587 = arith.index_cast %squeeze3A_453 : i32 to index
        %parallel_loop3A_588 = arith.index_cast %parallel_loop3A_498 : i32 to index
        %parallel_loop3A_589 = tpu.vector_load %arg16[%parallel_loop3A_587, %parallel_loop3A_588] {strides = array<i32>} : memref<64x512xf32, #tpu.memory_space<vmem>>, vector<16xf32>,
        %parallel_loop3A_590 = arith.index_cast %squeeze3A_455 : i32 to index
        %parallel_loop3A_591 = arith.index_cast %parallel_loop3A_498 : i32 to index
        %parallel_loop3A_592 = tpu.vector_load %arg17[%parallel_loop3A_590, %parallel_loop3A_591] {strides = array<i32>} : memref<64x512xf32, #tpu.memory_space<vmem>>, vector<16xf32>,
        %parallel_loop3A_593 = arith.addf %parallel_loop3A_589, %parallel_loop3A_592 : vector<16xf32>
        %parallel_loop3A_594 = arith.constant 8 : i32
        %parallel_loop3A_595 = arith.index_cast %parallel_loop3A_594 : i32 to index
        %parallel_loop3A_596 = arith.index_cast %parallel_loop3A_498 : i32 to index
        %parallel_loop3A_597 = tpu.vector_load %arg15[%parallel_loop3A_595, %parallel_loop3A_596] {strides = array<i32>} : memref<16x512xf32, #tpu.memory_space<vmem>>, vector<16xf32>,
        tpu.vector_store %arg15[%parallel_loop3A_595, %parallel_loop3A_596], %parallel_loop3A_593 {add = true, strides = array<i32>} : memref<16x512xf32, #tpu.memory_space<vmem>>, vector<16xf32>,
        %parallel_loop3A_598 = arith.index_cast %squeeze3A_457 : i32 to index
        %parallel_loop3A_599 = arith.index_cast %parallel_loop3A_498 : i32 to index
        %parallel_loop3A_600 = tpu.vector_load %arg16[%parallel_loop3A_598, %parallel_loop3A_599] {strides = array<i32>} : memref<64x512xf32, #tpu.memory_space<vmem>>, vector<16xf32>,
        %parallel_loop3A_601 = arith.index_cast %squeeze3A_459 : i32 to index
        %parallel_loop3A_602 = arith.index_cast %parallel_loop3A_498 : i32 to index
        %parallel_loop3A_603 = tpu.vector_load %arg17[%parallel_loop3A_601, %parallel_loop3A_602] {strides = array<i32>} : memref<64x512xf32, #tpu.memory_space<vmem>>, vector<16xf32>,
        %parallel_loop3A_604 = arith.addf %parallel_loop3A_600, %parallel_loop3A_603 : vector<16xf32>
        %parallel_loop3A_605 = arith.constant 9 : i32
        %parallel_loop3A_606 = arith.index_cast %parallel_loop3A_605 : i32 to index
        %parallel_loop3A_607 = arith.index_cast %parallel_loop3A_498 : i32 to index
        %parallel_loop3A_608 = tpu.vector_load %arg15[%parallel_loop3A_606, %parallel_loop3A_607] {strides = array<i32>} : memref<16x512xf32, #tpu.memory_space<vmem>>, vector<16xf32>,
        tpu.vector_store %arg15[%parallel_loop3A_606, %parallel_loop3A_607], %parallel_loop3A_604 {add = true, strides = array<i32>} : memref<16x512xf32, #tpu.memory_space<vmem>>, vector<16xf32>,
        %parallel_loop3A_609 = arith.index_cast %squeeze3A_461 : i32 to index
        %parallel_loop3A_610 = arith.index_cast %parallel_loop3A_498 : i32 to index
        %parallel_loop3A_611 = tpu.vector_load %arg16[%parallel_loop3A_609, %parallel_loop3A_610] {strides = array<i32>} : memref<64x512xf32, #tpu.memory_space<vmem>>, vector<16xf32>,
        %parallel_loop3A_612 = arith.index_cast %squeeze3A_463 : i32 to index
        %parallel_loop3A_613 = arith.index_cast %parallel_loop3A_498 : i32 to index
        %parallel_loop3A_614 = tpu.vector_load %arg17[%parallel_loop3A_612, %parallel_loop3A_613] {strides = array<i32>} : memref<64x512xf32, #tpu.memory_space<vmem>>, vector<16xf32>,
        %parallel_loop3A_615 = arith.addf %parallel_loop3A_611, %parallel_loop3A_614 : vector<16xf32>
        %parallel_loop3A_616 = arith.constant 10 : i32
        %parallel_loop3A_617 = arith.index_cast %parallel_loop3A_616 : i32 to index
        %parallel_loop3A_618 = arith.index_cast %parallel_loop3A_498 : i32 to index
        %parallel_loop3A_619 = tpu.vector_load %arg15[%parallel_loop3A_617, %parallel_loop3A_618] {strides = array<i32>} : memref<16x512xf32, #tpu.memory_space<vmem>>, vector<16xf32>,
        tpu.vector_store %arg15[%parallel_loop3A_617, %parallel_loop3A_618], %parallel_loop3A_615 {add = true, strides = array<i32>} : memref<16x512xf32, #tpu.memory_space<vmem>>, vector<16xf32>,
        %parallel_loop3A_620 = arith.index_cast %squeeze3A_465 : i32 to index
        %parallel_loop3A_621 = arith.index_cast %parallel_loop3A_498 : i32 to index
        %parallel_loop3A_622 = tpu.vector_load %arg16[%parallel_loop3A_620, %parallel_loop3A_621] {strides = array<i32>} : memref<64x512xf32, #tpu.memory_space<vmem>>, vector<16xf32>,
        %parallel_loop3A_623 = arith.index_cast %squeeze3A_467 : i32 to index
        %parallel_loop3A_624 = arith.index_cast %parallel_loop3A_498 : i32 to index
        %parallel_loop3A_625 = tpu.vector_load %arg17[%parallel_loop3A_623, %parallel_loop3A_624] {strides = array<i32>} : memref<64x512xf32, #tpu.memory_space<vmem>>, vector<16xf32>,
        %parallel_loop3A_626 = arith.addf %parallel_loop3A_622, %parallel_loop3A_625 : vector<16xf32>
        %parallel_loop3A_627 = arith.constant 11 : i32
        %parallel_loop3A_628 = arith.index_cast %parallel_loop3A_627 : i32 to index
        %parallel_loop3A_629 = arith.index_cast %parallel_loop3A_498 : i32 to index
        %parallel_loop3A_630 = tpu.vector_load %arg15[%parallel_loop3A_628, %parallel_loop3A_629] {strides = array<i32>} : memref<16x512xf32, #tpu.memory_space<vmem>>, vector<16xf32>,
        tpu.vector_store %arg15[%parallel_loop3A_628, %parallel_loop3A_629], %parallel_loop3A_626 {add = true, strides = array<i32>} : memref<16x512xf32, #tpu.memory_space<vmem>>, vector<16xf32>,
        %parallel_loop3A_631 = arith.index_cast %squeeze3A_469 : i32 to index
        %parallel_loop3A_632 = arith.index_cast %parallel_loop3A_498 : i32 to index
        %parallel_loop3A_633 = tpu.vector_load %arg16[%parallel_loop3A_631, %parallel_loop3A_632] {strides = array<i32>} : memref<64x512xf32, #tpu.memory_space<vmem>>, vector<16xf32>,
        %parallel_loop3A_634 = arith.index_cast %squeeze3A_471 : i32 to index
        %parallel_loop3A_635 = arith.index_cast %parallel_loop3A_498 : i32 to index
        %parallel_loop3A_636 = tpu.vector_load %arg17[%parallel_loop3A_634, %parallel_loop3A_635] {strides = array<i32>} : memref<64x512xf32, #tpu.memory_space<vmem>>, vector<16xf32>,
        %parallel_loop3A_637 = arith.addf %parallel_loop3A_633, %parallel_loop3A_636 : vector<16xf32>
        %parallel_loop3A_638 = arith.constant 12 : i32
        %parallel_loop3A_639 = arith.index_cast %parallel_loop3A_638 : i32 to index
        %parallel_loop3A_640 = arith.index_cast %parallel_loop3A_498 : i32 to index
        %parallel_loop3A_641 = tpu.vector_load %arg15[%parallel_loop3A_639, %parallel_loop3A_640] {strides = array<i32>} : memref<16x512xf32, #tpu.memory_space<vmem>>, vector<16xf32>,
        tpu.vector_store %arg15[%parallel_loop3A_639, %parallel_loop3A_640], %parallel_loop3A_637 {add = true, strides = array<i32>} : memref<16x512xf32, #tpu.memory_space<vmem>>, vector<16xf32>,
        %parallel_loop3A_642 = arith.index_cast %squeeze3A_473 : i32 to index
        %parallel_loop3A_643 = arith.index_cast %parallel_loop3A_498 : i32 to index
        %parallel_loop3A_644 = tpu.vector_load %arg16[%parallel_loop3A_642, %parallel_loop3A_643] {strides = array<i32>} : memref<64x512xf32, #tpu.memory_space<vmem>>, vector<16xf32>,
        %parallel_loop3A_645 = arith.index_cast %squeeze3A_475 : i32 to index
        %parallel_loop3A_646 = arith.index_cast %parallel_loop3A_498 : i32 to index
        %parallel_loop3A_647 = tpu.vector_load %arg17[%parallel_loop3A_645, %parallel_loop3A_646] {strides = array<i32>} : memref<64x512xf32, #tpu.memory_space<vmem>>, vector<16xf32>,
        %parallel_loop3A_648 = arith.addf %parallel_loop3A_644, %parallel_loop3A_647 : vector<16xf32>
        %parallel_loop3A_649 = arith.constant 13 : i32
        %parallel_loop3A_650 = arith.index_cast %parallel_loop3A_649 : i32 to index
        %parallel_loop3A_651 = arith.index_cast %parallel_loop3A_498 : i32 to index
        %parallel_loop3A_652 = tpu.vector_load %arg15[%parallel_loop3A_650, %parallel_loop3A_651] {strides = array<i32>} : memref<16x512xf32, #tpu.memory_space<vmem>>, vector<16xf32>,
        tpu.vector_store %arg15[%parallel_loop3A_650, %parallel_loop3A_651], %parallel_loop3A_648 {add = true, strides = array<i32>} : memref<16x512xf32, #tpu.memory_space<vmem>>, vector<16xf32>,
        %parallel_loop3A_653 = arith.index_cast %squeeze3A_477 : i32 to index
        %parallel_loop3A_654 = arith.index_cast %parallel_loop3A_498 : i32 to index
        %parallel_loop3A_655 = tpu.vector_load %arg16[%parallel_loop3A_653, %parallel_loop3A_654] {strides = array<i32>} : memref<64x512xf32, #tpu.memory_space<vmem>>, vector<16xf32>,
        %parallel_loop3A_656 = arith.index_cast %squeeze3A_479 : i32 to index
        %parallel_loop3A_657 = arith.index_cast %parallel_loop3A_498 : i32 to index
        %parallel_loop3A_658 = tpu.vector_load %arg17[%parallel_loop3A_656, %parallel_loop3A_657] {strides = array<i32>} : memref<64x512xf32, #tpu.memory_space<vmem>>, vector<16xf32>,
        %parallel_loop3A_659 = arith.addf %parallel_loop3A_655, %parallel_loop3A_658 : vector<16xf32>
        %parallel_loop3A_660 = arith.constant 14 : i32
        %parallel_loop3A_661 = arith.index_cast %parallel_loop3A_660 : i32 to index
        %parallel_loop3A_662 = arith.index_cast %parallel_loop3A_498 : i32 to index
        %parallel_loop3A_663 = tpu.vector_load %arg15[%parallel_loop3A_661, %parallel_loop3A_662] {strides = array<i32>} : memref<16x512xf32, #tpu.memory_space<vmem>>, vector<16xf32>,
        tpu.vector_store %arg15[%parallel_loop3A_661, %parallel_loop3A_662], %parallel_loop3A_659 {add = true, strides = array<i32>} : memref<16x512xf32, #tpu.memory_space<vmem>>, vector<16xf32>,
        %parallel_loop3A_664 = arith.index_cast %squeeze3A_481 : i32 to index
        %parallel_loop3A_665 = arith.index_cast %parallel_loop3A_498 : i32 to index
        %parallel_loop3A_666 = tpu.vector_load %arg16[%parallel_loop3A_664, %parallel_loop3A_665] {strides = array<i32>} : memref<64x512xf32, #tpu.memory_space<vmem>>, vector<16xf32>,
        %parallel_loop3A_667 = arith.index_cast %squeeze3A_483 : i32 to index
        %parallel_loop3A_668 = arith.index_cast %parallel_loop3A_498 : i32 to index
        %parallel_loop3A_669 = tpu.vector_load %arg17[%parallel_loop3A_667, %parallel_loop3A_668] {strides = array<i32>} : memref<64x512xf32, #tpu.memory_space<vmem>>, vector<16xf32>,
        %parallel_loop3A_670 = arith.addf %parallel_loop3A_666, %parallel_loop3A_669 : vector<16xf32>
        %parallel_loop3A_671 = arith.constant 15 : i32
        %parallel_loop3A_672 = arith.index_cast %parallel_loop3A_671 : i32 to index
        %parallel_loop3A_673 = arith.index_cast %parallel_loop3A_498 : i32 to index
        %parallel_loop3A_674 = tpu.vector_load %arg15[%parallel_loop3A_672, %parallel_loop3A_673] {strides = array<i32>} : memref<16x512xf32, #tpu.memory_space<vmem>>, vector<16xf32>,
        tpu.vector_store %arg15[%parallel_loop3A_672, %parallel_loop3A_673], %parallel_loop3A_670 {add = true, strides = array<i32>} : memref<16x512xf32, #tpu.memory_space<vmem>>, vector<16xf32>,
      } {sc.loop_unroll_factor = 1 : i64, sc.parallel_access}
      %mul3A_487 = arith.constant 16 : i32
      %mul3A_488 = arith.muli %add3A_388, %mul3A_487 : i32
      %add3A_489 = arith.addi %mul3A_0, %mul3A_488 : i32
      %dma_start3A_490 = arith.constant 0 : i32
      %dma_start3A_491 = tpu.memref_slice %arg8[%add3A_489, %arg0, %dma_start3A_490] : memref<8192x2x512xf32, #tpu.memory_space<hbm>> -> memref<16x1x512xf32, #tpu.memory_space<hbm>>
      %dma_start3A_492 = tpu.memref_squeeze %dma_start3A_491 : memref<16x1x512xf32, #tpu.memory_space<hbm>> -> memref<16x512xf32, #tpu.memory_space<hbm>>
      %dma_start3A_493 = arith.constant 0 : i32
      %dma_start3A_494 = tpu.memref_slice %arg8[%add3A_489, %arg0, %dma_start3A_493] : memref<8192x2x512xf32, #tpu.memory_space<hbm>> -> memref<16x1x512xf32, #tpu.memory_space<hbm>>
      %dma_start3A_495 = tpu.memref_squeeze %dma_start3A_494 : memref<16x1x512xf32, #tpu.memory_space<hbm>> -> memref<16x512xf32, #tpu.memory_space<hbm>>
      tpu.enqueue_dma source(%arg15 : memref<16x512xf32, #tpu.memory_space<vmem>>) target(%dma_start3A_495 : memref<16x512xf32, #tpu.memory_space<hbm>>) target_semaphore(%arg25 : memref<!tpu.dma_semaphore, #tpu.memory_space<semaphore_mem>>)
    }
    %scan3A_33 = arith.constant 8 : i32
    %add3A = arith.constant 448 : i32
    %add3A_34 = arith.addi %mul3A_0, %add3A : i32
    %dma_wait3A_35 = arith.constant 0 : i32
    %dma_wait3A_36 = tpu.memref_slice %arg8[%add3A_34, %arg0, %dma_wait3A_35] : memref<8192x2x512xf32, #tpu.memory_space<hbm>> -> memref<16x1x512xf32, #tpu.memory_space<hbm>>
    %dma_wait3A_37 = tpu.memref_squeeze %dma_wait3A_36 : memref<16x1x512xf32, #tpu.memory_space<hbm>> -> memref<16x512xf32, #tpu.memory_space<hbm>>
    %dma_wait3A_38 = arith.constant 0 : i32
    %dma_wait3A_39 = tpu.memref_slice %arg8[%add3A_34, %arg0, %dma_wait3A_38] : memref<8192x2x512xf32, #tpu.memory_space<hbm>> -> memref<16x1x512xf32, #tpu.memory_space<hbm>>
    %dma_wait3A_40 = tpu.memref_squeeze %dma_wait3A_39 : memref<16x1x512xf32, #tpu.memory_space<hbm>> -> memref<16x512xf32, #tpu.memory_space<hbm>>
    tpu.wait_dma2 semaphore(%arg22 : memref<!tpu.dma_semaphore, #tpu.memory_space<semaphore_mem>>) src(%arg12 : memref<16x512xf32, #tpu.memory_space<vmem>>) dst(%dma_wait3A_40 : memref<16x512xf32, #tpu.memory_space<hbm>>)
    %add3A_41 = arith.constant 464 : i32
    %add3A_42 = arith.addi %mul3A_0, %add3A_41 : i32
    %dma_wait3A_43 = arith.constant 0 : i32
    %dma_wait3A_44 = tpu.memref_slice %arg8[%add3A_42, %arg0, %dma_wait3A_43] : memref<8192x2x512xf32, #tpu.memory_space<hbm>> -> memref<16x1x512xf32, #tpu.memory_space<hbm>>
    %dma_wait3A_45 = tpu.memref_squeeze %dma_wait3A_44 : memref<16x1x512xf32, #tpu.memory_space<hbm>> -> memref<16x512xf32, #tpu.memory_space<hbm>>
    %dma_wait3A_46 = arith.constant 0 : i32
    %dma_wait3A_47 = tpu.memref_slice %arg8[%add3A_42, %arg0, %dma_wait3A_46] : memref<8192x2x512xf32, #tpu.memory_space<hbm>> -> memref<16x1x512xf32, #tpu.memory_space<hbm>>
    %dma_wait3A_48 = tpu.memref_squeeze %dma_wait3A_47 : memref<16x1x512xf32, #tpu.memory_space<hbm>> -> memref<16x512xf32, #tpu.memory_space<hbm>>
    tpu.wait_dma2 semaphore(%arg23 : memref<!tpu.dma_semaphore, #tpu.memory_space<semaphore_mem>>) src(%arg13 : memref<16x512xf32, #tpu.memory_space<vmem>>) dst(%dma_wait3A_48 : memref<16x512xf32, #tpu.memory_space<hbm>>)
    %add3A_49 = arith.constant 480 : i32
    %add3A_50 = arith.addi %mul3A_0, %add3A_49 : i32
    %dma_wait3A_51 = arith.constant 0 : i32
    %dma_wait3A_52 = tpu.memref_slice %arg8[%add3A_50, %arg0, %dma_wait3A_51] : memref<8192x2x512xf32, #tpu.memory_space<hbm>> -> memref<16x1x512xf32, #tpu.memory_space<hbm>>
    %dma_wait3A_53 = tpu.memref_squeeze %dma_wait3A_52 : memref<16x1x512xf32, #tpu.memory_space<hbm>> -> memref<16x512xf32, #tpu.memory_space<hbm>>
    %dma_wait3A_54 = arith.constant 0 : i32
    %dma_wait3A_55 = tpu.memref_slice %arg8[%add3A_50, %arg0, %dma_wait3A_54] : memref<8192x2x512xf32, #tpu.memory_space<hbm>> -> memref<16x1x512xf32, #tpu.memory_space<hbm>>
    %dma_wait3A_56 = tpu.memref_squeeze %dma_wait3A_55 : memref<16x1x512xf32, #tpu.memory_space<hbm>> -> memref<16x512xf32, #tpu.memory_space<hbm>>
    tpu.wait_dma2 semaphore(%arg24 : memref<!tpu.dma_semaphore, #tpu.memory_space<semaphore_mem>>) src(%arg14 : memref<16x512xf32, #tpu.memory_space<vmem>>) dst(%dma_wait3A_56 : memref<16x512xf32, #tpu.memory_space<hbm>>)
    %add3A_57 = arith.constant 496 : i32
    %add3A_58 = arith.addi %mul3A_0, %add3A_57 : i32
    %dma_wait3A_59 = arith.constant 0 : i32
    %dma_wait3A_60 = tpu.memref_slice %arg8[%add3A_58, %arg0, %dma_wait3A_59] : memref<8192x2x512xf32, #tpu.memory_space<hbm>> -> memref<16x1x512xf32, #tpu.memory_space<hbm>>
    %dma_wait3A_61 = tpu.memref_squeeze %dma_wait3A_60 : memref<16x1x512xf32, #tpu.memory_space<hbm>> -> memref<16x512xf32, #tpu.memory_space<hbm>>
    %dma_wait3A_62 = arith.constant 0 : i32
    %dma_wait3A_63 = tpu.memref_slice %arg8[%add3A_58, %arg0, %dma_wait3A_62] : memref<8192x2x512xf32, #tpu.memory_space<hbm>> -> memref<16x1x512xf32, #tpu.memory_space<hbm>>
    %dma_wait3A_64 = tpu.memref_squeeze %dma_wait3A_63 : memref<16x1x512xf32, #tpu.memory_space<hbm>> -> memref<16x512xf32, #tpu.memory_space<hbm>>
    tpu.wait_dma2 semaphore(%arg25 : memref<!tpu.dma_semaphore, #tpu.memory_space<semaphore_mem>>) src(%arg15 : memref<16x512xf32, #tpu.memory_space<vmem>>) dst(%dma_wait3A_64 : memref<16x512xf32, #tpu.memory_space<hbm>>)
    return
  }
}

module attributes {stable_mosaic.version = 14 : i64} {
  func.func @_maps_body(%arg0: memref<4x2048xi32, #tpu.memory_space<vmem>>, %arg1: memref<4x2048xi32, #tpu.memory_space<vmem>>, %arg2: memref<4x2048xi32, #tpu.memory_space<vmem>>, %arg3: memref<4x2048xi32, #tpu.memory_space<vmem>>, %arg4: memref<4x128xi32, #tpu.memory_space<vmem>>) attributes {dimension_semantics = [], scalar_prefetch = 0 : i64, scratch_operands = 0 : i64, tpu.core_type = #tpu.core_type<tc>} {
    %get3A = arith.constant 0 : index
    %get3A_0 = arith.constant 0 : index
    %get3A_1 = vector.load %arg0[%get3A, %get3A_0] : memref<4x2048xi32, #tpu.memory_space<vmem>>, vector<4x2048xi32>
    %ge3A = arith.constant 5 : i32
    %ge3A_2 = vector.broadcast %ge3A : i32 to vector<4x2048xi32>
    %ge3A_3 = arith.cmpi sge, %get3A_1, %ge3A_2 : vector<4x2048xi32>
    %le3A = arith.constant 8 : i32
    %le3A_4 = vector.broadcast %le3A : i32 to vector<4x2048xi32>
    %le3A_5 = arith.cmpi sle, %get3A_1, %le3A_4 : vector<4x2048xi32>
    %and3A = arith.andi %ge3A_3, %le3A_5 : vector<4x2048xi1>
    %ge3A_6 = arith.constant 9 : i32
    %ge3A_7 = vector.broadcast %ge3A_6 : i32 to vector<4x2048xi32>
    %ge3A_8 = arith.cmpi sge, %get3A_1, %ge3A_7 : vector<4x2048xi32>
    %le3A_9 = arith.constant 10 : i32
    %le3A_10 = vector.broadcast %le3A_9 : i32 to vector<4x2048xi32>
    %le3A_11 = arith.cmpi sle, %get3A_1, %le3A_10 : vector<4x2048xi32>
    %and3A_12 = arith.andi %ge3A_8, %le3A_11 : vector<4x2048xi1>
    %iota3A = tpu.iota {dimensions = array<i32: 1>} : vector<4x2048xi32>
    %eq3A = arith.constant 1 : i32
    %eq3A_13 = vector.broadcast %eq3A : i32 to vector<4x2048xi32>
    %eq3A_14 = arith.cmpi eq, %get3A_1, %eq3A_13 : vector<4x2048xi32>
    %convert_element_type3A = arith.extui %eq3A_14 : vector<4x2048xi1> to vector<4x2048xi32>
    %broadcast_in_dim3A = arith.constant 0 : i32
    %broadcast_in_dim3A_15 = vector.broadcast %broadcast_in_dim3A : i32 to vector<4x1xi32>
    %slice3A = vector.extract_strided_slice %convert_element_type3A {offsets = [0, 0], sizes = [4, 2047], strides = [1, 1]} : vector<4x2048xi32> to vector<4x2047xi32>
    %concatenate3A = tpu.concatenate %broadcast_in_dim3A_15, %slice3A in 1 : vector<4x1xi32>, vector<4x2047xi32> -> vector<4x2048xi32>
    %add3A = arith.addi %convert_element_type3A, %concatenate3A : vector<4x2048xi32>
    %broadcast_in_dim3A_16 = arith.constant 0 : i32
    %broadcast_in_dim3A_17 = vector.broadcast %broadcast_in_dim3A_16 : i32 to vector<4x2xi32>
    %slice3A_18 = vector.extract_strided_slice %add3A {offsets = [0, 0], sizes = [4, 2046], strides = [1, 1]} : vector<4x2048xi32> to vector<4x2046xi32>
    %concatenate3A_19 = tpu.concatenate %broadcast_in_dim3A_17, %slice3A_18 in 1 : vector<4x2xi32>, vector<4x2046xi32> -> vector<4x2048xi32>
    %add3A_20 = arith.addi %add3A, %concatenate3A_19 : vector<4x2048xi32>
    %broadcast_in_dim3A_21 = arith.constant 0 : i32
    %broadcast_in_dim3A_22 = vector.broadcast %broadcast_in_dim3A_21 : i32 to vector<4x4xi32>
    %slice3A_23 = vector.extract_strided_slice %add3A_20 {offsets = [0, 0], sizes = [4, 2044], strides = [1, 1]} : vector<4x2048xi32> to vector<4x2044xi32>
    %concatenate3A_24 = tpu.concatenate %broadcast_in_dim3A_22, %slice3A_23 in 1 : vector<4x4xi32>, vector<4x2044xi32> -> vector<4x2048xi32>
    %add3A_25 = arith.addi %add3A_20, %concatenate3A_24 : vector<4x2048xi32>
    %broadcast_in_dim3A_26 = arith.constant 0 : i32
    %broadcast_in_dim3A_27 = vector.broadcast %broadcast_in_dim3A_26 : i32 to vector<4x8xi32>
    %slice3A_28 = vector.extract_strided_slice %add3A_25 {offsets = [0, 0], sizes = [4, 2040], strides = [1, 1]} : vector<4x2048xi32> to vector<4x2040xi32>
    %concatenate3A_29 = tpu.concatenate %broadcast_in_dim3A_27, %slice3A_28 in 1 : vector<4x8xi32>, vector<4x2040xi32> -> vector<4x2048xi32>
    %add3A_30 = arith.addi %add3A_25, %concatenate3A_29 : vector<4x2048xi32>
    %broadcast_in_dim3A_31 = arith.constant 0 : i32
    %broadcast_in_dim3A_32 = vector.broadcast %broadcast_in_dim3A_31 : i32 to vector<4x16xi32>
    %slice3A_33 = vector.extract_strided_slice %add3A_30 {offsets = [0, 0], sizes = [4, 2032], strides = [1, 1]} : vector<4x2048xi32> to vector<4x2032xi32>
    %concatenate3A_34 = tpu.concatenate %broadcast_in_dim3A_32, %slice3A_33 in 1 : vector<4x16xi32>, vector<4x2032xi32> -> vector<4x2048xi32>
    %add3A_35 = arith.addi %add3A_30, %concatenate3A_34 : vector<4x2048xi32>
    %broadcast_in_dim3A_36 = arith.constant 0 : i32
    %broadcast_in_dim3A_37 = vector.broadcast %broadcast_in_dim3A_36 : i32 to vector<4x32xi32>
    %slice3A_38 = vector.extract_strided_slice %add3A_35 {offsets = [0, 0], sizes = [4, 2016], strides = [1, 1]} : vector<4x2048xi32> to vector<4x2016xi32>
    %concatenate3A_39 = tpu.concatenate %broadcast_in_dim3A_37, %slice3A_38 in 1 : vector<4x32xi32>, vector<4x2016xi32> -> vector<4x2048xi32>
    %add3A_40 = arith.addi %add3A_35, %concatenate3A_39 : vector<4x2048xi32>
    %broadcast_in_dim3A_41 = arith.constant 0 : i32
    %broadcast_in_dim3A_42 = vector.broadcast %broadcast_in_dim3A_41 : i32 to vector<4x64xi32>
    %slice3A_43 = vector.extract_strided_slice %add3A_40 {offsets = [0, 0], sizes = [4, 1984], strides = [1, 1]} : vector<4x2048xi32> to vector<4x1984xi32>
    %concatenate3A_44 = tpu.concatenate %broadcast_in_dim3A_42, %slice3A_43 in 1 : vector<4x64xi32>, vector<4x1984xi32> -> vector<4x2048xi32>
    %add3A_45 = arith.addi %add3A_40, %concatenate3A_44 : vector<4x2048xi32>
    %broadcast_in_dim3A_46 = arith.constant 0 : i32
    %broadcast_in_dim3A_47 = vector.broadcast %broadcast_in_dim3A_46 : i32 to vector<4x128xi32>
    %slice3A_48 = vector.extract_strided_slice %add3A_45 {offsets = [0, 0], sizes = [4, 1920], strides = [1, 1]} : vector<4x2048xi32> to vector<4x1920xi32>
    %concatenate3A_49 = tpu.concatenate %broadcast_in_dim3A_47, %slice3A_48 in 1 : vector<4x128xi32>, vector<4x1920xi32> -> vector<4x2048xi32>
    %add3A_50 = arith.addi %add3A_45, %concatenate3A_49 : vector<4x2048xi32>
    %broadcast_in_dim3A_51 = arith.constant 0 : i32
    %broadcast_in_dim3A_52 = vector.broadcast %broadcast_in_dim3A_51 : i32 to vector<4x256xi32>
    %slice3A_53 = vector.extract_strided_slice %add3A_50 {offsets = [0, 0], sizes = [4, 1792], strides = [1, 1]} : vector<4x2048xi32> to vector<4x1792xi32>
    %concatenate3A_54 = tpu.concatenate %broadcast_in_dim3A_52, %slice3A_53 in 1 : vector<4x256xi32>, vector<4x1792xi32> -> vector<4x2048xi32>
    %add3A_55 = arith.addi %add3A_50, %concatenate3A_54 : vector<4x2048xi32>
    %broadcast_in_dim3A_56 = arith.constant 0 : i32
    %broadcast_in_dim3A_57 = vector.broadcast %broadcast_in_dim3A_56 : i32 to vector<4x512xi32>
    %slice3A_58 = vector.extract_strided_slice %add3A_55 {offsets = [0, 0], sizes = [4, 1536], strides = [1, 1]} : vector<4x2048xi32> to vector<4x1536xi32>
    %concatenate3A_59 = tpu.concatenate %broadcast_in_dim3A_57, %slice3A_58 in 1 : vector<4x512xi32>, vector<4x1536xi32> -> vector<4x2048xi32>
    %add3A_60 = arith.addi %add3A_55, %concatenate3A_59 : vector<4x2048xi32>
    %broadcast_in_dim3A_61 = arith.constant 0 : i32
    %broadcast_in_dim3A_62 = vector.broadcast %broadcast_in_dim3A_61 : i32 to vector<4x1024xi32>
    %slice3A_63 = vector.extract_strided_slice %add3A_60 {offsets = [0, 0], sizes = [4, 1024], strides = [1, 1]} : vector<4x2048xi32> to vector<4x1024xi32>
    %concatenate3A_64 = tpu.concatenate %broadcast_in_dim3A_62, %slice3A_63 in 1 : vector<4x1024xi32>, vector<4x1024xi32> -> vector<4x2048xi32>
    %add3A_65 = arith.addi %add3A_60, %concatenate3A_64 : vector<4x2048xi32>
    %gt3A = arith.constant 0 : i32
    %gt3A_66 = vector.broadcast %gt3A : i32 to vector<4x2048xi32>
    %gt3A_67 = arith.cmpi sgt, %add3A_65, %gt3A_66 : vector<4x2048xi32>
    %convert_element_type3A_68 = arith.extui %and3A : vector<4x2048xi1> to vector<4x2048xi32>
    %broadcast_in_dim3A_69 = arith.constant 0 : i32
    %broadcast_in_dim3A_70 = vector.broadcast %broadcast_in_dim3A_69 : i32 to vector<4x1xi32>
    %slice3A_71 = vector.extract_strided_slice %convert_element_type3A_68 {offsets = [0, 0], sizes = [4, 2047], strides = [1, 1]} : vector<4x2048xi32> to vector<4x2047xi32>
    %concatenate3A_72 = tpu.concatenate %broadcast_in_dim3A_70, %slice3A_71 in 1 : vector<4x1xi32>, vector<4x2047xi32> -> vector<4x2048xi32>
    %add3A_73 = arith.addi %convert_element_type3A_68, %concatenate3A_72 : vector<4x2048xi32>
    %broadcast_in_dim3A_74 = arith.constant 0 : i32
    %broadcast_in_dim3A_75 = vector.broadcast %broadcast_in_dim3A_74 : i32 to vector<4x2xi32>
    %slice3A_76 = vector.extract_strided_slice %add3A_73 {offsets = [0, 0], sizes = [4, 2046], strides = [1, 1]} : vector<4x2048xi32> to vector<4x2046xi32>
    %concatenate3A_77 = tpu.concatenate %broadcast_in_dim3A_75, %slice3A_76 in 1 : vector<4x2xi32>, vector<4x2046xi32> -> vector<4x2048xi32>
    %add3A_78 = arith.addi %add3A_73, %concatenate3A_77 : vector<4x2048xi32>
    %broadcast_in_dim3A_79 = arith.constant 0 : i32
    %broadcast_in_dim3A_80 = vector.broadcast %broadcast_in_dim3A_79 : i32 to vector<4x4xi32>
    %slice3A_81 = vector.extract_strided_slice %add3A_78 {offsets = [0, 0], sizes = [4, 2044], strides = [1, 1]} : vector<4x2048xi32> to vector<4x2044xi32>
    %concatenate3A_82 = tpu.concatenate %broadcast_in_dim3A_80, %slice3A_81 in 1 : vector<4x4xi32>, vector<4x2044xi32> -> vector<4x2048xi32>
    %add3A_83 = arith.addi %add3A_78, %concatenate3A_82 : vector<4x2048xi32>
    %broadcast_in_dim3A_84 = arith.constant 0 : i32
    %broadcast_in_dim3A_85 = vector.broadcast %broadcast_in_dim3A_84 : i32 to vector<4x8xi32>
    %slice3A_86 = vector.extract_strided_slice %add3A_83 {offsets = [0, 0], sizes = [4, 2040], strides = [1, 1]} : vector<4x2048xi32> to vector<4x2040xi32>
    %concatenate3A_87 = tpu.concatenate %broadcast_in_dim3A_85, %slice3A_86 in 1 : vector<4x8xi32>, vector<4x2040xi32> -> vector<4x2048xi32>
    %add3A_88 = arith.addi %add3A_83, %concatenate3A_87 : vector<4x2048xi32>
    %broadcast_in_dim3A_89 = arith.constant 0 : i32
    %broadcast_in_dim3A_90 = vector.broadcast %broadcast_in_dim3A_89 : i32 to vector<4x16xi32>
    %slice3A_91 = vector.extract_strided_slice %add3A_88 {offsets = [0, 0], sizes = [4, 2032], strides = [1, 1]} : vector<4x2048xi32> to vector<4x2032xi32>
    %concatenate3A_92 = tpu.concatenate %broadcast_in_dim3A_90, %slice3A_91 in 1 : vector<4x16xi32>, vector<4x2032xi32> -> vector<4x2048xi32>
    %add3A_93 = arith.addi %add3A_88, %concatenate3A_92 : vector<4x2048xi32>
    %broadcast_in_dim3A_94 = arith.constant 0 : i32
    %broadcast_in_dim3A_95 = vector.broadcast %broadcast_in_dim3A_94 : i32 to vector<4x32xi32>
    %slice3A_96 = vector.extract_strided_slice %add3A_93 {offsets = [0, 0], sizes = [4, 2016], strides = [1, 1]} : vector<4x2048xi32> to vector<4x2016xi32>
    %concatenate3A_97 = tpu.concatenate %broadcast_in_dim3A_95, %slice3A_96 in 1 : vector<4x32xi32>, vector<4x2016xi32> -> vector<4x2048xi32>
    %add3A_98 = arith.addi %add3A_93, %concatenate3A_97 : vector<4x2048xi32>
    %broadcast_in_dim3A_99 = arith.constant 0 : i32
    %broadcast_in_dim3A_100 = vector.broadcast %broadcast_in_dim3A_99 : i32 to vector<4x64xi32>
    %slice3A_101 = vector.extract_strided_slice %add3A_98 {offsets = [0, 0], sizes = [4, 1984], strides = [1, 1]} : vector<4x2048xi32> to vector<4x1984xi32>
    %concatenate3A_102 = tpu.concatenate %broadcast_in_dim3A_100, %slice3A_101 in 1 : vector<4x64xi32>, vector<4x1984xi32> -> vector<4x2048xi32>
    %add3A_103 = arith.addi %add3A_98, %concatenate3A_102 : vector<4x2048xi32>
    %broadcast_in_dim3A_104 = arith.constant 0 : i32
    %broadcast_in_dim3A_105 = vector.broadcast %broadcast_in_dim3A_104 : i32 to vector<4x128xi32>
    %slice3A_106 = vector.extract_strided_slice %add3A_103 {offsets = [0, 0], sizes = [4, 1920], strides = [1, 1]} : vector<4x2048xi32> to vector<4x1920xi32>
    %concatenate3A_107 = tpu.concatenate %broadcast_in_dim3A_105, %slice3A_106 in 1 : vector<4x128xi32>, vector<4x1920xi32> -> vector<4x2048xi32>
    %add3A_108 = arith.addi %add3A_103, %concatenate3A_107 : vector<4x2048xi32>
    %broadcast_in_dim3A_109 = arith.constant 0 : i32
    %broadcast_in_dim3A_110 = vector.broadcast %broadcast_in_dim3A_109 : i32 to vector<4x256xi32>
    %slice3A_111 = vector.extract_strided_slice %add3A_108 {offsets = [0, 0], sizes = [4, 1792], strides = [1, 1]} : vector<4x2048xi32> to vector<4x1792xi32>
    %concatenate3A_112 = tpu.concatenate %broadcast_in_dim3A_110, %slice3A_111 in 1 : vector<4x256xi32>, vector<4x1792xi32> -> vector<4x2048xi32>
    %add3A_113 = arith.addi %add3A_108, %concatenate3A_112 : vector<4x2048xi32>
    %broadcast_in_dim3A_114 = arith.constant 0 : i32
    %broadcast_in_dim3A_115 = vector.broadcast %broadcast_in_dim3A_114 : i32 to vector<4x512xi32>
    %slice3A_116 = vector.extract_strided_slice %add3A_113 {offsets = [0, 0], sizes = [4, 1536], strides = [1, 1]} : vector<4x2048xi32> to vector<4x1536xi32>
    %concatenate3A_117 = tpu.concatenate %broadcast_in_dim3A_115, %slice3A_116 in 1 : vector<4x512xi32>, vector<4x1536xi32> -> vector<4x2048xi32>
    %add3A_118 = arith.addi %add3A_113, %concatenate3A_117 : vector<4x2048xi32>
    %broadcast_in_dim3A_119 = arith.constant 0 : i32
    %broadcast_in_dim3A_120 = vector.broadcast %broadcast_in_dim3A_119 : i32 to vector<4x1024xi32>
    %slice3A_121 = vector.extract_strided_slice %add3A_118 {offsets = [0, 0], sizes = [4, 1024], strides = [1, 1]} : vector<4x2048xi32> to vector<4x1024xi32>
    %concatenate3A_122 = tpu.concatenate %broadcast_in_dim3A_120, %slice3A_121 in 1 : vector<4x1024xi32>, vector<4x1024xi32> -> vector<4x2048xi32>
    %add3A_123 = arith.addi %add3A_118, %concatenate3A_122 : vector<4x2048xi32>
    %convert_element_type3A_124 = arith.extui %and3A_12 : vector<4x2048xi1> to vector<4x2048xi32>
    %broadcast_in_dim3A_125 = arith.constant 0 : i32
    %broadcast_in_dim3A_126 = vector.broadcast %broadcast_in_dim3A_125 : i32 to vector<4x1xi32>
    %slice3A_127 = vector.extract_strided_slice %convert_element_type3A_124 {offsets = [0, 0], sizes = [4, 2047], strides = [1, 1]} : vector<4x2048xi32> to vector<4x2047xi32>
    %concatenate3A_128 = tpu.concatenate %broadcast_in_dim3A_126, %slice3A_127 in 1 : vector<4x1xi32>, vector<4x2047xi32> -> vector<4x2048xi32>
    %add3A_129 = arith.addi %convert_element_type3A_124, %concatenate3A_128 : vector<4x2048xi32>
    %broadcast_in_dim3A_130 = arith.constant 0 : i32
    %broadcast_in_dim3A_131 = vector.broadcast %broadcast_in_dim3A_130 : i32 to vector<4x2xi32>
    %slice3A_132 = vector.extract_strided_slice %add3A_129 {offsets = [0, 0], sizes = [4, 2046], strides = [1, 1]} : vector<4x2048xi32> to vector<4x2046xi32>
    %concatenate3A_133 = tpu.concatenate %broadcast_in_dim3A_131, %slice3A_132 in 1 : vector<4x2xi32>, vector<4x2046xi32> -> vector<4x2048xi32>
    %add3A_134 = arith.addi %add3A_129, %concatenate3A_133 : vector<4x2048xi32>
    %broadcast_in_dim3A_135 = arith.constant 0 : i32
    %broadcast_in_dim3A_136 = vector.broadcast %broadcast_in_dim3A_135 : i32 to vector<4x4xi32>
    %slice3A_137 = vector.extract_strided_slice %add3A_134 {offsets = [0, 0], sizes = [4, 2044], strides = [1, 1]} : vector<4x2048xi32> to vector<4x2044xi32>
    %concatenate3A_138 = tpu.concatenate %broadcast_in_dim3A_136, %slice3A_137 in 1 : vector<4x4xi32>, vector<4x2044xi32> -> vector<4x2048xi32>
    %add3A_139 = arith.addi %add3A_134, %concatenate3A_138 : vector<4x2048xi32>
    %broadcast_in_dim3A_140 = arith.constant 0 : i32
    %broadcast_in_dim3A_141 = vector.broadcast %broadcast_in_dim3A_140 : i32 to vector<4x8xi32>
    %slice3A_142 = vector.extract_strided_slice %add3A_139 {offsets = [0, 0], sizes = [4, 2040], strides = [1, 1]} : vector<4x2048xi32> to vector<4x2040xi32>
    %concatenate3A_143 = tpu.concatenate %broadcast_in_dim3A_141, %slice3A_142 in 1 : vector<4x8xi32>, vector<4x2040xi32> -> vector<4x2048xi32>
    %add3A_144 = arith.addi %add3A_139, %concatenate3A_143 : vector<4x2048xi32>
    %broadcast_in_dim3A_145 = arith.constant 0 : i32
    %broadcast_in_dim3A_146 = vector.broadcast %broadcast_in_dim3A_145 : i32 to vector<4x16xi32>
    %slice3A_147 = vector.extract_strided_slice %add3A_144 {offsets = [0, 0], sizes = [4, 2032], strides = [1, 1]} : vector<4x2048xi32> to vector<4x2032xi32>
    %concatenate3A_148 = tpu.concatenate %broadcast_in_dim3A_146, %slice3A_147 in 1 : vector<4x16xi32>, vector<4x2032xi32> -> vector<4x2048xi32>
    %add3A_149 = arith.addi %add3A_144, %concatenate3A_148 : vector<4x2048xi32>
    %broadcast_in_dim3A_150 = arith.constant 0 : i32
    %broadcast_in_dim3A_151 = vector.broadcast %broadcast_in_dim3A_150 : i32 to vector<4x32xi32>
    %slice3A_152 = vector.extract_strided_slice %add3A_149 {offsets = [0, 0], sizes = [4, 2016], strides = [1, 1]} : vector<4x2048xi32> to vector<4x2016xi32>
    %concatenate3A_153 = tpu.concatenate %broadcast_in_dim3A_151, %slice3A_152 in 1 : vector<4x32xi32>, vector<4x2016xi32> -> vector<4x2048xi32>
    %add3A_154 = arith.addi %add3A_149, %concatenate3A_153 : vector<4x2048xi32>
    %broadcast_in_dim3A_155 = arith.constant 0 : i32
    %broadcast_in_dim3A_156 = vector.broadcast %broadcast_in_dim3A_155 : i32 to vector<4x64xi32>
    %slice3A_157 = vector.extract_strided_slice %add3A_154 {offsets = [0, 0], sizes = [4, 1984], strides = [1, 1]} : vector<4x2048xi32> to vector<4x1984xi32>
    %concatenate3A_158 = tpu.concatenate %broadcast_in_dim3A_156, %slice3A_157 in 1 : vector<4x64xi32>, vector<4x1984xi32> -> vector<4x2048xi32>
    %add3A_159 = arith.addi %add3A_154, %concatenate3A_158 : vector<4x2048xi32>
    %broadcast_in_dim3A_160 = arith.constant 0 : i32
    %broadcast_in_dim3A_161 = vector.broadcast %broadcast_in_dim3A_160 : i32 to vector<4x128xi32>
    %slice3A_162 = vector.extract_strided_slice %add3A_159 {offsets = [0, 0], sizes = [4, 1920], strides = [1, 1]} : vector<4x2048xi32> to vector<4x1920xi32>
    %concatenate3A_163 = tpu.concatenate %broadcast_in_dim3A_161, %slice3A_162 in 1 : vector<4x128xi32>, vector<4x1920xi32> -> vector<4x2048xi32>
    %add3A_164 = arith.addi %add3A_159, %concatenate3A_163 : vector<4x2048xi32>
    %broadcast_in_dim3A_165 = arith.constant 0 : i32
    %broadcast_in_dim3A_166 = vector.broadcast %broadcast_in_dim3A_165 : i32 to vector<4x256xi32>
    %slice3A_167 = vector.extract_strided_slice %add3A_164 {offsets = [0, 0], sizes = [4, 1792], strides = [1, 1]} : vector<4x2048xi32> to vector<4x1792xi32>
    %concatenate3A_168 = tpu.concatenate %broadcast_in_dim3A_166, %slice3A_167 in 1 : vector<4x256xi32>, vector<4x1792xi32> -> vector<4x2048xi32>
    %add3A_169 = arith.addi %add3A_164, %concatenate3A_168 : vector<4x2048xi32>
    %broadcast_in_dim3A_170 = arith.constant 0 : i32
    %broadcast_in_dim3A_171 = vector.broadcast %broadcast_in_dim3A_170 : i32 to vector<4x512xi32>
    %slice3A_172 = vector.extract_strided_slice %add3A_169 {offsets = [0, 0], sizes = [4, 1536], strides = [1, 1]} : vector<4x2048xi32> to vector<4x1536xi32>
    %concatenate3A_173 = tpu.concatenate %broadcast_in_dim3A_171, %slice3A_172 in 1 : vector<4x512xi32>, vector<4x1536xi32> -> vector<4x2048xi32>
    %add3A_174 = arith.addi %add3A_169, %concatenate3A_173 : vector<4x2048xi32>
    %broadcast_in_dim3A_175 = arith.constant 0 : i32
    %broadcast_in_dim3A_176 = vector.broadcast %broadcast_in_dim3A_175 : i32 to vector<4x1024xi32>
    %slice3A_177 = vector.extract_strided_slice %add3A_174 {offsets = [0, 0], sizes = [4, 1024], strides = [1, 1]} : vector<4x2048xi32> to vector<4x1024xi32>
    %concatenate3A_178 = tpu.concatenate %broadcast_in_dim3A_176, %slice3A_177 in 1 : vector<4x1024xi32>, vector<4x1024xi32> -> vector<4x2048xi32>
    %add3A_179 = arith.addi %add3A_174, %concatenate3A_178 : vector<4x2048xi32>
    %or3A = arith.ori %and3A, %and3A_12 : vector<4x2048xi1>
    %jit3A = arith.constant -1 : i32
    %broadcast_in_dim3A_180 = vector.broadcast %jit3A : i32 to vector<4x2048xi32>
    %select_n3A = arith.select %or3A, %iota3A, %broadcast_in_dim3A_180 : vector<4x2048xi1>, vector<4x2048xi32>
    %broadcast_in_dim3A_181 = arith.constant -1 : i32
    %broadcast_in_dim3A_182 = vector.broadcast %broadcast_in_dim3A_181 : i32 to vector<4x1xi32>
    %slice3A_183 = vector.extract_strided_slice %select_n3A {offsets = [0, 0], sizes = [4, 2047], strides = [1, 1]} : vector<4x2048xi32> to vector<4x2047xi32>
    %concatenate3A_184 = tpu.concatenate %broadcast_in_dim3A_182, %slice3A_183 in 1 : vector<4x1xi32>, vector<4x2047xi32> -> vector<4x2048xi32>
    %max3A = arith.maxsi %select_n3A, %concatenate3A_184 : vector<4x2048xi32>
    %broadcast_in_dim3A_185 = arith.constant -1 : i32
    %broadcast_in_dim3A_186 = vector.broadcast %broadcast_in_dim3A_185 : i32 to vector<4x2xi32>
    %slice3A_187 = vector.extract_strided_slice %max3A {offsets = [0, 0], sizes = [4, 2046], strides = [1, 1]} : vector<4x2048xi32> to vector<4x2046xi32>
    %concatenate3A_188 = tpu.concatenate %broadcast_in_dim3A_186, %slice3A_187 in 1 : vector<4x2xi32>, vector<4x2046xi32> -> vector<4x2048xi32>
    %max3A_189 = arith.maxsi %max3A, %concatenate3A_188 : vector<4x2048xi32>
    %broadcast_in_dim3A_190 = arith.constant -1 : i32
    %broadcast_in_dim3A_191 = vector.broadcast %broadcast_in_dim3A_190 : i32 to vector<4x4xi32>
    %slice3A_192 = vector.extract_strided_slice %max3A_189 {offsets = [0, 0], sizes = [4, 2044], strides = [1, 1]} : vector<4x2048xi32> to vector<4x2044xi32>
    %concatenate3A_193 = tpu.concatenate %broadcast_in_dim3A_191, %slice3A_192 in 1 : vector<4x4xi32>, vector<4x2044xi32> -> vector<4x2048xi32>
    %max3A_194 = arith.maxsi %max3A_189, %concatenate3A_193 : vector<4x2048xi32>
    %broadcast_in_dim3A_195 = arith.constant -1 : i32
    %broadcast_in_dim3A_196 = vector.broadcast %broadcast_in_dim3A_195 : i32 to vector<4x8xi32>
    %slice3A_197 = vector.extract_strided_slice %max3A_194 {offsets = [0, 0], sizes = [4, 2040], strides = [1, 1]} : vector<4x2048xi32> to vector<4x2040xi32>
    %concatenate3A_198 = tpu.concatenate %broadcast_in_dim3A_196, %slice3A_197 in 1 : vector<4x8xi32>, vector<4x2040xi32> -> vector<4x2048xi32>
    %max3A_199 = arith.maxsi %max3A_194, %concatenate3A_198 : vector<4x2048xi32>
    %broadcast_in_dim3A_200 = arith.constant -1 : i32
    %broadcast_in_dim3A_201 = vector.broadcast %broadcast_in_dim3A_200 : i32 to vector<4x16xi32>
    %slice3A_202 = vector.extract_strided_slice %max3A_199 {offsets = [0, 0], sizes = [4, 2032], strides = [1, 1]} : vector<4x2048xi32> to vector<4x2032xi32>
    %concatenate3A_203 = tpu.concatenate %broadcast_in_dim3A_201, %slice3A_202 in 1 : vector<4x16xi32>, vector<4x2032xi32> -> vector<4x2048xi32>
    %max3A_204 = arith.maxsi %max3A_199, %concatenate3A_203 : vector<4x2048xi32>
    %broadcast_in_dim3A_205 = arith.constant -1 : i32
    %broadcast_in_dim3A_206 = vector.broadcast %broadcast_in_dim3A_205 : i32 to vector<4x32xi32>
    %slice3A_207 = vector.extract_strided_slice %max3A_204 {offsets = [0, 0], sizes = [4, 2016], strides = [1, 1]} : vector<4x2048xi32> to vector<4x2016xi32>
    %concatenate3A_208 = tpu.concatenate %broadcast_in_dim3A_206, %slice3A_207 in 1 : vector<4x32xi32>, vector<4x2016xi32> -> vector<4x2048xi32>
    %max3A_209 = arith.maxsi %max3A_204, %concatenate3A_208 : vector<4x2048xi32>
    %broadcast_in_dim3A_210 = arith.constant -1 : i32
    %broadcast_in_dim3A_211 = vector.broadcast %broadcast_in_dim3A_210 : i32 to vector<4x64xi32>
    %slice3A_212 = vector.extract_strided_slice %max3A_209 {offsets = [0, 0], sizes = [4, 1984], strides = [1, 1]} : vector<4x2048xi32> to vector<4x1984xi32>
    %concatenate3A_213 = tpu.concatenate %broadcast_in_dim3A_211, %slice3A_212 in 1 : vector<4x64xi32>, vector<4x1984xi32> -> vector<4x2048xi32>
    %max3A_214 = arith.maxsi %max3A_209, %concatenate3A_213 : vector<4x2048xi32>
    %broadcast_in_dim3A_215 = arith.constant -1 : i32
    %broadcast_in_dim3A_216 = vector.broadcast %broadcast_in_dim3A_215 : i32 to vector<4x128xi32>
    %slice3A_217 = vector.extract_strided_slice %max3A_214 {offsets = [0, 0], sizes = [4, 1920], strides = [1, 1]} : vector<4x2048xi32> to vector<4x1920xi32>
    %concatenate3A_218 = tpu.concatenate %broadcast_in_dim3A_216, %slice3A_217 in 1 : vector<4x128xi32>, vector<4x1920xi32> -> vector<4x2048xi32>
    %max3A_219 = arith.maxsi %max3A_214, %concatenate3A_218 : vector<4x2048xi32>
    %broadcast_in_dim3A_220 = arith.constant -1 : i32
    %broadcast_in_dim3A_221 = vector.broadcast %broadcast_in_dim3A_220 : i32 to vector<4x256xi32>
    %slice3A_222 = vector.extract_strided_slice %max3A_219 {offsets = [0, 0], sizes = [4, 1792], strides = [1, 1]} : vector<4x2048xi32> to vector<4x1792xi32>
    %concatenate3A_223 = tpu.concatenate %broadcast_in_dim3A_221, %slice3A_222 in 1 : vector<4x256xi32>, vector<4x1792xi32> -> vector<4x2048xi32>
    %max3A_224 = arith.maxsi %max3A_219, %concatenate3A_223 : vector<4x2048xi32>
    %broadcast_in_dim3A_225 = arith.constant -1 : i32
    %broadcast_in_dim3A_226 = vector.broadcast %broadcast_in_dim3A_225 : i32 to vector<4x512xi32>
    %slice3A_227 = vector.extract_strided_slice %max3A_224 {offsets = [0, 0], sizes = [4, 1536], strides = [1, 1]} : vector<4x2048xi32> to vector<4x1536xi32>
    %concatenate3A_228 = tpu.concatenate %broadcast_in_dim3A_226, %slice3A_227 in 1 : vector<4x512xi32>, vector<4x1536xi32> -> vector<4x2048xi32>
    %max3A_229 = arith.maxsi %max3A_224, %concatenate3A_228 : vector<4x2048xi32>
    %broadcast_in_dim3A_230 = arith.constant -1 : i32
    %broadcast_in_dim3A_231 = vector.broadcast %broadcast_in_dim3A_230 : i32 to vector<4x1024xi32>
    %slice3A_232 = vector.extract_strided_slice %max3A_229 {offsets = [0, 0], sizes = [4, 1024], strides = [1, 1]} : vector<4x2048xi32> to vector<4x1024xi32>
    %concatenate3A_233 = tpu.concatenate %broadcast_in_dim3A_231, %slice3A_232 in 1 : vector<4x1024xi32>, vector<4x1024xi32> -> vector<4x2048xi32>
    %max3A_234 = arith.maxsi %max3A_229, %concatenate3A_233 : vector<4x2048xi32>
    %ge3A_235 = arith.constant 0 : i32
    %ge3A_236 = vector.broadcast %ge3A_235 : i32 to vector<4x2048xi32>
    %ge3A_237 = arith.cmpi sge, %max3A_234, %ge3A_236 : vector<4x2048xi32>
    %sub3A = arith.subi %iota3A, %max3A_234 : vector<4x2048xi32>
    %add3A_238 = arith.constant 1 : i32
    %add3A_239 = vector.broadcast %add3A_238 : i32 to vector<4x2048xi32>
    %add3A_240 = arith.addi %iota3A, %add3A_239 : vector<4x2048xi32>
    %add3A_241 = arith.constant 2 : i32
    %add3A_242 = vector.broadcast %add3A_241 : i32 to vector<4x2048xi32>
    %add3A_243 = arith.addi %add3A_240, %add3A_242 : vector<4x2048xi32>
    %select_n3A_244 = arith.select %ge3A_237, %sub3A, %add3A_243 : vector<4x2048xi1>, vector<4x2048xi32>
    %eq3A_245 = arith.constant 2050 : i32
    %eq3A_246 = vector.broadcast %eq3A_245 : i32 to vector<4x2048xi32>
    %eq3A_247 = arith.cmpi eq, %select_n3A_244, %eq3A_246 : vector<4x2048xi32>
    %jit3A_248 = arith.constant 0 : i32
    %broadcast_in_dim3A_249 = vector.broadcast %jit3A_248 : i32 to vector<4x2048xi32>
    %select_n3A_250 = arith.select %eq3A_247, %broadcast_in_dim3A_249, %select_n3A_244 : vector<4x2048xi1>, vector<4x2048xi32>
    %jit3A_251 = arith.constant 0 : i32
    %broadcast_in_dim3A_252 = vector.broadcast %jit3A_251 : i32 to vector<4x2048xi32>
    %select_n3A_253 = arith.select %and3A_12, %add3A_123, %broadcast_in_dim3A_252 : vector<4x2048xi1>, vector<4x2048xi32>
    %broadcast_in_dim3A_254 = arith.constant 0 : i32
    %broadcast_in_dim3A_255 = vector.broadcast %broadcast_in_dim3A_254 : i32 to vector<4x1xi32>
    %slice3A_256 = vector.extract_strided_slice %select_n3A_253 {offsets = [0, 0], sizes = [4, 2047], strides = [1, 1]} : vector<4x2048xi32> to vector<4x2047xi32>
    %concatenate3A_257 = tpu.concatenate %broadcast_in_dim3A_255, %slice3A_256 in 1 : vector<4x1xi32>, vector<4x2047xi32> -> vector<4x2048xi32>
    %max3A_258 = arith.maxsi %select_n3A_253, %concatenate3A_257 : vector<4x2048xi32>
    %broadcast_in_dim3A_259 = arith.constant 0 : i32
    %broadcast_in_dim3A_260 = vector.broadcast %broadcast_in_dim3A_259 : i32 to vector<4x2xi32>
    %slice3A_261 = vector.extract_strided_slice %max3A_258 {offsets = [0, 0], sizes = [4, 2046], strides = [1, 1]} : vector<4x2048xi32> to vector<4x2046xi32>
    %concatenate3A_262 = tpu.concatenate %broadcast_in_dim3A_260, %slice3A_261 in 1 : vector<4x2xi32>, vector<4x2046xi32> -> vector<4x2048xi32>
    %max3A_263 = arith.maxsi %max3A_258, %concatenate3A_262 : vector<4x2048xi32>
    %broadcast_in_dim3A_264 = arith.constant 0 : i32
    %broadcast_in_dim3A_265 = vector.broadcast %broadcast_in_dim3A_264 : i32 to vector<4x4xi32>
    %slice3A_266 = vector.extract_strided_slice %max3A_263 {offsets = [0, 0], sizes = [4, 2044], strides = [1, 1]} : vector<4x2048xi32> to vector<4x2044xi32>
    %concatenate3A_267 = tpu.concatenate %broadcast_in_dim3A_265, %slice3A_266 in 1 : vector<4x4xi32>, vector<4x2044xi32> -> vector<4x2048xi32>
    %max3A_268 = arith.maxsi %max3A_263, %concatenate3A_267 : vector<4x2048xi32>
    %broadcast_in_dim3A_269 = arith.constant 0 : i32
    %broadcast_in_dim3A_270 = vector.broadcast %broadcast_in_dim3A_269 : i32 to vector<4x8xi32>
    %slice3A_271 = vector.extract_strided_slice %max3A_268 {offsets = [0, 0], sizes = [4, 2040], strides = [1, 1]} : vector<4x2048xi32> to vector<4x2040xi32>
    %concatenate3A_272 = tpu.concatenate %broadcast_in_dim3A_270, %slice3A_271 in 1 : vector<4x8xi32>, vector<4x2040xi32> -> vector<4x2048xi32>
    %max3A_273 = arith.maxsi %max3A_268, %concatenate3A_272 : vector<4x2048xi32>
    %broadcast_in_dim3A_274 = arith.constant 0 : i32
    %broadcast_in_dim3A_275 = vector.broadcast %broadcast_in_dim3A_274 : i32 to vector<4x16xi32>
    %slice3A_276 = vector.extract_strided_slice %max3A_273 {offsets = [0, 0], sizes = [4, 2032], strides = [1, 1]} : vector<4x2048xi32> to vector<4x2032xi32>
    %concatenate3A_277 = tpu.concatenate %broadcast_in_dim3A_275, %slice3A_276 in 1 : vector<4x16xi32>, vector<4x2032xi32> -> vector<4x2048xi32>
    %max3A_278 = arith.maxsi %max3A_273, %concatenate3A_277 : vector<4x2048xi32>
    %broadcast_in_dim3A_279 = arith.constant 0 : i32
    %broadcast_in_dim3A_280 = vector.broadcast %broadcast_in_dim3A_279 : i32 to vector<4x32xi32>
    %slice3A_281 = vector.extract_strided_slice %max3A_278 {offsets = [0, 0], sizes = [4, 2016], strides = [1, 1]} : vector<4x2048xi32> to vector<4x2016xi32>
    %concatenate3A_282 = tpu.concatenate %broadcast_in_dim3A_280, %slice3A_281 in 1 : vector<4x32xi32>, vector<4x2016xi32> -> vector<4x2048xi32>
    %max3A_283 = arith.maxsi %max3A_278, %concatenate3A_282 : vector<4x2048xi32>
    %broadcast_in_dim3A_284 = arith.constant 0 : i32
    %broadcast_in_dim3A_285 = vector.broadcast %broadcast_in_dim3A_284 : i32 to vector<4x64xi32>
    %slice3A_286 = vector.extract_strided_slice %max3A_283 {offsets = [0, 0], sizes = [4, 1984], strides = [1, 1]} : vector<4x2048xi32> to vector<4x1984xi32>
    %concatenate3A_287 = tpu.concatenate %broadcast_in_dim3A_285, %slice3A_286 in 1 : vector<4x64xi32>, vector<4x1984xi32> -> vector<4x2048xi32>
    %max3A_288 = arith.maxsi %max3A_283, %concatenate3A_287 : vector<4x2048xi32>
    %broadcast_in_dim3A_289 = arith.constant 0 : i32
    %broadcast_in_dim3A_290 = vector.broadcast %broadcast_in_dim3A_289 : i32 to vector<4x128xi32>
    %slice3A_291 = vector.extract_strided_slice %max3A_288 {offsets = [0, 0], sizes = [4, 1920], strides = [1, 1]} : vector<4x2048xi32> to vector<4x1920xi32>
    %concatenate3A_292 = tpu.concatenate %broadcast_in_dim3A_290, %slice3A_291 in 1 : vector<4x128xi32>, vector<4x1920xi32> -> vector<4x2048xi32>
    %max3A_293 = arith.maxsi %max3A_288, %concatenate3A_292 : vector<4x2048xi32>
    %broadcast_in_dim3A_294 = arith.constant 0 : i32
    %broadcast_in_dim3A_295 = vector.broadcast %broadcast_in_dim3A_294 : i32 to vector<4x256xi32>
    %slice3A_296 = vector.extract_strided_slice %max3A_293 {offsets = [0, 0], sizes = [4, 1792], strides = [1, 1]} : vector<4x2048xi32> to vector<4x1792xi32>
    %concatenate3A_297 = tpu.concatenate %broadcast_in_dim3A_295, %slice3A_296 in 1 : vector<4x256xi32>, vector<4x1792xi32> -> vector<4x2048xi32>
    %max3A_298 = arith.maxsi %max3A_293, %concatenate3A_297 : vector<4x2048xi32>
    %broadcast_in_dim3A_299 = arith.constant 0 : i32
    %broadcast_in_dim3A_300 = vector.broadcast %broadcast_in_dim3A_299 : i32 to vector<4x512xi32>
    %slice3A_301 = vector.extract_strided_slice %max3A_298 {offsets = [0, 0], sizes = [4, 1536], strides = [1, 1]} : vector<4x2048xi32> to vector<4x1536xi32>
    %concatenate3A_302 = tpu.concatenate %broadcast_in_dim3A_300, %slice3A_301 in 1 : vector<4x512xi32>, vector<4x1536xi32> -> vector<4x2048xi32>
    %max3A_303 = arith.maxsi %max3A_298, %concatenate3A_302 : vector<4x2048xi32>
    %broadcast_in_dim3A_304 = arith.constant 0 : i32
    %broadcast_in_dim3A_305 = vector.broadcast %broadcast_in_dim3A_304 : i32 to vector<4x1024xi32>
    %slice3A_306 = vector.extract_strided_slice %max3A_303 {offsets = [0, 0], sizes = [4, 1024], strides = [1, 1]} : vector<4x2048xi32> to vector<4x1024xi32>
    %concatenate3A_307 = tpu.concatenate %broadcast_in_dim3A_305, %slice3A_306 in 1 : vector<4x1024xi32>, vector<4x1024xi32> -> vector<4x2048xi32>
    %max3A_308 = arith.maxsi %max3A_303, %concatenate3A_307 : vector<4x2048xi32>
    %sub3A_309 = arith.subi %add3A_123, %max3A_308 : vector<4x2048xi32>
    %and3A_310 = arith.constant 63 : i32
    %and3A_311 = vector.broadcast %and3A_310 : i32 to vector<4x2048xi32>
    %and3A_312 = arith.andi %sub3A_309, %and3A_311 : vector<4x2048xi32>
    %eq3A_313 = arith.constant 0 : i32
    %eq3A_314 = vector.broadcast %eq3A_313 : i32 to vector<4x2048xi32>
    %eq3A_315 = arith.cmpi eq, %and3A_312, %eq3A_314 : vector<4x2048xi32>
    %and3A_316 = arith.andi %and3A, %eq3A_315 : vector<4x2048xi1>
    %convert_element_type3A_317 = arith.extui %and3A_316 : vector<4x2048xi1> to vector<4x2048xi32>
    %broadcast_in_dim3A_318 = arith.constant 0 : i32
    %broadcast_in_dim3A_319 = vector.broadcast %broadcast_in_dim3A_318 : i32 to vector<4x1xi32>
    %slice3A_320 = vector.extract_strided_slice %convert_element_type3A_317 {offsets = [0, 0], sizes = [4, 2047], strides = [1, 1]} : vector<4x2048xi32> to vector<4x2047xi32>
    %concatenate3A_321 = tpu.concatenate %broadcast_in_dim3A_319, %slice3A_320 in 1 : vector<4x1xi32>, vector<4x2047xi32> -> vector<4x2048xi32>
    %add3A_322 = arith.addi %convert_element_type3A_317, %concatenate3A_321 : vector<4x2048xi32>
    %broadcast_in_dim3A_323 = arith.constant 0 : i32
    %broadcast_in_dim3A_324 = vector.broadcast %broadcast_in_dim3A_323 : i32 to vector<4x2xi32>
    %slice3A_325 = vector.extract_strided_slice %add3A_322 {offsets = [0, 0], sizes = [4, 2046], strides = [1, 1]} : vector<4x2048xi32> to vector<4x2046xi32>
    %concatenate3A_326 = tpu.concatenate %broadcast_in_dim3A_324, %slice3A_325 in 1 : vector<4x2xi32>, vector<4x2046xi32> -> vector<4x2048xi32>
    %add3A_327 = arith.addi %add3A_322, %concatenate3A_326 : vector<4x2048xi32>
    %broadcast_in_dim3A_328 = arith.constant 0 : i32
    %broadcast_in_dim3A_329 = vector.broadcast %broadcast_in_dim3A_328 : i32 to vector<4x4xi32>
    %slice3A_330 = vector.extract_strided_slice %add3A_327 {offsets = [0, 0], sizes = [4, 2044], strides = [1, 1]} : vector<4x2048xi32> to vector<4x2044xi32>
    %concatenate3A_331 = tpu.concatenate %broadcast_in_dim3A_329, %slice3A_330 in 1 : vector<4x4xi32>, vector<4x2044xi32> -> vector<4x2048xi32>
    %add3A_332 = arith.addi %add3A_327, %concatenate3A_331 : vector<4x2048xi32>
    %broadcast_in_dim3A_333 = arith.constant 0 : i32
    %broadcast_in_dim3A_334 = vector.broadcast %broadcast_in_dim3A_333 : i32 to vector<4x8xi32>
    %slice3A_335 = vector.extract_strided_slice %add3A_332 {offsets = [0, 0], sizes = [4, 2040], strides = [1, 1]} : vector<4x2048xi32> to vector<4x2040xi32>
    %concatenate3A_336 = tpu.concatenate %broadcast_in_dim3A_334, %slice3A_335 in 1 : vector<4x8xi32>, vector<4x2040xi32> -> vector<4x2048xi32>
    %add3A_337 = arith.addi %add3A_332, %concatenate3A_336 : vector<4x2048xi32>
    %broadcast_in_dim3A_338 = arith.constant 0 : i32
    %broadcast_in_dim3A_339 = vector.broadcast %broadcast_in_dim3A_338 : i32 to vector<4x16xi32>
    %slice3A_340 = vector.extract_strided_slice %add3A_337 {offsets = [0, 0], sizes = [4, 2032], strides = [1, 1]} : vector<4x2048xi32> to vector<4x2032xi32>
    %concatenate3A_341 = tpu.concatenate %broadcast_in_dim3A_339, %slice3A_340 in 1 : vector<4x16xi32>, vector<4x2032xi32> -> vector<4x2048xi32>
    %add3A_342 = arith.addi %add3A_337, %concatenate3A_341 : vector<4x2048xi32>
    %broadcast_in_dim3A_343 = arith.constant 0 : i32
    %broadcast_in_dim3A_344 = vector.broadcast %broadcast_in_dim3A_343 : i32 to vector<4x32xi32>
    %slice3A_345 = vector.extract_strided_slice %add3A_342 {offsets = [0, 0], sizes = [4, 2016], strides = [1, 1]} : vector<4x2048xi32> to vector<4x2016xi32>
    %concatenate3A_346 = tpu.concatenate %broadcast_in_dim3A_344, %slice3A_345 in 1 : vector<4x32xi32>, vector<4x2016xi32> -> vector<4x2048xi32>
    %add3A_347 = arith.addi %add3A_342, %concatenate3A_346 : vector<4x2048xi32>
    %broadcast_in_dim3A_348 = arith.constant 0 : i32
    %broadcast_in_dim3A_349 = vector.broadcast %broadcast_in_dim3A_348 : i32 to vector<4x64xi32>
    %slice3A_350 = vector.extract_strided_slice %add3A_347 {offsets = [0, 0], sizes = [4, 1984], strides = [1, 1]} : vector<4x2048xi32> to vector<4x1984xi32>
    %concatenate3A_351 = tpu.concatenate %broadcast_in_dim3A_349, %slice3A_350 in 1 : vector<4x64xi32>, vector<4x1984xi32> -> vector<4x2048xi32>
    %add3A_352 = arith.addi %add3A_347, %concatenate3A_351 : vector<4x2048xi32>
    %broadcast_in_dim3A_353 = arith.constant 0 : i32
    %broadcast_in_dim3A_354 = vector.broadcast %broadcast_in_dim3A_353 : i32 to vector<4x128xi32>
    %slice3A_355 = vector.extract_strided_slice %add3A_352 {offsets = [0, 0], sizes = [4, 1920], strides = [1, 1]} : vector<4x2048xi32> to vector<4x1920xi32>
    %concatenate3A_356 = tpu.concatenate %broadcast_in_dim3A_354, %slice3A_355 in 1 : vector<4x128xi32>, vector<4x1920xi32> -> vector<4x2048xi32>
    %add3A_357 = arith.addi %add3A_352, %concatenate3A_356 : vector<4x2048xi32>
    %broadcast_in_dim3A_358 = arith.constant 0 : i32
    %broadcast_in_dim3A_359 = vector.broadcast %broadcast_in_dim3A_358 : i32 to vector<4x256xi32>
    %slice3A_360 = vector.extract_strided_slice %add3A_357 {offsets = [0, 0], sizes = [4, 1792], strides = [1, 1]} : vector<4x2048xi32> to vector<4x1792xi32>
    %concatenate3A_361 = tpu.concatenate %broadcast_in_dim3A_359, %slice3A_360 in 1 : vector<4x256xi32>, vector<4x1792xi32> -> vector<4x2048xi32>
    %add3A_362 = arith.addi %add3A_357, %concatenate3A_361 : vector<4x2048xi32>
    %broadcast_in_dim3A_363 = arith.constant 0 : i32
    %broadcast_in_dim3A_364 = vector.broadcast %broadcast_in_dim3A_363 : i32 to vector<4x512xi32>
    %slice3A_365 = vector.extract_strided_slice %add3A_362 {offsets = [0, 0], sizes = [4, 1536], strides = [1, 1]} : vector<4x2048xi32> to vector<4x1536xi32>
    %concatenate3A_366 = tpu.concatenate %broadcast_in_dim3A_364, %slice3A_365 in 1 : vector<4x512xi32>, vector<4x1536xi32> -> vector<4x2048xi32>
    %add3A_367 = arith.addi %add3A_362, %concatenate3A_366 : vector<4x2048xi32>
    %broadcast_in_dim3A_368 = arith.constant 0 : i32
    %broadcast_in_dim3A_369 = vector.broadcast %broadcast_in_dim3A_368 : i32 to vector<4x1024xi32>
    %slice3A_370 = vector.extract_strided_slice %add3A_367 {offsets = [0, 0], sizes = [4, 1024], strides = [1, 1]} : vector<4x2048xi32> to vector<4x1024xi32>
    %concatenate3A_371 = tpu.concatenate %broadcast_in_dim3A_369, %slice3A_370 in 1 : vector<4x1024xi32>, vector<4x1024xi32> -> vector<4x2048xi32>
    %add3A_372 = arith.addi %add3A_367, %concatenate3A_371 : vector<4x2048xi32>
    %and3A_373 = arith.constant 63 : i32
    %and3A_374 = vector.broadcast %and3A_373 : i32 to vector<4x2048xi32>
    %and3A_375 = arith.andi %sub3A_309, %and3A_374 : vector<4x2048xi32>
    %convert_element_type3A_376 = arith.extui %eq3A_247 : vector<4x2048xi1> to vector<4x2048xi32>
    %add3A_377 = arith.addi %and3A_375, %convert_element_type3A_376 : vector<4x2048xi32>
    %add3A_378 = arith.addi %add3A_179, %add3A_372 : vector<4x2048xi32>
    %and3A_379 = arith.constant 63 : i32
    %and3A_380 = vector.broadcast %and3A_379 : i32 to vector<4x2048xi32>
    %and3A_381 = arith.andi %add3A_378, %and3A_380 : vector<4x2048xi32>
    %jit3A_382 = arith.constant 2049 : i32
    %broadcast_in_dim3A_383 = vector.broadcast %jit3A_382 : i32 to vector<4x2048xi32>
    %select_n3A_384 = arith.select %gt3A_67, %broadcast_in_dim3A_383, %select_n3A_250 : vector<4x2048xi1>, vector<4x2048xi32>
    %swap3A = arith.constant 0 : index
    %swap3A_385 = arith.constant 0 : index
    %swap3A_386 = vector.load %arg1[%swap3A, %swap3A_385] : memref<4x2048xi32, #tpu.memory_space<vmem>>, vector<4x2048xi32>
    tpu.vector_store %arg1[%swap3A, %swap3A_385], %select_n3A_384 {strides = array<i32>} : memref<4x2048xi32, #tpu.memory_space<vmem>>, vector<4x2048xi32>,
    %jit3A_387 = arith.constant 63 : i32
    %broadcast_in_dim3A_388 = vector.broadcast %jit3A_387 : i32 to vector<4x2048xi32>
    %select_n3A_389 = arith.select %gt3A_67, %broadcast_in_dim3A_388, %add3A_377 : vector<4x2048xi1>, vector<4x2048xi32>
    %swap3A_390 = arith.constant 0 : index
    %swap3A_391 = arith.constant 0 : index
    %swap3A_392 = vector.load %arg2[%swap3A_390, %swap3A_391] : memref<4x2048xi32, #tpu.memory_space<vmem>>, vector<4x2048xi32>
    tpu.vector_store %arg2[%swap3A_390, %swap3A_391], %select_n3A_389 {strides = array<i32>} : memref<4x2048xi32, #tpu.memory_space<vmem>>, vector<4x2048xi32>,
    %jit3A_393 = arith.constant 63 : i32
    %broadcast_in_dim3A_394 = vector.broadcast %jit3A_393 : i32 to vector<4x2048xi32>
    %select_n3A_395 = arith.select %gt3A_67, %broadcast_in_dim3A_394, %and3A_381 : vector<4x2048xi1>, vector<4x2048xi32>
    %swap3A_396 = arith.constant 0 : index
    %swap3A_397 = arith.constant 0 : index
    %swap3A_398 = vector.load %arg3[%swap3A_396, %swap3A_397] : memref<4x2048xi32, #tpu.memory_space<vmem>>, vector<4x2048xi32>
    tpu.vector_store %arg3[%swap3A_396, %swap3A_397], %select_n3A_395 {strides = array<i32>} : memref<4x2048xi32, #tpu.memory_space<vmem>>, vector<4x2048xi32>,
    %not3A = arith.constant dense<true> : vector<4x2048xi1>
    %not3A_399 = arith.xori %gt3A_67, %not3A : vector<4x2048xi1>
    %convert_element_type3A_400 = arith.extui %not3A_399 : vector<4x2048xi1> to vector<4x2048xi32>
    %reduce_sum3A = arith.constant dense<0> : vector<4xi32>
    %reduce_sum3A_401 = vector.multi_reduction <add>, %convert_element_type3A_400, %reduce_sum3A [1] : vector<4x2048xi32> to vector<4xi32>
    %broadcast_in_dim3A_402 = vector.shape_cast %reduce_sum3A_401 : vector<4xi32> to vector<4x1xi32>
    %sub3A_403 = arith.constant 1 : i32
    %sub3A_404 = vector.broadcast %sub3A_403 : i32 to vector<4x1xi32>
    %sub3A_405 = arith.subi %broadcast_in_dim3A_402, %sub3A_404 : vector<4x1xi32>
    %eq3A_406 = vector.broadcast %sub3A_405 : vector<4x1xi32> to vector<4x2048xi32>
    %eq3A_407 = arith.cmpi eq, %iota3A, %eq3A_406 : vector<4x2048xi32>
    %jit3A_408 = arith.constant 0 : i32
    %broadcast_in_dim3A_409 = vector.broadcast %jit3A_408 : i32 to vector<4x2048xi32>
    %select_n3A_410 = arith.select %eq3A_407, %select_n3A_250, %broadcast_in_dim3A_409 : vector<4x2048xi1>, vector<4x2048xi32>
    %reduce_sum3A_411 = arith.constant dense<0> : vector<4xi32>
    %reduce_sum3A_412 = vector.multi_reduction <add>, %select_n3A_410, %reduce_sum3A_411 [1] : vector<4x2048xi32> to vector<4xi32>
    %broadcast_in_dim3A_413 = vector.shape_cast %reduce_sum3A_412 : vector<4xi32> to vector<4x1xi32>
    %jit3A_414 = arith.constant 0 : i32
    %broadcast_in_dim3A_415 = vector.broadcast %jit3A_414 : i32 to vector<4x2048xi32>
    %select_n3A_416 = arith.select %eq3A_407, %add3A_377, %broadcast_in_dim3A_415 : vector<4x2048xi1>, vector<4x2048xi32>
    %reduce_sum3A_417 = arith.constant dense<0> : vector<4xi32>
    %reduce_sum3A_418 = vector.multi_reduction <add>, %select_n3A_416, %reduce_sum3A_417 [1] : vector<4x2048xi32> to vector<4xi32>
    %broadcast_in_dim3A_419 = vector.shape_cast %reduce_sum3A_418 : vector<4xi32> to vector<4x1xi32>
    %jit3A_420 = arith.constant 0 : i32
    %broadcast_in_dim3A_421 = vector.broadcast %jit3A_420 : i32 to vector<4x2048xi32>
    %select_n3A_422 = arith.select %eq3A_407, %and3A_381, %broadcast_in_dim3A_421 : vector<4x2048xi1>, vector<4x2048xi32>
    %reduce_sum3A_423 = arith.constant dense<0> : vector<4xi32>
    %reduce_sum3A_424 = vector.multi_reduction <add>, %select_n3A_422, %reduce_sum3A_423 [1] : vector<4x2048xi32> to vector<4xi32>
    %broadcast_in_dim3A_425 = vector.shape_cast %reduce_sum3A_424 : vector<4xi32> to vector<4x1xi32>
    %eq3A_426 = arith.constant 0 : i32
    %eq3A_427 = vector.broadcast %eq3A_426 : i32 to vector<4x1xi32>
    %eq3A_428 = arith.cmpi eq, %broadcast_in_dim3A_402, %eq3A_427 : vector<4x1xi32>
    %jit3A_429 = arith.constant 2 : i32
    %broadcast_in_dim3A_430 = vector.broadcast %jit3A_429 : i32 to vector<4x1xi32>
    %select_n3A_431 = arith.select %eq3A_428, %broadcast_in_dim3A_430, %broadcast_in_dim3A_413 : vector<4x1xi1>, vector<4x1xi32>
    %eq3A_432 = arith.constant 0 : i32
    %eq3A_433 = vector.broadcast %eq3A_432 : i32 to vector<4x1xi32>
    %eq3A_434 = arith.cmpi eq, %broadcast_in_dim3A_402, %eq3A_433 : vector<4x1xi32>
    %jit3A_435 = arith.constant 0 : i32
    %broadcast_in_dim3A_436 = vector.broadcast %jit3A_435 : i32 to vector<4x1xi32>
    %select_n3A_437 = arith.select %eq3A_434, %broadcast_in_dim3A_436, %broadcast_in_dim3A_419 : vector<4x1xi1>, vector<4x1xi32>
    %eq3A_438 = arith.constant 0 : i32
    %eq3A_439 = vector.broadcast %eq3A_438 : i32 to vector<4x1xi32>
    %eq3A_440 = arith.cmpi eq, %broadcast_in_dim3A_402, %eq3A_439 : vector<4x1xi32>
    %jit3A_441 = arith.constant 0 : i32
    %broadcast_in_dim3A_442 = vector.broadcast %jit3A_441 : i32 to vector<4x1xi32>
    %select_n3A_443 = arith.select %eq3A_440, %broadcast_in_dim3A_442, %broadcast_in_dim3A_425 : vector<4x1xi1>, vector<4x1xi32>
    %iota3A_444 = tpu.iota {dimensions = array<i32: 1>} : vector<4x128xi32>
    %eq3A_445 = arith.constant 0 : i32
    %eq3A_446 = vector.broadcast %eq3A_445 : i32 to vector<4x128xi32>
    %eq3A_447 = arith.cmpi eq, %iota3A_444, %eq3A_446 : vector<4x128xi32>
    %eq3A_448 = arith.constant 1 : i32
    %eq3A_449 = vector.broadcast %eq3A_448 : i32 to vector<4x128xi32>
    %eq3A_450 = arith.cmpi eq, %iota3A_444, %eq3A_449 : vector<4x128xi32>
    %eq3A_451 = arith.constant 2 : i32
    %eq3A_452 = vector.broadcast %eq3A_451 : i32 to vector<4x128xi32>
    %eq3A_453 = arith.cmpi eq, %iota3A_444, %eq3A_452 : vector<4x128xi32>
    %jit3A_454 = arith.constant 0 : i32
    %broadcast_in_dim3A_455 = vector.shape_cast %select_n3A_443 : vector<4x1xi32> to vector<4x1xi32>
    %broadcast_in_dim3A_456 = vector.broadcast %broadcast_in_dim3A_455 : vector<4x1xi32> to vector<4x128xi32>
    %broadcast_in_dim3A_457 = vector.broadcast %jit3A_454 : i32 to vector<4x128xi32>
    %select_n3A_458 = arith.select %eq3A_453, %broadcast_in_dim3A_456, %broadcast_in_dim3A_457 : vector<4x128xi1>, vector<4x128xi32>
    %broadcast_in_dim3A_459 = vector.shape_cast %select_n3A_437 : vector<4x1xi32> to vector<4x1xi32>
    %broadcast_in_dim3A_460 = vector.broadcast %broadcast_in_dim3A_459 : vector<4x1xi32> to vector<4x128xi32>
    %select_n3A_461 = arith.select %eq3A_450, %broadcast_in_dim3A_460, %select_n3A_458 : vector<4x128xi1>, vector<4x128xi32>
    %broadcast_in_dim3A_462 = vector.shape_cast %select_n3A_431 : vector<4x1xi32> to vector<4x1xi32>
    %broadcast_in_dim3A_463 = vector.broadcast %broadcast_in_dim3A_462 : vector<4x1xi32> to vector<4x128xi32>
    %select_n3A_464 = arith.select %eq3A_447, %broadcast_in_dim3A_463, %select_n3A_461 : vector<4x128xi1>, vector<4x128xi32>
    %swap3A_465 = arith.constant 0 : index
    %swap3A_466 = arith.constant 0 : index
    %swap3A_467 = vector.load %arg4[%swap3A_465, %swap3A_466] : memref<4x128xi32, #tpu.memory_space<vmem>>, vector<4x128xi32>
    tpu.vector_store %arg4[%swap3A_465, %swap3A_466], %select_n3A_464 {strides = array<i32>} : memref<4x128xi32, #tpu.memory_space<vmem>>, vector<4x128xi32>,
    return
  }
}

</mosaic_0001>

<sc_bundles>
// kernel: kernel.4.cloned.1.call-start
scs
__scs_entry_jumppad:
0x0: {  	(pc) =	sbr.rel $0x88, $3  }
0x1: {  	(tag) =	ssettag $0x0;
	lr =	simm.s32 $0x1  }
0x2: {  	[smem:$0x3F9D] =	sst lr;
	_ =	strace $0xD0000000  }
0x3: {  	_ = 	snop  }
0x4: {  	_ = 	snop  }
0x5: {  	_ = 	snop  }
0x6: {  	_ = 	snop  }
0x7: {  	_ = 	snop  }
__scs_overlays_trampoline_lowered:
0x8: {  	[smem:$0x3FAC] =	sst s0  }
0x9: {  	[smem:$0x3FAD] =	sst s1  }
0xa: {  	[smem:$0x3FAE] =	sst s2  }
0xb: {  	[smem:$0x3FAF] =	sst s3  }
0xc: {  	[smem:$0x3FB0] =	sst s4  }
0xd: {  	[smem:$0x3FB1] =	sst s5  }
0xe: {  	[smem:$0x3FB2] =	sst s6  }
0xf: {  	[smem:$0x3FB3] =	sst s7  }
0x10: {  	[smem:$0x3FB4] =	sst s8  }
0x11: {  	[smem:$0x3FB5] =	sst s9;
	s0 =	simm.s32 @!p0 $0x0  }
0x12: {  	s1 =	sld [smem:$0x3F9B];
	s0 =	simm.s32 @p0 $0x1  }
0x13: {  	[smem:$0x3FB6] =	sst s0;
	s0 =	simm.s32 @!p1 $0x0  }
0x14: {  	s2 =	sld [smem:$0x3F9A];
	s0 =	simm.s32 @p1 $0x1  }
0x15: {  	[smem:$0x3FB7] =	sst s0;
	s0 =	simm.s32 @!p2 $0x0  }
0x16: {  	s3 =	sld [smem:$0x3FDB];
	s0 =	simm.s32 @p2 $0x1  }
0x17: {  	s4 =	simm.s32 $0x1BF5;
	[smem:$0x3FB9] =	sst s0  }
0x18: {  	s0 =	sld [smem:$0x3F9C];
	_ =	swait.ge [sflag:s4], $0x0  }
0x19: {  	s7 =	sld [smem:$0x3F9D]  }
0x1a: {  	s8 =	sadd.s32 $0xFFFFE003, lr  }
0x1b: {  	s9 =	sadd.s32 $0xFFFFFEF7, lr;
	s5 =	simm.s32 $0xFFFFFFFF;
	p2 =	slt.u32 s8, $0xFFFFF086  }
0x1c: {  	p1 =	slt.u32 s9, $0xF7A;
	s5 =	simm.s32 @!p2 $0x0  }
0x1d: {  	s5 =	simm.s32 @p1 $0x1;
	p0 =	seq.s32 s7, s2  }
0x1e: {  	s7 =	smul.u32 @!p0 $0xF7A, s2;
	p2 =	seq.s32 @!p0 s5, $0x0  }
0x1f: {  	s9 =	smul.u32 $0xF7A, s1;
	s8 =	simm.s32 @!p0 $0x1BF5;
	p2 =	por !p2, p0  }
0x20: {  	[sflag:s8] =	ssyncset.s32 @!p0 $0xFFFFF086;
	s6 =	sadd.s32 @!p0 s3, s7;
	s7 =	simm.s32 @!p0 $0x108  }
0x21: {  	s3 =	sadd.s32 s3, s9;
	s6 =	sadd.s32 @!p0 $0x88, s6;
	s7 =	simm.s32 @p2 $0x1082  }
0x22: {  	[simem:s7], [sflag:s8] =	dma.local @!p0 [hbm:s6], $0xF7A  }
0x23: {  	s9 =	sor.u32 $0xD0000000, s2;
	s6 =	simm.s32 $0x108;
	_ =	swait.ge @!p0 [sflag:s8], $0x0  }
0x24: {  	s3 =	sadd.s32 $0x88, s3;
	s6 =	simm.s32 @!p1 $0x1082;
	[sflag:s4] =	ssyncset.s32 $0xFFFFF086  }
0x25: {  	[simem:s6], [sflag:s4] =	dma.local [hbm:s3], $0xF7A  }
0x26: {  	[smem:$0x3F9D] =	sst s1;
	(tag) =	ssettag s2;
	_ =	strace s9  }
0x27: {  	s1 =	sld [smem:$0x3FAD]  }
0x28: {  	s2 =	sld [smem:$0x3FAE]  }
0x29: {  	s4 =	sld [smem:$0x3FB0]  }
0x2a: {  	p0 =	seq.s32 s5, $0x0;
	s5 =	sld [smem:$0x3FB1]  }
0x2b: {  	s6 =	sld [smem:$0x3FB2]  }
0x2c: {  	s7 =	sld [smem:$0x3FB3]  }
0x2d: {  	s3 =	simm.s32 $0x108;
	s8 =	sld [smem:$0x3FB4]  }
0x2e: {  	s3 =	simm.s32 @!p0 $0x1082;
	s9 =	sld [smem:$0x3FB5]  }
0x2f: {  	lr =	sadd.s32 s0, s3;
	s0 =	sld [smem:$0x3FAC]  }
0x30: {  	s3 =	sld [smem:$0x3FAF]  }
0x31: {  	[smem:$0x3FB8] =	sst s10  }
0x32: {  	s10 =	sld [smem:$0x3FB6];
	_ =	sdelay $0x3  }
0x33: {  	p0 =	seq.s32 s10, $0x1;
	s10 =	sld [smem:$0x3FB8];
	_ =	sdelay $0x3  }
0x34: {  	[smem:$0x3FB8] =	sst s10  }
0x35: {  	s10 =	sld [smem:$0x3FB7];
	_ =	sdelay $0x3  }
0x36: {  	p1 =	seq.s32 s10, $0x1;
	s10 =	sld [smem:$0x3FB8];
	_ =	sdelay $0x3  }
0x37: {  	[smem:$0x3FB8] =	sst s10  }
0x38: {  	s10 =	sld [smem:$0x3FB9]  }
0x39: {  	_ = 	snop;
	(pc) =	sbr.ind lr, $3  }
0x3a: {  	_ = 	snop  }
0x3b: {  	_ = 	snop  }
0x3c: {  	p2 =	seq.s32 s10, $0x1;
	s10 =	sld [smem:$0x3FB8]  }
0x3d: {  	_ =	shalt  }
0x3e: {  	_ =	shalt  }
0x3f: {  	_ =	shalt  }
0x40: {  	_ =	shalt  }
0x41: {  	_ =	shalt  }
0x42: {  	_ =	shalt  }
0x43: {  	_ =	shalt  }
0x44: {  	_ =	shalt  }
0x45: {  	_ =	shalt  }
0x46: {  	_ =	shalt  }
0x47: {  	_ =	shalt  }
0x48: {  	_ =	shalt  }
0x49: {  	_ =	shalt  }
0x4a: {  	_ =	shalt  }
0x4b: {  	_ =	shalt  }
0x4c: {  	_ =	shalt  }
0x4d: {  	_ =	shalt  }
0x4e: {  	_ =	shalt  }
0x4f: {  	_ =	shalt  }
0x50: {  	_ =	shalt  }
0x51: {  	_ =	shalt  }
0x52: {  	_ =	shalt  }
0x53: {  	_ =	shalt  }
0x54: {  	_ =	shalt  }
0x55: {  	_ =	shalt  }
0x56: {  	_ =	shalt  }
0x57: {  	_ =	shalt  }
0x58: {  	_ =	shalt  }
0x59: {  	_ =	shalt  }
0x5a: {  	_ =	shalt  }
0x5b: {  	_ =	shalt  }
0x5c: {  	_ =	shalt  }
0x5d: {  	_ =	shalt  }
0x5e: {  	_ =	shalt  }
0x5f: {  	_ =	shalt  }
0x60: {  	_ =	shalt  }
0x61: {  	_ =	shalt  }
0x62: {  	_ =	shalt  }
0x63: {  	_ =	shalt  }
0x64: {  	_ =	shalt  }
0x65: {  	_ =	shalt  }
0x66: {  	_ =	shalt  }
0x67: {  	_ =	shalt  }
0x68: {  	_ =	shalt  }
0x69: {  	_ =	shalt  }
0x6a: {  	_ =	shalt  }
0x6b: {  	_ =	shalt  }
0x6c: {  	_ =	shalt  }
0x6d: {  	_ =	shalt  }
0x6e: {  	_ =	shalt  }
0x6f: {  	_ =	shalt  }
0x70: {  	_ =	shalt  }
0x71: {  	_ =	shalt  }
0x72: {  	_ =	shalt  }
0x73: {  	_ =	shalt  }
0x74: {  	_ =	shalt  }
0x75: {  	_ =	shalt  }
0x76: {  	_ =	shalt  }
0x77: {  	_ =	shalt  }
0x78: {  	_ =	shalt  }
0x79: {  	_ =	shalt  }
0x7a: {  	_ =	shalt  }
0x7b: {  	_ =	shalt  }
0x7c: {  	_ =	shalt  }
0x7d: {  	_ =	shalt  }
0x7e: {  	_ =	shalt  }
0x7f: {  	_ =	shalt  }
0x80: {  	_ =	shalt  }
0x81: {  	_ =	shalt  }
0x82: {  	_ =	shalt  }
0x83: {  	_ =	shalt  }
0x84: {  	_ =	shalt  }
0x85: {  	_ =	shalt  }
0x86: {  	_ =	shalt  }
0x87: {  	_ =	shalt  }
.Lfunc_end0:
.L_simem_size_0:
called_computation_lowered:
.L_overlay_start_0:
0x88: {  	s2 =	sld [smem:$0x3FD9]  }
0x89: {  	s3 =	sld [smem:$0x3FFE];
	_ =	sdelay $0x1  }
0x8a: {  	s1 =	srdreg.scid  }
0x8b: {  	s0 =	sand.u32 $0x1, s1  }
0x8c: {  	s14 =	sshll.u32 s0, $0xA;
	s2 =	sadd.s32 s3, s2  }
0x8d: {  	s2 =	sadd.s32 s2, s14  }
0x8e: {  	[smem:$0x3FC4] =	sst s2  }
0x8f: {  	_ = 	snop  }
0x90: {  	s2 =	sld [smem:$0x3FD0];
	_ =	sdelay $0x2  }
0x91: {  	s15 =	simm.s32 $0xA;
	s4 =	simm.s32 $0x10  }
0x92: {  	[smem:s4], [sflag:s15] =	dma.local [hbm:s2], $0x1  }
0x93: {  	_ =	swait.eq [sflag:s15], $0x1  }
0x94: {  	[sflag:s15] =	ssyncset.done $0x0  }
0x95: {  	[sflag:s15] =	ssyncadd.s32 $0xFFFFFFFF  }
0x96: {  	s16 =	sld [smem:$0x10];
	(tm) =	ssettm $0x1  }
0x97: {  	s17 =	sld [smem:$0x3FFB];
	_ =	sdelay $0x3  }
0x98: {  	_ =	strace s17  }
0x99: {  	s3 =	sld [smem:$0x3FFC];
	_ =	sdelay $0x3  }
0x9a: {  	_ =	strace s3  }
0x9b: {  	s3 =	sld [smem:$0x3FFD];
	_ =	sdelay $0x3  }
0x9c: {  	_ =	strace s3  }
0x9d: {  	_ =	strace $0x8FFFFFFF  }
0x9e: {  	s18 =	sld [smem:$0x3FDB];
	_ =	sdelay $0x1  }
0x9f: {  	s19 =	simm.s32 $_scs_section_size  }
0xa0: {  	s5 =	simm.s32 $_size__tile_overlayer_lowered;
	s6 =	simm.s32 $_tile_overlayer_lowered  }
0xa1: {  	s22 =	simm.s32 $0x1BFF;
	s21 =	sshll.u32 s6, $0x1;
	s3 =	sadd.s32 s19, s18  }
0xa2: {  	s7 =	simm.s32 $0x0;
	s20 =	sshll.u32 s5, $0x1;
	s5 =	sadd.s32 s21, s3  }
0xa3: {  	[timem:s7], [sflag:s22] =	dma.local [hbm:s5], s20  }
0xa4: {  	_ =	swait.ge [sflag:s22], s20  }
0xa5: {  	s4 =	ssub.s32 $0x0, s20;
	[sflag:s22] =	ssyncset.done $0x0  }
0xa6: {  	[sflag:s22] =	ssyncadd.s32 s4;
	_ =	sdelay $0x1  }
0xa7: {  	s23 =	simm.s32 $0x1B8B  }
0xa8: {  	_ =	swait.ge [sflag:s23], $0x1  }
0xa9: {  	[sflag:s23] =	ssyncset.done $0x0  }
0xaa: {  	s25 =	simm.s32 $0x1B8E;
	s24 =	sld [smem:$0x3FFE];
	[sflag:s23] =	ssyncadd.s32 $0xFFFFFFFF  }
0xab: {  	s26 =	simm.s32 $execute0_lowered;
	[smem:$0x3FD2] =	sst s25  }
0xac: {  	s5 =	sshll.u32 s26, $0x1;
	_ =	strace $0x80000046;
	[dreg:$0x1] =	wrdreg $0xFFFFFFFF  }
0xad: {  	s28 =	simm.s32 $_size_execute0_lowered;
	s3 =	sadd.s32 s3, s5;
	[dreg:$0x0] =	wrdreg $0x0  }
0xae: {  	s5 =	sshll.u32 s28, $0x1;
	[dreg:$0x2] =	wrdreg s3  }
0xaf: {  	[dreg:$0x3] =	wrdreg s5  }
0xb0: {  	[dreg:$0x4] =	wrdreg $0xC0  }
0xb1: {  	_ =	task [dreg:s7], $0x5FFFF  }
0xb2: {  	[dreg:$0x1] =	wrdreg $0xFFFFFFFF  }
0xb3: {  	[dreg:$0x0] =	wrdreg $0x60  }
0xb4: {  	[dreg:$0x2] =	wrdreg s24  }
0xb5: {  	[dreg:$0x3] =	wrdreg s16  }
0xb6: {  	[dreg:$0x4] =	wrdreg $0x9  }
0xb7: {  	_ =	task.clear_ibuf [dreg:s7], $0x5FFFF;
	_ =	strace $0x90000046  }
0xb8: {  	s29 =	simm.s32 $0x9;
	_ =	strace $0x80000048  }
0xb9: {  	_ =	swait.ge [sflag:s29], $0x1  }
0xba: {  	[sflag:s29] =	ssyncadd.s32 $0xFFFFFFFF  }
0xbb: {  	_ =	strace $0x90000048  }
0xbc: {  	_ =	sfence  }
0xbd: {  	s30 =	sld [smem:$0x0];
	_ =	sdelay $0x2  }
0xbe: {  	s31 =	sshll.u32 s1, $0xD;
	s1 =	sshrl.u32 s1, $0x2  }
0xbf: {  	s3 =	sand.u32 $0x4000, s31;
	s1 =	sadd.s32 s1, s30  }
0xc0: {  	s0 =	sor.u32 s3, s0;
	s1 =	sshll.u32 s1, $0x11  }
0xc1: {  	s0 =	sor.u32 s1, s0  }
0xc2: {  	s0 =	sadd.s32 $0x8F2B, s0  }
0xc3: {  	[sflag:s0] =	ssyncadd.remote.s32 $0x1  }
0xc4: {  	_ =	sfence.sel $0xFFFF  }
0xc5: {  	[dreg:$0x0] =	wrdreg $0xFFFFFFFF;
	(pc) =	sbr.abs _section_cstart, $3  }
0xc6: {  	[dreg:$0x1] =	wrdreg $0xFFFFFFFF  }
0xc7: {  	_ =	task.clear_ibuf [dreg:s7], $0x2FFFF;
	_ =	strace $0x9FFFFFFF  }
0xc8: {  	(tm) =	ssettm $0x7FFFFFFF  }
0xc9: {  	_ =	shalt  }
tec
execute0_lowered:
.L_overlay_start_1:
0x0: {  	(tag) =	ssettag $0x1  }
0x1: {  	s0 =	rddreg [dreg:$0x0]  }
0x2: {  	s1 =	rddreg [dreg:$0x1]  }
0x3: {  	s2 =	simm.s32 $0x0;
	s23 =	srdreg.scid;
	s8 =	stileid.u32  }
0x4: {  	s19 =	simm.s32 $0x400;
	s30 =	simm.s32 $0x4600;
	s31 =	simm.s32 $0x4E00  }
0x5: {  	s14 =	simm.s32 $0x80;
	[smem:$0x7FF] =	sst s2;
	s2 =	sand.u32 $0x1, s23  }
0x6: {  	s3 =	sshll.u32 s8, $0x6;
	s11 =	sadd.s32 $0x100, s1;
	_ =	strace $0x80000047  }
0x7: {  	s4 =	sshll.u32 s2, $0xC;
	s5 =	ssub.s32 $0x2, s2;
	s3 =	sadd.s32 s3, s0  }
0x8: {  	s29 =	smul.u32 $0x802, s2;
	s12 =	sshll.u32 s2, $0x7;
	s25 =	sadd.s32 $0x1000, s3  }
0x9: {  	s6 =	sadd.s32 s4, s0;
	s28 =	sadd.s32 $0x1400, s3;
	[smem:$0x7F8] =	sst s25  }
0xa: {  	s7 =	sshrl.u32 s5, $0x1;
	s3 =	sadd.s32 $0x1800, s3;
	[smem:$0x7FB] =	sst s28  }
0xb: {  	s4 =	sadd.s32 $0x5C00, s0;
	s26 =	sadd.s32 $0x1C00, s6;
	[smem:$0x7FC] =	sst s3  }
0xc: {  	v3 =	vlaneseq.u32;
	s24 =	ssub.s32 s5, s7;
	s6 =	sadd.s32 $0x3C00, s6;
	[smem:$0x7F9] =	sst s26  }
0xd: {  	vm0 =	vmmov $0xffff;
	v1 =	vand.u32 $0x7, v3;
	v2 =	vshrl.u32 v3, $0x3;
	s5 =	sshll.u32 s8, $0x9;
	[smem:$0x7FA] =	sst s6;
	s0 =	smax.u32 s24, $0x1  }
0xe: {  	v3 =	vor.u32 $0x8, v3;
	v2 =	vmul.u32 $0x8, v2;
	s7 =	simm.s32 $0x9;
	v0 =	vmov s29;
	s3 =	simm.s32 $0x0;
	[smem:$0x7FD] =	sst s0  }
.LBB2_1:
0xf: {  	s2 =	sld [smem:$0x7F8];
	_ =	sdelay $0x1  }
0x10: {  	s0 =	simm.s32 $0x0;
	s22 =	sld [smem:$0x7F9]  }
0x11: {  	[tilespmem:s0], [sflag:$0x9] =	stream.linear.gather [hbm4b:s2+s0], $0x200, $0x38;
	[tilespmem:$0x18600] =	vst v63  }
0x12: {  	[smem:$0x7F7] =	sst s3;
	s23 =	simm.s32 $0x8600;
	s24 =	simm.s32 $0xA  }
0x13: {  	[tilespmem:s23], [sflag:$0xA] =	stream.linear.gather [hbm4b:s22+s0], $0x8000, $0x38;
	[tilespmem:$0x18600] =	vst v63  }
0x14: {  	_ =	swait.ge [sflag:s24], $0x8000  }
0x15: {  	s25 =	sld [smem:$0x7FA]  }
0x16: {  	[sflag:s24] =	ssyncset.done $0x0  }
0x17: {  	s6 =	simm.s32 $0x10600;
	[sflag:s24] =	ssyncadd.s32 $0xFFFF8000  }
0x18: {  	[tilespmem:s6], [sflag:$0xA] =	stream.linear.gather [hbm4b:s25+s0], $0x8000, $0x38;
	[tilespmem:$0x18600] =	vst v63  }
0x19: {  	_ =	swait.ge [sflag:s24], $0x8000  }
0x1a: {  	[sflag:s24] =	ssyncset.done $0x0  }
0x1b: {  	[sflag:s24] =	ssyncadd.s32 $0xFFFF8000  }
0x1c: {  	_ =	swait.ge [sflag:s7], $0x200  }
0x1d: {  	s26 =	sld [smem:$0x7FB]  }
0x1e: {  	[sflag:s7] =	ssyncset.done $0x0  }
0x1f: {  	s28 =	simm.s32 $0x200;
	s29 =	sld [smem:$0x7FC];
	[sflag:s7] =	ssyncadd.s32 $0xFFFFFE00  }
0x20: {  	[tilespmem:s28], [sflag:$0x9] =	stream.linear.gather [hbm4b:s26+s0], $0x200, $0x38;
	[tilespmem:$0x18600] =	vst v63  }
0x21: {  	s2 =	simm.s32 $0x20  }
0x22: {  	[tilespmem:s19], [sflag:$0x9] =	stream.linear.gather [hbm4b:s29+s0], $0x200, $0x38;
	[tilespmem:$0x18600] =	vst v63  }
0x23: {  	v4 =	vld [tilespmem:s2+$0xFFFFFFE0]  }
0x24: {  	v6 =	vld [tilespmem:s2+$0x0]  }
0x25: {  	v5 =	vld [tilespmem:s2+$0x10]  }
0x26: {  	v7 =	vld [tilespmem:s2+$0xFFFFFFF0];
	_ =	sdelay $0x1  }
0x27: {  	s0 =	simm.s32 $0x60;
	v8 =	vadd.s32 v0, v4  }
0x28: {  	v4 =	vld [tilespmem:s0+$0xFFFFFFE0];
	v9 =	vadd.s32 v0, v6;
	[tilespmem:s2+$0xFFFFFFE0] =	vst v8  }
0x29: {  	v6 =	vld [tilespmem:s0+$0x0];
	v8 =	vadd.s32 v0, v5;
	[tilespmem:s2+$0x0] =	vst v9  }
0x2a: {  	s3 =	simm.s32 $0x4;
	v7 =	vadd.s32 v0, v7;
	v5 =	vld [tilespmem:s0+$0x10];
	[tilespmem:s2+$0x10] =	vst v8  }
.LBB2_2:
0x2b: {  	s3 =	sadd.s32 $0x4, s3  }
0x2c: {  	v8 =	vld [tilespmem:s0+$0xFFFFFFF0];
	[tilespmem:s2+$0xFFFFFFF0] =	vst v7;
	s2 =	smov.u32 s0;
	p0 =	slt.u32 s3, $0x1C  }
.Ltmp0:
0x2d: {  	(pc) =	sbr.rel @p0 .LBB2_2-.Ltmp0, $4  }
0x2e: {  	s0 =	sadd.s32 $0x40, s0;
	v7 =	vadd.s32 v0, v4  }
0x2f: {  	v4 =	vld [tilespmem:s0+$0xFFFFFFE0];
	[tilespmem:s2+$0xFFFFFFE0] =	vst v7;
	v7 =	vadd.s32 v0, v5  }
0x30: {  	v5 =	vld [tilespmem:s0+$0x10];
	v9 =	vadd.s32 v0, v6;
	[tilespmem:s2+$0x10] =	vst v7  }
0x31: {  	v6 =	vld [tilespmem:s0+$0x0];
	v7 =	vadd.s32 v0, v8;
	[tilespmem:s2+$0x0] =	vst v9  }
0x32: {  	v8 =	vld [tilespmem:s0+$0xFFFFFFF0];
	_ =	sdelay $0x1  }
0x33: {  	[tilespmem:s2+$0xFFFFFFF0] =	vst v7;
	v4 =	vadd.s32 v0, v4  }
0x34: {  	[tilespmem:s0+$0xFFFFFFE0] =	vst v4;
	v4 =	vadd.s32 v0, v5  }
0x35: {  	v5 =	vadd.s32 v0, v6;
	[tilespmem:s0+$0x10] =	vst v4  }
0x36: {  	v4 =	vadd.s32 v0, v8;
	[tilespmem:s0+$0x0] =	vst v5  }
0x37: {  	[tilespmem:s0+$0xFFFFFFF0] =	vst v4  }
0x38: {  	_ =	swait.ge [sflag:s7], $0x200  }
0x39: {  	[sflag:s7] =	ssyncset.done $0x0  }
0x3a: {  	[sflag:s7] =	ssyncadd.s32 $0xFFFFFE00  }
0x3b: {  	_ =	swait.ge [sflag:s7], $0x200  }
0x3c: {  	[sflag:s7] =	ssyncset.done $0x0  }
0x3d: {  	[sflag:s7] =	ssyncadd.s32 $0xFFFFFE00  }
0x3e: {  	v4 =	vld [tilespmem:$0x0];
	_ =	sdelay $0x4  }
0x3f: {  	v5 =	vshll.u32 v4, $0x2  }
0x40: {  	v4 =	vand.u32 $0x7, v4;
	v5 =	vand.u32 $0xFFFFFFE0, v5  }
0x41: {  	v4 =	vor.u32 v4, v5  }
0x42: {  	v5 =	vperm.xlane v4, v1;
	_ =	sdelay $0x1  }
0x43: {  	v5 =	vadd.s32 v2, v5;
	_ =	sdelay $0x1  }
0x44: {  	v4 =	vperm.xlane v4, v3;
	_ =	sdelay $0x1  }
0x45: {  	s21 =	simm.s32 $0x600;
	s7 =	simm.s32 $0x0;
	v4 =	vadd.s32 v2, v4  }
0x46: {  	[tilespmem:s21], [sflag:$0x1] =	stream.indirect_vreg.gather [hbm4b:s1+s7], $0x80, v5, vm0, $0xb8;
	[tilespmem:$0x18600] =	vst v63  }
0x47: {  	s22 =	simm.s32 $0xE00  }
0x48: {  	[tilespmem:s22], [sflag:$0x1] =	stream.indirect_vreg.gather [hbm4b:s11+s7], $0x80, v5, vm0, $0xb8;
	[tilespmem:$0x18600] =	vst v63  }
0x49: {  	s23 =	simm.s32 $0x1600  }
0x4a: {  	[tilespmem:s23], [sflag:$0x1] =	stream.indirect_vreg.gather [hbm4b:s1+s7], $0x80, v4, vm0, $0xb8;
	[tilespmem:$0x18600] =	vst v63  }
0x4b: {  	s24 =	simm.s32 $0x1E00  }
0x4c: {  	[tilespmem:s24], [sflag:$0x1] =	stream.indirect_vreg.gather [hbm4b:s11+s7], $0x80, v4, vm0, $0xb8;
	[tilespmem:$0x18600] =	vst v63  }
0x4d: {  	v4 =	vld [tilespmem:$0x10];
	_ =	sdelay $0x4  }
0x4e: {  	v5 =	vshll.u32 v4, $0x2  }
0x4f: {  	v4 =	vand.u32 $0x7, v4;
	v5 =	vand.u32 $0xFFFFFFE0, v5  }
0x50: {  	v4 =	vor.u32 v4, v5  }
0x51: {  	v5 =	vperm.xlane v4, v1;
	_ =	sdelay $0x1  }
0x52: {  	v5 =	vadd.s32 v2, v5;
	_ =	sdelay $0x1  }
0x53: {  	v4 =	vperm.xlane v4, v3;
	_ =	sdelay $0x1  }
0x54: {  	s25 =	simm.s32 $0x2600;
	v4 =	vadd.s32 v2, v4  }
0x55: {  	[tilespmem:s25], [sflag:$0x2] =	stream.indirect_vreg.gather [hbm4b:s1+s7], $0x80, v5, vm0, $0xb8;
	[tilespmem:$0x18600] =	vst v63  }
0x56: {  	s26 =	simm.s32 $0x2E00  }
0x57: {  	[tilespmem:s26], [sflag:$0x2] =	stream.indirect_vreg.gather [hbm4b:s11+s7], $0x80, v5, vm0, $0xb8;
	[tilespmem:$0x18600] =	vst v63  }
0x58: {  	s28 =	simm.s32 $0x3600  }
0x59: {  	[tilespmem:s28], [sflag:$0x2] =	stream.indirect_vreg.gather [hbm4b:s1+s7], $0x80, v4, vm0, $0xb8;
	[tilespmem:$0x18600] =	vst v63  }
0x5a: {  	s29 =	simm.s32 $0x3E00;
	s15 =	simm.s32 $0x0  }
0x5b: {  	[tilespmem:s29], [sflag:$0x2] =	stream.indirect_vreg.gather [hbm4b:s11+s7], $0x80, v4, vm0, $0xb8;
	[tilespmem:$0x18600] =	vst v63  }
.LBB2_4:
0x5c: {  	p0 =	seq.s32 s15, $0x0  }
0x5d: {  	s17 =	sshll.u32 s15, $0x2;
	s0 =	simm.s32 @!p0 $0x7  }
0x5e: {  	s2 =	sor.u32 $0x2, s17;
	_ =	swait.ge @!p0 [sflag:s0], $0x2000  }
0x5f: {  	s16 =	sshll.u32 s2, $0x4;
	[sflag:s0] =	ssyncset.done @!p0 $0x0  }
0x60: {  	s23 =	sand.u32 $0x3FFFFFF0, s16;
	[sflag:s0] =	ssyncadd.s32 @!p0 $0xFFFFE000  }
0x61: {  	v4 =	vld [tilespmem:s23+$0x0];
	_ =	sdelay $0x4  }
0x62: {  	v5 =	vshll.u32 v4, $0x2  }
0x63: {  	v4 =	vand.u32 $0x7, v4;
	v5 =	vand.u32 $0xFFFFFFE0, v5  }
0x64: {  	v4 =	vor.u32 v4, v5  }
0x65: {  	v5 =	vperm.xlane v4, v1;
	_ =	sdelay $0x1  }
0x66: {  	v5 =	vadd.s32 v2, v5;
	_ =	sdelay $0x1  }
0x67: {  	v4 =	vperm.xlane v4, v3;
	_ =	sdelay $0x1  }
0x68: {  	v4 =	vadd.s32 v2, v4  }
0x69: {  	[tilespmem:s30], [sflag:$0x3] =	stream.indirect_vreg.gather [hbm4b:s1+s7], $0x80, v5, vm0, $0xb8;
	[tilespmem:$0x18600] =	vst v63  }
0x6a: {  	_ = 	snop  }
0x6b: {  	[tilespmem:s31], [sflag:$0x3] =	stream.indirect_vreg.gather [hbm4b:s11+s7], $0x80, v5, vm0, $0xb8;
	[tilespmem:$0x18600] =	vst v63  }
0x6c: {  	s24 =	simm.s32 $0x5600  }
0x6d: {  	[tilespmem:s24], [sflag:$0x3] =	stream.indirect_vreg.gather [hbm4b:s1+s7], $0x80, v4, vm0, $0xb8;
	[tilespmem:$0x18600] =	vst v63  }
0x6e: {  	s25 =	simm.s32 $0x5E00;
	s26 =	simm.s32 $0x1  }
0x6f: {  	[tilespmem:s25], [sflag:$0x3] =	stream.indirect_vreg.gather [hbm4b:s11+s7], $0x80, v4, vm0, $0xb8;
	[tilespmem:$0x18600] =	vst v63  }
0x70: {  	_ =	swait.ge [sflag:s26], $0x2000  }
0x71: {  	[sflag:s26] =	ssyncset.done $0x0  }
0x72: {  	s20 =	sshll.u32 s15, $0x6;
	[sflag:s26] =	ssyncadd.s32 $0xFFFFE000  }
0x73: {  	v5 =	vld [tilespmem:s20+$0x200]  }
0x74: {  	v4 =	vld [tilespmem:s20+$0x400];
	_ =	sdelay $0x3  }
0x75: {  	(v2sf) =	vpush v5, $0x0  }
0x76: {  	(v2sf) =	vpush v4, $0x0  }
0x77: {  	(v2sf) =	vpush v5, $0x1  }
0x78: {  	(v2sf) =	vpush v4, $0x1  }
0x79: {  	(v2sf) =	vpush v5, $0x2  }
0x7a: {  	(v2sf) =	vpush v4, $0x2  }
0x7b: {  	(v2sf) =	vpush v5, $0x3  }
0x7c: {  	(v2sf) =	vpush v4, $0x3  }
0x7d: {  	(v2sf) =	vpush v5, $0x4  }
0x7e: {  	(v2sf) =	vpush v4, $0x4  }
0x7f: {  	(v2sf) =	vpush v5, $0x5  }
0x80: {  	(v2sf) =	vpush v4, $0x5  }
0x81: {  	(v2sf) =	vpush v5, $0x6  }
0x82: {  	(v2sf) =	vpush v4, $0x6  }
0x83: {  	(v2sf) =	vpush v5, $0x7  }
0x84: {  	s2 =	spop (v2sf);
	(v2sf) =	vpush v4, $0x7  }
0x85: {  	s8 =	spop (v2sf)  }
0x86: {  	s10 =	spop (v2sf)  }
0x87: {  	s22 =	spop (v2sf)  }
0x88: {  	s28 =	spop (v2sf)  }
0x89: {  	s29 =	spop (v2sf)  }
0x8a: {  	s30 =	spop (v2sf)  }
0x8b: {  	s23 =	spop (v2sf)  }
0x8c: {  	s6 =	spop (v2sf)  }
0x8d: {  	s3 =	spop (v2sf)  }
0x8e: {  	s9 =	sshll.u32 s2, $0x9;
	s26 =	spop (v2sf)  }
0x8f: {  	(v2sf) =	vpush v5, $0x8;
	s0 =	sshll.u32 s2, $0x7;
	s2 =	sand.u32 $0xFFFFF000, s9;
	s25 =	spop (v2sf)  }
0x90: {  	(v2sf) =	vpush v4, $0x8;
	s0 =	sand.u32 $0x380, s0;
	s31 =	sshll.u32 s8, $0x9;
	s24 =	spop (v2sf)  }
0x91: {  	s8 =	sshll.u32 s8, $0x7;
	(v2sf) =	vpush v5, $0x9;
	s0 =	sor.u32 s0, s2;
	s21 =	spop (v2sf)  }
0x92: {  	s31 =	sand.u32 $0xFFFFF000, s31;
	s8 =	sand.u32 $0x380, s8;
	(v2sf) =	vpush v4, $0x9;
	s13 =	spop (v2sf)  }
0x93: {  	s0 =	sadd.s32 $0x8600, s0;
	s8 =	sor.u32 s8, s31;
	s9 =	spop (v2sf);
	(v2sf) =	vpush v5, $0xA  }
0x94: {  	s31 =	sshll.u32 s10, $0x9;
	s10 =	sshll.u32 s10, $0x7;
	[dreg:$0x3] =	wrdreg s0  }
0x95: {  	s8 =	sadd.s32 $0x10600, s8;
	s31 =	sand.u32 $0xFFFFF000, s31;
	s10 =	sand.u32 $0x380, s10  }
0x96: {  	[dreg:$0x4] =	wrdreg s8;
	s10 =	sor.u32 s10, s31  }
0x97: {  	s31 =	sshll.u32 s22, $0x9;
	s22 =	sshll.u32 s22, $0x7;
	s10 =	sadd.s32 $0x8600, s10  }
0x98: {  	s18 =	sand.u32 $0xFFFFF000, s31;
	s22 =	sand.u32 $0x380, s22;
	[dreg:$0x5] =	wrdreg s10  }
0x99: {  	s10 =	sor.u32 s22, s18;
	s18 =	sshll.u32 s28, $0x9;
	s28 =	sshll.u32 s28, $0x7  }
0x9a: {  	s31 =	sadd.s32 $0x10600, s10;
	s22 =	sand.u32 $0xFFFFF000, s18;
	s28 =	sand.u32 $0x380, s28  }
0x9b: {  	[dreg:$0x6] =	wrdreg s31;
	s22 =	sor.u32 s28, s22;
	s28 =	sshll.u32 s29, $0x9  }
0x9c: {  	s29 =	sshll.u32 s29, $0x7;
	s22 =	sadd.s32 $0x8600, s22;
	s18 =	sand.u32 $0xFFFFF000, s28  }
0x9d: {  	s28 =	sand.u32 $0x380, s29;
	s29 =	sshll.u32 s30, $0x7;
	[dreg:$0x7] =	wrdreg s22  }
0x9e: {  	s22 =	sor.u32 s28, s18;
	s28 =	sshll.u32 s30, $0x9;
	s2 =	spop (v2sf)  }
0x9f: {  	s29 =	sand.u32 $0x380, s29;
	s30 =	sadd.s32 $0x10600, s22;
	(v2sf) =	vpush v4, $0xA;
	s0 =	spop (v2sf)  }
0xa0: {  	s28 =	sand.u32 $0xFFFFF000, s28;
	[dreg:$0x8] =	wrdreg s30;
	s8 =	spop (v2sf)  }
0xa1: {  	s28 =	sor.u32 s29, s28;
	s29 =	sshll.u32 s23, $0x9;
	(v2sf) =	vpush v5, $0xB;
	s10 =	spop (v2sf)  }
0xa2: {  	s23 =	sshll.u32 s23, $0x7;
	s28 =	sadd.s32 $0x8600, s28;
	s22 =	spop (v2sf);
	(v2sf) =	vpush v4, $0xB  }
0xa3: {  	s23 =	sand.u32 $0x380, s23;
	[dreg:$0x9] =	wrdreg s28;
	s28 =	sand.u32 $0xFFFFF000, s29  }
0xa4: {  	s23 =	sor.u32 s23, s28;
	s28 =	sshll.u32 s6, $0x9;
	s6 =	sshll.u32 s6, $0x7  }
0xa5: {  	s29 =	sadd.s32 $0x10600, s23;
	s28 =	sand.u32 $0xFFFFF000, s28;
	s6 =	sand.u32 $0x380, s6  }
0xa6: {  	s6 =	sor.u32 s6, s28;
	s28 =	sshll.u32 s3, $0x9;
	s3 =	sshll.u32 s3, $0x7  }
0xa7: {  	s6 =	sadd.s32 $0x8600, s6;
	s18 =	sand.u32 $0xFFFFF000, s28;
	s3 =	sand.u32 $0x380, s3  }
0xa8: {  	s3 =	sor.u32 s3, s18;
	s18 =	sshll.u32 s26, $0x9;
	s26 =	sshll.u32 s26, $0x7  }
0xa9: {  	[dreg:$0xb] =	wrdreg s6;
	s6 =	sand.u32 $0xFFFFF000, s18;
	s28 =	sand.u32 $0x380, s26  }
0xaa: {  	s3 =	sadd.s32 $0x10600, s3;
	s18 =	sshll.u32 s25, $0x9;
	s6 =	sor.u32 s28, s6  }
0xab: {  	s25 =	sshll.u32 s25, $0x7;
	[dreg:$0xc] =	wrdreg s3;
	s3 =	sadd.s32 $0x8600, s6  }
0xac: {  	s6 =	sand.u32 $0xFFFFF000, s18;
	s18 =	sand.u32 $0x380, s25;
	s25 =	sshll.u32 s24, $0x9  }
0xad: {  	s24 =	sshll.u32 s24, $0x7;
	[dreg:$0xd] =	wrdreg s3;
	s3 =	sor.u32 s18, s6  }
0xae: {  	s6 =	sand.u32 $0xFFFFF000, s25;
	s18 =	sand.u32 $0x380, s24;
	s23 =	spop (v2sf);
	(v2sf) =	vpush v5, $0xC  }
0xaf: {  	s25 =	sshll.u32 s21, $0x9;
	s21 =	sshll.u32 s21, $0x7;
	s3 =	sadd.s32 $0x10600, s3  }
0xb0: {  	s18 =	sor.u32 s18, s6;
	s21 =	sand.u32 $0x380, s21;
	s26 =	spop (v2sf);
	(v2sf) =	vpush v4, $0xC  }
0xb1: {  	[dreg:$0xe] =	wrdreg s3;
	s3 =	sadd.s32 $0x8600, s18;
	s24 =	spop (v2sf);
	(v2sf) =	vpush v5, $0xD  }
0xb2: {  	s18 =	sand.u32 $0xFFFFF000, s25;
	s25 =	sshll.u32 s13, $0x9;
	s13 =	sshll.u32 s13, $0x7  }
0xb3: {  	[dreg:$0xf] =	wrdreg s3;
	s3 =	sor.u32 s21, s18;
	s6 =	sand.u32 $0xFFFFF000, s25  }
0xb4: {  	s13 =	sand.u32 $0x380, s13;
	s21 =	sshll.u32 s9, $0x9;
	s9 =	sshll.u32 s9, $0x7  }
0xb5: {  	s18 =	sadd.s32 $0x10600, s3;
	s6 =	sor.u32 s13, s6;
	s25 =	sand.u32 $0xFFFFF000, s21  }
0xb6: {  	s9 =	sand.u32 $0x380, s9;
	s13 =	sshll.u32 s2, $0x9;
	s2 =	sshll.u32 s2, $0x7  }
0xb7: {  	[dreg:$0x10] =	wrdreg s18;
	s6 =	sadd.s32 $0x8600, s6;
	s18 =	sand.u32 $0x380, s2  }
0xb8: {  	[dreg:$0x11] =	wrdreg s6;
	s6 =	sor.u32 s9, s25;
	s9 =	sand.u32 $0xFFFFF000, s13  }
0xb9: {  	s25 =	sshll.u32 s0, $0x9;
	s0 =	sshll.u32 s0, $0x7;
	s13 =	sshll.u32 s8, $0x9  }
0xba: {  	s8 =	sshll.u32 s8, $0x7;
	s6 =	sadd.s32 $0x10600, s6;
	s21 =	sor.u32 s18, s9  }
0xbb: {  	s9 =	sand.u32 $0xFFFFF000, s25;
	s0 =	sand.u32 $0x380, s0;
	s8 =	sand.u32 $0x380, s8  }
0xbc: {  	s25 =	sshll.u32 s10, $0x7;
	[dreg:$0x12] =	wrdreg s6;
	s6 =	sadd.s32 $0x8600, s21  }
0xbd: {  	s0 =	sor.u32 s0, s9;
	s21 =	sshll.u32 s10, $0x9;
	s3 =	spop (v2sf);
	(v2sf) =	vpush v4, $0xD  }
0xbe: {  	s10 =	sand.u32 $0x380, s25;
	s25 =	sshll.u32 s23, $0x7;
	[dreg:$0x13] =	wrdreg s6  }
0xbf: {  	s0 =	sadd.s32 $0x10600, s0;
	s6 =	sand.u32 $0xFFFFF000, s13;
	s2 =	spop (v2sf);
	(v2sf) =	vpush v5, $0xE  }
0xc0: {  	s13 =	sshll.u32 s22, $0x9;
	s18 =	sor.u32 s8, s6;
	s9 =	spop (v2sf);
	(v2sf) =	vpush v4, $0xE  }
0xc1: {  	[dreg:$0x14] =	wrdreg s0;
	s6 =	sand.u32 $0xFFFFF000, s21;
	s0 =	sadd.s32 $0x8600, s18  }
0xc2: {  	s18 =	sshll.u32 s22, $0x7;
	s22 =	sshll.u32 s23, $0x9;
	[dreg:$0x15] =	wrdreg s0  }
0xc3: {  	s0 =	sor.u32 s10, s6;
	s6 =	sand.u32 $0xFFFFF000, s13;
	s8 =	sand.u32 $0x380, s18  }
0xc4: {  	s13 =	sshll.u32 s26, $0x9;
	s0 =	sadd.s32 $0x10600, s0;
	s21 =	sor.u32 s8, s6  }
0xc5: {  	s18 =	sshll.u32 s26, $0x7;
	[dreg:$0x16] =	wrdreg s0;
	s0 =	sadd.s32 $0x8600, s21  }
0xc6: {  	s6 =	sand.u32 $0xFFFFF000, s22;
	s8 =	sand.u32 $0x380, s25;
	[dreg:$0x17] =	wrdreg s0  }
0xc7: {  	s0 =	sor.u32 s8, s6;
	s6 =	sand.u32 $0xFFFFF000, s13;
	s8 =	sand.u32 $0x380, s18  }
0xc8: {  	[dreg:$0xa] =	wrdreg s29;
	s0 =	sadd.s32 $0x10600, s0;
	s21 =	sor.u32 s8, s6  }
0xc9: {  	[dreg:$0x18] =	wrdreg s0;
	s0 =	sadd.s32 $0x8600, s21  }
0xca: {  	[dreg:$0x19] =	wrdreg s0;
	s22 =	sshll.u32 s24, $0x9;
	s23 =	sshll.u32 s24, $0x7  }
0xcb: {  	s24 =	sand.u32 $0xFFFFF000, s22;
	s25 =	sand.u32 $0x380, s23;
	s26 =	sshll.u32 s3, $0x9  }
0xcc: {  	s3 =	sshll.u32 s3, $0x7;
	s0 =	sor.u32 s25, s24;
	s10 =	spop (v2sf);
	(v2sf) =	vpush v5, $0xF  }
0xcd: {  	s6 =	sand.u32 $0xFFFFF000, s26;
	s3 =	sand.u32 $0x380, s3;
	s18 =	sshll.u32 s2, $0x9  }
0xce: {  	s2 =	sshll.u32 s2, $0x7;
	s0 =	sadd.s32 $0x10600, s0;
	s13 =	spop (v2sf)  }
0xcf: {  	s6 =	sor.u32 s3, s6;
	s21 =	sand.u32 $0xFFFFF000, s18;
	s8 =	spop (v2sf);
	(v2sf) =	vpush v4, $0xF  }
0xd0: {  	s2 =	sand.u32 $0x380, s2;
	[dreg:$0x1a] =	wrdreg s0;
	s0 =	sadd.s32 $0x8600, s6  }
0xd1: {  	[dreg:$0x1b] =	wrdreg s0;
	s0 =	sor.u32 s2, s21  }
0xd2: {  	s0 =	sadd.s32 $0x10600, s0;
	s22 =	sshll.u32 s9, $0x9;
	s23 =	sshll.u32 s9, $0x7  }
0xd3: {  	[dreg:$0x1c] =	wrdreg s0;
	s2 =	sand.u32 $0xFFFFF000, s22;
	s3 =	sand.u32 $0x380, s23  }
0xd4: {  	s25 =	sshll.u32 s10, $0x9;
	s26 =	sshll.u32 s10, $0x7;
	s24 =	sor.u32 s3, s2  }
0xd5: {  	s9 =	sand.u32 $0xFFFFF000, s25;
	s10 =	sand.u32 $0x380, s26;
	s18 =	sshll.u32 s13, $0x9  }
0xd6: {  	s21 =	sshll.u32 s13, $0x7;
	s0 =	sadd.s32 $0x8600, s24;
	s2 =	sand.u32 $0xFFFFF000, s18  }
0xd7: {  	s3 =	sand.u32 $0x380, s21;
	[dreg:$0x1d] =	wrdreg s0;
	s0 =	sor.u32 s10, s9  }
0xd8: {  	s21 =	rddreg [dreg:$0x3];
	s22 =	sor.u32 s3, s2;
	s0 =	sadd.s32 $0x10600, s0  }
0xd9: {  	[dreg:$0x1e] =	wrdreg s0;
	s0 =	sadd.s32 $0x8600, s22  }
0xda: {  	s22 =	sand.u32 $0xC00, s7;
	[dreg:$0x1f] =	wrdreg s0;
	s23 =	sshll.u32 s8, $0x9  }
0xdb: {  	s6 =	spop (v2sf);
	s24 =	sshll.u32 s8, $0x7;
	s2 =	sand.u32 $0xFFFFF000, s23  }
0xdc: {  	s3 =	sand.u32 $0x380, s24;
	s25 =	sshll.u32 s6, $0x9;
	s6 =	sshll.u32 s6, $0x7  }
0xdd: {  	s24 =	rddreg [dreg:$0x4];
	s23 =	sand.u32 $0x70, s7;
	s2 =	sor.u32 s3, s2  }
0xde: {  	s26 =	sand.u32 $0xFFFFF000, s25;
	s6 =	sand.u32 $0x380, s6;
	s10 =	spop (v2sf)  }
0xdf: {  	s8 =	sadd.s32 $0x10600, s2;
	s18 =	sshll.u32 s10, $0x9;
	s3 =	sshll.u32 s10, $0x7  }
0xe0: {  	s9 =	sor.u32 s6, s26;
	s2 =	sand.u32 $0xFFFFF000, s18;
	s3 =	sand.u32 $0x380, s3  }
0xe1: {  	[smem:$0x7F4] =	sst s8;
	s13 =	sadd.s32 $0x8600, s9;
	s25 =	sor.u32 s3, s2  }
0xe2: {  	s26 =	sadd.s32 s22, s21;
	[smem:$0x7F5] =	sst s13;
	s0 =	sadd.s32 $0x10600, s25  }
0xe3: {  	s2 =	sadd.s32 s23, s26;
	s3 =	sadd.s32 s22, s24;
	[smem:$0x7F6] =	sst s0  }
0xe4: {  	s6 =	sadd.s32 s23, s3;
	v4 =	vld [tilespmem:s2+$0x0]  }
0xe5: {  	v5 =	vld [tilespmem:s6+$0x0];
	_ =	sdelay $0x4  }
0xe6: {  	s8 =	rddreg [dreg:$0x5];
	v4 =	vadd.f32 v5, v4  }
0xe7: {  	s21 =	sor.u32 s23, s22;
	s9 =	rddreg [dreg:$0x6];
	s0 =	sadd.s32 s22, s8  }
0xe8: {  	s0 =	sadd.s32 s23, s0;
	s2 =	sadd.s32 s22, s9;
	[tilespmem:s21+$0x600] =	vst.add.f32.msk $0xffff, v4  }
0xe9: {  	s10 =	sadd.s32 s23, s2;
	v4 =	vld [tilespmem:s0+$0x0]  }
0xea: {  	v5 =	vld [tilespmem:s10+$0x0];
	_ =	sdelay $0x4  }
0xeb: {  	s13 =	rddreg [dreg:$0x7];
	v4 =	vadd.f32 v5, v4  }
0xec: {  	s18 =	rddreg [dreg:$0x8];
	s0 =	sadd.s32 s22, s13  }
0xed: {  	s2 =	sadd.s32 s22, s18;
	s0 =	sadd.s32 s23, s0;
	[tilespmem:s21+$0x680] =	vst.add.f32.msk $0xffff, v4  }
0xee: {  	s24 =	sadd.s32 s23, s2;
	v4 =	vld [tilespmem:s0+$0x0]  }
0xef: {  	v5 =	vld [tilespmem:s24+$0x0];
	_ =	sdelay $0x4  }
0xf0: {  	s25 =	rddreg [dreg:$0x9];
	v4 =	vadd.f32 v5, v4  }
0xf1: {  	s26 =	rddreg [dreg:$0xa];
	s0 =	sadd.s32 s22, s25  }
0xf2: {  	s2 =	sadd.s32 s22, s26;
	s0 =	sadd.s32 s23, s0;
	[tilespmem:s21+$0x700] =	vst.add.f32.msk $0xffff, v4  }
0xf3: {  	s3 =	sadd.s32 s23, s2;
	v4 =	vld [tilespmem:s0+$0x0]  }
0xf4: {  	v5 =	vld [tilespmem:s3+$0x0];
	_ =	sdelay $0x4  }
0xf5: {  	s6 =	rddreg [dreg:$0xb];
	v4 =	vadd.f32 v5, v4  }
0xf6: {  	s8 =	rddreg [dreg:$0xc];
	s0 =	sadd.s32 s22, s6  }
0xf7: {  	s2 =	sadd.s32 s22, s8;
	s0 =	sadd.s32 s23, s0;
	[tilespmem:s21+$0x780] =	vst.add.f32.msk $0xffff, v4  }
0xf8: {  	s9 =	sadd.s32 s23, s2;
	v4 =	vld [tilespmem:s0+$0x0]  }
0xf9: {  	v5 =	vld [tilespmem:s9+$0x0];
	_ =	sdelay $0x4  }
0xfa: {  	s10 =	rddreg [dreg:$0xd];
	v4 =	vadd.f32 v5, v4  }
0xfb: {  	s31 =	simm.s32 $0x80;
	s13 =	rddreg [dreg:$0xe];
	s0 =	sadd.s32 s22, s10  }
0xfc: {  	s18 =	rddreg [dreg:$0x3];
	s2 =	sadd.s32 s22, s13;
	s26 =	sadd.s32 s23, s0;
	[tilespmem:s21+$0x800] =	vst.add.f32.msk $0xffff, v4  }
0xfd: {  	s24 =	sand.u32 $0xC00, s31;
	s0 =	simm.s32 $0x10;
	s2 =	sadd.s32 s23, s2;
	v4 =	vld [tilespmem:s26+$0x0]  }
0xfe: {  	s25 =	rddreg [dreg:$0x4];
	s3 =	sadd.s32 s24, s18;
	s26 =	sand.u32 $0x70, s0;
	v5 =	vld [tilespmem:s2+$0x0]  }
0xff: {  	s6 =	sadd.s32 s24, s25;
	s3 =	sadd.s32 s26, s3  }
0x100: {  	s8 =	sadd.s32 s26, s6;
	v6 =	vld [tilespmem:s3+$0x0]  }
0x101: {  	v7 =	vld [tilespmem:s8+$0x0];
	_ =	sdelay $0x1  }
0x102: {  	s9 =	rddreg [dreg:$0xf];
	v4 =	vadd.f32 v5, v4  }
0x103: {  	s10 =	rddreg [dreg:$0x10];
	s2 =	sadd.s32 s22, s9  }
0x104: {  	s2 =	sadd.s32 s23, s2;
	s3 =	sadd.s32 s22, s10;
	[tilespmem:s21+$0x880] =	vst.add.f32.msk $0xffff, v4  }
0x105: {  	s13 =	rddreg [dreg:$0x5];
	s3 =	sadd.s32 s23, s3;
	v4 =	vadd.f32 v7, v6;
	v5 =	vld [tilespmem:s2+$0x0]  }
0x106: {  	s18 =	rddreg [dreg:$0x6];
	s25 =	sor.u32 s26, s24;
	s6 =	sadd.s32 s24, s13;
	v6 =	vld [tilespmem:s3+$0x0]  }
0x107: {  	s9 =	sadd.s32 s26, s6;
	s10 =	sadd.s32 s24, s18;
	[tilespmem:s25+$0x600] =	vst.add.f32.msk $0xffff, v4  }
0x108: {  	s13 =	sadd.s32 s26, s10;
	v4 =	vld [tilespmem:s9+$0x0]  }
0x109: {  	v7 =	vld [tilespmem:s13+$0x0];
	_ =	sdelay $0x1  }
0x10a: {  	s18 =	rddreg [dreg:$0x11];
	v5 =	vadd.f32 v6, v5  }
0x10b: {  	s6 =	rddreg [dreg:$0x12];
	s3 =	sadd.s32 s22, s18  }
0x10c: {  	s2 =	sadd.s32 s22, s6;
	s3 =	sadd.s32 s23, s3;
	[tilespmem:s21+$0x900] =	vst.add.f32.msk $0xffff, v5  }
0x10d: {  	s8 =	rddreg [dreg:$0x7];
	s2 =	sadd.s32 s23, s2;
	v4 =	vadd.f32 v7, v4;
	v5 =	vld [tilespmem:s3+$0x0]  }
0x10e: {  	s9 =	rddreg [dreg:$0x8];
	s10 =	sadd.s32 s24, s8;
	v6 =	vld [tilespmem:s2+$0x0]  }
0x10f: {  	s18 =	sadd.s32 s24, s9;
	s13 =	sadd.s32 s26, s10;
	[tilespmem:s25+$0x680] =	vst.add.f32.msk $0xffff, v4  }
0x110: {  	s6 =	sadd.s32 s26, s18;
	v4 =	vld [tilespmem:s13+$0x0]  }
0x111: {  	v7 =	vld [tilespmem:s6+$0x0];
	_ =	sdelay $0x1  }
0x112: {  	s10 =	sor.u32 s7, s7;
	s8 =	rddreg [dreg:$0x13];
	v5 =	vadd.f32 v6, v5  }
0x113: {  	s9 =	rddreg [dreg:$0x14];
	s2 =	sadd.s32 s22, s8;
	s6 =	sor.u32 $0x380, s10  }
0x114: {  	s3 =	sadd.s32 s22, s9;
	s2 =	sadd.s32 s23, s2;
	[tilespmem:s6+$0x600] =	vst.add.f32.msk $0xffff, v5  }
0x115: {  	s13 =	rddreg [dreg:$0x9];
	v4 =	vadd.f32 v7, v4;
	s6 =	sadd.s32 s23, s3;
	v5 =	vld [tilespmem:s2+$0x0]  }
0x116: {  	s18 =	rddreg [dreg:$0xa];
	s10 =	sadd.s32 s24, s13;
	v6 =	vld [tilespmem:s6+$0x0]  }
0x117: {  	s18 =	sadd.s32 s24, s18;
	s13 =	sadd.s32 s26, s10;
	[tilespmem:s25+$0x700] =	vst.add.f32.msk $0xffff, v4  }
0x118: {  	s3 =	sadd.s32 s26, s18;
	v4 =	vld [tilespmem:s13+$0x0]  }
0x119: {  	v7 =	vld [tilespmem:s3+$0x0];
	_ =	sdelay $0x1  }
0x11a: {  	s6 =	rddreg [dreg:$0x15];
	v5 =	vadd.f32 v6, v5  }
0x11b: {  	s8 =	rddreg [dreg:$0x16];
	s2 =	sadd.s32 s22, s6  }
0x11c: {  	s2 =	sadd.s32 s23, s2;
	s3 =	sadd.s32 s22, s8;
	[tilespmem:s21+$0x1600] =	vst.add.f32.msk $0xffff, v5  }
0x11d: {  	s9 =	rddreg [dreg:$0xb];
	s13 =	sadd.s32 s23, s3;
	v4 =	vadd.f32 v7, v4;
	v5 =	vld [tilespmem:s2+$0x0]  }
0x11e: {  	s10 =	rddreg [dreg:$0xc];
	s18 =	sadd.s32 s24, s9;
	v6 =	vld [tilespmem:s13+$0x0]  }
0x11f: {  	s6 =	sadd.s32 s24, s10;
	s3 =	sadd.s32 s26, s18;
	[tilespmem:s25+$0x780] =	vst.add.f32.msk $0xffff, v4  }
0x120: {  	s8 =	sadd.s32 s26, s6;
	v4 =	vld [tilespmem:s3+$0x0]  }
0x121: {  	v7 =	vld [tilespmem:s8+$0x0];
	_ =	sdelay $0x1  }
0x122: {  	s9 =	rddreg [dreg:$0x17];
	v5 =	vadd.f32 v6, v5  }
0x123: {  	s10 =	rddreg [dreg:$0x18];
	s2 =	sadd.s32 s22, s9  }
0x124: {  	s2 =	sadd.s32 s23, s2;
	s3 =	sadd.s32 s22, s10;
	[tilespmem:s21+$0x1680] =	vst.add.f32.msk $0xffff, v5  }
0x125: {  	s13 =	rddreg [dreg:$0xd];
	s10 =	sadd.s32 s23, s3;
	v4 =	vadd.f32 v7, v4;
	v5 =	vld [tilespmem:s2+$0x0]  }
0x126: {  	s9 =	simm.s32 $0x20;
	s18 =	rddreg [dreg:$0xe];
	s6 =	sadd.s32 s24, s13;
	v6 =	vld [tilespmem:s10+$0x0]  }
0x127: {  	s8 =	simm.s32 $0x100;
	s13 =	sadd.s32 s24, s18;
	s6 =	sadd.s32 s26, s6;
	[tilespmem:s25+$0x800] =	vst.add.f32.msk $0xffff, v4  }
0x128: {  	s3 =	rddreg [dreg:$0x3];
	s29 =	sand.u32 $0xC00, s8;
	s18 =	sadd.s32 s26, s13;
	v4 =	vld [tilespmem:s6+$0x0]  }
0x129: {  	s28 =	sand.u32 $0x70, s9;
	s3 =	sadd.s32 s29, s3;
	s2 =	rddreg [dreg:$0x4];
	v7 =	vld [tilespmem:s18+$0x0]  }
0x12a: {  	s3 =	sadd.s32 s28, s3;
	s2 =	sadd.s32 s29, s2  }
0x12b: {  	v8 =	vld [tilespmem:s3+$0x0];
	s10 =	rddreg [dreg:$0x19];
	s2 =	sadd.s32 s28, s2;
	v5 =	vadd.f32 v6, v5  }
0x12c: {  	s13 =	rddreg [dreg:$0x1a];
	s18 =	sadd.s32 s22, s10;
	v6 =	vld [tilespmem:s2+$0x0]  }
0x12d: {  	s10 =	sadd.s32 s22, s13;
	s3 =	sadd.s32 s23, s18;
	[tilespmem:s21+$0x1700] =	vst.add.f32.msk $0xffff, v5  }
0x12e: {  	s10 =	sadd.s32 s23, s10;
	s2 =	rddreg [dreg:$0xf];
	v4 =	vadd.f32 v7, v4;
	v7 =	vld [tilespmem:s3+$0x0]  }
0x12f: {  	s6 =	rddreg [dreg:$0x10];
	s2 =	sadd.s32 s24, s2;
	v9 =	vld [tilespmem:s10+$0x0]  }
0x130: {  	s6 =	sadd.s32 s24, s6;
	s2 =	sadd.s32 s26, s2;
	[tilespmem:s25+$0x880] =	vst.add.f32.msk $0xffff, v4  }
0x131: {  	s13 =	rddreg [dreg:$0x5];
	s6 =	sadd.s32 s26, s6;
	v6 =	vadd.f32 v6, v8;
	v4 =	vld [tilespmem:s2+$0x0]  }
0x132: {  	s30 =	sor.u32 s28, s29;
	s18 =	rddreg [dreg:$0x6];
	s10 =	sadd.s32 s29, s13;
	v5 =	vld [tilespmem:s6+$0x0]  }
0x133: {  	s13 =	rddreg [dreg:$0x1b];
	s3 =	sadd.s32 s29, s18;
	s6 =	sadd.s32 s28, s10;
	[tilespmem:s30+$0x600] =	vst.add.f32.msk $0xffff, v6  }
0x134: {  	s18 =	rddreg [dreg:$0x1c];
	s3 =	sadd.s32 s28, s3;
	v6 =	vld [tilespmem:s6+$0x0];
	v8 =	vadd.f32 v9, v7  }
0x135: {  	s2 =	sadd.s32 s22, s13;
	s10 =	simm.s32 $0x30;
	s6 =	rddreg [dreg:$0x11];
	v7 =	vld [tilespmem:s3+$0x0]  }
0x136: {  	s13 =	sadd.s32 s23, s2;
	s2 =	sadd.s32 s22, s18;
	s3 =	rddreg [dreg:$0x12];
	[tilespmem:s21+$0x1780] =	vst.add.f32.msk $0xffff, v8  }
.LBB2_5:
0x137: {  	s2 =	sadd.s32 s23, s2  }
0x138: {  	v8 =	vld [tilespmem:s2+$0x0];
	v4 =	vadd.f32 v5, v4  }
0x139: {  	s6 =	sadd.s32 s24, s6;
	v5 =	vld [tilespmem:s13+$0x0]  }
0x13a: {  	s3 =	sadd.s32 s24, s3;
	s6 =	sadd.s32 s26, s6;
	[tilespmem:s25+$0x900] =	vst.add.f32.msk $0xffff, v4  }
0x13b: {  	s18 =	rddreg [dreg:$0x7];
	s3 =	sadd.s32 s26, s3;
	v4 =	vadd.f32 v7, v6;
	v6 =	vld [tilespmem:s6+$0x0]  }
0x13c: {  	s2 =	rddreg [dreg:$0x8];
	s18 =	sadd.s32 s29, s18;
	v7 =	vld [tilespmem:s3+$0x0]  }
0x13d: {  	s2 =	sadd.s32 s29, s2;
	s6 =	sadd.s32 s28, s18;
	[tilespmem:s30+$0x680] =	vst.add.f32.msk $0xffff, v4  }
0x13e: {  	s13 =	rddreg [dreg:$0x1d];
	s2 =	sadd.s32 s28, s2;
	v4 =	vld [tilespmem:s6+$0x0];
	v5 =	vadd.f32 v8, v5  }
0x13f: {  	s18 =	rddreg [dreg:$0x1e];
	s3 =	sadd.s32 s22, s13;
	v8 =	vld [tilespmem:s2+$0x0]  }
0x140: {  	s3 =	sadd.s32 s23, s3;
	s13 =	sadd.s32 s22, s18;
	[tilespmem:s21+$0x1800] =	vst.add.f32.msk $0xffff, v5  }
0x141: {  	s0 =	sor.u32 s31, s0;
	s2 =	rddreg [dreg:$0x13];
	s13 =	sadd.s32 s23, s13;
	v5 =	vadd.f32 v7, v6;
	v6 =	vld [tilespmem:s3+$0x0]  }
0x142: {  	s0 =	sor.u32 $0x380, s0;
	s6 =	rddreg [dreg:$0x14];
	s2 =	sadd.s32 s24, s2;
	v7 =	vld [tilespmem:s13+$0x0]  }
0x143: {  	s6 =	sadd.s32 s24, s6;
	s2 =	sadd.s32 s26, s2;
	[tilespmem:s0+$0x600] =	vst.add.f32.msk $0xffff, v5  }
0x144: {  	s18 =	rddreg [dreg:$0x9];
	v4 =	vadd.f32 v8, v4;
	v5 =	vld [tilespmem:s2+$0x0];
	s2 =	sadd.s32 s26, s6  }
0x145: {  	s18 =	sadd.s32 s29, s18;
	s3 =	rddreg [dreg:$0xa];
	v8 =	vld [tilespmem:s2+$0x0]  }
0x146: {  	s3 =	sadd.s32 s29, s3;
	s6 =	sadd.s32 s28, s18;
	s18 =	sld [smem:$0x7F4];
	[tilespmem:s30+$0x700] =	vst.add.f32.msk $0xffff, v4  }
0x147: {  	s13 =	rddreg [dreg:$0x1f];
	s3 =	sadd.s32 s28, s3;
	v4 =	vld [tilespmem:s6+$0x0];
	v6 =	vadd.f32 v7, v6  }
0x148: {  	s2 =	sadd.s32 s22, s13;
	v7 =	vld [tilespmem:s3+$0x0]  }
0x149: {  	s2 =	sadd.s32 s23, s2;
	s13 =	sadd.s32 s22, s18;
	[tilespmem:s21+$0x1880] =	vst.add.f32.msk $0xffff, v6  }
0x14a: {  	s3 =	rddreg [dreg:$0x15];
	s13 =	sadd.s32 s23, s13;
	v6 =	vld [tilespmem:s2+$0x0];
	v5 =	vadd.f32 v8, v5  }
0x14b: {  	s6 =	rddreg [dreg:$0x16];
	s3 =	sadd.s32 s24, s3;
	v8 =	vld [tilespmem:s13+$0x0]  }
0x14c: {  	s18 =	rddreg [dreg:$0xb];
	s6 =	sadd.s32 s24, s6;
	s3 =	sadd.s32 s26, s3;
	[tilespmem:s25+$0x1600] =	vst.add.f32.msk $0xffff, v5  }
0x14d: {  	s6 =	sadd.s32 s26, s6;
	s2 =	rddreg [dreg:$0xc];
	v4 =	vadd.f32 v7, v4;
	v5 =	vld [tilespmem:s3+$0x0]  }
0x14e: {  	s13 =	sadd.s32 s29, s18;
	s18 =	sld [smem:$0x7F5];
	v7 =	vld [tilespmem:s6+$0x0]  }
0x14f: {  	s2 =	sadd.s32 s29, s2;
	[tilespmem:s30+$0x780] =	vst.add.f32.msk $0xffff, v4;
	s6 =	sadd.s32 s28, s13;
	s13 =	sld [smem:$0x7F6]  }
0x150: {  	s2 =	sadd.s32 s28, s2;
	v4 =	vld [tilespmem:s6+$0x0];
	v6 =	vadd.f32 v8, v6  }
0x151: {  	s3 =	sadd.s32 s22, s18;
	v8 =	vld [tilespmem:s2+$0x0]  }
0x152: {  	s3 =	sadd.s32 s23, s3;
	s13 =	sadd.s32 s22, s13;
	[tilespmem:s21+$0x1900] =	vst.add.f32.msk $0xffff, v6  }
0x153: {  	s6 =	rddreg [dreg:$0x17];
	s22 =	smov.u32 s24;
	s23 =	sadd.s32 s23, s13;
	v5 =	vadd.f32 v7, v5;
	v6 =	vld [tilespmem:s3+$0x0]  }
0x154: {  	s18 =	rddreg [dreg:$0x18];
	s2 =	sadd.s32 s22, s6;
	v7 =	vld [tilespmem:s23+$0x0];
	s23 =	smov.u32 s26  }
0x155: {  	s31 =	smov.u32 s8;
	s6 =	sadd.s32 s22, s18;
	s2 =	sadd.s32 s23, s2;
	[tilespmem:s25+$0x1680] =	vst.add.f32.msk $0xffff, v5  }
0x156: {  	s24 =	smov.u32 s29;
	s13 =	rddreg [dreg:$0xd];
	s18 =	sadd.s32 s23, s6;
	v4 =	vadd.f32 v8, v4;
	v5 =	vld [tilespmem:s2+$0x0]  }
0x157: {  	s3 =	rddreg [dreg:$0xe];
	s26 =	smov.u32 s28;
	s13 =	sadd.s32 s24, s13;
	v8 =	vld [tilespmem:s18+$0x0]  }
0x158: {  	s8 =	sadd.s32 $0x80, s8;
	s13 =	sadd.s32 s26, s13;
	s3 =	sadd.s32 s24, s3;
	[tilespmem:s30+$0x800] =	vst.add.f32.msk $0xffff, v4  }
0x159: {  	s29 =	sand.u32 $0xC00, s8;
	s6 =	rddreg [dreg:$0x3];
	s3 =	sadd.s32 s26, s3;
	v4 =	vld [tilespmem:s13+$0x0];
	v6 =	vadd.f32 v7, v6  }
0x15a: {  	s28 =	sand.u32 $0x70, s10;
	s6 =	sadd.s32 s29, s6;
	s18 =	rddreg [dreg:$0x4];
	v7 =	vld [tilespmem:s3+$0x0]  }
0x15b: {  	s6 =	sadd.s32 s28, s6;
	s2 =	sadd.s32 s29, s18;
	[tilespmem:s21+$0x1980] =	vst.add.f32.msk $0xffff, v6  }
0x15c: {  	s13 =	rddreg [dreg:$0x19];
	s2 =	sadd.s32 s28, s2;
	v6 =	vld [tilespmem:s6+$0x0];
	v5 =	vadd.f32 v8, v5  }
0x15d: {  	s18 =	rddreg [dreg:$0x1a];
	s3 =	sadd.s32 s22, s13;
	s21 =	smov.u32 s25;
	v8 =	vld [tilespmem:s2+$0x0]  }
0x15e: {  	s13 =	sadd.s32 s22, s18;
	s3 =	sadd.s32 s23, s3;
	[tilespmem:s21+$0x1700] =	vst.add.f32.msk $0xffff, v5  }
0x15f: {  	p1 =	sne.s32 s10, $0x1F0;
	s13 =	sadd.s32 s23, s13;
	s2 =	rddreg [dreg:$0xf];
	v4 =	vadd.f32 v7, v4;
	v7 =	vld [tilespmem:s3+$0x0]  }
0x160: {  	s25 =	smov.u32 s30;
	s6 =	rddreg [dreg:$0x10];
	s2 =	sadd.s32 s24, s2;
	v9 =	vld [tilespmem:s13+$0x0]  }
0x161: {  	s0 =	smov.u32 s9;
	s6 =	sadd.s32 s24, s6;
	s2 =	sadd.s32 s26, s2;
	[tilespmem:s25+$0x880] =	vst.add.f32.msk $0xffff, v4  }
0x162: {  	s18 =	rddreg [dreg:$0x5];
	s30 =	sor.u32 s28, s29;
	s6 =	sadd.s32 s26, s6;
	v6 =	vadd.f32 v8, v6;
	v4 =	vld [tilespmem:s2+$0x0]  }
.Ltmp1:
0x163: {  	s18 =	sadd.s32 s29, s18;
	s3 =	rddreg [dreg:$0x6];
	v5 =	vld [tilespmem:s6+$0x0];
	(pc) =	sbr.rel @p1 .LBB2_5-.Ltmp1, $4  }
0x164: {  	s13 =	rddreg [dreg:$0x1b];
	s3 =	sadd.s32 s29, s3;
	s6 =	sadd.s32 s28, s18;
	[tilespmem:s30+$0x600] =	vst.add.f32.msk $0xffff, v6  }
0x165: {  	s9 =	smov.u32 s10;
	s18 =	rddreg [dreg:$0x1c];
	s3 =	sadd.s32 s28, s3;
	v6 =	vld [tilespmem:s6+$0x0];
	v8 =	vadd.f32 v9, v7  }
0x166: {  	s10 =	sadd.s32 $0x10, s10;
	s2 =	sadd.s32 s22, s13;
	s6 =	rddreg [dreg:$0x11];
	v7 =	vld [tilespmem:s3+$0x0]  }
0x167: {  	s13 =	sadd.s32 s23, s2;
	s2 =	sadd.s32 s22, s18;
	s3 =	rddreg [dreg:$0x12];
	[tilespmem:s21+$0x1780] =	vst.add.f32.msk $0xffff, v8  }
0x168: {  	_ =	sdelay $0x2  }
0x169: {  	s10 =	rddreg [dreg:$0x7];
	v6 =	vadd.f32 v7, v6  }
0x16a: {  	s18 =	rddreg [dreg:$0x8];
	s10 =	sadd.s32 s29, s10  }
0x16b: {  	s18 =	sadd.s32 s29, s18;
	s10 =	sadd.s32 s28, s10;
	[tilespmem:s30+$0x680] =	vst.add.f32.msk $0xffff, v6  }
0x16c: {  	s18 =	sadd.s32 s28, s18;
	v6 =	vld [tilespmem:s10+$0x0]  }
0x16d: {  	v7 =	vld [tilespmem:s18+$0x0];
	_ =	sdelay $0x4  }
0x16e: {  	s10 =	rddreg [dreg:$0x9];
	v6 =	vadd.f32 v7, v6  }
0x16f: {  	s18 =	rddreg [dreg:$0xa];
	s10 =	sadd.s32 s29, s10  }
0x170: {  	s18 =	sadd.s32 s29, s18;
	s10 =	sadd.s32 s28, s10;
	[tilespmem:s30+$0x700] =	vst.add.f32.msk $0xffff, v6  }
0x171: {  	s18 =	sadd.s32 s28, s18;
	v6 =	vld [tilespmem:s10+$0x0]  }
0x172: {  	v7 =	vld [tilespmem:s18+$0x0];
	_ =	sdelay $0x4  }
0x173: {  	s10 =	rddreg [dreg:$0xb];
	v6 =	vadd.f32 v7, v6  }
0x174: {  	s18 =	rddreg [dreg:$0xc];
	s10 =	sadd.s32 s29, s10  }
0x175: {  	s18 =	sadd.s32 s29, s18;
	s10 =	sadd.s32 s28, s10;
	[tilespmem:s30+$0x780] =	vst.add.f32.msk $0xffff, v6  }
0x176: {  	s18 =	sadd.s32 s28, s18;
	v6 =	vld [tilespmem:s10+$0x0]  }
0x177: {  	v7 =	vld [tilespmem:s18+$0x0];
	_ =	sdelay $0x4  }
0x178: {  	s10 =	rddreg [dreg:$0xd];
	v6 =	vadd.f32 v7, v6  }
0x179: {  	s18 =	rddreg [dreg:$0xe];
	s10 =	sadd.s32 s29, s10  }
0x17a: {  	s18 =	sadd.s32 s29, s18;
	s10 =	sadd.s32 s28, s10;
	[tilespmem:s30+$0x800] =	vst.add.f32.msk $0xffff, v6  }
0x17b: {  	s18 =	sadd.s32 s28, s18;
	v6 =	vld [tilespmem:s10+$0x0]  }
0x17c: {  	v7 =	vld [tilespmem:s18+$0x0];
	_ =	sdelay $0x4  }
0x17d: {  	s10 =	rddreg [dreg:$0xf];
	v6 =	vadd.f32 v7, v6  }
0x17e: {  	s18 =	rddreg [dreg:$0x10];
	s10 =	sadd.s32 s29, s10  }
0x17f: {  	s18 =	sadd.s32 s29, s18;
	s10 =	sadd.s32 s28, s10;
	[tilespmem:s30+$0x880] =	vst.add.f32.msk $0xffff, v6  }
0x180: {  	s18 =	sadd.s32 s28, s18;
	v6 =	vld [tilespmem:s10+$0x0]  }
0x181: {  	v7 =	vld [tilespmem:s18+$0x0];
	_ =	sdelay $0x1  }
0x182: {  	v4 =	vadd.f32 v5, v4  }
0x183: {  	s6 =	sadd.s32 s24, s6  }
0x184: {  	s3 =	sadd.s32 s24, s3;
	s6 =	sadd.s32 s26, s6;
	[tilespmem:s25+$0x900] =	vst.add.f32.msk $0xffff, v4  }
0x185: {  	s3 =	sadd.s32 s26, s3;
	v4 =	vld [tilespmem:s6+$0x0];
	s10 =	rddreg [dreg:$0x11];
	v5 =	vadd.f32 v7, v6  }
0x186: {  	s18 =	rddreg [dreg:$0x12];
	s10 =	sadd.s32 s29, s10;
	v6 =	vld [tilespmem:s3+$0x0]  }
0x187: {  	s18 =	sadd.s32 s29, s18;
	s3 =	sadd.s32 s28, s10;
	[tilespmem:s30+$0x900] =	vst.add.f32.msk $0xffff, v5  }
0x188: {  	s6 =	sadd.s32 s28, s18;
	v5 =	vld [tilespmem:s3+$0x0]  }
0x189: {  	v7 =	vld [tilespmem:s6+$0x0];
	_ =	sdelay $0x1  }
0x18a: {  	s0 =	sor.u32 s31, s0;
	s10 =	rddreg [dreg:$0x13];
	v4 =	vadd.f32 v6, v4  }
0x18b: {  	s0 =	sor.u32 $0x380, s0;
	s3 =	rddreg [dreg:$0x14];
	s6 =	sadd.s32 s24, s10  }
0x18c: {  	s18 =	sadd.s32 s26, s6;
	s3 =	sadd.s32 s24, s3;
	[tilespmem:s0+$0x600] =	vst.add.f32.msk $0xffff, v4  }
0x18d: {  	s10 =	rddreg [dreg:$0x13];
	s3 =	sadd.s32 s26, s3;
	v4 =	vld [tilespmem:s18+$0x0];
	v5 =	vadd.f32 v7, v5;
	s18 =	sor.u32 s8, s9  }
0x18e: {  	s6 =	rddreg [dreg:$0x14];
	v6 =	vld [tilespmem:s3+$0x0];
	s9 =	sadd.s32 s29, s10;
	s8 =	sor.u32 $0x380, s18  }
0x18f: {  	s10 =	sadd.s32 s28, s9;
	s18 =	sadd.s32 s29, s6;
	[tilespmem:s8+$0x600] =	vst.add.f32.msk $0xffff, v5  }
0x190: {  	s6 =	sadd.s32 s28, s18;
	v5 =	vld [tilespmem:s10+$0x0]  }
0x191: {  	v7 =	vld [tilespmem:s6+$0x0];
	_ =	sdelay $0x1  }
0x192: {  	s8 =	rddreg [dreg:$0x15];
	v4 =	vadd.f32 v6, v4  }
0x193: {  	s9 =	rddreg [dreg:$0x16];
	s3 =	sadd.s32 s24, s8  }
0x194: {  	s0 =	sadd.s32 s24, s9;
	s3 =	sadd.s32 s26, s3;
	[tilespmem:s25+$0x1600] =	vst.add.f32.msk $0xffff, v4  }
0x195: {  	s10 =	rddreg [dreg:$0x15];
	s0 =	sadd.s32 s26, s0;
	v4 =	vld [tilespmem:s3+$0x0];
	v5 =	vadd.f32 v7, v5  }
0x196: {  	s18 =	rddreg [dreg:$0x16];
	s6 =	sadd.s32 s29, s10;
	v6 =	vld [tilespmem:s0+$0x0]  }
0x197: {  	s9 =	sadd.s32 s29, s18;
	s0 =	sadd.s32 s28, s6;
	[tilespmem:s30+$0x1600] =	vst.add.f32.msk $0xffff, v5  }
0x198: {  	s10 =	sadd.s32 s28, s9;
	v5 =	vld [tilespmem:s0+$0x0]  }
0x199: {  	v7 =	vld [tilespmem:s10+$0x0];
	_ =	sdelay $0x1  }
0x19a: {  	s18 =	rddreg [dreg:$0x17];
	v4 =	vadd.f32 v6, v4  }
0x19b: {  	s6 =	rddreg [dreg:$0x18];
	s3 =	sadd.s32 s24, s18  }
0x19c: {  	s3 =	sadd.s32 s26, s3;
	s0 =	sadd.s32 s24, s6;
	[tilespmem:s25+$0x1680] =	vst.add.f32.msk $0xffff, v4  }
0x19d: {  	s8 =	rddreg [dreg:$0x17];
	s0 =	sadd.s32 s26, s0;
	v4 =	vld [tilespmem:s3+$0x0];
	v5 =	vadd.f32 v7, v5  }
0x19e: {  	s9 =	rddreg [dreg:$0x18];
	s10 =	sadd.s32 s29, s8;
	v6 =	vld [tilespmem:s0+$0x0]  }
0x19f: {  	s18 =	sadd.s32 s29, s9;
	s0 =	sadd.s32 s28, s10;
	[tilespmem:s30+$0x1680] =	vst.add.f32.msk $0xffff, v5  }
0x1a0: {  	s6 =	sadd.s32 s28, s18;
	v5 =	vld [tilespmem:s0+$0x0]  }
0x1a1: {  	v7 =	vld [tilespmem:s6+$0x0];
	_ =	sdelay $0x1  }
0x1a2: {  	s8 =	rddreg [dreg:$0x19];
	v4 =	vadd.f32 v6, v4  }
0x1a3: {  	s9 =	rddreg [dreg:$0x1a];
	s3 =	sadd.s32 s24, s8  }
0x1a4: {  	s3 =	sadd.s32 s26, s3;
	s0 =	sadd.s32 s24, s9;
	[tilespmem:s25+$0x1700] =	vst.add.f32.msk $0xffff, v4  }
0x1a5: {  	s10 =	rddreg [dreg:$0x19];
	s0 =	sadd.s32 s26, s0;
	v4 =	vld [tilespmem:s3+$0x0];
	v5 =	vadd.f32 v7, v5  }
0x1a6: {  	s18 =	rddreg [dreg:$0x1a];
	s6 =	sadd.s32 s29, s10;
	v6 =	vld [tilespmem:s0+$0x0]  }
0x1a7: {  	s8 =	sadd.s32 s29, s18;
	s0 =	sadd.s32 s28, s6;
	[tilespmem:s30+$0x1700] =	vst.add.f32.msk $0xffff, v5  }
0x1a8: {  	s9 =	sadd.s32 s28, s8;
	v5 =	vld [tilespmem:s0+$0x0]  }
0x1a9: {  	v7 =	vld [tilespmem:s9+$0x0];
	_ =	sdelay $0x1  }
0x1aa: {  	v8 =	vld [tilespmem:s13+$0x0];
	s2 =	sadd.s32 s23, s2;
	s10 =	rddreg [dreg:$0x1b];
	v4 =	vadd.f32 v6, v4  }
0x1ab: {  	s18 =	rddreg [dreg:$0x1c];
	s6 =	sadd.s32 s24, s10;
	v6 =	vld [tilespmem:s2+$0x0]  }
0x1ac: {  	s0 =	sadd.s32 s24, s18;
	s2 =	sadd.s32 s26, s6;
	[tilespmem:s25+$0x1780] =	vst.add.f32.msk $0xffff, v4  }
0x1ad: {  	s8 =	rddreg [dreg:$0x1b];
	s0 =	sadd.s32 s26, s0;
	v4 =	vld [tilespmem:s2+$0x0];
	v5 =	vadd.f32 v7, v5  }
0x1ae: {  	s9 =	rddreg [dreg:$0x1c];
	s13 =	sadd.s32 s29, s8;
	v7 =	vld [tilespmem:s0+$0x0]  }
0x1af: {  	s6 =	sadd.s32 s29, s9;
	s0 =	sadd.s32 s28, s13;
	[tilespmem:s30+$0x1780] =	vst.add.f32.msk $0xffff, v5  }
0x1b0: {  	s10 =	rddreg [dreg:$0x1d];
	s8 =	sadd.s32 s28, s6;
	v5 =	vadd.f32 v6, v8;
	v6 =	vld [tilespmem:s0+$0x0]  }
0x1b1: {  	s18 =	rddreg [dreg:$0x1e];
	s2 =	sadd.s32 s22, s10;
	v8 =	vld [tilespmem:s8+$0x0]  }
0x1b2: {  	s13 =	sadd.s32 s22, s18;
	s10 =	sadd.s32 s23, s2;
	[tilespmem:s21+$0x1800] =	vst.add.f32.msk $0xffff, v5  }
0x1b3: {  	s9 =	rddreg [dreg:$0x1d];
	s2 =	sadd.s32 s23, s13;
	v5 =	vld [tilespmem:s10+$0x0];
	v4 =	vadd.f32 v7, v4  }
0x1b4: {  	s18 =	rddreg [dreg:$0x1e];
	s8 =	sadd.s32 s24, s9;
	v7 =	vld [tilespmem:s2+$0x0]  }
0x1b5: {  	s3 =	sadd.s32 s24, s18;
	s0 =	sadd.s32 s26, s8;
	[tilespmem:s25+$0x1800] =	vst.add.f32.msk $0xffff, v4  }
0x1b6: {  	s13 =	sadd.s32 s26, s3;
	s9 =	rddreg [dreg:$0x1d];
	v4 =	vld [tilespmem:s0+$0x0];
	v6 =	vadd.f32 v8, v6  }
0x1b7: {  	s10 =	rddreg [dreg:$0x1e];
	s2 =	sadd.s32 s29, s9;
	v8 =	vld [tilespmem:s13+$0x0]  }
0x1b8: {  	s8 =	sld [smem:$0x7F4];
	s6 =	sadd.s32 s29, s10;
	s0 =	sadd.s32 s28, s2;
	[tilespmem:s30+$0x1800] =	vst.add.f32.msk $0xffff, v6  }
0x1b9: {  	s18 =	rddreg [dreg:$0x1f];
	s9 =	sadd.s32 s28, s6;
	v5 =	vadd.f32 v7, v5;
	v6 =	vld [tilespmem:s0+$0x0]  }
0x1ba: {  	s3 =	sadd.s32 s22, s18;
	v7 =	vld [tilespmem:s9+$0x0]  }
0x1bb: {  	s13 =	sadd.s32 s23, s3;
	s2 =	sadd.s32 s22, s8;
	s18 =	sld [smem:$0x7F4];
	[tilespmem:s21+$0x1880] =	vst.add.f32.msk $0xffff, v5  }
0x1bc: {  	s10 =	rddreg [dreg:$0x1f];
	s2 =	sadd.s32 s23, s2;
	v5 =	vld [tilespmem:s13+$0x0];
	v4 =	vadd.f32 v8, v4  }
0x1bd: {  	s8 =	sadd.s32 s24, s10;
	v8 =	vld [tilespmem:s2+$0x0]  }
0x1be: {  	s0 =	sadd.s32 s26, s8;
	s3 =	sadd.s32 s24, s18;
	s10 =	sld [smem:$0x7F4];
	[tilespmem:s25+$0x1880] =	vst.add.f32.msk $0xffff, v4  }
0x1bf: {  	s9 =	rddreg [dreg:$0x1f];
	s13 =	sadd.s32 s26, s3;
	v4 =	vld [tilespmem:s0+$0x0];
	v6 =	vadd.f32 v7, v6  }
0x1c0: {  	s8 =	sadd.s32 s29, s9;
	s18 =	sld [smem:$0x7F5];
	v7 =	vld [tilespmem:s13+$0x0]  }
0x1c1: {  	s9 =	sld [smem:$0x7F6];
	s6 =	sadd.s32 s29, s10;
	s0 =	sadd.s32 s28, s8;
	[tilespmem:s30+$0x1880] =	vst.add.f32.msk $0xffff, v6  }
0x1c2: {  	s10 =	sadd.s32 s28, s6;
	v5 =	vadd.f32 v8, v5;
	v6 =	vld [tilespmem:s0+$0x0]  }
0x1c3: {  	s3 =	sadd.s32 s22, s18;
	s13 =	sld [smem:$0x7F5];
	v8 =	vld [tilespmem:s10+$0x0]  }
0x1c4: {  	s2 =	sadd.s32 s22, s9;
	s22 =	sld [smem:$0x7F6];
	s18 =	sadd.s32 s23, s3;
	[tilespmem:s21+$0x1900] =	vst.add.f32.msk $0xffff, v5  }
0x1c5: {  	s2 =	sadd.s32 s23, s2;
	v5 =	vld [tilespmem:s18+$0x0];
	v4 =	vadd.f32 v7, v4  }
0x1c6: {  	s6 =	sadd.s32 s24, s13;
	s8 =	sld [smem:$0x7F5];
	v7 =	vld [tilespmem:s2+$0x0]  }
0x1c7: {  	s3 =	sadd.s32 s24, s22;
	s9 =	sld [smem:$0x7F6];
	s0 =	sadd.s32 s26, s6;
	[tilespmem:s25+$0x1900] =	vst.add.f32.msk $0xffff, v4  }
0x1c8: {  	s10 =	sadd.s32 s26, s3;
	v4 =	vld [tilespmem:s0+$0x0];
	v6 =	vadd.f32 v8, v6  }
0x1c9: {  	s13 =	sadd.s32 s29, s8;
	v8 =	vld [tilespmem:s10+$0x0]  }
0x1ca: {  	s18 =	sadd.s32 s29, s9;
	s0 =	sadd.s32 s28, s13;
	[tilespmem:s30+$0x1900] =	vst.add.f32.msk $0xffff, v6  }
0x1cb: {  	s22 =	sadd.s32 s28, s18;
	v6 =	vld [tilespmem:s0+$0x0]  }
0x1cc: {  	v9 =	vld [tilespmem:s22+$0x0];
	_ =	sdelay $0x2  }
0x1cd: {  	s23 =	sadd.s32 s5, s20;
	v5 =	vadd.f32 v7, v5  }
0x1ce: {  	s0 =	sshll.u32 s23, $0xA;
	v4 =	vadd.f32 v8, v4  }
0x1cf: {  	[tilespmem:s21+$0x1980] =	vst.add.f32.msk $0xffff, v5;
	s0 =	sor.u32 s12, s0;
	v5 =	vadd.f32 v9, v6  }
0x1d0: {  	s0 =	sshrl.u32 s0, $0x3;
	[tilespmem:s25+$0x1980] =	vst.add.f32.msk $0xffff, v4  }
0x1d1: {  	s24 =	simm.s32 $0x600;
	s0 =	sadd.s32 s4, s0;
	[tilespmem:s30+$0x1980] =	vst.add.f32.msk $0xffff, v5  }
0x1d2: {  	[hbm4b:s0+s14] =	stream.strided.scatter [tilespmem:s24], [sflag:$0x5], $0x400, s19, s14, $0x38;
	[tilespmem:$0x18600] =	vst v63  }
0x1d3: {  	s26 =	simm.s32 $0xA00;
	s25 =	sadd.s32 $0x20, s0  }
0x1d4: {  	[hbm4b:s25+s14] =	stream.strided.scatter [tilespmem:s26], [sflag:$0x5], $0x400, s19, s14, $0x38;
	[tilespmem:$0x18600] =	vst v63  }
0x1d5: {  	s6 =	simm.s32 $0xE00;
	s3 =	sadd.s32 $0x40, s0  }
0x1d6: {  	[hbm4b:s3+s14] =	stream.strided.scatter [tilespmem:s6], [sflag:$0x5], $0x400, s19, s14, $0x38;
	[tilespmem:$0x18600] =	vst v63  }
0x1d7: {  	s9 =	simm.s32 $0x1200;
	s8 =	sadd.s32 $0x60, s0  }
0x1d8: {  	[hbm4b:s8+s14] =	stream.strided.scatter [tilespmem:s9], [sflag:$0x5], $0x400, s19, s14, $0x38;
	[tilespmem:$0x18600] =	vst v63  }
0x1d9: {  	s13 =	simm.s32 $0x1600;
	s10 =	sadd.s32 $0x400, s0  }
0x1da: {  	[hbm4b:s10+s14] =	stream.strided.scatter [tilespmem:s13], [sflag:$0x5], $0x400, s19, s14, $0x38;
	[tilespmem:$0x18600] =	vst v63  }
0x1db: {  	s21 =	simm.s32 $0x1A00;
	s18 =	sadd.s32 $0x420, s0  }
0x1dc: {  	[hbm4b:s18+s14] =	stream.strided.scatter [tilespmem:s21], [sflag:$0x5], $0x400, s19, s14, $0x38;
	[tilespmem:$0x18600] =	vst v63  }
0x1dd: {  	s23 =	simm.s32 $0x1E00;
	s22 =	sadd.s32 $0x440, s0  }
0x1de: {  	[hbm4b:s22+s14] =	stream.strided.scatter [tilespmem:s23], [sflag:$0x5], $0x400, s19, s14, $0x38;
	[tilespmem:$0x18600] =	vst v63  }
0x1df: {  	s0 =	sadd.s32 $0x460, s0;
	s24 =	simm.s32 $0x2200  }
0x1e0: {  	[hbm4b:s0+s14] =	stream.strided.scatter [tilespmem:s24], [sflag:$0x5], $0x400, s19, s14, $0x38;
	[tilespmem:$0x18600] =	vst v63  }
0x1e1: {  	s0 =	simm.s32 @!p0 $0x8  }
0x1e2: {  	s25 =	sor.u32 $0x3, s17;
	_ =	swait.ge @!p0 [sflag:s0], $0x2000  }
0x1e3: {  	s17 =	sshll.u32 s25, $0x4;
	[sflag:s0] =	ssyncset.done @!p0 $0x0  }
0x1e4: {  	s26 =	sand.u32 $0x3FFFFFF0, s17;
	[sflag:s0] =	ssyncadd.s32 @!p0 $0xFFFFE000  }
0x1e5: {  	v4 =	vld [tilespmem:s26+$0x0];
	_ =	sdelay $0x4  }
0x1e6: {  	v5 =	vshll.u32 v4, $0x2  }
0x1e7: {  	v4 =	vand.u32 $0x7, v4;
	v5 =	vand.u32 $0xFFFFFFE0, v5  }
0x1e8: {  	v4 =	vor.u32 v4, v5  }
0x1e9: {  	v5 =	vperm.xlane v4, v1;
	_ =	sdelay $0x1  }
0x1ea: {  	v5 =	vadd.s32 v2, v5;
	_ =	sdelay $0x1  }
0x1eb: {  	v4 =	vperm.xlane v4, v3;
	_ =	sdelay $0x1  }
0x1ec: {  	s2 =	simm.s32 $0x6600;
	s28 =	simm.s32 $0x0;
	v4 =	vadd.s32 v2, v4  }
0x1ed: {  	[tilespmem:s2], [sflag:$0x4] =	stream.indirect_vreg.gather [hbm4b:s1+s28], $0x80, v5, vm0, $0xb8;
	[tilespmem:$0x18600] =	vst v63  }
0x1ee: {  	s3 =	simm.s32 $0x6E00  }
0x1ef: {  	[tilespmem:s3], [sflag:$0x4] =	stream.indirect_vreg.gather [hbm4b:s11+s28], $0x80, v5, vm0, $0xb8;
	[tilespmem:$0x18600] =	vst v63  }
0x1f0: {  	s6 =	simm.s32 $0x7600  }
0x1f1: {  	[tilespmem:s6], [sflag:$0x4] =	stream.indirect_vreg.gather [hbm4b:s1+s28], $0x80, v4, vm0, $0xb8;
	[tilespmem:$0x18600] =	vst v63  }
0x1f2: {  	s8 =	simm.s32 $0x7E00;
	s9 =	simm.s32 $0x2  }
0x1f3: {  	[tilespmem:s8], [sflag:$0x4] =	stream.indirect_vreg.gather [hbm4b:s11+s28], $0x80, v4, vm0, $0xb8;
	[tilespmem:$0x18600] =	vst v63  }
0x1f4: {  	_ =	swait.ge [sflag:s9], $0x2000  }
0x1f5: {  	[sflag:s9] =	ssyncset.done $0x0  }
0x1f6: {  	[sflag:s9] =	ssyncadd.s32 $0xFFFFE000  }
0x1f7: {  	v5 =	vld [tilespmem:s20+$0x210]  }
0x1f8: {  	v4 =	vld [tilespmem:s20+$0x410];
	_ =	sdelay $0x3  }
0x1f9: {  	(v2sf) =	vpush v5, $0x0  }
0x1fa: {  	(v2sf) =	vpush v4, $0x0  }
0x1fb: {  	(v2sf) =	vpush v5, $0x1  }
0x1fc: {  	(v2sf) =	vpush v4, $0x1  }
0x1fd: {  	(v2sf) =	vpush v5, $0x2  }
0x1fe: {  	(v2sf) =	vpush v4, $0x2  }
0x1ff: {  	(v2sf) =	vpush v5, $0x3  }
0x200: {  	(v2sf) =	vpush v4, $0x3  }
0x201: {  	(v2sf) =	vpush v5, $0x4  }
0x202: {  	(v2sf) =	vpush v4, $0x4  }
0x203: {  	(v2sf) =	vpush v5, $0x5  }
0x204: {  	(v2sf) =	vpush v4, $0x5  }
0x205: {  	(v2sf) =	vpush v5, $0x6  }
0x206: {  	(v2sf) =	vpush v4, $0x6  }
0x207: {  	(v2sf) =	vpush v5, $0x7  }
0x208: {  	s10 =	spop (v2sf);
	(v2sf) =	vpush v4, $0x7  }
0x209: {  	s2 =	spop (v2sf)  }
0x20a: {  	s8 =	spop (v2sf)  }
0x20b: {  	s9 =	spop (v2sf)  }
0x20c: {  	s18 =	spop (v2sf)  }
0x20d: {  	s21 =	spop (v2sf)  }
0x20e: {  	s29 =	spop (v2sf)  }
0x20f: {  	s23 =	spop (v2sf)  }
0x210: {  	s6 =	spop (v2sf)  }
0x211: {  	s3 =	spop (v2sf)  }
0x212: {  	s13 =	sshll.u32 s10, $0x9;
	s0 =	sshll.u32 s10, $0x7;
	s26 =	spop (v2sf)  }
0x213: {  	(v2sf) =	vpush v5, $0x8;
	s10 =	sand.u32 $0xFFFFF000, s13;
	s0 =	sand.u32 $0x380, s0;
	s25 =	spop (v2sf)  }
0x214: {  	(v2sf) =	vpush v4, $0x8;
	s30 =	sshll.u32 s2, $0x9;
	s10 =	sor.u32 s0, s10;
	s24 =	spop (v2sf)  }
0x215: {  	s2 =	sshll.u32 s2, $0x7;
	(v2sf) =	vpush v5, $0x9;
	s10 =	sadd.s32 $0x8600, s10;
	s22 =	spop (v2sf)  }
0x216: {  	(v2sf) =	vpush v4, $0x9;
	[smem:$0x7E8] =	sst s10;
	s10 =	sand.u32 $0xFFFFF000, s30;
	s13 =	spop (v2sf)  }
0x217: {  	s30 =	sshll.u32 s8, $0x9;
	s8 =	sshll.u32 s8, $0x7;
	s0 =	spop (v2sf);
	(v2sf) =	vpush v5, $0xA  }
0x218: {  	s2 =	sand.u32 $0x380, s2;
	s30 =	sand.u32 $0xFFFFF000, s30;
	s8 =	sand.u32 $0x380, s8  }
0x219: {  	s8 =	sor.u32 s8, s30;
	s30 =	sshll.u32 s9, $0x9;
	s9 =	sshll.u32 s9, $0x7  }
0x21a: {  	s2 =	sor.u32 s2, s10;
	s30 =	sand.u32 $0xFFFFF000, s30;
	s9 =	sand.u32 $0x380, s9  }
0x21b: {  	s9 =	sor.u32 s9, s30;
	s30 =	sshll.u32 s18, $0x9;
	s18 =	sshll.u32 s18, $0x7  }
0x21c: {  	s8 =	sadd.s32 $0x8600, s8;
	s30 =	sand.u32 $0xFFFFF000, s30;
	s18 =	sand.u32 $0x380, s18  }
0x21d: {  	[smem:$0x7EE] =	sst s8;
	s9 =	sadd.s32 $0x10600, s9;
	s18 =	sor.u32 s18, s30  }
0x21e: {  	s30 =	sshll.u32 s21, $0x9;
	s21 =	sshll.u32 s21, $0x7;
	s18 =	sadd.s32 $0x8600, s18  }
0x21f: {  	s21 =	sand.u32 $0x380, s21;
	[smem:$0x7DA] =	sst s18;
	s18 =	sand.u32 $0xFFFFF000, s30  }
0x220: {  	s31 =	sadd.s32 $0x10600, s2;
	[smem:$0x7EF] =	sst s9;
	s18 =	sor.u32 s21, s18  }
0x221: {  	s21 =	sshll.u32 s29, $0x9;
	s29 =	sshll.u32 s29, $0x7;
	s18 =	sadd.s32 $0x10600, s18  }
0x222: {  	s30 =	sand.u32 $0xFFFFF000, s21;
	s29 =	sand.u32 $0x380, s29;
	s10 =	spop (v2sf)  }
0x223: {  	(v2sf) =	vpush v4, $0xA;
	[smem:$0x7DB] =	sst s18;
	s18 =	sor.u32 s29, s30;
	s2 =	spop (v2sf)  }
0x224: {  	s29 =	sshll.u32 s23, $0x9;
	s23 =	sshll.u32 s23, $0x7;
	s8 =	spop (v2sf)  }
0x225: {  	(v2sf) =	vpush v5, $0xB;
	s18 =	sadd.s32 $0x8600, s18;
	s23 =	sand.u32 $0x380, s23;
	s9 =	spop (v2sf)  }
0x226: {  	[smem:$0x7DE] =	sst s18;
	s18 =	sand.u32 $0xFFFFF000, s29;
	s21 =	spop (v2sf);
	(v2sf) =	vpush v4, $0xB  }
0x227: {  	s18 =	sor.u32 s23, s18;
	s23 =	sshll.u32 s6, $0x9;
	s6 =	sshll.u32 s6, $0x7  }
0x228: {  	s18 =	sadd.s32 $0x10600, s18;
	s29 =	sand.u32 $0xFFFFF000, s23;
	s6 =	sand.u32 $0x380, s6  }
0x229: {  	[smem:$0x7DF] =	sst s18;
	s6 =	sor.u32 s6, s29  }
0x22a: {  	s18 =	sshll.u32 s3, $0x9;
	s3 =	sshll.u32 s3, $0x7;
	s6 =	sadd.s32 $0x8600, s6  }
0x22b: {  	s18 =	sand.u32 $0xFFFFF000, s18;
	s3 =	sand.u32 $0x380, s3;
	[smem:$0x7E2] =	sst s6  }
0x22c: {  	s3 =	sor.u32 s3, s18;
	s18 =	sshll.u32 s26, $0x9;
	s26 =	sshll.u32 s26, $0x7  }
0x22d: {  	s3 =	sadd.s32 $0x10600, s3;
	s6 =	sand.u32 $0xFFFFF000, s18;
	s18 =	sand.u32 $0x380, s26  }
0x22e: {  	[smem:$0x7E3] =	sst s3;
	s6 =	sor.u32 s18, s6  }
0x22f: {  	s18 =	sshll.u32 s25, $0x9;
	s25 =	sshll.u32 s25, $0x7;
	s3 =	sadd.s32 $0x8600, s6  }
0x230: {  	s6 =	sand.u32 $0xFFFFF000, s18;
	s25 =	sand.u32 $0x380, s25;
	s18 =	sshll.u32 s24, $0x9  }
0x231: {  	[smem:$0x7E6] =	sst s3;
	s3 =	sor.u32 s25, s6;
	s25 =	sshll.u32 s24, $0x7  }
0x232: {  	s6 =	sand.u32 $0xFFFFF000, s18;
	s3 =	sadd.s32 $0x10600, s3;
	s23 =	spop (v2sf);
	(v2sf) =	vpush v5, $0xC  }
0x233: {  	s18 =	sand.u32 $0x380, s25;
	s25 =	sshll.u32 s22, $0x7;
	[smem:$0x7E7] =	sst s3  }
0x234: {  	s6 =	sor.u32 s18, s6;
	s18 =	sshll.u32 s22, $0x9;
	s26 =	spop (v2sf);
	(v2sf) =	vpush v4, $0xC  }
0x235: {  	s25 =	sand.u32 $0x380, s25;
	s3 =	sadd.s32 $0x8600, s6;
	s24 =	spop (v2sf);
	(v2sf) =	vpush v5, $0xD  }
0x236: {  	s22 =	sand.u32 $0xFFFFF000, s18;
	s18 =	sshll.u32 s13, $0x9;
	s13 =	sshll.u32 s13, $0x7  }
0x237: {  	[smem:$0x7EC] =	sst s3;
	s3 =	sor.u32 s25, s22;
	s6 =	sand.u32 $0xFFFFF000, s18  }
0x238: {  	s13 =	sand.u32 $0x380, s13;
	s25 =	sshll.u32 s0, $0x9;
	s0 =	sshll.u32 s0, $0x7  }
0x239: {  	s18 =	sshll.u32 s10, $0x9;
	s10 =	sshll.u32 s10, $0x7;
	s22 =	sadd.s32 $0x10600, s3  }
0x23a: {  	s6 =	sor.u32 s13, s6;
	s13 =	sand.u32 $0xFFFFF000, s25;
	s0 =	sand.u32 $0x380, s0  }
0x23b: {  	s10 =	sand.u32 $0x380, s10;
	s25 =	sshll.u32 s2, $0x9;
	s2 =	sshll.u32 s2, $0x7  }
0x23c: {  	[smem:$0x7ED] =	sst s22;
	s6 =	sadd.s32 $0x8600, s6;
	s0 =	sor.u32 s0, s13  }
0x23d: {  	s2 =	sand.u32 $0x380, s2;
	s13 =	sshll.u32 s8, $0x9;
	s8 =	sshll.u32 s8, $0x7  }
0x23e: {  	[smem:$0x7F2] =	sst s6;
	s22 =	sadd.s32 $0x10600, s0;
	s6 =	sand.u32 $0xFFFFF000, s18  }
0x23f: {  	s8 =	sand.u32 $0x380, s8;
	[smem:$0x7F3] =	sst s22;
	s6 =	sor.u32 s10, s6  }
0x240: {  	s10 =	sand.u32 $0xFFFFF000, s25;
	s22 =	sshll.u32 s9, $0x9;
	s25 =	sshll.u32 s9, $0x7  }
0x241: {  	s6 =	sadd.s32 $0x8600, s6;
	s2 =	sor.u32 s2, s10;
	s3 =	spop (v2sf);
	(v2sf) =	vpush v4, $0xD  }
0x242: {  	s9 =	sand.u32 $0x380, s25;
	s25 =	sshll.u32 s23, $0x7;
	[smem:$0x7DC] =	sst s6  }
0x243: {  	s2 =	sadd.s32 $0x10600, s2;
	s6 =	sand.u32 $0xFFFFF000, s13;
	s0 =	spop (v2sf);
	(v2sf) =	vpush v5, $0xE  }
0x244: {  	s13 =	sshll.u32 s21, $0x9;
	s18 =	sor.u32 s8, s6;
	s10 =	spop (v2sf);
	(v2sf) =	vpush v4, $0xE  }
0x245: {  	[smem:$0x7DD] =	sst s2;
	s6 =	sand.u32 $0xFFFFF000, s22;
	s2 =	sadd.s32 $0x8600, s18  }
0x246: {  	s22 =	sshll.u32 s23, $0x9;
	s18 =	sshll.u32 s21, $0x7;
	[smem:$0x7E0] =	sst s2  }
0x247: {  	s2 =	sor.u32 s9, s6;
	s6 =	sand.u32 $0xFFFFF000, s13;
	s8 =	sand.u32 $0x380, s18  }
0x248: {  	s13 =	sshll.u32 s26, $0x9;
	s2 =	sadd.s32 $0x10600, s2;
	s21 =	sor.u32 s8, s6  }
0x249: {  	s18 =	sshll.u32 s26, $0x7;
	[smem:$0x7E1] =	sst s2;
	s2 =	sadd.s32 $0x8600, s21  }
0x24a: {  	s6 =	sand.u32 $0xFFFFF000, s22;
	s8 =	sand.u32 $0x380, s25;
	[smem:$0x7E4] =	sst s2  }
0x24b: {  	s2 =	sor.u32 s8, s6;
	s6 =	sand.u32 $0xFFFFF000, s13;
	s8 =	sand.u32 $0x380, s18  }
0x24c: {  	[smem:$0x7E9] =	sst s31;
	s2 =	sadd.s32 $0x10600, s2;
	s21 =	sor.u32 s8, s6  }
0x24d: {  	[smem:$0x7E5] =	sst s2;
	s2 =	sadd.s32 $0x8600, s21  }
0x24e: {  	s22 =	sshll.u32 s24, $0x9;
	s23 =	sshll.u32 s24, $0x7;
	[smem:$0x7EA] =	sst s2  }
0x24f: {  	s24 =	sand.u32 $0xFFFFF000, s22;
	s25 =	sand.u32 $0x380, s23;
	s26 =	sshll.u32 s3, $0x9  }
0x250: {  	s3 =	sshll.u32 s3, $0x7;
	s2 =	sor.u32 s25, s24;
	s9 =	spop (v2sf);
	(v2sf) =	vpush v5, $0xF  }
0x251: {  	s6 =	sand.u32 $0xFFFFF000, s26;
	s3 =	sand.u32 $0x380, s3;
	s18 =	sshll.u32 s0, $0x9  }
0x252: {  	s0 =	sshll.u32 s0, $0x7;
	s2 =	sadd.s32 $0x10600, s2;
	s13 =	spop (v2sf)  }
0x253: {  	s6 =	sor.u32 s3, s6;
	s21 =	sand.u32 $0xFFFFF000, s18;
	s8 =	spop (v2sf);
	(v2sf) =	vpush v4, $0xF  }
0x254: {  	s0 =	sand.u32 $0x380, s0;
	[smem:$0x7EB] =	sst s2;
	s2 =	sadd.s32 $0x8600, s6  }
0x255: {  	s0 =	sor.u32 s0, s21;
	[smem:$0x7F0] =	sst s2  }
0x256: {  	s0 =	sadd.s32 $0x10600, s0;
	s22 =	sshll.u32 s10, $0x9;
	s23 =	sshll.u32 s10, $0x7  }
0x257: {  	[smem:$0x7F1] =	sst s0;
	s2 =	sand.u32 $0xFFFFF000, s22;
	s3 =	sand.u32 $0x380, s23  }
0x258: {  	s25 =	sshll.u32 s9, $0x9;
	s26 =	sshll.u32 s9, $0x7;
	s24 =	sor.u32 s3, s2  }
0x259: {  	s9 =	sand.u32 $0xFFFFF000, s25;
	s10 =	sand.u32 $0x380, s26;
	s18 =	sshll.u32 s13, $0x9  }
0x25a: {  	s21 =	sshll.u32 s13, $0x7;
	s0 =	sadd.s32 $0x8600, s24;
	s2 =	sand.u32 $0xFFFFF000, s18  }
0x25b: {  	s3 =	sand.u32 $0x380, s21;
	[smem:$0x7D4] =	sst s0;
	s0 =	sor.u32 s10, s9  }
0x25c: {  	s21 =	sld [smem:$0x7E8];
	s22 =	sor.u32 s3, s2;
	s0 =	sadd.s32 $0x10600, s0  }
0x25d: {  	[smem:$0x7D5] =	sst s0;
	s0 =	sadd.s32 $0x8600, s22  }
0x25e: {  	s22 =	sand.u32 $0xC00, s28;
	[smem:$0x7D6] =	sst s0;
	s23 =	sshll.u32 s8, $0x9  }
0x25f: {  	s6 =	spop (v2sf);
	s24 =	sshll.u32 s8, $0x7;
	s2 =	sand.u32 $0xFFFFF000, s23  }
0x260: {  	s3 =	sand.u32 $0x380, s24;
	s25 =	sshll.u32 s6, $0x9;
	s6 =	sshll.u32 s6, $0x7  }
0x261: {  	s24 =	sld [smem:$0x7E9];
	s23 =	sand.u32 $0x70, s28;
	s2 =	sor.u32 s3, s2  }
0x262: {  	s26 =	sand.u32 $0xFFFFF000, s25;
	s6 =	sand.u32 $0x380, s6;
	s10 =	spop (v2sf)  }
0x263: {  	s8 =	sadd.s32 $0x10600, s2;
	s18 =	sshll.u32 s10, $0x9;
	s3 =	sshll.u32 s10, $0x7  }
0x264: {  	s9 =	sor.u32 s6, s26;
	s2 =	sand.u32 $0xFFFFF000, s18;
	s3 =	sand.u32 $0x380, s3  }
0x265: {  	[smem:$0x7D7] =	sst s8;
	s13 =	sadd.s32 $0x8600, s9;
	s25 =	sor.u32 s3, s2  }
0x266: {  	s26 =	sadd.s32 s22, s21;
	[smem:$0x7D8] =	sst s13;
	s0 =	sadd.s32 $0x10600, s25  }
0x267: {  	s2 =	sadd.s32 s23, s26;
	s3 =	sadd.s32 s22, s24;
	[smem:$0x7D9] =	sst s0  }
0x268: {  	s6 =	sadd.s32 s23, s3;
	v4 =	vld [tilespmem:s2+$0x0]  }
0x269: {  	v5 =	vld [tilespmem:s6+$0x0];
	_ =	sdelay $0x2  }
0x26a: {  	s8 =	sld [smem:$0x7EE]  }
0x26b: {  	s9 =	sld [smem:$0x7EF]  }
0x26c: {  	v4 =	vadd.f32 v5, v4  }
0x26d: {  	s21 =	sor.u32 s23, s22;
	s0 =	sadd.s32 s22, s8  }
0x26e: {  	s0 =	sadd.s32 s23, s0;
	s2 =	sadd.s32 s22, s9;
	[tilespmem:s21+$0x2600] =	vst.add.f32.msk $0xffff, v4  }
0x26f: {  	s10 =	sadd.s32 s23, s2;
	v4 =	vld [tilespmem:s0+$0x0]  }
0x270: {  	v5 =	vld [tilespmem:s10+$0x0];
	_ =	sdelay $0x2  }
0x271: {  	s13 =	sld [smem:$0x7DA]  }
0x272: {  	s18 =	sld [smem:$0x7DB]  }
0x273: {  	v4 =	vadd.f32 v5, v4  }
0x274: {  	s0 =	sadd.s32 s22, s13  }
0x275: {  	s2 =	sadd.s32 s22, s18;
	s0 =	sadd.s32 s23, s0;
	[tilespmem:s21+$0x2680] =	vst.add.f32.msk $0xffff, v4  }
0x276: {  	s24 =	sadd.s32 s23, s2;
	v4 =	vld [tilespmem:s0+$0x0]  }
0x277: {  	v5 =	vld [tilespmem:s24+$0x0];
	_ =	sdelay $0x2  }
0x278: {  	s25 =	sld [smem:$0x7DE]  }
0x279: {  	s26 =	sld [smem:$0x7DF]  }
0x27a: {  	v4 =	vadd.f32 v5, v4  }
0x27b: {  	s0 =	sadd.s32 s22, s25  }
0x27c: {  	s2 =	sadd.s32 s22, s26;
	s0 =	sadd.s32 s23, s0;
	[tilespmem:s21+$0x2700] =	vst.add.f32.msk $0xffff, v4  }
0x27d: {  	s3 =	sadd.s32 s23, s2;
	v4 =	vld [tilespmem:s0+$0x0]  }
0x27e: {  	v5 =	vld [tilespmem:s3+$0x0];
	_ =	sdelay $0x2  }
0x27f: {  	s6 =	sld [smem:$0x7E2]  }
0x280: {  	s8 =	sld [smem:$0x7E3]  }
0x281: {  	v4 =	vadd.f32 v5, v4  }
0x282: {  	s0 =	sadd.s32 s22, s6  }
0x283: {  	s2 =	sadd.s32 s22, s8;
	s0 =	sadd.s32 s23, s0;
	[tilespmem:s21+$0x2780] =	vst.add.f32.msk $0xffff, v4  }
0x284: {  	s9 =	sadd.s32 s23, s2;
	v4 =	vld [tilespmem:s0+$0x0]  }
0x285: {  	v5 =	vld [tilespmem:s9+$0x0];
	_ =	sdelay $0x2  }
0x286: {  	s10 =	sld [smem:$0x7E6]  }
0x287: {  	s13 =	sld [smem:$0x7E7]  }
0x288: {  	v4 =	vadd.f32 v5, v4  }
0x289: {  	s31 =	simm.s32 $0x80;
	s18 =	sld [smem:$0x7E8];
	s0 =	sadd.s32 s22, s10  }
0x28a: {  	s25 =	sld [smem:$0x7E9];
	s2 =	sadd.s32 s22, s13;
	s26 =	sadd.s32 s23, s0;
	[tilespmem:s21+$0x2800] =	vst.add.f32.msk $0xffff, v4  }
0x28b: {  	s24 =	sand.u32 $0xC00, s31;
	s0 =	simm.s32 $0x10;
	s2 =	sadd.s32 s23, s2;
	v4 =	vld [tilespmem:s26+$0x0]  }
0x28c: {  	s3 =	sadd.s32 s24, s18;
	s26 =	sand.u32 $0x70, s0;
	v5 =	vld [tilespmem:s2+$0x0]  }
0x28d: {  	s6 =	sadd.s32 s24, s25;
	s3 =	sadd.s32 s26, s3  }
0x28e: {  	s8 =	sadd.s32 s26, s6;
	v6 =	vld [tilespmem:s3+$0x0]  }
0x28f: {  	s9 =	sld [smem:$0x7EC];
	v7 =	vld [tilespmem:s8+$0x0]  }
0x290: {  	s10 =	sld [smem:$0x7ED]  }
0x291: {  	v4 =	vadd.f32 v5, v4  }
0x292: {  	s13 =	sld [smem:$0x7EE];
	s2 =	sadd.s32 s22, s9  }
0x293: {  	s18 =	sld [smem:$0x7EF];
	s3 =	sadd.s32 s22, s10;
	s2 =	sadd.s32 s23, s2;
	[tilespmem:s21+$0x2880] =	vst.add.f32.msk $0xffff, v4  }
0x294: {  	s3 =	sadd.s32 s23, s3;
	v4 =	vadd.f32 v7, v6;
	v5 =	vld [tilespmem:s2+$0x0]  }
0x295: {  	s25 =	sor.u32 s26, s24;
	s6 =	sadd.s32 s24, s13;
	v6 =	vld [tilespmem:s3+$0x0]  }
0x296: {  	s9 =	sadd.s32 s26, s6;
	s10 =	sadd.s32 s24, s18;
	[tilespmem:s25+$0x2600] =	vst.add.f32.msk $0xffff, v4  }
0x297: {  	s13 =	sadd.s32 s26, s10;
	v4 =	vld [tilespmem:s9+$0x0]  }
0x298: {  	s18 =	sld [smem:$0x7F2];
	v7 =	vld [tilespmem:s13+$0x0]  }
0x299: {  	s6 =	sld [smem:$0x7F3]  }
0x29a: {  	v5 =	vadd.f32 v6, v5  }
0x29b: {  	s8 =	sld [smem:$0x7DA];
	s3 =	sadd.s32 s22, s18  }
0x29c: {  	s9 =	sld [smem:$0x7DB];
	s2 =	sadd.s32 s22, s6;
	s3 =	sadd.s32 s23, s3;
	[tilespmem:s21+$0x2900] =	vst.add.f32.msk $0xffff, v5  }
0x29d: {  	s2 =	sadd.s32 s23, s2;
	v4 =	vadd.f32 v7, v4;
	v5 =	vld [tilespmem:s3+$0x0]  }
0x29e: {  	s10 =	sadd.s32 s24, s8;
	v6 =	vld [tilespmem:s2+$0x0]  }
0x29f: {  	s18 =	sadd.s32 s24, s9;
	s13 =	sadd.s32 s26, s10;
	[tilespmem:s25+$0x2680] =	vst.add.f32.msk $0xffff, v4  }
0x2a0: {  	s6 =	sadd.s32 s26, s18;
	v4 =	vld [tilespmem:s13+$0x0]  }
0x2a1: {  	s8 =	sld [smem:$0x7DC];
	v7 =	vld [tilespmem:s6+$0x0]  }
0x2a2: {  	s9 =	sld [smem:$0x7DD]  }
0x2a3: {  	s10 =	sor.u32 s28, s28;
	v5 =	vadd.f32 v6, v5  }
0x2a4: {  	s13 =	sld [smem:$0x7DE];
	s6 =	sor.u32 $0x380, s10;
	s2 =	sadd.s32 s22, s8  }
0x2a5: {  	s18 =	sld [smem:$0x7DF];
	s3 =	sadd.s32 s22, s9;
	s2 =	sadd.s32 s23, s2;
	[tilespmem:s6+$0x2600] =	vst.add.f32.msk $0xffff, v5  }
0x2a6: {  	v4 =	vadd.f32 v7, v4;
	s6 =	sadd.s32 s23, s3;
	v5 =	vld [tilespmem:s2+$0x0]  }
0x2a7: {  	s10 =	sadd.s32 s24, s13;
	v6 =	vld [tilespmem:s6+$0x0]  }
0x2a8: {  	s18 =	sadd.s32 s24, s18;
	s13 =	sadd.s32 s26, s10;
	[tilespmem:s25+$0x2700] =	vst.add.f32.msk $0xffff, v4  }
0x2a9: {  	s3 =	sadd.s32 s26, s18;
	v4 =	vld [tilespmem:s13+$0x0]  }
0x2aa: {  	s6 =	sld [smem:$0x7E0];
	v7 =	vld [tilespmem:s3+$0x0]  }
0x2ab: {  	s8 =	sld [smem:$0x7E1]  }
0x2ac: {  	v5 =	vadd.f32 v6, v5  }
0x2ad: {  	s9 =	sld [smem:$0x7E2];
	s2 =	sadd.s32 s22, s6  }
0x2ae: {  	s10 =	sld [smem:$0x7E3];
	s3 =	sadd.s32 s22, s8;
	s2 =	sadd.s32 s23, s2;
	[tilespmem:s21+$0x3600] =	vst.add.f32.msk $0xffff, v5  }
0x2af: {  	s13 =	sadd.s32 s23, s3;
	v4 =	vadd.f32 v7, v4;
	v5 =	vld [tilespmem:s2+$0x0]  }
0x2b0: {  	s18 =	sadd.s32 s24, s9;
	v6 =	vld [tilespmem:s13+$0x0]  }
0x2b1: {  	s6 =	sadd.s32 s24, s10;
	s3 =	sadd.s32 s26, s18;
	[tilespmem:s25+$0x2780] =	vst.add.f32.msk $0xffff, v4  }
0x2b2: {  	s8 =	sadd.s32 s26, s6;
	v4 =	vld [tilespmem:s3+$0x0]  }
0x2b3: {  	s9 =	sld [smem:$0x7E4];
	v7 =	vld [tilespmem:s8+$0x0]  }
0x2b4: {  	s10 =	sld [smem:$0x7E5]  }
0x2b5: {  	v5 =	vadd.f32 v6, v5  }
0x2b6: {  	s13 =	sld [smem:$0x7E6];
	s2 =	sadd.s32 s22, s9  }
0x2b7: {  	s18 =	sld [smem:$0x7E7];
	s3 =	sadd.s32 s22, s10;
	s2 =	sadd.s32 s23, s2;
	[tilespmem:s21+$0x3680] =	vst.add.f32.msk $0xffff, v5  }
0x2b8: {  	s10 =	sadd.s32 s23, s3;
	v4 =	vadd.f32 v7, v4;
	v5 =	vld [tilespmem:s2+$0x0]  }
0x2b9: {  	s8 =	simm.s32 $0x100;
	s3 =	sld [smem:$0x7E8];
	s6 =	sadd.s32 s24, s13;
	v6 =	vld [tilespmem:s10+$0x0]  }
0x2ba: {  	s13 =	sadd.s32 s24, s18;
	s6 =	sadd.s32 s26, s6;
	s2 =	sld [smem:$0x7E9];
	[tilespmem:s25+$0x2800] =	vst.add.f32.msk $0xffff, v4  }
0x2bb: {  	s9 =	simm.s32 $0x20;
	s29 =	sand.u32 $0xC00, s8;
	s18 =	sadd.s32 s26, s13;
	v4 =	vld [tilespmem:s6+$0x0]  }
0x2bc: {  	s28 =	sand.u32 $0x70, s9;
	s3 =	sadd.s32 s29, s3;
	s10 =	sld [smem:$0x7EA];
	v7 =	vld [tilespmem:s18+$0x0]  }
0x2bd: {  	s3 =	sadd.s32 s28, s3;
	s13 =	sld [smem:$0x7EB];
	s2 =	sadd.s32 s29, s2  }
0x2be: {  	v8 =	vld [tilespmem:s3+$0x0];
	s2 =	sadd.s32 s28, s2;
	v5 =	vadd.f32 v6, v5  }
0x2bf: {  	s18 =	sadd.s32 s22, s10;
	v6 =	vld [tilespmem:s2+$0x0];
	s2 =	sld [smem:$0x7EC]  }
0x2c0: {  	s6 =	sld [smem:$0x7ED];
	s10 =	sadd.s32 s22, s13;
	s3 =	sadd.s32 s23, s18;
	[tilespmem:s21+$0x3700] =	vst.add.f32.msk $0xffff, v5  }
0x2c1: {  	s10 =	sadd.s32 s23, s10;
	v4 =	vadd.f32 v7, v4;
	v7 =	vld [tilespmem:s3+$0x0]  }
0x2c2: {  	s13 =	sld [smem:$0x7EE];
	s2 =	sadd.s32 s24, s2;
	v63 =	vld [tilespmem:s10+$0x0]  }
0x2c3: {  	s18 =	sld [smem:$0x7EF];
	s6 =	sadd.s32 s24, s6;
	[tilespmem:s25+$0x2880] =	vst.add.f32.msk $0xffff, v4;
	s2 =	sadd.s32 s26, s2  }
0x2c4: {  	s6 =	sadd.s32 s26, s6;
	v6 =	vadd.f32 v6, v8;
	v4 =	vld [tilespmem:s2+$0x0]  }
0x2c5: {  	s30 =	sor.u32 s28, s29;
	s10 =	sadd.s32 s29, s13;
	s13 =	sld [smem:$0x7F0];
	v5 =	vld [tilespmem:s6+$0x0]  }
0x2c6: {  	s3 =	sadd.s32 s29, s18;
	s18 =	sld [smem:$0x7F1];
	s6 =	sadd.s32 s28, s10;
	[tilespmem:s30+$0x2600] =	vst.add.f32.msk $0xffff, v6  }
0x2c7: {  	s20 =	sor.u32 $0x10, s20;
	s3 =	sadd.s32 s28, s3;
	v6 =	vld [tilespmem:s6+$0x0];
	v8 =	vadd.f32 v63, v7  }
0x2c8: {  	s10 =	simm.s32 $0x30;
	s2 =	sadd.s32 s22, s13;
	s6 =	sld [smem:$0x7F2];
	v7 =	vld [tilespmem:s3+$0x0]  }
0x2c9: {  	s13 =	sadd.s32 s22, s18;
	s2 =	sadd.s32 s23, s2;
	s3 =	sld [smem:$0x7F3];
	[tilespmem:s21+$0x3780] =	vst.add.f32.msk $0xffff, v8  }
.LBB2_7:
0x2ca: {  	p0 =	sne.s32 s10, $0x1F0;
	v4 =	vadd.f32 v5, v4;
	v5 =	vld [tilespmem:s2+$0x0];
	s2 =	sadd.s32 s23, s13  }
0x2cb: {  	s6 =	sadd.s32 s24, s6;
	s13 =	sld [smem:$0x7DA];
	v8 =	vld [tilespmem:s2+$0x0]  }
0x2cc: {  	s6 =	sadd.s32 s26, s6;
	s3 =	sadd.s32 s24, s3;
	s2 =	sld [smem:$0x7DB];
	[tilespmem:s25+$0x2900] =	vst.add.f32.msk $0xffff, v4  }
0x2cd: {  	s3 =	sadd.s32 s26, s3;
	v4 =	vadd.f32 v7, v6;
	v6 =	vld [tilespmem:s6+$0x0]  }
0x2ce: {  	s6 =	sadd.s32 s29, s13;
	v7 =	vld [tilespmem:s3+$0x0];
	s3 =	sld [smem:$0x7D4]  }
0x2cf: {  	[tilespmem:s30+$0x2680] =	vst.add.f32.msk $0xffff, v4;
	s6 =	sadd.s32 s28, s6;
	s2 =	sadd.s32 s29, s2;
	s13 =	sld [smem:$0x7D5]  }
0x2d0: {  	v4 =	vld [tilespmem:s6+$0x0];
	s2 =	sadd.s32 s28, s2;
	v5 =	vadd.f32 v8, v5  }
0x2d1: {  	v8 =	vld [tilespmem:s2+$0x0];
	s2 =	sld [smem:$0x7DC];
	s3 =	sadd.s32 s22, s3  }
0x2d2: {  	s6 =	sld [smem:$0x7DD];
	[tilespmem:s21+$0x3800] =	vst.add.f32.msk $0xffff, v5;
	s3 =	sadd.s32 s23, s3;
	s13 =	sadd.s32 s22, s13  }
0x2d3: {  	s0 =	sor.u32 s31, s0;
	s31 =	smov.u32 s8;
	v5 =	vadd.f32 v7, v6;
	v6 =	vld [tilespmem:s3+$0x0];
	s3 =	sadd.s32 s23, s13  }
0x2d4: {  	s0 =	sor.u32 $0x380, s0;
	s13 =	sld [smem:$0x7DE];
	s2 =	sadd.s32 s24, s2;
	v7 =	vld [tilespmem:s3+$0x0]  }
0x2d5: {  	s3 =	sld [smem:$0x7DF];
	[tilespmem:s0+$0x2600] =	vst.add.f32.msk $0xffff, v5;
	s0 =	sadd.s32 s26, s2;
	s2 =	sadd.s32 s24, s6  }
0x2d6: {  	v4 =	vadd.f32 v8, v4;
	v5 =	vld [tilespmem:s0+$0x0];
	s2 =	sadd.s32 s26, s2;
	s0 =	smov.u32 s9;
	s9 =	smov.u32 s10  }
0x2d7: {  	s6 =	sadd.s32 s29, s13;
	v8 =	vld [tilespmem:s2+$0x0];
	s2 =	sld [smem:$0x7D6]  }
0x2d8: {  	[tilespmem:s30+$0x2700] =	vst.add.f32.msk $0xffff, v4;
	s6 =	sadd.s32 s28, s6;
	s3 =	sadd.s32 s29, s3;
	s13 =	sld [smem:$0x7D7]  }
0x2d9: {  	v4 =	vld [tilespmem:s6+$0x0];
	s3 =	sadd.s32 s28, s3;
	v6 =	vadd.f32 v7, v6  }
0x2da: {  	v7 =	vld [tilespmem:s3+$0x0];
	s3 =	sld [smem:$0x7E0];
	s2 =	sadd.s32 s22, s2  }
0x2db: {  	s6 =	sld [smem:$0x7E1];
	[tilespmem:s21+$0x3880] =	vst.add.f32.msk $0xffff, v6;
	s2 =	sadd.s32 s23, s2;
	s13 =	sadd.s32 s22, s13  }
0x2dc: {  	v5 =	vadd.f32 v8, v5;
	v6 =	vld [tilespmem:s2+$0x0];
	s2 =	sadd.s32 s23, s13  }
0x2dd: {  	s13 =	sld [smem:$0x7E2];
	s3 =	sadd.s32 s24, s3;
	v8 =	vld [tilespmem:s2+$0x0]  }
0x2de: {  	s2 =	sld [smem:$0x7E3];
	[tilespmem:s25+$0x3600] =	vst.add.f32.msk $0xffff, v5;
	s3 =	sadd.s32 s26, s3;
	s6 =	sadd.s32 s24, s6  }
0x2df: {  	v4 =	vadd.f32 v7, v4;
	v5 =	vld [tilespmem:s3+$0x0];
	s3 =	sadd.s32 s26, s6  }
0x2e0: {  	s6 =	sadd.s32 s29, s13;
	v7 =	vld [tilespmem:s3+$0x0];
	s3 =	sld [smem:$0x7D8]  }
0x2e1: {  	[tilespmem:s30+$0x2780] =	vst.add.f32.msk $0xffff, v4;
	s6 =	sadd.s32 s28, s6;
	s2 =	sadd.s32 s29, s2;
	s13 =	sld [smem:$0x7D9]  }
0x2e2: {  	v4 =	vld [tilespmem:s6+$0x0];
	s2 =	sadd.s32 s28, s2;
	v6 =	vadd.f32 v8, v6  }
0x2e3: {  	v8 =	vld [tilespmem:s2+$0x0];
	s2 =	sld [smem:$0x7E4];
	s3 =	sadd.s32 s22, s3  }
0x2e4: {  	s6 =	sld [smem:$0x7E5];
	[tilespmem:s21+$0x3900] =	vst.add.f32.msk $0xffff, v6;
	s3 =	sadd.s32 s23, s3;
	s13 =	sadd.s32 s22, s13  }
0x2e5: {  	s22 =	smov.u32 s24;
	s24 =	smov.u32 s29;
	v5 =	vadd.f32 v7, v5;
	v6 =	vld [tilespmem:s3+$0x0];
	s3 =	sadd.s32 s23, s13  }
0x2e6: {  	s23 =	smov.u32 s26;
	s13 =	sld [smem:$0x7E6];
	s2 =	sadd.s32 s22, s2;
	v7 =	vld [tilespmem:s3+$0x0]  }
0x2e7: {  	s3 =	sld [smem:$0x7E7];
	[tilespmem:s25+$0x3680] =	vst.add.f32.msk $0xffff, v5;
	s2 =	sadd.s32 s23, s2;
	s6 =	sadd.s32 s22, s6  }
0x2e8: {  	s26 =	smov.u32 s28;
	v4 =	vadd.f32 v8, v4;
	v5 =	vld [tilespmem:s2+$0x0];
	s2 =	sadd.s32 s23, s6  }
0x2e9: {  	s8 =	sadd.s32 $0x80, s8;
	s6 =	sld [smem:$0x7E8];
	s13 =	sadd.s32 s24, s13;
	v8 =	vld [tilespmem:s2+$0x0]  }
0x2ea: {  	s2 =	sld [smem:$0x7E9];
	[tilespmem:s30+$0x2800] =	vst.add.f32.msk $0xffff, v4;
	s13 =	sadd.s32 s26, s13;
	s3 =	sadd.s32 s24, s3  }
0x2eb: {  	s29 =	sand.u32 $0xC00, s8;
	v4 =	vld [tilespmem:s13+$0x0];
	s3 =	sadd.s32 s26, s3;
	v6 =	vadd.f32 v7, v6  }
0x2ec: {  	s28 =	sand.u32 $0x70, s10;
	s6 =	sadd.s32 s29, s6;
	v7 =	vld [tilespmem:s3+$0x0];
	s3 =	sld [smem:$0x7EA]  }
0x2ed: {  	s6 =	sadd.s32 s28, s6;
	s2 =	sadd.s32 s29, s2;
	s13 =	sld [smem:$0x7EB];
	[tilespmem:s21+$0x3980] =	vst.add.f32.msk $0xffff, v6  }
0x2ee: {  	s21 =	smov.u32 s25;
	s25 =	smov.u32 s30;
	v6 =	vld [tilespmem:s6+$0x0];
	s2 =	sadd.s32 s28, s2;
	v5 =	vadd.f32 v8, v5  }
0x2ef: {  	v8 =	vld [tilespmem:s2+$0x0];
	s2 =	sld [smem:$0x7EC];
	s3 =	sadd.s32 s22, s3  }
0x2f0: {  	s6 =	sld [smem:$0x7ED];
	[tilespmem:s21+$0x3700] =	vst.add.f32.msk $0xffff, v5;
	s3 =	sadd.s32 s23, s3;
	s13 =	sadd.s32 s22, s13  }
0x2f1: {  	v4 =	vadd.f32 v7, v4;
	v7 =	vld [tilespmem:s3+$0x0];
	s3 =	sadd.s32 s23, s13  }
0x2f2: {  	s13 =	sld [smem:$0x7EE];
	s2 =	sadd.s32 s24, s2;
	v9 =	vld [tilespmem:s3+$0x0]  }
0x2f3: {  	s3 =	sld [smem:$0x7EF];
	[tilespmem:s25+$0x2880] =	vst.add.f32.msk $0xffff, v4;
	s2 =	sadd.s32 s26, s2;
	s6 =	sadd.s32 s24, s6  }
0x2f4: {  	s30 =	sor.u32 s28, s29;
	v6 =	vadd.f32 v8, v6;
	v4 =	vld [tilespmem:s2+$0x0];
	s2 =	sadd.s32 s26, s6  }
.Ltmp2:
0x2f5: {  	s6 =	sadd.s32 s29, s13;
	v5 =	vld [tilespmem:s2+$0x0];
	s2 =	sld [smem:$0x7F0];
	(pc) =	sbr.rel @p0 .LBB2_7-.Ltmp2, $4  }
0x2f6: {  	[tilespmem:s30+$0x2600] =	vst.add.f32.msk $0xffff, v6;
	s6 =	sadd.s32 s28, s6;
	s3 =	sadd.s32 s29, s3;
	s13 =	sld [smem:$0x7F1]  }
0x2f7: {  	v6 =	vld [tilespmem:s6+$0x0];
	s3 =	sadd.s32 s28, s3;
	s6 =	sld [smem:$0x7F2];
	v8 =	vadd.f32 v9, v7  }
0x2f8: {  	v7 =	vld [tilespmem:s3+$0x0];
	s3 =	sld [smem:$0x7F3];
	s2 =	sadd.s32 s22, s2  }
0x2f9: {  	s10 =	sadd.s32 $0x10, s10;
	[tilespmem:s21+$0x3780] =	vst.add.f32.msk $0xffff, v8;
	s2 =	sadd.s32 s23, s2;
	s13 =	sadd.s32 s22, s13  }
0x2fa: {  	_ = 	snop  }
0x2fb: {  	s10 =	sld [smem:$0x7DA]  }
0x2fc: {  	s18 =	sld [smem:$0x7DB]  }
0x2fd: {  	v6 =	vadd.f32 v7, v6  }
0x2fe: {  	s10 =	sadd.s32 s29, s10  }
0x2ff: {  	s18 =	sadd.s32 s29, s18;
	s10 =	sadd.s32 s28, s10;
	[tilespmem:s30+$0x2680] =	vst.add.f32.msk $0xffff, v6  }
0x300: {  	s18 =	sadd.s32 s28, s18;
	v6 =	vld [tilespmem:s10+$0x0]  }
0x301: {  	v7 =	vld [tilespmem:s18+$0x0];
	_ =	sdelay $0x2  }
0x302: {  	s10 =	sld [smem:$0x7DE]  }
0x303: {  	s18 =	sld [smem:$0x7DF]  }
0x304: {  	v6 =	vadd.f32 v7, v6  }
0x305: {  	s10 =	sadd.s32 s29, s10  }
0x306: {  	s18 =	sadd.s32 s29, s18;
	s10 =	sadd.s32 s28, s10;
	[tilespmem:s30+$0x2700] =	vst.add.f32.msk $0xffff, v6  }
0x307: {  	s18 =	sadd.s32 s28, s18;
	v6 =	vld [tilespmem:s10+$0x0]  }
0x308: {  	v7 =	vld [tilespmem:s18+$0x0];
	_ =	sdelay $0x2  }
0x309: {  	s10 =	sld [smem:$0x7E2]  }
0x30a: {  	s18 =	sld [smem:$0x7E3]  }
0x30b: {  	v6 =	vadd.f32 v7, v6  }
0x30c: {  	s10 =	sadd.s32 s29, s10  }
0x30d: {  	s18 =	sadd.s32 s29, s18;
	s10 =	sadd.s32 s28, s10;
	[tilespmem:s30+$0x2780] =	vst.add.f32.msk $0xffff, v6  }
0x30e: {  	s18 =	sadd.s32 s28, s18;
	v6 =	vld [tilespmem:s10+$0x0]  }
0x30f: {  	v7 =	vld [tilespmem:s18+$0x0];
	_ =	sdelay $0x2  }
0x310: {  	s10 =	sld [smem:$0x7E6]  }
0x311: {  	s18 =	sld [smem:$0x7E7]  }
0x312: {  	v6 =	vadd.f32 v7, v6  }
0x313: {  	s10 =	sadd.s32 s29, s10  }
0x314: {  	s18 =	sadd.s32 s29, s18;
	s10 =	sadd.s32 s28, s10;
	[tilespmem:s30+$0x2800] =	vst.add.f32.msk $0xffff, v6  }
0x315: {  	s18 =	sadd.s32 s28, s18;
	v6 =	vld [tilespmem:s10+$0x0]  }
0x316: {  	v7 =	vld [tilespmem:s18+$0x0];
	_ =	sdelay $0x2  }
0x317: {  	s10 =	sld [smem:$0x7EC]  }
0x318: {  	s18 =	sld [smem:$0x7ED]  }
0x319: {  	v6 =	vadd.f32 v7, v6  }
0x31a: {  	s10 =	sadd.s32 s29, s10  }
0x31b: {  	s18 =	sadd.s32 s29, s18;
	s10 =	sadd.s32 s28, s10;
	[tilespmem:s30+$0x2880] =	vst.add.f32.msk $0xffff, v6  }
0x31c: {  	s18 =	sadd.s32 s28, s18;
	v6 =	vld [tilespmem:s10+$0x0]  }
0x31d: {  	v7 =	vld [tilespmem:s18+$0x0];
	_ =	sdelay $0x1  }
0x31e: {  	v4 =	vadd.f32 v5, v4  }
0x31f: {  	s6 =	sadd.s32 s24, s6;
	s10 =	sld [smem:$0x7F2]  }
0x320: {  	s6 =	sadd.s32 s26, s6;
	s3 =	sadd.s32 s24, s3;
	[tilespmem:s25+$0x2900] =	vst.add.f32.msk $0xffff, v4;
	s18 =	sld [smem:$0x7F3]  }
0x321: {  	s3 =	sadd.s32 s26, s3;
	v4 =	vld [tilespmem:s6+$0x0];
	v5 =	vadd.f32 v7, v6  }
0x322: {  	s10 =	sadd.s32 s29, s10;
	v6 =	vld [tilespmem:s3+$0x0]  }
0x323: {  	s18 =	sadd.s32 s29, s18;
	s3 =	sadd.s32 s28, s10;
	[tilespmem:s30+$0x2900] =	vst.add.f32.msk $0xffff, v5  }
0x324: {  	s6 =	sadd.s32 s28, s18;
	v5 =	vld [tilespmem:s3+$0x0]  }
0x325: {  	s10 =	sld [smem:$0x7DC];
	v7 =	vld [tilespmem:s6+$0x0]  }
0x326: {  	s3 =	sld [smem:$0x7DD]  }
0x327: {  	s0 =	sor.u32 s31, s0;
	v4 =	vadd.f32 v6, v4  }
0x328: {  	s0 =	sor.u32 $0x380, s0;
	s6 =	sadd.s32 s24, s10;
	s10 =	sld [smem:$0x7DC]  }
0x329: {  	s18 =	sadd.s32 s26, s6;
	s6 =	sld [smem:$0x7DD];
	s3 =	sadd.s32 s24, s3;
	[tilespmem:s0+$0x2600] =	vst.add.f32.msk $0xffff, v4  }
0x32a: {  	s3 =	sadd.s32 s26, s3;
	v4 =	vld [tilespmem:s18+$0x0];
	v5 =	vadd.f32 v7, v5;
	s18 =	sor.u32 s8, s9  }
0x32b: {  	v6 =	vld [tilespmem:s3+$0x0];
	s9 =	sadd.s32 s29, s10;
	s8 =	sor.u32 $0x380, s18  }
0x32c: {  	s10 =	sadd.s32 s28, s9;
	s18 =	sadd.s32 s29, s6;
	[tilespmem:s8+$0x2600] =	vst.add.f32.msk $0xffff, v5  }
0x32d: {  	s6 =	sadd.s32 s28, s18;
	v5 =	vld [tilespmem:s10+$0x0]  }
0x32e: {  	s8 =	sld [smem:$0x7E0];
	v7 =	vld [tilespmem:s6+$0x0]  }
0x32f: {  	s9 =	sld [smem:$0x7E1]  }
0x330: {  	v4 =	vadd.f32 v6, v4  }
0x331: {  	s10 =	sld [smem:$0x7E0];
	s3 =	sadd.s32 s24, s8  }
0x332: {  	s18 =	sld [smem:$0x7E1];
	s0 =	sadd.s32 s24, s9;
	s3 =	sadd.s32 s26, s3;
	[tilespmem:s25+$0x3600] =	vst.add.f32.msk $0xffff, v4  }
0x333: {  	s0 =	sadd.s32 s26, s0;
	v4 =	vld [tilespmem:s3+$0x0];
	v5 =	vadd.f32 v7, v5  }
0x334: {  	s6 =	sadd.s32 s29, s10;
	v6 =	vld [tilespmem:s0+$0x0]  }
0x335: {  	s9 =	sadd.s32 s29, s18;
	s0 =	sadd.s32 s28, s6;
	[tilespmem:s30+$0x3600] =	vst.add.f32.msk $0xffff, v5  }
0x336: {  	s10 =	sadd.s32 s28, s9;
	v5 =	vld [tilespmem:s0+$0x0]  }
0x337: {  	s18 =	sld [smem:$0x7E4];
	v7 =	vld [tilespmem:s10+$0x0]  }
0x338: {  	s6 =	sld [smem:$0x7E5]  }
0x339: {  	v4 =	vadd.f32 v6, v4  }
0x33a: {  	s3 =	sadd.s32 s24, s18;
	s8 =	sld [smem:$0x7E4]  }
0x33b: {  	s0 =	sadd.s32 s24, s6;
	s9 =	sld [smem:$0x7E5];
	s3 =	sadd.s32 s26, s3;
	[tilespmem:s25+$0x3680] =	vst.add.f32.msk $0xffff, v4  }
0x33c: {  	s0 =	sadd.s32 s26, s0;
	v4 =	vld [tilespmem:s3+$0x0];
	v5 =	vadd.f32 v7, v5  }
0x33d: {  	s10 =	sadd.s32 s29, s8;
	v6 =	vld [tilespmem:s0+$0x0]  }
0x33e: {  	s18 =	sadd.s32 s29, s9;
	s0 =	sadd.s32 s28, s10;
	[tilespmem:s30+$0x3680] =	vst.add.f32.msk $0xffff, v5  }
0x33f: {  	s6 =	sadd.s32 s28, s18;
	v5 =	vld [tilespmem:s0+$0x0]  }
0x340: {  	s8 =	sld [smem:$0x7EA];
	v7 =	vld [tilespmem:s6+$0x0]  }
0x341: {  	s9 =	sld [smem:$0x7EB]  }
0x342: {  	v4 =	vadd.f32 v6, v4  }
0x343: {  	s3 =	sadd.s32 s24, s8;
	s10 =	sld [smem:$0x7EA]  }
0x344: {  	s0 =	sadd.s32 s24, s9;
	s18 =	sld [smem:$0x7EB];
	s3 =	sadd.s32 s26, s3;
	[tilespmem:s25+$0x3700] =	vst.add.f32.msk $0xffff, v4  }
0x345: {  	s0 =	sadd.s32 s26, s0;
	v4 =	vld [tilespmem:s3+$0x0];
	v5 =	vadd.f32 v7, v5  }
0x346: {  	v6 =	vld [tilespmem:s0+$0x0];
	s3 =	sadd.s32 s29, s10  }
0x347: {  	s6 =	sadd.s32 s29, s18;
	s0 =	sadd.s32 s28, s3;
	[tilespmem:s30+$0x3700] =	vst.add.f32.msk $0xffff, v5  }
0x348: {  	s8 =	sadd.s32 s28, s6;
	v5 =	vld [tilespmem:s0+$0x0]  }
0x349: {  	s9 =	sld [smem:$0x7F0];
	v7 =	vld [tilespmem:s8+$0x0]  }
0x34a: {  	s10 =	sld [smem:$0x7F1]  }
0x34b: {  	v8 =	vld [tilespmem:s2+$0x0];
	s18 =	sadd.s32 s23, s13;
	v4 =	vadd.f32 v6, v4  }
0x34c: {  	s6 =	sadd.s32 s24, s9;
	s8 =	sld [smem:$0x7F0];
	v6 =	vld [tilespmem:s18+$0x0]  }
0x34d: {  	s0 =	sadd.s32 s24, s10;
	s9 =	sld [smem:$0x7F1];
	s2 =	sadd.s32 s26, s6;
	[tilespmem:s25+$0x3780] =	vst.add.f32.msk $0xffff, v4  }
0x34e: {  	s0 =	sadd.s32 s26, s0;
	v4 =	vld [tilespmem:s2+$0x0];
	v5 =	vadd.f32 v7, v5  }
0x34f: {  	s10 =	sld [smem:$0x7D4];
	s13 =	sadd.s32 s29, s8;
	v7 =	vld [tilespmem:s0+$0x0]  }
0x350: {  	s18 =	sld [smem:$0x7D5];
	s6 =	sadd.s32 s29, s9;
	s0 =	sadd.s32 s28, s13;
	[tilespmem:s30+$0x3780] =	vst.add.f32.msk $0xffff, v5  }
0x351: {  	s6 =	sadd.s32 s28, s6;
	v5 =	vadd.f32 v6, v8;
	v6 =	vld [tilespmem:s0+$0x0]  }
0x352: {  	s2 =	sadd.s32 s22, s10;
	s8 =	sld [smem:$0x7D4];
	v8 =	vld [tilespmem:s6+$0x0]  }
0x353: {  	s10 =	sadd.s32 s22, s18;
	s13 =	sld [smem:$0x7D5];
	s9 =	sadd.s32 s23, s2;
	[tilespmem:s21+$0x3800] =	vst.add.f32.msk $0xffff, v5  }
0x354: {  	s18 =	sadd.s32 s23, s10;
	v5 =	vld [tilespmem:s9+$0x0];
	v4 =	vadd.f32 v7, v4  }
0x355: {  	s2 =	sadd.s32 s24, s8;
	s6 =	sld [smem:$0x7D4];
	v7 =	vld [tilespmem:s18+$0x0]  }
0x356: {  	s3 =	sadd.s32 s24, s13;
	s8 =	sld [smem:$0x7D5];
	s0 =	sadd.s32 s26, s2;
	[tilespmem:s25+$0x3800] =	vst.add.f32.msk $0xffff, v4  }
0x357: {  	s9 =	sadd.s32 s26, s3;
	v4 =	vld [tilespmem:s0+$0x0];
	v6 =	vadd.f32 v8, v6  }
0x358: {  	s10 =	sld [smem:$0x7D6];
	s13 =	sadd.s32 s29, s6;
	v8 =	vld [tilespmem:s9+$0x0]  }
0x359: {  	s18 =	sld [smem:$0x7D7];
	s6 =	sadd.s32 s29, s8;
	s0 =	sadd.s32 s28, s13;
	[tilespmem:s30+$0x3800] =	vst.add.f32.msk $0xffff, v6  }
0x35a: {  	s8 =	sadd.s32 s28, s6;
	v5 =	vadd.f32 v7, v5;
	v6 =	vld [tilespmem:s0+$0x0]  }
0x35b: {  	s3 =	sadd.s32 s22, s10;
	s9 =	sld [smem:$0x7D6];
	v7 =	vld [tilespmem:s8+$0x0]  }
0x35c: {  	s2 =	sadd.s32 s22, s18;
	s13 =	sld [smem:$0x7D7];
	s10 =	sadd.s32 s23, s3;
	[tilespmem:s21+$0x3880] =	vst.add.f32.msk $0xffff, v5  }
0x35d: {  	s18 =	sadd.s32 s23, s2;
	v5 =	vld [tilespmem:s10+$0x0];
	v4 =	vadd.f32 v8, v4  }
0x35e: {  	s2 =	sadd.s32 s24, s9;
	s6 =	sld [smem:$0x7D6];
	v8 =	vld [tilespmem:s18+$0x0]  }
0x35f: {  	s3 =	sadd.s32 s24, s13;
	s8 =	sld [smem:$0x7D7];
	s0 =	sadd.s32 s26, s2;
	[tilespmem:s25+$0x3880] =	vst.add.f32.msk $0xffff, v4  }
0x360: {  	s9 =	sadd.s32 s26, s3;
	v4 =	vld [tilespmem:s0+$0x0];
	v6 =	vadd.f32 v7, v6  }
0x361: {  	s10 =	sld [smem:$0x7D8];
	s13 =	sadd.s32 s29, s6;
	v7 =	vld [tilespmem:s9+$0x0]  }
0x362: {  	s18 =	sld [smem:$0x7D9];
	s6 =	sadd.s32 s29, s8;
	s0 =	sadd.s32 s28, s13;
	[tilespmem:s30+$0x3880] =	vst.add.f32.msk $0xffff, v6  }
0x363: {  	s8 =	sadd.s32 s28, s6;
	v5 =	vadd.f32 v8, v5;
	v6 =	vld [tilespmem:s0+$0x0]  }
0x364: {  	s3 =	sadd.s32 s22, s10;
	s9 =	sld [smem:$0x7D8];
	v8 =	vld [tilespmem:s8+$0x0]  }
0x365: {  	s2 =	sadd.s32 s22, s18;
	s13 =	sld [smem:$0x7D9];
	s10 =	sadd.s32 s23, s3;
	[tilespmem:s21+$0x3900] =	vst.add.f32.msk $0xffff, v5  }
0x366: {  	s18 =	sadd.s32 s23, s2;
	v5 =	vld [tilespmem:s10+$0x0];
	v4 =	vadd.f32 v7, v4  }
0x367: {  	s22 =	sadd.s32 s24, s9;
	s23 =	sld [smem:$0x7D8];
	v7 =	vld [tilespmem:s18+$0x0]  }
0x368: {  	s3 =	sadd.s32 s24, s13;
	s24 =	sld [smem:$0x7D9];
	s0 =	sadd.s32 s26, s22;
	[tilespmem:s25+$0x3900] =	vst.add.f32.msk $0xffff, v4  }
0x369: {  	s26 =	sadd.s32 s26, s3;
	v4 =	vld [tilespmem:s0+$0x0];
	v6 =	vadd.f32 v8, v6  }
0x36a: {  	s2 =	sadd.s32 s29, s23;
	v8 =	vld [tilespmem:s26+$0x0]  }
0x36b: {  	s3 =	sadd.s32 s29, s24;
	s0 =	sadd.s32 s28, s2;
	[tilespmem:s30+$0x3900] =	vst.add.f32.msk $0xffff, v6  }
0x36c: {  	s6 =	sadd.s32 s28, s3;
	v6 =	vld [tilespmem:s0+$0x0]  }
0x36d: {  	v9 =	vld [tilespmem:s6+$0x0];
	_ =	sdelay $0x2  }
0x36e: {  	s8 =	sadd.s32 s5, s20;
	v5 =	vadd.f32 v7, v5  }
0x36f: {  	s0 =	sshll.u32 s8, $0xA;
	v4 =	vadd.f32 v8, v4  }
0x370: {  	[tilespmem:s21+$0x3980] =	vst.add.f32.msk $0xffff, v5;
	s0 =	sor.u32 s12, s0;
	v5 =	vadd.f32 v9, v6  }
0x371: {  	s0 =	sshrl.u32 s0, $0x3;
	[tilespmem:s25+$0x3980] =	vst.add.f32.msk $0xffff, v4  }
0x372: {  	s9 =	simm.s32 $0x2600;
	s0 =	sadd.s32 s4, s0;
	[tilespmem:s30+$0x3980] =	vst.add.f32.msk $0xffff, v5  }
0x373: {  	[hbm4b:s0+s14] =	stream.strided.scatter [tilespmem:s9], [sflag:$0x6], $0x400, s19, s14, $0x38;
	[tilespmem:$0x18600] =	vst v63  }
0x374: {  	s13 =	simm.s32 $0x2A00;
	s10 =	sadd.s32 $0x20, s0  }
0x375: {  	[hbm4b:s10+s14] =	stream.strided.scatter [tilespmem:s13], [sflag:$0x6], $0x400, s19, s14, $0x38;
	[tilespmem:$0x18600] =	vst v63  }
0x376: {  	s20 =	simm.s32 $0x2E00;
	s18 =	sadd.s32 $0x40, s0  }
0x377: {  	[hbm4b:s18+s14] =	stream.strided.scatter [tilespmem:s20], [sflag:$0x6], $0x400, s19, s14, $0x38;
	[tilespmem:$0x18600] =	vst v63  }
0x378: {  	s22 =	simm.s32 $0x3200;
	s21 =	sadd.s32 $0x60, s0  }
0x379: {  	[hbm4b:s21+s14] =	stream.strided.scatter [tilespmem:s22], [sflag:$0x6], $0x400, s19, s14, $0x38;
	[tilespmem:$0x18600] =	vst v63  }
0x37a: {  	s24 =	simm.s32 $0x3600;
	s23 =	sadd.s32 $0x400, s0  }
0x37b: {  	[hbm4b:s23+s14] =	stream.strided.scatter [tilespmem:s24], [sflag:$0x6], $0x400, s19, s14, $0x38;
	[tilespmem:$0x18600] =	vst v63  }
0x37c: {  	s26 =	simm.s32 $0x3A00;
	s25 =	sadd.s32 $0x420, s0  }
0x37d: {  	[hbm4b:s25+s14] =	stream.strided.scatter [tilespmem:s26], [sflag:$0x6], $0x400, s19, s14, $0x38;
	[tilespmem:$0x18600] =	vst v63  }
0x37e: {  	s6 =	simm.s32 $0x3E00;
	s3 =	sadd.s32 $0x440, s0  }
0x37f: {  	[hbm4b:s3+s14] =	stream.strided.scatter [tilespmem:s6], [sflag:$0x6], $0x400, s19, s14, $0x38;
	[tilespmem:$0x18600] =	vst v63  }
0x380: {  	p0 =	seq.s32 s15, $0x7;
	s8 =	simm.s32 $0x4200;
	s0 =	sadd.s32 $0x460, s0  }
0x381: {  	[hbm4b:s0+s14] =	stream.strided.scatter [tilespmem:s8], [sflag:$0x6], $0x400, s19, s14, $0x38;
	[tilespmem:$0x18600] =	vst v63  }
0x382: {  	s0 =	simm.s32 @!p0 $0x5  }
0x383: {  	_ =	swait.ge @!p0 [sflag:s0], $0x2000  }
0x384: {  	s2 =	sshll.u32 @!p0 s15, $0x6;
	[sflag:s0] =	ssyncset.done @!p0 $0x0  }
0x385: {  	s20 =	sand.u32 @!p0 $0x3FFFFFC0, s2;
	[sflag:s0] =	ssyncadd.s32 @!p0 $0xFFFFE000  }
0x386: {  	v4 =	vld @!p0 [tilespmem:s20+$0x40];
	_ =	sdelay $0x4  }
0x387: {  	v5 =	vshll.u32 @!p0 v4, $0x2  }
0x388: {  	v6 =	vlaneseq.u32 @!p0;
	v4 =	vand.u32 @!p0 $0x7, v4;
	v5 =	vand.u32 @!p0 $0xFFFFFFE0, v5  }
0x389: {  	v7 =	vshrl.u32 @!p0 v6, $0x3;
	v4 =	vor.u32 @!p0 v4, v5;
	v5 =	vand.u32 @!p0 $0x7, v6  }
0x38a: {  	v7 =	vmul.u32 @!p0 $0x8, v7;
	v5 =	vperm.xlane @!p0 v4, v5;
	_ =	sdelay $0x1  }
0x38b: {  	v5 =	vadd.s32 @!p0 v7, v5  }
0x38c: {  	v6 =	vor.u32 @!p0 $0x8, v6  }
0x38d: {  	v4 =	vperm.xlane @!p0 v4, v6;
	_ =	sdelay $0x1  }
0x38e: {  	vm1 =	vmmov @!p0 $0xffff;
	s2 =	simm.s32 @!p0 $0x600;
	s0 =	simm.s32 @!p0 $0x0;
	v4 =	vadd.s32 @!p0 v7, v4  }
0x38f: {  	[tilespmem:s2], [sflag:$0x1] =	stream.indirect_vreg.gather @!p0 [hbm4b:s1+s0], $0x80, v5, vm1, $0xb8;
	[tilespmem:$0x18600] =	vst v63  }
0x390: {  	s2 =	simm.s32 @!p0 $0xE00  }
0x391: {  	[tilespmem:s2], [sflag:$0x1] =	stream.indirect_vreg.gather @!p0 [hbm4b:s11+s0], $0x80, v5, vm1, $0xb8;
	[tilespmem:$0x18600] =	vst v63  }
0x392: {  	s2 =	simm.s32 @!p0 $0x1600  }
0x393: {  	[tilespmem:s2], [sflag:$0x1] =	stream.indirect_vreg.gather @!p0 [hbm4b:s1+s0], $0x80, v4, vm1, $0xb8;
	[tilespmem:$0x18600] =	vst v63  }
0x394: {  	s9 =	simm.s32 $0x3;
	s2 =	simm.s32 @!p0 $0x1E00  }
0x395: {  	[tilespmem:s2], [sflag:$0x1] =	stream.indirect_vreg.gather @!p0 [hbm4b:s11+s0], $0x80, v4, vm1, $0xb8;
	[tilespmem:$0x18600] =	vst v63  }
0x396: {  	_ =	swait.ge [sflag:s9], $0x2000  }
0x397: {  	[sflag:s9] =	ssyncset.done $0x0  }
0x398: {  	[sflag:s9] =	ssyncadd.s32 $0xFFFFE000  }
0x399: {  	v5 =	vld [tilespmem:s16+$0x200]  }
0x39a: {  	v4 =	vld [tilespmem:s16+$0x400];
	_ =	sdelay $0x3  }
0x39b: {  	(v2sf) =	vpush v5, $0x0  }
0x39c: {  	(v2sf) =	vpush v4, $0x0  }
0x39d: {  	(v2sf) =	vpush v5, $0x1  }
0x39e: {  	(v2sf) =	vpush v4, $0x1  }
0x39f: {  	(v2sf) =	vpush v5, $0x2  }
0x3a0: {  	(v2sf) =	vpush v4, $0x2;
	_ =	sdelay $0x1  }
0x3a1: {  	(v2sf) =	vpush v5, $0x3  }
0x3a2: {  	(v2sf) =	vpush v4, $0x3  }
0x3a3: {  	(v2sf) =	vpush v5, $0x4  }
0x3a4: {  	(v2sf) =	vpush v4, $0x4;
	_ =	sdelay $0x1  }
0x3a5: {  	(v2sf) =	vpush v5, $0x5  }
0x3a6: {  	(v2sf) =	vpush v4, $0x5  }
0x3a7: {  	(v2sf) =	vpush v5, $0x6  }
0x3a8: {  	(v2sf) =	vpush v4, $0x6;
	s10 =	spop (v2sf)  }
0x3a9: {  	s8 =	spop (v2sf);
	s13 =	sshll.u32 s10, $0x9  }
0x3aa: {  	(v2sf) =	vpush v5, $0x7;
	s0 =	sshll.u32 s10, $0x7;
	s9 =	spop (v2sf);
	s2 =	sand.u32 $0xFFFFF000, s13  }
0x3ab: {  	(v2sf) =	vpush v4, $0x7;
	s0 =	sand.u32 $0x380, s0;
	s10 =	sshll.u32 s8, $0x9;
	s18 =	spop (v2sf)  }
0x3ac: {  	(v2sf) =	vpush v5, $0x8;
	s8 =	sshll.u32 s8, $0x7;
	s0 =	sor.u32 s0, s2;
	s21 =	spop (v2sf)  }
0x3ad: {  	s8 =	sand.u32 $0x380, s8;
	s0 =	sadd.s32 $0x8600, s0;
	s29 =	spop (v2sf)  }
0x3ae: {  	(v2sf) =	vpush v4, $0x8;
	[smem:$0x7C8] =	sst s0;
	s0 =	sand.u32 $0xFFFFF000, s10;
	s10 =	sshll.u32 s9, $0x9  }
0x3af: {  	(v2sf) =	vpush v5, $0x9;
	s9 =	sshll.u32 s9, $0x7;
	s30 =	spop (v2sf);
	s0 =	sor.u32 s8, s0  }
0x3b0: {  	s8 =	sand.u32 $0xFFFFF000, s10;
	s9 =	sand.u32 $0x380, s9;
	s24 =	spop (v2sf)  }
0x3b1: {  	s0 =	sadd.s32 $0x10600, s0;
	s9 =	sor.u32 s9, s8;
	s6 =	spop (v2sf)  }
0x3b2: {  	[smem:$0x7C9] =	sst s0;
	s9 =	sadd.s32 $0x8600, s9;
	s3 =	spop (v2sf)  }
0x3b3: {  	[smem:$0x7CE] =	sst s9;
	s9 =	sshll.u32 s18, $0x9;
	s18 =	sshll.u32 s18, $0x7  }
0x3b4: {  	(v2sf) =	vpush v4, $0x9;
	s26 =	spop (v2sf);
	s9 =	sand.u32 $0xFFFFF000, s9;
	s18 =	sand.u32 $0x380, s18  }
0x3b5: {  	s28 =	spop (v2sf);
	s9 =	sor.u32 s18, s9;
	s18 =	sshll.u32 s21, $0x9  }
0x3b6: {  	s21 =	sshll.u32 s21, $0x7;
	s25 =	spop (v2sf);
	s9 =	sadd.s32 $0x10600, s9  }
0x3b7: {  	s18 =	sand.u32 $0xFFFFF000, s18;
	s21 =	sand.u32 $0x380, s21;
	s23 =	spop (v2sf)  }
0x3b8: {  	[smem:$0x7CF] =	sst s9;
	s18 =	sor.u32 s21, s18;
	s21 =	sshll.u32 s29, $0x9  }
0x3b9: {  	(v2sf) =	vpush v5, $0xA;
	s29 =	sshll.u32 s29, $0x7;
	s22 =	spop (v2sf);
	s18 =	sadd.s32 $0x8600, s18  }
0x3ba: {  	s13 =	spop (v2sf);
	[smem:$0x7BA] =	sst s18;
	s18 =	sand.u32 $0xFFFFF000, s21  }
0x3bb: {  	s21 =	sand.u32 $0x380, s29;
	s29 =	sshll.u32 s30, $0x7;
	s2 =	spop (v2sf)  }
0x3bc: {  	(v2sf) =	vpush v4, $0xA;
	s18 =	sor.u32 s21, s18;
	s21 =	sshll.u32 s30, $0x9;
	s29 =	sand.u32 $0x380, s29  }
0x3bd: {  	(v2sf) =	vpush v5, $0xB;
	s10 =	spop (v2sf);
	s18 =	sadd.s32 $0x10600, s18;
	s30 =	sand.u32 $0xFFFFF000, s21  }
0x3be: {  	(v2sf) =	vpush v4, $0xB;
	s8 =	spop (v2sf);
	[smem:$0x7BB] =	sst s18;
	s18 =	sor.u32 s29, s30  }
0x3bf: {  	s29 =	sshll.u32 s24, $0x9;
	s24 =	sshll.u32 s24, $0x7;
	s18 =	sadd.s32 $0x8600, s18  }
0x3c0: {  	s24 =	sand.u32 $0x380, s24;
	[smem:$0x7BE] =	sst s18;
	s18 =	sand.u32 $0xFFFFF000, s29  }
0x3c1: {  	s18 =	sor.u32 s24, s18;
	s24 =	sshll.u32 s6, $0x9;
	s6 =	sshll.u32 s6, $0x7  }
0x3c2: {  	s18 =	sadd.s32 $0x10600, s18;
	s29 =	sand.u32 $0xFFFFF000, s24;
	s6 =	sand.u32 $0x380, s6  }
0x3c3: {  	s0 =	spop (v2sf);
	[smem:$0x7BF] =	sst s18;
	s6 =	sor.u32 s6, s29  }
0x3c4: {  	s18 =	sshll.u32 s3, $0x9;
	s3 =	sshll.u32 s3, $0x7;
	s6 =	sadd.s32 $0x8600, s6  }
0x3c5: {  	s18 =	sand.u32 $0xFFFFF000, s18;
	s3 =	sand.u32 $0x380, s3;
	[smem:$0x7C2] =	sst s6  }
0x3c6: {  	s3 =	sor.u32 s3, s18;
	s18 =	sshll.u32 s26, $0x9;
	s26 =	sshll.u32 s26, $0x7  }
0x3c7: {  	s3 =	sadd.s32 $0x10600, s3;
	s6 =	sand.u32 $0xFFFFF000, s18;
	s18 =	sand.u32 $0x380, s26  }
0x3c8: {  	s9 =	spop (v2sf);
	[smem:$0x7C3] =	sst s3;
	s18 =	sor.u32 s18, s6  }
0x3c9: {  	s6 =	sshll.u32 s28, $0x9;
	s3 =	sadd.s32 $0x8600, s18;
	s18 =	sshll.u32 s28, $0x7  }
0x3ca: {  	s6 =	sand.u32 $0xFFFFF000, s6;
	[smem:$0x7C6] =	sst s3;
	s18 =	sand.u32 $0x380, s18  }
0x3cb: {  	s21 =	spop (v2sf);
	s3 =	sor.u32 s18, s6;
	s18 =	sshll.u32 s25, $0x9  }
0x3cc: {  	(v2sf) =	vpush v5, $0xC;
	s25 =	sshll.u32 s25, $0x7;
	s24 =	spop (v2sf);
	s3 =	sadd.s32 $0x10600, s3  }
0x3cd: {  	s6 =	sand.u32 $0xFFFFF000, s18;
	s18 =	sand.u32 $0x380, s25;
	s26 =	spop (v2sf)  }
0x3ce: {  	(v2sf) =	vpush v4, $0xC;
	[smem:$0x7C7] =	sst s3;
	s6 =	sor.u32 s18, s6;
	s18 =	sshll.u32 s23, $0x9  }
0x3cf: {  	s23 =	sshll.u32 s23, $0x7;
	s3 =	sadd.s32 $0x8600, s6;
	s6 =	sand.u32 $0xFFFFF000, s18  }
0x3d0: {  	s23 =	sand.u32 $0x380, s23;
	s18 =	sshll.u32 s22, $0x9;
	s22 =	sshll.u32 s22, $0x7  }
0x3d1: {  	[smem:$0x7CC] =	sst s3;
	s3 =	sor.u32 s23, s6;
	s6 =	sand.u32 $0xFFFFF000, s18  }
0x3d2: {  	s18 =	sand.u32 $0x380, s22;
	s22 =	sshll.u32 s2, $0x9;
	s23 =	sadd.s32 $0x10600, s3  }
0x3d3: {  	s2 =	sshll.u32 s2, $0x7;
	s6 =	sor.u32 s18, s6;
	[smem:$0x7CD] =	sst s23  }
0x3d4: {  	s6 =	sadd.s32 $0x8600, s6;
	s23 =	sshll.u32 s13, $0x9;
	s13 =	sshll.u32 s13, $0x7  }
0x3d5: {  	(v2sf) =	vpush v5, $0xD;
	[smem:$0x7D2] =	sst s6;
	s18 =	sand.u32 $0xFFFFF000, s23;
	s13 =	sand.u32 $0x380, s13  }
0x3d6: {  	s23 =	sand.u32 $0x380, s2;
	s6 =	sor.u32 s13, s18;
	s13 =	sand.u32 $0xFFFFF000, s22  }
0x3d7: {  	s6 =	sadd.s32 $0x10600, s6;
	s22 =	sor.u32 s23, s13;
	s23 =	sshll.u32 s10, $0x9  }
0x3d8: {  	s10 =	sshll.u32 s10, $0x7;
	s13 =	sshll.u32 s21, $0x9;
	[smem:$0x7D3] =	sst s6  }
0x3d9: {  	s6 =	sadd.s32 $0x8600, s22;
	s18 =	sand.u32 $0xFFFFF000, s23;
	s10 =	sand.u32 $0x380, s10  }
0x3da: {  	s22 =	sshll.u32 s8, $0x9;
	s8 =	sshll.u32 s8, $0x7;
	[smem:$0x7BC] =	sst s6  }
0x3db: {  	s6 =	sor.u32 s10, s18;
	s10 =	sand.u32 $0xFFFFF000, s22;
	s25 =	spop (v2sf);
	(v2sf) =	vpush v4, $0xD  }
0x3dc: {  	s8 =	sand.u32 $0x380, s8;
	s18 =	sshll.u32 s0, $0x9;
	s0 =	sshll.u32 s0, $0x7  }
0x3dd: {  	s23 =	sadd.s32 $0x10600, s6;
	s8 =	sor.u32 s8, s10;
	s3 =	spop (v2sf);
	(v2sf) =	vpush v5, $0xE  }
0x3de: {  	s22 =	sand.u32 $0xFFFFF000, s18;
	s0 =	sand.u32 $0x380, s0;
	s18 =	sshll.u32 s21, $0x7  }
0x3df: {  	s21 =	sand.u32 $0xFFFFF000, s13;
	[smem:$0x7BD] =	sst s23;
	s8 =	sadd.s32 $0x8600, s8  }
0x3e0: {  	s0 =	sor.u32 s0, s22;
	s23 =	sshll.u32 s9, $0x9;
	s9 =	sshll.u32 s9, $0x7  }
0x3e1: {  	s22 =	sand.u32 $0x380, s18;
	s18 =	sshll.u32 s26, $0x9;
	[smem:$0x7C0] =	sst s8  }
0x3e2: {  	s0 =	sadd.s32 $0x10600, s0;
	s8 =	sand.u32 $0xFFFFF000, s23;
	s9 =	sand.u32 $0x380, s9  }
0x3e3: {  	s23 =	sshll.u32 s24, $0x9;
	s24 =	sshll.u32 s24, $0x7;
	[smem:$0x7C1] =	sst s0  }
0x3e4: {  	s9 =	sor.u32 s9, s8;
	s8 =	sand.u32 $0xFFFFF000, s23;
	s2 =	spop (v2sf);
	(v2sf) =	vpush v4, $0xE  }
0x3e5: {  	s0 =	sadd.s32 $0x8600, s9;
	s9 =	sand.u32 $0x380, s24;
	s24 =	sshll.u32 s25, $0x9  }
0x3e6: {  	[smem:$0x7C4] =	sst s0;
	s0 =	sor.u32 s22, s21;
	s9 =	sor.u32 s9, s8  }
0x3e7: {  	s21 =	sshll.u32 s26, $0x7;
	s22 =	sand.u32 $0xFFFFF000, s18;
	s26 =	sshll.u32 s25, $0x7  }
0x3e8: {  	s8 =	sand.u32 $0xFFFFF000, s24;
	s0 =	sadd.s32 $0x10600, s0;
	s23 =	sand.u32 $0x380, s21  }
0x3e9: {  	s21 =	sshll.u32 s3, $0x9;
	s3 =	sshll.u32 s3, $0x7;
	[smem:$0x7C5] =	sst s0  }
0x3ea: {  	s0 =	sadd.s32 $0x8600, s9;
	s9 =	sand.u32 $0x380, s26;
	s6 =	spop (v2sf);
	(v2sf) =	vpush v5, $0xF  }
0x3eb: {  	s3 =	sand.u32 $0x380, s3;
	[smem:$0x7CA] =	sst s0;
	s0 =	sor.u32 s23, s22  }
0x3ec: {  	s9 =	sor.u32 s9, s8;
	s22 =	sand.u32 $0xFFFFF000, s21;
	s10 =	spop (v2sf);
	(v2sf) =	vpush v4, $0xF  }
0x3ed: {  	s23 =	sshll.u32 s2, $0x9;
	s2 =	sshll.u32 s2, $0x7;
	s0 =	sadd.s32 $0x10600, s0  }
0x3ee: {  	s2 =	sand.u32 $0x380, s2;
	[smem:$0x7CB] =	sst s0;
	s0 =	sadd.s32 $0x8600, s9  }
0x3ef: {  	[smem:$0x7D0] =	sst s0;
	s0 =	sor.u32 s3, s22;
	s3 =	sand.u32 $0xFFFFF000, s23  }
0x3f0: {  	s0 =	sadd.s32 $0x10600, s0;
	s24 =	sor.u32 s2, s3  }
0x3f1: {  	[smem:$0x7D1] =	sst s0;
	s0 =	sadd.s32 $0x8600, s24  }
0x3f2: {  	[smem:$0x7B4] =	sst s0;
	s25 =	sshll.u32 s6, $0x9  }
0x3f3: {  	s26 =	sshll.u32 s6, $0x7;
	s13 =	spop (v2sf);
	s2 =	sand.u32 $0xFFFFF000, s25  }
0x3f4: {  	s6 =	sand.u32 $0x380, s26;
	s9 =	sshll.u32 s10, $0x9;
	s21 =	sshll.u32 s10, $0x7  }
0x3f5: {  	s0 =	sor.u32 s6, s2;
	s2 =	sand.u32 $0xFFFFF000, s9;
	s3 =	sand.u32 $0x380, s21  }
0x3f6: {  	s23 =	sshll.u32 s13, $0x9;
	s24 =	sshll.u32 s13, $0x7;
	s0 =	sadd.s32 $0x10600, s0  }
0x3f7: {  	s22 =	sor.u32 s3, s2;
	s2 =	sand.u32 $0xFFFFF000, s23;
	s3 =	sand.u32 $0x380, s24  }
0x3f8: {  	[smem:$0x7B5] =	sst s0;
	s0 =	sadd.s32 $0x8600, s22;
	s2 =	sor.u32 s3, s2  }
0x3f9: {  	[smem:$0x7B6] =	sst s0;
	s13 =	sadd.s32 $0x10600, s2;
	s18 =	spop (v2sf)  }
0x3fa: {  	s2 =	simm.s32 $0x0;
	[smem:$0x7B7] =	sst s13;
	s25 =	sshll.u32 s18, $0x9  }
0x3fb: {  	s8 =	spop (v2sf);
	s26 =	sshll.u32 s18, $0x7;
	s6 =	sand.u32 $0xFFFFF000, s25  }
0x3fc: {  	s10 =	sand.u32 $0x380, s26;
	s22 =	sshll.u32 s8, $0x9;
	s25 =	sld [smem:$0x7C8]  }
0x3fd: {  	s24 =	sshll.u32 s8, $0x7;
	s26 =	sld [smem:$0x7C9];
	s18 =	sor.u32 s10, s6  }
0x3fe: {  	s23 =	sand.u32 $0xFFFFF000, s22;
	s8 =	sand.u32 $0x380, s24;
	s22 =	sand.u32 $0xC00, s2  }
0x3ff: {  	s21 =	sadd.s32 $0x8600, s18;
	s10 =	sor.u32 s8, s23;
	s23 =	sand.u32 $0x70, s2  }
0x400: {  	[smem:$0x7B8] =	sst s21;
	s0 =	sadd.s32 $0x10600, s10;
	s13 =	sadd.s32 s22, s25  }
0x401: {  	s21 =	sadd.s32 s22, s26;
	[smem:$0x7B9] =	sst s0;
	s18 =	sadd.s32 s23, s13  }
0x402: {  	s24 =	sadd.s32 s23, s21;
	v4 =	vld [tilespmem:s18+$0x0]  }
0x403: {  	v5 =	vld [tilespmem:s24+$0x0];
	_ =	sdelay $0x2  }
0x404: {  	s25 =	sld [smem:$0x7CE]  }
0x405: {  	s26 =	sld [smem:$0x7CF]  }
0x406: {  	v4 =	vadd.f32 v5, v4  }
0x407: {  	s21 =	sor.u32 s23, s22;
	s0 =	sadd.s32 s22, s25  }
0x408: {  	s3 =	sadd.s32 s22, s26;
	s0 =	sadd.s32 s23, s0;
	[tilespmem:s21+$0x4600] =	vst.add.f32.msk $0xffff, v4  }
0x409: {  	s3 =	sadd.s32 s23, s3;
	v4 =	vld [tilespmem:s0+$0x0]  }
0x40a: {  	v5 =	vld [tilespmem:s3+$0x0];
	_ =	sdelay $0x2  }
0x40b: {  	s6 =	sld [smem:$0x7BA]  }
0x40c: {  	s8 =	sld [smem:$0x7BB]  }
0x40d: {  	v4 =	vadd.f32 v5, v4  }
0x40e: {  	s0 =	sadd.s32 s22, s6  }
0x40f: {  	s3 =	sadd.s32 s22, s8;
	s0 =	sadd.s32 s23, s0;
	[tilespmem:s21+$0x4680] =	vst.add.f32.msk $0xffff, v4  }
0x410: {  	s9 =	sadd.s32 s23, s3;
	v4 =	vld [tilespmem:s0+$0x0]  }
0x411: {  	v5 =	vld [tilespmem:s9+$0x0];
	_ =	sdelay $0x2  }
0x412: {  	s10 =	sld [smem:$0x7BE]  }
0x413: {  	s13 =	sld [smem:$0x7BF]  }
0x414: {  	v4 =	vadd.f32 v5, v4  }
0x415: {  	s0 =	sadd.s32 s22, s10  }
0x416: {  	s3 =	sadd.s32 s22, s13;
	s0 =	sadd.s32 s23, s0;
	[tilespmem:s21+$0x4700] =	vst.add.f32.msk $0xffff, v4  }
0x417: {  	s18 =	sadd.s32 s23, s3;
	v4 =	vld [tilespmem:s0+$0x0]  }
0x418: {  	v5 =	vld [tilespmem:s18+$0x0];
	_ =	sdelay $0x2  }
0x419: {  	s24 =	sld [smem:$0x7C2]  }
0x41a: {  	s25 =	sld [smem:$0x7C3]  }
0x41b: {  	v4 =	vadd.f32 v5, v4  }
0x41c: {  	s0 =	sadd.s32 s22, s24  }
0x41d: {  	s3 =	sadd.s32 s22, s25;
	s0 =	sadd.s32 s23, s0;
	[tilespmem:s21+$0x4780] =	vst.add.f32.msk $0xffff, v4  }
0x41e: {  	s26 =	sadd.s32 s23, s3;
	v4 =	vld [tilespmem:s0+$0x0]  }
0x41f: {  	v5 =	vld [tilespmem:s26+$0x0];
	_ =	sdelay $0x2  }
0x420: {  	s3 =	sld [smem:$0x7C6]  }
0x421: {  	s6 =	sld [smem:$0x7C7]  }
0x422: {  	v4 =	vadd.f32 v5, v4  }
0x423: {  	s31 =	simm.s32 $0x80;
	s8 =	sld [smem:$0x7C8];
	s0 =	sadd.s32 s22, s3  }
0x424: {  	s10 =	sld [smem:$0x7C9];
	s3 =	sadd.s32 s22, s6;
	s13 =	sadd.s32 s23, s0;
	[tilespmem:s21+$0x4800] =	vst.add.f32.msk $0xffff, v4  }
0x425: {  	s24 =	sand.u32 $0xC00, s31;
	s0 =	simm.s32 $0x10;
	s3 =	sadd.s32 s23, s3;
	v4 =	vld [tilespmem:s13+$0x0]  }
0x426: {  	s6 =	sadd.s32 s24, s8;
	s26 =	sand.u32 $0x70, s0;
	v5 =	vld [tilespmem:s3+$0x0]  }
0x427: {  	s25 =	sadd.s32 s24, s10;
	s18 =	sadd.s32 s26, s6  }
0x428: {  	s8 =	sadd.s32 s26, s25;
	v6 =	vld [tilespmem:s18+$0x0]  }
0x429: {  	v7 =	vld [tilespmem:s8+$0x0];
	s9 =	sld [smem:$0x7CC]  }
0x42a: {  	s10 =	sld [smem:$0x7CD]  }
0x42b: {  	v4 =	vadd.f32 v5, v4  }
0x42c: {  	s13 =	sld [smem:$0x7CE];
	s3 =	sadd.s32 s22, s9  }
0x42d: {  	s18 =	sld [smem:$0x7CF];
	s6 =	sadd.s32 s22, s10;
	s3 =	sadd.s32 s23, s3;
	[tilespmem:s21+$0x4880] =	vst.add.f32.msk $0xffff, v4  }
0x42e: {  	s6 =	sadd.s32 s23, s6;
	v4 =	vadd.f32 v7, v6;
	v5 =	vld [tilespmem:s3+$0x0]  }
0x42f: {  	s25 =	sor.u32 s26, s24;
	s10 =	sadd.s32 s24, s13;
	v6 =	vld [tilespmem:s6+$0x0]  }
0x430: {  	s18 =	sadd.s32 s24, s18;
	s13 =	sadd.s32 s26, s10;
	[tilespmem:s25+$0x4600] =	vst.add.f32.msk $0xffff, v4  }
0x431: {  	s8 =	sadd.s32 s26, s18;
	v4 =	vld [tilespmem:s13+$0x0]  }
0x432: {  	s9 =	sld [smem:$0x7D2];
	v7 =	vld [tilespmem:s8+$0x0]  }
0x433: {  	s10 =	sld [smem:$0x7D3]  }
0x434: {  	v5 =	vadd.f32 v6, v5  }
0x435: {  	s13 =	sld [smem:$0x7BA];
	s6 =	sadd.s32 s22, s9  }
0x436: {  	s18 =	sld [smem:$0x7BB];
	s3 =	sadd.s32 s22, s10;
	s6 =	sadd.s32 s23, s6;
	[tilespmem:s21+$0x4900] =	vst.add.f32.msk $0xffff, v5  }
0x437: {  	s3 =	sadd.s32 s23, s3;
	v4 =	vadd.f32 v7, v4;
	v5 =	vld [tilespmem:s6+$0x0]  }
0x438: {  	s8 =	sadd.s32 s24, s13;
	v6 =	vld [tilespmem:s3+$0x0]  }
0x439: {  	s13 =	sadd.s32 s24, s18;
	s10 =	sadd.s32 s26, s8;
	[tilespmem:s25+$0x4680] =	vst.add.f32.msk $0xffff, v4  }
0x43a: {  	s18 =	sadd.s32 s26, s13;
	v4 =	vld [tilespmem:s10+$0x0]  }
0x43b: {  	s6 =	sld [smem:$0x7BC];
	v7 =	vld [tilespmem:s18+$0x0]  }
0x43c: {  	s8 =	sld [smem:$0x7BD]  }
0x43d: {  	s2 =	sor.u32 s2, s2;
	v5 =	vadd.f32 v6, v5  }
0x43e: {  	s2 =	sor.u32 $0x380, s2;
	s10 =	sld [smem:$0x7BE];
	s3 =	sadd.s32 s22, s6  }
0x43f: {  	s9 =	sld [smem:$0x7BF];
	s18 =	sadd.s32 s22, s8;
	s13 =	sadd.s32 s23, s3;
	[tilespmem:s2+$0x4600] =	vst.add.f32.msk $0xffff, v5  }
0x440: {  	s6 =	sadd.s32 s23, s18;
	v4 =	vadd.f32 v7, v4;
	v5 =	vld [tilespmem:s13+$0x0]  }
0x441: {  	s10 =	sadd.s32 s24, s10;
	v6 =	vld [tilespmem:s6+$0x0]  }
0x442: {  	s18 =	sadd.s32 s24, s9;
	s13 =	sadd.s32 s26, s10;
	[tilespmem:s25+$0x4700] =	vst.add.f32.msk $0xffff, v4  }
0x443: {  	s3 =	sadd.s32 s26, s18;
	v4 =	vld [tilespmem:s13+$0x0]  }
0x444: {  	s6 =	sld [smem:$0x7C0];
	v7 =	vld [tilespmem:s3+$0x0]  }
0x445: {  	s8 =	sld [smem:$0x7C1]  }
0x446: {  	v5 =	vadd.f32 v6, v5  }
0x447: {  	s9 =	sld [smem:$0x7C2];
	s2 =	sadd.s32 s22, s6  }
0x448: {  	s10 =	sld [smem:$0x7C3];
	s3 =	sadd.s32 s22, s8;
	s2 =	sadd.s32 s23, s2;
	[tilespmem:s21+$0x5600] =	vst.add.f32.msk $0xffff, v5  }
0x449: {  	s13 =	sadd.s32 s23, s3;
	v4 =	vadd.f32 v7, v4;
	v5 =	vld [tilespmem:s2+$0x0]  }
0x44a: {  	s18 =	sadd.s32 s24, s9;
	v6 =	vld [tilespmem:s13+$0x0]  }
0x44b: {  	s6 =	sadd.s32 s24, s10;
	s3 =	sadd.s32 s26, s18;
	[tilespmem:s25+$0x4780] =	vst.add.f32.msk $0xffff, v4  }
0x44c: {  	s8 =	sadd.s32 s26, s6;
	v4 =	vld [tilespmem:s3+$0x0]  }
0x44d: {  	s9 =	sld [smem:$0x7C4];
	v7 =	vld [tilespmem:s8+$0x0]  }
0x44e: {  	s10 =	sld [smem:$0x7C5]  }
0x44f: {  	v5 =	vadd.f32 v6, v5  }
0x450: {  	s13 =	sld [smem:$0x7C6];
	s2 =	sadd.s32 s22, s9  }
0x451: {  	s18 =	sld [smem:$0x7C7];
	s3 =	sadd.s32 s22, s10;
	s2 =	sadd.s32 s23, s2;
	[tilespmem:s21+$0x5680] =	vst.add.f32.msk $0xffff, v5  }
0x452: {  	s10 =	sadd.s32 s23, s3;
	v4 =	vadd.f32 v7, v4;
	v5 =	vld [tilespmem:s2+$0x0]  }
0x453: {  	s8 =	simm.s32 $0x100;
	s3 =	sld [smem:$0x7C8];
	s6 =	sadd.s32 s24, s13;
	v6 =	vld [tilespmem:s10+$0x0]  }
0x454: {  	s13 =	sadd.s32 s24, s18;
	s6 =	sadd.s32 s26, s6;
	s2 =	sld [smem:$0x7C9];
	[tilespmem:s25+$0x4800] =	vst.add.f32.msk $0xffff, v4  }
0x455: {  	s9 =	simm.s32 $0x20;
	s29 =	sand.u32 $0xC00, s8;
	s18 =	sadd.s32 s26, s13;
	v4 =	vld [tilespmem:s6+$0x0]  }
0x456: {  	s28 =	sand.u32 $0x70, s9;
	s3 =	sadd.s32 s29, s3;
	s10 =	sld [smem:$0x7CA];
	v7 =	vld [tilespmem:s18+$0x0]  }
0x457: {  	s3 =	sadd.s32 s28, s3;
	s13 =	sld [smem:$0x7CB];
	s2 =	sadd.s32 s29, s2  }
0x458: {  	v8 =	vld [tilespmem:s3+$0x0];
	s2 =	sadd.s32 s28, s2;
	v5 =	vadd.f32 v6, v5  }
0x459: {  	s18 =	sadd.s32 s22, s10;
	v6 =	vld [tilespmem:s2+$0x0];
	s2 =	sld [smem:$0x7CC]  }
0x45a: {  	s6 =	sld [smem:$0x7CD];
	s10 =	sadd.s32 s22, s13;
	s3 =	sadd.s32 s23, s18;
	[tilespmem:s21+$0x5700] =	vst.add.f32.msk $0xffff, v5  }
0x45b: {  	s10 =	sadd.s32 s23, s10;
	v4 =	vadd.f32 v7, v4;
	v7 =	vld [tilespmem:s3+$0x0]  }
0x45c: {  	s13 =	sld [smem:$0x7CE];
	s2 =	sadd.s32 s24, s2;
	v63 =	vld [tilespmem:s10+$0x0]  }
0x45d: {  	s18 =	sld [smem:$0x7CF];
	s6 =	sadd.s32 s24, s6;
	[tilespmem:s25+$0x4880] =	vst.add.f32.msk $0xffff, v4;
	s2 =	sadd.s32 s26, s2  }
0x45e: {  	s6 =	sadd.s32 s26, s6;
	v6 =	vadd.f32 v6, v8;
	v4 =	vld [tilespmem:s2+$0x0]  }
0x45f: {  	s30 =	sor.u32 s28, s29;
	s10 =	sadd.s32 s29, s13;
	s13 =	sld [smem:$0x7D0];
	v5 =	vld [tilespmem:s6+$0x0]  }
0x460: {  	s3 =	sadd.s32 s29, s18;
	s18 =	sld [smem:$0x7D1];
	s6 =	sadd.s32 s28, s10;
	[tilespmem:s30+$0x4600] =	vst.add.f32.msk $0xffff, v6  }
0x461: {  	s3 =	sadd.s32 s28, s3;
	v6 =	vld [tilespmem:s6+$0x0];
	v8 =	vadd.f32 v63, v7  }
0x462: {  	s10 =	simm.s32 $0x30;
	s2 =	sadd.s32 s22, s13;
	s6 =	sld [smem:$0x7D2];
	v7 =	vld [tilespmem:s3+$0x0]  }
0x463: {  	s13 =	sadd.s32 s22, s18;
	s2 =	sadd.s32 s23, s2;
	s3 =	sld [smem:$0x7D3];
	[tilespmem:s21+$0x5780] =	vst.add.f32.msk $0xffff, v8  }
.LBB2_9:
0x464: {  	p1 =	sne.s32 s10, $0x1F0;
	v4 =	vadd.f32 v5, v4;
	v5 =	vld [tilespmem:s2+$0x0];
	s2 =	sadd.s32 s23, s13  }
0x465: {  	s6 =	sadd.s32 s24, s6;
	s13 =	sld [smem:$0x7BA];
	v8 =	vld [tilespmem:s2+$0x0]  }
0x466: {  	s6 =	sadd.s32 s26, s6;
	s3 =	sadd.s32 s24, s3;
	s2 =	sld [smem:$0x7BB];
	[tilespmem:s25+$0x4900] =	vst.add.f32.msk $0xffff, v4  }
0x467: {  	s3 =	sadd.s32 s26, s3;
	v4 =	vadd.f32 v7, v6;
	v6 =	vld [tilespmem:s6+$0x0]  }
0x468: {  	s6 =	sadd.s32 s29, s13;
	v7 =	vld [tilespmem:s3+$0x0];
	s3 =	sld [smem:$0x7B4]  }
0x469: {  	[tilespmem:s30+$0x4680] =	vst.add.f32.msk $0xffff, v4;
	s6 =	sadd.s32 s28, s6;
	s2 =	sadd.s32 s29, s2;
	s13 =	sld [smem:$0x7B5]  }
0x46a: {  	v4 =	vld [tilespmem:s6+$0x0];
	s2 =	sadd.s32 s28, s2;
	v5 =	vadd.f32 v8, v5  }
0x46b: {  	v8 =	vld [tilespmem:s2+$0x0];
	s2 =	sld [smem:$0x7BC];
	s3 =	sadd.s32 s22, s3  }
0x46c: {  	s6 =	sld [smem:$0x7BD];
	[tilespmem:s21+$0x5800] =	vst.add.f32.msk $0xffff, v5;
	s3 =	sadd.s32 s23, s3;
	s13 =	sadd.s32 s22, s13  }
0x46d: {  	s0 =	sor.u32 s31, s0;
	s31 =	smov.u32 s8;
	v5 =	vadd.f32 v7, v6;
	v6 =	vld [tilespmem:s3+$0x0];
	s3 =	sadd.s32 s23, s13  }
0x46e: {  	s0 =	sor.u32 $0x380, s0;
	s13 =	sld [smem:$0x7BE];
	s2 =	sadd.s32 s24, s2;
	v7 =	vld [tilespmem:s3+$0x0]  }
0x46f: {  	s3 =	sld [smem:$0x7BF];
	[tilespmem:s0+$0x4600] =	vst.add.f32.msk $0xffff, v5;
	s0 =	sadd.s32 s26, s2;
	s2 =	sadd.s32 s24, s6  }
0x470: {  	v4 =	vadd.f32 v8, v4;
	v5 =	vld [tilespmem:s0+$0x0];
	s2 =	sadd.s32 s26, s2;
	s0 =	smov.u32 s9;
	s9 =	smov.u32 s10  }
0x471: {  	s6 =	sadd.s32 s29, s13;
	v8 =	vld [tilespmem:s2+$0x0];
	s2 =	sld [smem:$0x7B6]  }
0x472: {  	[tilespmem:s30+$0x4700] =	vst.add.f32.msk $0xffff, v4;
	s6 =	sadd.s32 s28, s6;
	s3 =	sadd.s32 s29, s3;
	s13 =	sld [smem:$0x7B7]  }
0x473: {  	v4 =	vld [tilespmem:s6+$0x0];
	s3 =	sadd.s32 s28, s3;
	v6 =	vadd.f32 v7, v6  }
0x474: {  	v7 =	vld [tilespmem:s3+$0x0];
	s3 =	sld [smem:$0x7C0];
	s2 =	sadd.s32 s22, s2  }
0x475: {  	s6 =	sld [smem:$0x7C1];
	[tilespmem:s21+$0x5880] =	vst.add.f32.msk $0xffff, v6;
	s2 =	sadd.s32 s23, s2;
	s13 =	sadd.s32 s22, s13  }
0x476: {  	v5 =	vadd.f32 v8, v5;
	v6 =	vld [tilespmem:s2+$0x0];
	s2 =	sadd.s32 s23, s13  }
0x477: {  	s13 =	sld [smem:$0x7C2];
	s3 =	sadd.s32 s24, s3;
	v8 =	vld [tilespmem:s2+$0x0]  }
0x478: {  	s2 =	sld [smem:$0x7C3];
	[tilespmem:s25+$0x5600] =	vst.add.f32.msk $0xffff, v5;
	s3 =	sadd.s32 s26, s3;
	s6 =	sadd.s32 s24, s6  }
0x479: {  	v4 =	vadd.f32 v7, v4;
	v5 =	vld [tilespmem:s3+$0x0];
	s3 =	sadd.s32 s26, s6  }
0x47a: {  	s6 =	sadd.s32 s29, s13;
	v7 =	vld [tilespmem:s3+$0x0];
	s3 =	sld [smem:$0x7B8]  }
0x47b: {  	[tilespmem:s30+$0x4780] =	vst.add.f32.msk $0xffff, v4;
	s6 =	sadd.s32 s28, s6;
	s2 =	sadd.s32 s29, s2;
	s13 =	sld [smem:$0x7B9]  }
0x47c: {  	v4 =	vld [tilespmem:s6+$0x0];
	s2 =	sadd.s32 s28, s2;
	v6 =	vadd.f32 v8, v6  }
0x47d: {  	v8 =	vld [tilespmem:s2+$0x0];
	s2 =	sld [smem:$0x7C4];
	s3 =	sadd.s32 s22, s3  }
0x47e: {  	s6 =	sld [smem:$0x7C5];
	[tilespmem:s21+$0x5900] =	vst.add.f32.msk $0xffff, v6;
	s3 =	sadd.s32 s23, s3;
	s13 =	sadd.s32 s22, s13  }
0x47f: {  	s22 =	smov.u32 s24;
	s24 =	smov.u32 s29;
	v5 =	vadd.f32 v7, v5;
	v6 =	vld [tilespmem:s3+$0x0];
	s3 =	sadd.s32 s23, s13  }
0x480: {  	s23 =	smov.u32 s26;
	s13 =	sld [smem:$0x7C6];
	s2 =	sadd.s32 s22, s2;
	v7 =	vld [tilespmem:s3+$0x0]  }
0x481: {  	s3 =	sld [smem:$0x7C7];
	[tilespmem:s25+$0x5680] =	vst.add.f32.msk $0xffff, v5;
	s2 =	sadd.s32 s23, s2;
	s6 =	sadd.s32 s22, s6  }
0x482: {  	s26 =	smov.u32 s28;
	v4 =	vadd.f32 v8, v4;
	v5 =	vld [tilespmem:s2+$0x0];
	s2 =	sadd.s32 s23, s6  }
0x483: {  	s8 =	sadd.s32 $0x80, s8;
	s6 =	sld [smem:$0x7C8];
	s13 =	sadd.s32 s24, s13;
	v8 =	vld [tilespmem:s2+$0x0]  }
0x484: {  	s2 =	sld [smem:$0x7C9];
	[tilespmem:s30+$0x4800] =	vst.add.f32.msk $0xffff, v4;
	s13 =	sadd.s32 s26, s13;
	s3 =	sadd.s32 s24, s3  }
0x485: {  	s29 =	sand.u32 $0xC00, s8;
	v4 =	vld [tilespmem:s13+$0x0];
	s3 =	sadd.s32 s26, s3;
	v6 =	vadd.f32 v7, v6  }
0x486: {  	s28 =	sand.u32 $0x70, s10;
	s6 =	sadd.s32 s29, s6;
	v7 =	vld [tilespmem:s3+$0x0];
	s3 =	sld [smem:$0x7CA]  }
0x487: {  	s6 =	sadd.s32 s28, s6;
	s2 =	sadd.s32 s29, s2;
	s13 =	sld [smem:$0x7CB];
	[tilespmem:s21+$0x5980] =	vst.add.f32.msk $0xffff, v6  }
0x488: {  	s21 =	smov.u32 s25;
	s25 =	smov.u32 s30;
	v6 =	vld [tilespmem:s6+$0x0];
	s2 =	sadd.s32 s28, s2;
	v5 =	vadd.f32 v8, v5  }
0x489: {  	v8 =	vld [tilespmem:s2+$0x0];
	s2 =	sld [smem:$0x7CC];
	s3 =	sadd.s32 s22, s3  }
0x48a: {  	s6 =	sld [smem:$0x7CD];
	[tilespmem:s21+$0x5700] =	vst.add.f32.msk $0xffff, v5;
	s3 =	sadd.s32 s23, s3;
	s13 =	sadd.s32 s22, s13  }
0x48b: {  	v4 =	vadd.f32 v7, v4;
	v7 =	vld [tilespmem:s3+$0x0];
	s3 =	sadd.s32 s23, s13  }
0x48c: {  	s13 =	sld [smem:$0x7CE];
	s2 =	sadd.s32 s24, s2;
	v9 =	vld [tilespmem:s3+$0x0]  }
0x48d: {  	s3 =	sld [smem:$0x7CF];
	[tilespmem:s25+$0x4880] =	vst.add.f32.msk $0xffff, v4;
	s2 =	sadd.s32 s26, s2;
	s6 =	sadd.s32 s24, s6  }
0x48e: {  	s30 =	sor.u32 s28, s29;
	v6 =	vadd.f32 v8, v6;
	v4 =	vld [tilespmem:s2+$0x0];
	s2 =	sadd.s32 s26, s6  }
.Ltmp3:
0x48f: {  	s6 =	sadd.s32 s29, s13;
	v5 =	vld [tilespmem:s2+$0x0];
	s2 =	sld [smem:$0x7D0];
	(pc) =	sbr.rel @p1 .LBB2_9-.Ltmp3, $4  }
0x490: {  	[tilespmem:s30+$0x4600] =	vst.add.f32.msk $0xffff, v6;
	s6 =	sadd.s32 s28, s6;
	s3 =	sadd.s32 s29, s3;
	s13 =	sld [smem:$0x7D1]  }
0x491: {  	v6 =	vld [tilespmem:s6+$0x0];
	s3 =	sadd.s32 s28, s3;
	s6 =	sld [smem:$0x7D2];
	v8 =	vadd.f32 v9, v7  }
0x492: {  	v7 =	vld [tilespmem:s3+$0x0];
	s3 =	sld [smem:$0x7D3];
	s2 =	sadd.s32 s22, s2  }
0x493: {  	s10 =	sadd.s32 $0x10, s10;
	[tilespmem:s21+$0x5780] =	vst.add.f32.msk $0xffff, v8;
	s2 =	sadd.s32 s23, s2;
	s13 =	sadd.s32 s22, s13  }
0x494: {  	_ = 	snop  }
0x495: {  	s10 =	sld [smem:$0x7BA]  }
0x496: {  	s18 =	sld [smem:$0x7BB]  }
0x497: {  	v6 =	vadd.f32 v7, v6  }
0x498: {  	s10 =	sadd.s32 s29, s10  }
0x499: {  	s18 =	sadd.s32 s29, s18;
	s10 =	sadd.s32 s28, s10;
	[tilespmem:s30+$0x4680] =	vst.add.f32.msk $0xffff, v6  }
0x49a: {  	s18 =	sadd.s32 s28, s18;
	v6 =	vld [tilespmem:s10+$0x0]  }
0x49b: {  	v7 =	vld [tilespmem:s18+$0x0];
	_ =	sdelay $0x2  }
0x49c: {  	s10 =	sld [smem:$0x7BE]  }
0x49d: {  	s18 =	sld [smem:$0x7BF]  }
0x49e: {  	v6 =	vadd.f32 v7, v6  }
0x49f: {  	s10 =	sadd.s32 s29, s10  }
0x4a0: {  	s18 =	sadd.s32 s29, s18;
	s10 =	sadd.s32 s28, s10;
	[tilespmem:s30+$0x4700] =	vst.add.f32.msk $0xffff, v6  }
0x4a1: {  	s18 =	sadd.s32 s28, s18;
	v6 =	vld [tilespmem:s10+$0x0]  }
0x4a2: {  	v7 =	vld [tilespmem:s18+$0x0];
	_ =	sdelay $0x2  }
0x4a3: {  	s10 =	sld [smem:$0x7C2]  }
0x4a4: {  	s18 =	sld [smem:$0x7C3]  }
0x4a5: {  	v6 =	vadd.f32 v7, v6  }
0x4a6: {  	s10 =	sadd.s32 s29, s10  }
0x4a7: {  	s18 =	sadd.s32 s29, s18;
	s10 =	sadd.s32 s28, s10;
	[tilespmem:s30+$0x4780] =	vst.add.f32.msk $0xffff, v6  }
0x4a8: {  	s18 =	sadd.s32 s28, s18;
	v6 =	vld [tilespmem:s10+$0x0]  }
0x4a9: {  	v7 =	vld [tilespmem:s18+$0x0];
	_ =	sdelay $0x2  }
0x4aa: {  	s10 =	sld [smem:$0x7C6]  }
0x4ab: {  	s18 =	sld [smem:$0x7C7]  }
0x4ac: {  	v6 =	vadd.f32 v7, v6  }
0x4ad: {  	s10 =	sadd.s32 s29, s10  }
0x4ae: {  	s18 =	sadd.s32 s29, s18;
	s10 =	sadd.s32 s28, s10;
	[tilespmem:s30+$0x4800] =	vst.add.f32.msk $0xffff, v6  }
0x4af: {  	s18 =	sadd.s32 s28, s18;
	v6 =	vld [tilespmem:s10+$0x0]  }
0x4b0: {  	v7 =	vld [tilespmem:s18+$0x0];
	_ =	sdelay $0x2  }
0x4b1: {  	s10 =	sld [smem:$0x7CC]  }
0x4b2: {  	s18 =	sld [smem:$0x7CD]  }
0x4b3: {  	v6 =	vadd.f32 v7, v6  }
0x4b4: {  	s10 =	sadd.s32 s29, s10  }
0x4b5: {  	s18 =	sadd.s32 s29, s18;
	s10 =	sadd.s32 s28, s10;
	[tilespmem:s30+$0x4880] =	vst.add.f32.msk $0xffff, v6  }
0x4b6: {  	s18 =	sadd.s32 s28, s18;
	v6 =	vld [tilespmem:s10+$0x0]  }
0x4b7: {  	v7 =	vld [tilespmem:s18+$0x0];
	_ =	sdelay $0x1  }
0x4b8: {  	v4 =	vadd.f32 v5, v4  }
0x4b9: {  	s6 =	sadd.s32 s24, s6;
	s10 =	sld [smem:$0x7D2]  }
0x4ba: {  	s6 =	sadd.s32 s26, s6;
	s3 =	sadd.s32 s24, s3;
	[tilespmem:s25+$0x4900] =	vst.add.f32.msk $0xffff, v4;
	s18 =	sld [smem:$0x7D3]  }
0x4bb: {  	s3 =	sadd.s32 s26, s3;
	v4 =	vld [tilespmem:s6+$0x0];
	v5 =	vadd.f32 v7, v6  }
0x4bc: {  	s10 =	sadd.s32 s29, s10;
	v6 =	vld [tilespmem:s3+$0x0]  }
0x4bd: {  	s18 =	sadd.s32 s29, s18;
	s3 =	sadd.s32 s28, s10;
	[tilespmem:s30+$0x4900] =	vst.add.f32.msk $0xffff, v5  }
0x4be: {  	s6 =	sadd.s32 s28, s18;
	v5 =	vld [tilespmem:s3+$0x0]  }
0x4bf: {  	s10 =	sld [smem:$0x7BC];
	v7 =	vld [tilespmem:s6+$0x0]  }
0x4c0: {  	s3 =	sld [smem:$0x7BD]  }
0x4c1: {  	s0 =	sor.u32 s31, s0;
	v4 =	vadd.f32 v6, v4  }
0x4c2: {  	s0 =	sor.u32 $0x380, s0;
	s6 =	sadd.s32 s24, s10;
	s10 =	sld [smem:$0x7BC]  }
0x4c3: {  	s18 =	sadd.s32 s26, s6;
	s6 =	sld [smem:$0x7BD];
	s3 =	sadd.s32 s24, s3;
	[tilespmem:s0+$0x4600] =	vst.add.f32.msk $0xffff, v4  }
0x4c4: {  	s3 =	sadd.s32 s26, s3;
	v4 =	vld [tilespmem:s18+$0x0];
	v5 =	vadd.f32 v7, v5;
	s18 =	sor.u32 s8, s9  }
0x4c5: {  	v6 =	vld [tilespmem:s3+$0x0];
	s9 =	sadd.s32 s29, s10;
	s8 =	sor.u32 $0x380, s18  }
0x4c6: {  	s10 =	sadd.s32 s28, s9;
	s18 =	sadd.s32 s29, s6;
	[tilespmem:s8+$0x4600] =	vst.add.f32.msk $0xffff, v5  }
0x4c7: {  	s6 =	sadd.s32 s28, s18;
	v5 =	vld [tilespmem:s10+$0x0]  }
0x4c8: {  	s8 =	sld [smem:$0x7C0];
	v7 =	vld [tilespmem:s6+$0x0]  }
0x4c9: {  	s9 =	sld [smem:$0x7C1]  }
0x4ca: {  	v4 =	vadd.f32 v6, v4  }
0x4cb: {  	s10 =	sld [smem:$0x7C0];
	s3 =	sadd.s32 s24, s8  }
0x4cc: {  	s18 =	sld [smem:$0x7C1];
	s0 =	sadd.s32 s24, s9;
	s3 =	sadd.s32 s26, s3;
	[tilespmem:s25+$0x5600] =	vst.add.f32.msk $0xffff, v4  }
0x4cd: {  	s0 =	sadd.s32 s26, s0;
	v4 =	vld [tilespmem:s3+$0x0];
	v5 =	vadd.f32 v7, v5  }
0x4ce: {  	s6 =	sadd.s32 s29, s10;
	v6 =	vld [tilespmem:s0+$0x0]  }
0x4cf: {  	s9 =	sadd.s32 s29, s18;
	s0 =	sadd.s32 s28, s6;
	[tilespmem:s30+$0x5600] =	vst.add.f32.msk $0xffff, v5  }
0x4d0: {  	s10 =	sadd.s32 s28, s9;
	v5 =	vld [tilespmem:s0+$0x0]  }
0x4d1: {  	s18 =	sld [smem:$0x7C4];
	v7 =	vld [tilespmem:s10+$0x0]  }
0x4d2: {  	s6 =	sld [smem:$0x7C5]  }
0x4d3: {  	v4 =	vadd.f32 v6, v4  }
0x4d4: {  	s3 =	sadd.s32 s24, s18;
	s8 =	sld [smem:$0x7C4]  }
0x4d5: {  	s0 =	sadd.s32 s24, s6;
	s9 =	sld [smem:$0x7C5];
	s3 =	sadd.s32 s26, s3;
	[tilespmem:s25+$0x5680] =	vst.add.f32.msk $0xffff, v4  }
0x4d6: {  	s0 =	sadd.s32 s26, s0;
	v4 =	vld [tilespmem:s3+$0x0];
	v5 =	vadd.f32 v7, v5  }
0x4d7: {  	s10 =	sadd.s32 s29, s8;
	v6 =	vld [tilespmem:s0+$0x0]  }
0x4d8: {  	s18 =	sadd.s32 s29, s9;
	s0 =	sadd.s32 s28, s10;
	[tilespmem:s30+$0x5680] =	vst.add.f32.msk $0xffff, v5  }
0x4d9: {  	s6 =	sadd.s32 s28, s18;
	v5 =	vld [tilespmem:s0+$0x0]  }
0x4da: {  	s8 =	sld [smem:$0x7CA];
	v7 =	vld [tilespmem:s6+$0x0]  }
0x4db: {  	s9 =	sld [smem:$0x7CB]  }
0x4dc: {  	v4 =	vadd.f32 v6, v4  }
0x4dd: {  	s3 =	sadd.s32 s24, s8;
	s10 =	sld [smem:$0x7CA]  }
0x4de: {  	s0 =	sadd.s32 s24, s9;
	s18 =	sld [smem:$0x7CB];
	s3 =	sadd.s32 s26, s3;
	[tilespmem:s25+$0x5700] =	vst.add.f32.msk $0xffff, v4  }
0x4df: {  	s0 =	sadd.s32 s26, s0;
	v4 =	vld [tilespmem:s3+$0x0];
	v5 =	vadd.f32 v7, v5  }
0x4e0: {  	v6 =	vld [tilespmem:s0+$0x0];
	s3 =	sadd.s32 s29, s10  }
0x4e1: {  	s6 =	sadd.s32 s29, s18;
	s0 =	sadd.s32 s28, s3;
	[tilespmem:s30+$0x5700] =	vst.add.f32.msk $0xffff, v5  }
0x4e2: {  	s8 =	sadd.s32 s28, s6;
	v5 =	vld [tilespmem:s0+$0x0]  }
0x4e3: {  	s9 =	sld [smem:$0x7D0];
	v7 =	vld [tilespmem:s8+$0x0]  }
0x4e4: {  	s10 =	sld [smem:$0x7D1]  }
0x4e5: {  	v8 =	vld [tilespmem:s2+$0x0];
	s18 =	sadd.s32 s23, s13;
	v4 =	vadd.f32 v6, v4  }
0x4e6: {  	s6 =	sadd.s32 s24, s9;
	s8 =	sld [smem:$0x7D0];
	v6 =	vld [tilespmem:s18+$0x0]  }
0x4e7: {  	s0 =	sadd.s32 s24, s10;
	s9 =	sld [smem:$0x7D1];
	s2 =	sadd.s32 s26, s6;
	[tilespmem:s25+$0x5780] =	vst.add.f32.msk $0xffff, v4  }
0x4e8: {  	s0 =	sadd.s32 s26, s0;
	v4 =	vld [tilespmem:s2+$0x0];
	v5 =	vadd.f32 v7, v5  }
0x4e9: {  	s10 =	sld [smem:$0x7B4];
	s13 =	sadd.s32 s29, s8;
	v7 =	vld [tilespmem:s0+$0x0]  }
0x4ea: {  	s18 =	sld [smem:$0x7B5];
	s6 =	sadd.s32 s29, s9;
	s0 =	sadd.s32 s28, s13;
	[tilespmem:s30+$0x5780] =	vst.add.f32.msk $0xffff, v5  }
0x4eb: {  	s6 =	sadd.s32 s28, s6;
	v5 =	vadd.f32 v6, v8;
	v6 =	vld [tilespmem:s0+$0x0]  }
0x4ec: {  	s2 =	sadd.s32 s22, s10;
	s8 =	sld [smem:$0x7B4];
	v8 =	vld [tilespmem:s6+$0x0]  }
0x4ed: {  	s10 =	sadd.s32 s22, s18;
	s13 =	sld [smem:$0x7B5];
	s9 =	sadd.s32 s23, s2;
	[tilespmem:s21+$0x5800] =	vst.add.f32.msk $0xffff, v5  }
0x4ee: {  	s18 =	sadd.s32 s23, s10;
	v5 =	vld [tilespmem:s9+$0x0];
	v4 =	vadd.f32 v7, v4  }
0x4ef: {  	s2 =	sadd.s32 s24, s8;
	s6 =	sld [smem:$0x7B4];
	v7 =	vld [tilespmem:s18+$0x0]  }
0x4f0: {  	s3 =	sadd.s32 s24, s13;
	s8 =	sld [smem:$0x7B5];
	s0 =	sadd.s32 s26, s2;
	[tilespmem:s25+$0x5800] =	vst.add.f32.msk $0xffff, v4  }
0x4f1: {  	s9 =	sadd.s32 s26, s3;
	v4 =	vld [tilespmem:s0+$0x0];
	v6 =	vadd.f32 v8, v6  }
0x4f2: {  	s10 =	sld [smem:$0x7B6];
	s13 =	sadd.s32 s29, s6;
	v8 =	vld [tilespmem:s9+$0x0]  }
0x4f3: {  	s18 =	sld [smem:$0x7B7];
	s6 =	sadd.s32 s29, s8;
	s0 =	sadd.s32 s28, s13;
	[tilespmem:s30+$0x5800] =	vst.add.f32.msk $0xffff, v6  }
0x4f4: {  	s8 =	sadd.s32 s28, s6;
	v5 =	vadd.f32 v7, v5;
	v6 =	vld [tilespmem:s0+$0x0]  }
0x4f5: {  	s3 =	sadd.s32 s22, s10;
	s9 =	sld [smem:$0x7B6];
	v7 =	vld [tilespmem:s8+$0x0]  }
0x4f6: {  	s2 =	sadd.s32 s22, s18;
	s13 =	sld [smem:$0x7B7];
	s10 =	sadd.s32 s23, s3;
	[tilespmem:s21+$0x5880] =	vst.add.f32.msk $0xffff, v5  }
0x4f7: {  	s18 =	sadd.s32 s23, s2;
	v5 =	vld [tilespmem:s10+$0x0];
	v4 =	vadd.f32 v8, v4  }
0x4f8: {  	s2 =	sadd.s32 s24, s9;
	s6 =	sld [smem:$0x7B6];
	v8 =	vld [tilespmem:s18+$0x0]  }
0x4f9: {  	s3 =	sadd.s32 s24, s13;
	s8 =	sld [smem:$0x7B7];
	s0 =	sadd.s32 s26, s2;
	[tilespmem:s25+$0x5880] =	vst.add.f32.msk $0xffff, v4  }
0x4fa: {  	s9 =	sadd.s32 s26, s3;
	v4 =	vld [tilespmem:s0+$0x0];
	v6 =	vadd.f32 v7, v6  }
0x4fb: {  	s10 =	sld [smem:$0x7B8];
	s13 =	sadd.s32 s29, s6;
	v7 =	vld [tilespmem:s9+$0x0]  }
0x4fc: {  	s18 =	sld [smem:$0x7B9];
	s6 =	sadd.s32 s29, s8;
	s0 =	sadd.s32 s28, s13;
	[tilespmem:s30+$0x5880] =	vst.add.f32.msk $0xffff, v6  }
0x4fd: {  	s8 =	sadd.s32 s28, s6;
	v5 =	vadd.f32 v8, v5;
	v6 =	vld [tilespmem:s0+$0x0]  }
0x4fe: {  	s3 =	sadd.s32 s22, s10;
	s9 =	sld [smem:$0x7B8];
	v8 =	vld [tilespmem:s8+$0x0]  }
0x4ff: {  	s2 =	sadd.s32 s22, s18;
	s13 =	sld [smem:$0x7B9];
	s10 =	sadd.s32 s23, s3;
	[tilespmem:s21+$0x5900] =	vst.add.f32.msk $0xffff, v5  }
0x500: {  	s18 =	sadd.s32 s23, s2;
	v5 =	vld [tilespmem:s10+$0x0];
	v4 =	vadd.f32 v7, v4  }
0x501: {  	s22 =	sadd.s32 s24, s9;
	s23 =	sld [smem:$0x7B8];
	v7 =	vld [tilespmem:s18+$0x0]  }
0x502: {  	s3 =	sadd.s32 s24, s13;
	s24 =	sld [smem:$0x7B9];
	s0 =	sadd.s32 s26, s22;
	[tilespmem:s25+$0x5900] =	vst.add.f32.msk $0xffff, v4  }
0x503: {  	s26 =	sadd.s32 s26, s3;
	v4 =	vld [tilespmem:s0+$0x0];
	v6 =	vadd.f32 v8, v6  }
0x504: {  	s3 =	sadd.s32 s29, s23;
	v8 =	vld [tilespmem:s26+$0x0]  }
0x505: {  	s8 =	sadd.s32 s29, s24;
	s0 =	sadd.s32 s28, s3;
	[tilespmem:s30+$0x5900] =	vst.add.f32.msk $0xffff, v6  }
0x506: {  	s9 =	sadd.s32 s28, s8;
	v6 =	vld [tilespmem:s0+$0x0]  }
0x507: {  	v9 =	vld [tilespmem:s9+$0x0];
	_ =	sdelay $0x2  }
0x508: {  	s10 =	sadd.s32 s5, s16;
	v5 =	vadd.f32 v7, v5  }
0x509: {  	s0 =	sshll.u32 s10, $0xA;
	v4 =	vadd.f32 v8, v4  }
0x50a: {  	[tilespmem:s21+$0x5980] =	vst.add.f32.msk $0xffff, v5;
	s0 =	sor.u32 s12, s0;
	v5 =	vadd.f32 v9, v6  }
0x50b: {  	s0 =	sshrl.u32 s0, $0x3;
	[tilespmem:s25+$0x5980] =	vst.add.f32.msk $0xffff, v4  }
0x50c: {  	s0 =	sadd.s32 s4, s0;
	[tilespmem:s30+$0x5980] =	vst.add.f32.msk $0xffff, v5;
	s30 =	simm.s32 $0x4600  }
0x50d: {  	[hbm4b:s0+s14] =	stream.strided.scatter [tilespmem:s30], [sflag:$0x7], $0x400, s19, s14, $0x38;
	[tilespmem:$0x18600] =	vst v63  }
0x50e: {  	s16 =	simm.s32 $0x4A00;
	s13 =	sadd.s32 $0x20, s0  }
0x50f: {  	[hbm4b:s13+s14] =	stream.strided.scatter [tilespmem:s16], [sflag:$0x7], $0x400, s19, s14, $0x38;
	[tilespmem:$0x18600] =	vst v63  }
0x510: {  	s31 =	simm.s32 $0x4E00;
	s18 =	sadd.s32 $0x40, s0  }
0x511: {  	[hbm4b:s18+s14] =	stream.strided.scatter [tilespmem:s31], [sflag:$0x7], $0x400, s19, s14, $0x38;
	[tilespmem:$0x18600] =	vst v63  }
0x512: {  	s22 =	simm.s32 $0x5200;
	s21 =	sadd.s32 $0x60, s0  }
0x513: {  	[hbm4b:s21+s14] =	stream.strided.scatter [tilespmem:s22], [sflag:$0x7], $0x400, s19, s14, $0x38;
	[tilespmem:$0x18600] =	vst v63  }
0x514: {  	s24 =	simm.s32 $0x5600;
	s23 =	sadd.s32 $0x400, s0  }
0x515: {  	[hbm4b:s23+s14] =	stream.strided.scatter [tilespmem:s24], [sflag:$0x7], $0x400, s19, s14, $0x38;
	[tilespmem:$0x18600] =	vst v63  }
0x516: {  	s26 =	simm.s32 $0x5A00;
	s25 =	sadd.s32 $0x420, s0  }
0x517: {  	[hbm4b:s25+s14] =	stream.strided.scatter [tilespmem:s26], [sflag:$0x7], $0x400, s19, s14, $0x38;
	[tilespmem:$0x18600] =	vst v63  }
0x518: {  	s6 =	simm.s32 $0x5E00;
	s3 =	sadd.s32 $0x440, s0  }
0x519: {  	[hbm4b:s3+s14] =	stream.strided.scatter [tilespmem:s6], [sflag:$0x7], $0x400, s19, s14, $0x38;
	[tilespmem:$0x18600] =	vst v63  }
0x51a: {  	s8 =	simm.s32 $0x6200;
	s0 =	sadd.s32 $0x460, s0  }
0x51b: {  	[hbm4b:s0+s14] =	stream.strided.scatter [tilespmem:s8], [sflag:$0x7], $0x400, s19, s14, $0x38;
	[tilespmem:$0x18600] =	vst v63  }
0x51c: {  	s0 =	simm.s32 @!p0 $0x6  }
0x51d: {  	_ =	swait.ge @!p0 [sflag:s0], $0x2000  }
0x51e: {  	[sflag:s0] =	ssyncset.done @!p0 $0x0  }
0x51f: {  	[sflag:s0] =	ssyncadd.s32 @!p0 $0xFFFFE000  }
0x520: {  	v4 =	vld @!p0 [tilespmem:s20+$0x50];
	_ =	sdelay $0x4  }
0x521: {  	v5 =	vshll.u32 @!p0 v4, $0x2  }
0x522: {  	v6 =	vlaneseq.u32 @!p0;
	v4 =	vand.u32 @!p0 $0x7, v4;
	v5 =	vand.u32 @!p0 $0xFFFFFFE0, v5  }
0x523: {  	v7 =	vshrl.u32 @!p0 v6, $0x3;
	v4 =	vor.u32 @!p0 v4, v5;
	v5 =	vand.u32 @!p0 $0x7, v6  }
0x524: {  	v7 =	vmul.u32 @!p0 $0x8, v7;
	v5 =	vperm.xlane @!p0 v4, v5;
	_ =	sdelay $0x1  }
0x525: {  	v5 =	vadd.s32 @!p0 v7, v5  }
0x526: {  	v6 =	vor.u32 @!p0 $0x8, v6  }
0x527: {  	v4 =	vperm.xlane @!p0 v4, v6;
	_ =	sdelay $0x1  }
0x528: {  	s2 =	simm.s32 @!p0 $0x2600;
	s0 =	simm.s32 @!p0 $0x0;
	v4 =	vadd.s32 @!p0 v7, v4  }
0x529: {  	[tilespmem:s2], [sflag:$0x2] =	stream.indirect_vreg.gather @!p0 [hbm4b:s1+s0], $0x80, v5, vm1, $0xb8;
	[tilespmem:$0x18600] =	vst v63  }
0x52a: {  	s2 =	simm.s32 @!p0 $0x2E00  }
0x52b: {  	[tilespmem:s2], [sflag:$0x2] =	stream.indirect_vreg.gather @!p0 [hbm4b:s11+s0], $0x80, v5, vm1, $0xb8;
	[tilespmem:$0x18600] =	vst v63  }
0x52c: {  	s2 =	simm.s32 @!p0 $0x3600  }
0x52d: {  	[tilespmem:s2], [sflag:$0x2] =	stream.indirect_vreg.gather @!p0 [hbm4b:s1+s0], $0x80, v4, vm1, $0xb8;
	[tilespmem:$0x18600] =	vst v63  }
0x52e: {  	s9 =	simm.s32 $0x4;
	s2 =	simm.s32 @!p0 $0x3E00  }
0x52f: {  	[tilespmem:s2], [sflag:$0x2] =	stream.indirect_vreg.gather @!p0 [hbm4b:s11+s0], $0x80, v4, vm1, $0xb8;
	[tilespmem:$0x18600] =	vst v63  }
0x530: {  	_ =	swait.ge [sflag:s9], $0x2000  }
0x531: {  	[sflag:s9] =	ssyncset.done $0x0  }
0x532: {  	[sflag:s9] =	ssyncadd.s32 $0xFFFFE000  }
0x533: {  	v5 =	vld [tilespmem:s17+$0x200]  }
0x534: {  	v4 =	vld [tilespmem:s17+$0x400];
	_ =	sdelay $0x3  }
0x535: {  	(v2sf) =	vpush v5, $0x0  }
0x536: {  	(v2sf) =	vpush v4, $0x0  }
0x537: {  	(v2sf) =	vpush v5, $0x1  }
0x538: {  	(v2sf) =	vpush v4, $0x1  }
0x539: {  	(v2sf) =	vpush v5, $0x2  }
0x53a: {  	(v2sf) =	vpush v4, $0x2;
	_ =	sdelay $0x1  }
0x53b: {  	(v2sf) =	vpush v5, $0x3  }
0x53c: {  	(v2sf) =	vpush v4, $0x3  }
0x53d: {  	(v2sf) =	vpush v5, $0x4  }
0x53e: {  	(v2sf) =	vpush v4, $0x4;
	_ =	sdelay $0x1  }
0x53f: {  	(v2sf) =	vpush v5, $0x5  }
0x540: {  	(v2sf) =	vpush v4, $0x5  }
0x541: {  	(v2sf) =	vpush v5, $0x6  }
0x542: {  	s10 =	spop (v2sf)  }
0x543: {  	(v2sf) =	vpush v4, $0x6;
	s8 =	spop (v2sf);
	s13 =	sshll.u32 s10, $0x9  }
0x544: {  	(v2sf) =	vpush v5, $0x7;
	s0 =	sshll.u32 s10, $0x7;
	s9 =	spop (v2sf);
	s2 =	sand.u32 $0xFFFFF000, s13  }
0x545: {  	s0 =	sand.u32 $0x380, s0;
	s10 =	sshll.u32 s8, $0x9;
	s16 =	spop (v2sf)  }
0x546: {  	(v2sf) =	vpush v4, $0x7;
	s8 =	sshll.u32 s8, $0x7;
	s0 =	sor.u32 s0, s2;
	s18 =	spop (v2sf)  }
0x547: {  	(v2sf) =	vpush v5, $0x8;
	s8 =	sand.u32 $0x380, s8;
	s0 =	sadd.s32 $0x8600, s0;
	s26 =	spop (v2sf)  }
0x548: {  	[smem:$0x7A8] =	sst s0;
	s0 =	sand.u32 $0xFFFFF000, s10;
	s10 =	sshll.u32 s9, $0x9  }
0x549: {  	(v2sf) =	vpush v4, $0x8;
	s9 =	sshll.u32 s9, $0x7;
	s28 =	spop (v2sf);
	s0 =	sor.u32 s8, s0  }
0x54a: {  	(v2sf) =	vpush v5, $0x9;
	s8 =	sand.u32 $0xFFFFF000, s10;
	s9 =	sand.u32 $0x380, s9;
	s22 =	spop (v2sf)  }
0x54b: {  	(v2sf) =	vpush v4, $0x9;
	s9 =	sor.u32 s9, s8;
	s6 =	spop (v2sf)  }
0x54c: {  	s0 =	sadd.s32 $0x10600, s0;
	s9 =	sadd.s32 $0x8600, s9;
	s3 =	spop (v2sf)  }
0x54d: {  	(v2sf) =	vpush v5, $0xA;
	[smem:$0x7AE] =	sst s9;
	s9 =	sshll.u32 s16, $0x9;
	s16 =	sshll.u32 s16, $0x7  }
0x54e: {  	s24 =	spop (v2sf);
	s9 =	sand.u32 $0xFFFFF000, s9;
	s16 =	sand.u32 $0x380, s16  }
0x54f: {  	[smem:$0x7A9] =	sst s0;
	s25 =	spop (v2sf);
	s9 =	sor.u32 s16, s9  }
0x550: {  	s16 =	sshll.u32 s18, $0x9;
	s18 =	sshll.u32 s18, $0x7;
	s23 =	spop (v2sf)  }
0x551: {  	s9 =	sadd.s32 $0x10600, s9;
	s16 =	sand.u32 $0xFFFFF000, s16;
	s18 =	sand.u32 $0x380, s18  }
0x552: {  	s21 =	spop (v2sf);
	[smem:$0x7AF] =	sst s9;
	s16 =	sor.u32 s18, s16  }
0x553: {  	s18 =	sshll.u32 s26, $0x9;
	s26 =	sshll.u32 s26, $0x7;
	s20 =	spop (v2sf)  }
0x554: {  	s16 =	sadd.s32 $0x8600, s16;
	s18 =	sand.u32 $0xFFFFF000, s18;
	s26 =	sand.u32 $0x380, s26  }
0x555: {  	s13 =	spop (v2sf);
	[smem:$0x79A] =	sst s16;
	s16 =	sor.u32 s26, s18  }
0x556: {  	s18 =	sshll.u32 s28, $0x9;
	s26 =	sshll.u32 s28, $0x7;
	s2 =	spop (v2sf)  }
0x557: {  	s28 =	sadd.s32 $0x10600, s16;
	s18 =	sand.u32 $0xFFFFF000, s18;
	s26 =	sand.u32 $0x380, s26  }
0x558: {  	(v2sf) =	vpush v4, $0xA;
	s10 =	spop (v2sf);
	s18 =	sor.u32 s26, s18;
	s26 =	sshll.u32 s22, $0x9  }
0x559: {  	s22 =	sshll.u32 s22, $0x7;
	s8 =	spop (v2sf);
	s18 =	sadd.s32 $0x8600, s18  }
0x55a: {  	(v2sf) =	vpush v5, $0xB;
	s26 =	sand.u32 $0xFFFFF000, s26;
	s22 =	sand.u32 $0x380, s22;
	s0 =	spop (v2sf)  }
0x55b: {  	[smem:$0x79E] =	sst s18;
	s18 =	sor.u32 s22, s26;
	s26 =	sshll.u32 s6, $0x9  }
0x55c: {  	s6 =	sshll.u32 s6, $0x7;
	s9 =	spop (v2sf);
	s18 =	sadd.s32 $0x10600, s18  }
0x55d: {  	s26 =	sand.u32 $0xFFFFF000, s26;
	s6 =	sand.u32 $0x380, s6;
	[smem:$0x79F] =	sst s18  }
0x55e: {  	s6 =	sor.u32 s6, s26;
	s26 =	sshll.u32 s3, $0x9;
	s3 =	sshll.u32 s3, $0x7  }
0x55f: {  	s6 =	sadd.s32 $0x8600, s6;
	s26 =	sand.u32 $0xFFFFF000, s26;
	s3 =	sand.u32 $0x380, s3  }
0x560: {  	(v2sf) =	vpush v4, $0xB;
	s18 =	sshll.u32 s24, $0x9;
	[smem:$0x7A2] =	sst s6;
	s3 =	sor.u32 s3, s26  }
0x561: {  	s26 =	sshll.u32 s24, $0x7;
	s6 =	sand.u32 $0xFFFFF000, s18;
	s3 =	sadd.s32 $0x10600, s3  }
0x562: {  	s18 =	sand.u32 $0x380, s26;
	s26 =	sshll.u32 s25, $0x7;
	[smem:$0x7A3] =	sst s3  }
0x563: {  	s6 =	sor.u32 s18, s6;
	s18 =	sshll.u32 s25, $0x9;
	s25 =	sshll.u32 s23, $0x9  }
0x564: {  	s3 =	sadd.s32 $0x8600, s6;
	s6 =	sand.u32 $0xFFFFF000, s18;
	s18 =	sand.u32 $0x380, s26  }
0x565: {  	s26 =	sshll.u32 s23, $0x7;
	[smem:$0x7A6] =	sst s3;
	s3 =	sor.u32 s18, s6  }
0x566: {  	s6 =	sand.u32 $0xFFFFF000, s25;
	s18 =	sand.u32 $0x380, s26;
	s3 =	sadd.s32 $0x10600, s3  }
0x567: {  	s6 =	sor.u32 s18, s6;
	s18 =	sshll.u32 s21, $0x9;
	s16 =	spop (v2sf);
	(v2sf) =	vpush v5, $0xC  }
0x568: {  	s21 =	sshll.u32 s21, $0x7;
	[smem:$0x7A7] =	sst s3;
	s3 =	sadd.s32 $0x8600, s6  }
0x569: {  	s25 =	sand.u32 $0xFFFFF000, s18;
	s26 =	sand.u32 $0x380, s21;
	s22 =	spop (v2sf);
	(v2sf) =	vpush v4, $0xC  }
0x56a: {  	s18 =	sshll.u32 s20, $0x9;
	s21 =	sshll.u32 s20, $0x7;
	s20 =	sshll.u32 s2, $0x9  }
0x56b: {  	s2 =	sshll.u32 s2, $0x7;
	[smem:$0x7AC] =	sst s3;
	s3 =	sor.u32 s26, s25  }
0x56c: {  	s6 =	sand.u32 $0xFFFFF000, s18;
	s18 =	sand.u32 $0x380, s21;
	s26 =	sshll.u32 s13, $0x9  }
0x56d: {  	s13 =	sshll.u32 s13, $0x7;
	s21 =	sand.u32 $0x380, s2;
	s25 =	sadd.s32 $0x10600, s3  }
0x56e: {  	s6 =	sor.u32 s18, s6;
	s18 =	sand.u32 $0xFFFFF000, s26;
	s13 =	sand.u32 $0x380, s13  }
0x56f: {  	s26 =	sshll.u32 s10, $0x9;
	s10 =	sshll.u32 s10, $0x7;
	s24 =	spop (v2sf);
	(v2sf) =	vpush v5, $0xD  }
0x570: {  	[smem:$0x7AD] =	sst s25;
	s6 =	sadd.s32 $0x8600, s6;
	s10 =	sand.u32 $0x380, s10  }
0x571: {  	[smem:$0x7B2] =	sst s6;
	s6 =	sor.u32 s13, s18;
	s13 =	sand.u32 $0xFFFFF000, s20  }
0x572: {  	s18 =	sshll.u32 s8, $0x9;
	s8 =	sshll.u32 s8, $0x7;
	s6 =	sadd.s32 $0x10600, s6  }
0x573: {  	s25 =	sor.u32 s21, s13;
	s13 =	sand.u32 $0xFFFFF000, s26;
	s8 =	sand.u32 $0x380, s8  }
0x574: {  	s21 =	sshll.u32 s0, $0x9;
	s0 =	sshll.u32 s0, $0x7;
	s26 =	sshll.u32 s9, $0x9  }
0x575: {  	s9 =	sshll.u32 s9, $0x7;
	[smem:$0x7B3] =	sst s6;
	s6 =	sadd.s32 $0x8600, s25  }
0x576: {  	s25 =	sand.u32 $0xFFFFF000, s21;
	s0 =	sand.u32 $0x380, s0;
	s23 =	spop (v2sf);
	(v2sf) =	vpush v4, $0xD  }
0x577: {  	s9 =	sand.u32 $0x380, s9;
	[smem:$0x79C] =	sst s6;
	s6 =	sor.u32 s10, s13  }
0x578: {  	s10 =	sand.u32 $0xFFFFF000, s18;
	s0 =	sor.u32 s0, s25;
	s3 =	spop (v2sf);
	(v2sf) =	vpush v5, $0xE  }
0x579: {  	s13 =	sshll.u32 s16, $0x9;
	s18 =	sshll.u32 s16, $0x7;
	s20 =	sadd.s32 $0x10600, s6  }
0x57a: {  	s8 =	sor.u32 s8, s10;
	s0 =	sadd.s32 $0x10600, s0;
	[smem:$0x79D] =	sst s20  }
0x57b: {  	s25 =	sshll.u32 s22, $0x9;
	s8 =	sadd.s32 $0x8600, s8;
	[smem:$0x7A1] =	sst s0  }
0x57c: {  	s21 =	sand.u32 $0x380, s18;
	[smem:$0x7A0] =	sst s8;
	s8 =	sand.u32 $0xFFFFF000, s26  }
0x57d: {  	s20 =	sand.u32 $0xFFFFF000, s13;
	s26 =	sshll.u32 s22, $0x7;
	s9 =	sor.u32 s9, s8  }
0x57e: {  	s8 =	sand.u32 $0xFFFFF000, s25;
	s0 =	sadd.s32 $0x8600, s9;
	s2 =	spop (v2sf);
	(v2sf) =	vpush v4, $0xE  }
0x57f: {  	s9 =	sand.u32 $0x380, s26;
	[smem:$0x7A4] =	sst s0;
	s0 =	sor.u32 s21, s20  }
0x580: {  	s16 =	sshll.u32 s24, $0x9;
	s9 =	sor.u32 s9, s8;
	s0 =	sadd.s32 $0x10600, s0  }
0x581: {  	s18 =	sshll.u32 s24, $0x7;
	[smem:$0x7A5] =	sst s0;
	s0 =	sadd.s32 $0x8600, s9  }
0x582: {  	s20 =	sand.u32 $0xFFFFF000, s16;
	s21 =	sand.u32 $0x380, s18;
	[smem:$0x7AA] =	sst s0  }
0x583: {  	s0 =	sor.u32 s21, s20;
	s22 =	sshll.u32 s23, $0x9;
	s24 =	sshll.u32 s23, $0x7  }
0x584: {  	s0 =	sadd.s32 $0x10600, s0;
	s8 =	sand.u32 $0xFFFFF000, s22;
	s9 =	sand.u32 $0x380, s24  }
0x585: {  	[smem:$0x7AB] =	sst s0;
	s26 =	sshll.u32 s3, $0x9;
	s6 =	spop (v2sf);
	(v2sf) =	vpush v5, $0xF  }
0x586: {  	s3 =	sshll.u32 s3, $0x7;
	s25 =	sor.u32 s9, s8;
	s9 =	sand.u32 $0xFFFFF000, s26  }
0x587: {  	s18 =	sshll.u32 s2, $0x9;
	s2 =	sshll.u32 s2, $0x7;
	s10 =	spop (v2sf);
	(v2sf) =	vpush v4, $0xF  }
0x588: {  	s3 =	sand.u32 $0x380, s3;
	s0 =	sadd.s32 $0x8600, s25;
	s2 =	sand.u32 $0x380, s2  }
0x589: {  	[smem:$0x7B0] =	sst s0;
	s0 =	sor.u32 s3, s9;
	s3 =	sand.u32 $0xFFFFF000, s18  }
0x58a: {  	[smem:$0x79B] =	sst s28;
	s0 =	sadd.s32 $0x10600, s0;
	s20 =	sor.u32 s2, s3  }
0x58b: {  	[smem:$0x7B1] =	sst s0;
	s0 =	sadd.s32 $0x8600, s20  }
0x58c: {  	[smem:$0x794] =	sst s0;
	s21 =	sshll.u32 s6, $0x9;
	s22 =	sshll.u32 s6, $0x7  }
0x58d: {  	s13 =	spop (v2sf);
	s23 =	sand.u32 $0xFFFFF000, s21;
	s24 =	sand.u32 $0x380, s22  }
0x58e: {  	s25 =	sshll.u32 s10, $0x9;
	s26 =	sshll.u32 s10, $0x7;
	s0 =	sor.u32 s24, s23  }
0x58f: {  	s2 =	sand.u32 $0xFFFFF000, s25;
	s3 =	sand.u32 $0x380, s26;
	s25 =	sld [smem:$0x7A8]  }
0x590: {  	s6 =	sshll.u32 s13, $0x7;
	s26 =	sld [smem:$0x7A9];
	s0 =	sadd.s32 $0x10600, s0  }
0x591: {  	s2 =	sor.u32 s3, s2;
	s3 =	sshll.u32 s13, $0x9;
	[smem:$0x795] =	sst s0  }
0x592: {  	s0 =	sadd.s32 $0x8600, s2;
	s2 =	sand.u32 $0xFFFFF000, s3;
	s3 =	sand.u32 $0x380, s6  }
0x593: {  	s2 =	sor.u32 s3, s2;
	[smem:$0x796] =	sst s0  }
0x594: {  	s18 =	sadd.s32 $0x10600, s2;
	s2 =	simm.s32 $0x0;
	s16 =	spop (v2sf)  }
0x595: {  	[smem:$0x797] =	sst s18;
	s9 =	sshll.u32 s16, $0x9;
	s10 =	sshll.u32 s16, $0x7  }
0x596: {  	s8 =	spop (v2sf);
	s13 =	sand.u32 $0xFFFFF000, s9;
	s16 =	sand.u32 $0x380, s10  }
0x597: {  	s22 =	sshll.u32 s8, $0x9;
	s24 =	sshll.u32 s8, $0x7;
	s20 =	sor.u32 s16, s13  }
0x598: {  	s23 =	sand.u32 $0xFFFFF000, s22;
	s8 =	sand.u32 $0x380, s24;
	s21 =	sadd.s32 $0x8600, s20  }
0x599: {  	s3 =	sor.u32 s8, s23;
	s20 =	sand.u32 $0xC00, s2;
	[smem:$0x798] =	sst s21  }
0x59a: {  	s0 =	sadd.s32 $0x10600, s3;
	s21 =	sand.u32 $0x70, s2;
	s8 =	sadd.s32 s20, s25  }
0x59b: {  	s13 =	sadd.s32 s20, s26;
	[smem:$0x799] =	sst s0;
	s10 =	sadd.s32 s21, s8  }
0x59c: {  	s16 =	sadd.s32 s21, s13;
	v4 =	vld [tilespmem:s10+$0x0]  }
0x59d: {  	v5 =	vld [tilespmem:s16+$0x0];
	_ =	sdelay $0x2  }
0x59e: {  	s18 =	sld [smem:$0x7AE]  }
0x59f: {  	s22 =	sld [smem:$0x7AF]  }
0x5a0: {  	v4 =	vadd.f32 v5, v4  }
0x5a1: {  	s0 =	sadd.s32 s20, s18;
	s16 =	sor.u32 s21, s20  }
0x5a2: {  	s3 =	sadd.s32 s20, s22;
	s0 =	sadd.s32 s21, s0;
	[tilespmem:s16+$0x6600] =	vst.add.f32.msk $0xffff, v4  }
0x5a3: {  	s23 =	sadd.s32 s21, s3;
	v4 =	vld [tilespmem:s0+$0x0]  }
0x5a4: {  	v5 =	vld [tilespmem:s23+$0x0];
	_ =	sdelay $0x2  }
0x5a5: {  	s24 =	sld [smem:$0x79A]  }
0x5a6: {  	s25 =	sld [smem:$0x79B]  }
0x5a7: {  	v4 =	vadd.f32 v5, v4  }
0x5a8: {  	s0 =	sadd.s32 s20, s24  }
0x5a9: {  	s3 =	sadd.s32 s20, s25;
	s0 =	sadd.s32 s21, s0;
	[tilespmem:s16+$0x6680] =	vst.add.f32.msk $0xffff, v4  }
0x5aa: {  	s26 =	sadd.s32 s21, s3;
	v4 =	vld [tilespmem:s0+$0x0]  }
0x5ab: {  	v5 =	vld [tilespmem:s26+$0x0];
	_ =	sdelay $0x2  }
0x5ac: {  	s3 =	sld [smem:$0x79E]  }
0x5ad: {  	s6 =	sld [smem:$0x79F]  }
0x5ae: {  	v4 =	vadd.f32 v5, v4  }
0x5af: {  	s0 =	sadd.s32 s20, s3  }
0x5b0: {  	s3 =	sadd.s32 s20, s6;
	s0 =	sadd.s32 s21, s0;
	[tilespmem:s16+$0x6700] =	vst.add.f32.msk $0xffff, v4  }
0x5b1: {  	s8 =	sadd.s32 s21, s3;
	v4 =	vld [tilespmem:s0+$0x0]  }
0x5b2: {  	v5 =	vld [tilespmem:s8+$0x0];
	_ =	sdelay $0x2  }
0x5b3: {  	s9 =	sld [smem:$0x7A2]  }
0x5b4: {  	s10 =	sld [smem:$0x7A3]  }
0x5b5: {  	v4 =	vadd.f32 v5, v4  }
0x5b6: {  	s0 =	sadd.s32 s20, s9  }
0x5b7: {  	s3 =	sadd.s32 s20, s10;
	s0 =	sadd.s32 s21, s0;
	[tilespmem:s16+$0x6780] =	vst.add.f32.msk $0xffff, v4  }
0x5b8: {  	s13 =	sadd.s32 s21, s3;
	v4 =	vld [tilespmem:s0+$0x0]  }
0x5b9: {  	v5 =	vld [tilespmem:s13+$0x0];
	_ =	sdelay $0x2  }
0x5ba: {  	s18 =	sld [smem:$0x7A6]  }
0x5bb: {  	s22 =	sld [smem:$0x7A7]  }
0x5bc: {  	v4 =	vadd.f32 v5, v4  }
0x5bd: {  	s29 =	simm.s32 $0x80;
	s23 =	sld [smem:$0x7A8];
	s0 =	sadd.s32 s20, s18  }
0x5be: {  	s25 =	sld [smem:$0x7A9];
	s3 =	sadd.s32 s20, s22;
	s26 =	sadd.s32 s21, s0;
	[tilespmem:s16+$0x6800] =	vst.add.f32.msk $0xffff, v4  }
0x5bf: {  	s22 =	sand.u32 $0xC00, s29;
	s0 =	simm.s32 $0x10;
	s3 =	sadd.s32 s21, s3;
	v4 =	vld [tilespmem:s26+$0x0]  }
0x5c0: {  	s6 =	sadd.s32 s22, s23;
	s24 =	sand.u32 $0x70, s0;
	v5 =	vld [tilespmem:s3+$0x0]  }
0x5c1: {  	s10 =	sadd.s32 s22, s25;
	s9 =	sadd.s32 s24, s6  }
0x5c2: {  	s13 =	sadd.s32 s24, s10;
	v6 =	vld [tilespmem:s9+$0x0]  }
0x5c3: {  	v7 =	vld [tilespmem:s13+$0x0];
	s18 =	sld [smem:$0x7AC]  }
0x5c4: {  	s23 =	sld [smem:$0x7AD]  }
0x5c5: {  	v4 =	vadd.f32 v5, v4  }
0x5c6: {  	s25 =	sld [smem:$0x7AE];
	s3 =	sadd.s32 s20, s18  }
0x5c7: {  	s26 =	sld [smem:$0x7AF];
	s6 =	sadd.s32 s20, s23;
	s3 =	sadd.s32 s21, s3;
	[tilespmem:s16+$0x6880] =	vst.add.f32.msk $0xffff, v4  }
0x5c8: {  	s6 =	sadd.s32 s21, s6;
	v4 =	vadd.f32 v7, v6;
	v5 =	vld [tilespmem:s3+$0x0]  }
0x5c9: {  	s10 =	sadd.s32 s22, s25;
	s23 =	sor.u32 s24, s22;
	v6 =	vld [tilespmem:s6+$0x0]  }
0x5ca: {  	s13 =	sadd.s32 s24, s10;
	s18 =	sadd.s32 s22, s26;
	[tilespmem:s23+$0x6600] =	vst.add.f32.msk $0xffff, v4  }
0x5cb: {  	s25 =	sadd.s32 s24, s18;
	v4 =	vld [tilespmem:s13+$0x0]  }
0x5cc: {  	s26 =	sld [smem:$0x7B2];
	v7 =	vld [tilespmem:s25+$0x0]  }
0x5cd: {  	s8 =	sld [smem:$0x7B3]  }
0x5ce: {  	v5 =	vadd.f32 v6, v5  }
0x5cf: {  	s9 =	sld [smem:$0x79A];
	s6 =	sadd.s32 s20, s26  }
0x5d0: {  	s10 =	sld [smem:$0x79B];
	s3 =	sadd.s32 s20, s8;
	s6 =	sadd.s32 s21, s6;
	[tilespmem:s16+$0x6900] =	vst.add.f32.msk $0xffff, v5  }
0x5d1: {  	s3 =	sadd.s32 s21, s3;
	v4 =	vadd.f32 v7, v4;
	v5 =	vld [tilespmem:s6+$0x0]  }
0x5d2: {  	s13 =	sadd.s32 s22, s9;
	v6 =	vld [tilespmem:s3+$0x0]  }
0x5d3: {  	s25 =	sadd.s32 s22, s10;
	s18 =	sadd.s32 s24, s13;
	[tilespmem:s23+$0x6680] =	vst.add.f32.msk $0xffff, v4  }
0x5d4: {  	s26 =	sadd.s32 s24, s25;
	v4 =	vld [tilespmem:s18+$0x0]  }
0x5d5: {  	s6 =	sld [smem:$0x79C];
	v7 =	vld [tilespmem:s26+$0x0]  }
0x5d6: {  	s8 =	sld [smem:$0x79D]  }
0x5d7: {  	s2 =	sor.u32 s2, s2;
	v5 =	vadd.f32 v6, v5  }
0x5d8: {  	s2 =	sor.u32 $0x380, s2;
	s9 =	sld [smem:$0x79E];
	s3 =	sadd.s32 s20, s6  }
0x5d9: {  	s10 =	sld [smem:$0x79F];
	s18 =	sadd.s32 s20, s8;
	s13 =	sadd.s32 s21, s3;
	[tilespmem:s2+$0x6600] =	vst.add.f32.msk $0xffff, v5  }
0x5da: {  	s25 =	sadd.s32 s21, s18;
	v4 =	vadd.f32 v7, v4;
	v5 =	vld [tilespmem:s13+$0x0]  }
0x5db: {  	s26 =	sadd.s32 s22, s9;
	v6 =	vld [tilespmem:s25+$0x0]  }
0x5dc: {  	s6 =	sadd.s32 s22, s10;
	s3 =	sadd.s32 s24, s26;
	[tilespmem:s23+$0x6700] =	vst.add.f32.msk $0xffff, v4  }
0x5dd: {  	s8 =	sadd.s32 s24, s6;
	v4 =	vld [tilespmem:s3+$0x0]  }
0x5de: {  	s9 =	sld [smem:$0x7A0];
	v7 =	vld [tilespmem:s8+$0x0]  }
0x5df: {  	s10 =	sld [smem:$0x7A1]  }
0x5e0: {  	v5 =	vadd.f32 v6, v5  }
0x5e1: {  	s13 =	sld [smem:$0x7A2];
	s2 =	sadd.s32 s20, s9  }
0x5e2: {  	s18 =	sld [smem:$0x7A3];
	s3 =	sadd.s32 s20, s10;
	s2 =	sadd.s32 s21, s2;
	[tilespmem:s16+$0x7600] =	vst.add.f32.msk $0xffff, v5  }
0x5e3: {  	s25 =	sadd.s32 s21, s3;
	v4 =	vadd.f32 v7, v4;
	v5 =	vld [tilespmem:s2+$0x0]  }
0x5e4: {  	s26 =	sadd.s32 s22, s13;
	v6 =	vld [tilespmem:s25+$0x0]  }
0x5e5: {  	s9 =	sadd.s32 s22, s18;
	s6 =	sadd.s32 s24, s26;
	[tilespmem:s23+$0x6780] =	vst.add.f32.msk $0xffff, v4  }
0x5e6: {  	s10 =	sadd.s32 s24, s9;
	v4 =	vld [tilespmem:s6+$0x0]  }
0x5e7: {  	s13 =	sld [smem:$0x7A4];
	v7 =	vld [tilespmem:s10+$0x0]  }
0x5e8: {  	s18 =	sld [smem:$0x7A5]  }
0x5e9: {  	v5 =	vadd.f32 v6, v5  }
0x5ea: {  	s25 =	sld [smem:$0x7A6];
	s2 =	sadd.s32 s20, s13  }
0x5eb: {  	s26 =	sld [smem:$0x7A7];
	s3 =	sadd.s32 s20, s18;
	s2 =	sadd.s32 s21, s2;
	[tilespmem:s16+$0x7680] =	vst.add.f32.msk $0xffff, v5  }
0x5ec: {  	s10 =	sadd.s32 s21, s3;
	v4 =	vadd.f32 v7, v4;
	v5 =	vld [tilespmem:s2+$0x0]  }
0x5ed: {  	s8 =	simm.s32 $0x100;
	s3 =	sld [smem:$0x7A8];
	s6 =	sadd.s32 s22, s25;
	v6 =	vld [tilespmem:s10+$0x0]  }
0x5ee: {  	s13 =	sadd.s32 s22, s26;
	s6 =	sadd.s32 s24, s6;
	s2 =	sld [smem:$0x7A9];
	[tilespmem:s23+$0x6800] =	vst.add.f32.msk $0xffff, v4  }
0x5ef: {  	s9 =	simm.s32 $0x20;
	s26 =	sand.u32 $0xC00, s8;
	s18 =	sadd.s32 s24, s13;
	v4 =	vld [tilespmem:s6+$0x0]  }
0x5f0: {  	s25 =	sand.u32 $0x70, s9;
	s3 =	sadd.s32 s26, s3;
	s10 =	sld [smem:$0x7AA];
	v7 =	vld [tilespmem:s18+$0x0]  }
0x5f1: {  	s3 =	sadd.s32 s25, s3;
	s13 =	sld [smem:$0x7AB];
	s2 =	sadd.s32 s26, s2  }
0x5f2: {  	v8 =	vld [tilespmem:s3+$0x0];
	s2 =	sadd.s32 s25, s2;
	v5 =	vadd.f32 v6, v5  }
0x5f3: {  	s18 =	sadd.s32 s20, s10;
	v6 =	vld [tilespmem:s2+$0x0];
	s2 =	sld [smem:$0x7AC]  }
0x5f4: {  	s6 =	sld [smem:$0x7AD];
	s10 =	sadd.s32 s20, s13;
	s3 =	sadd.s32 s21, s18;
	[tilespmem:s16+$0x7700] =	vst.add.f32.msk $0xffff, v5  }
0x5f5: {  	s10 =	sadd.s32 s21, s10;
	v4 =	vadd.f32 v7, v4;
	v7 =	vld [tilespmem:s3+$0x0]  }
0x5f6: {  	s13 =	sld [smem:$0x7AE];
	s2 =	sadd.s32 s22, s2;
	v63 =	vld [tilespmem:s10+$0x0]  }
0x5f7: {  	s18 =	sld [smem:$0x7AF];
	s6 =	sadd.s32 s22, s6;
	[tilespmem:s23+$0x6880] =	vst.add.f32.msk $0xffff, v4;
	s2 =	sadd.s32 s24, s2  }
0x5f8: {  	s6 =	sadd.s32 s24, s6;
	v6 =	vadd.f32 v6, v8;
	v4 =	vld [tilespmem:s2+$0x0]  }
0x5f9: {  	s28 =	sor.u32 s25, s26;
	s10 =	sadd.s32 s26, s13;
	s13 =	sld [smem:$0x7B0];
	v5 =	vld [tilespmem:s6+$0x0]  }
0x5fa: {  	s3 =	sadd.s32 s26, s18;
	s18 =	sld [smem:$0x7B1];
	s6 =	sadd.s32 s25, s10;
	[tilespmem:s28+$0x6600] =	vst.add.f32.msk $0xffff, v6  }
0x5fb: {  	s3 =	sadd.s32 s25, s3;
	v6 =	vld [tilespmem:s6+$0x0];
	v8 =	vadd.f32 v63, v7  }
0x5fc: {  	s10 =	simm.s32 $0x30;
	s2 =	sadd.s32 s20, s13;
	s6 =	sld [smem:$0x7B2];
	v7 =	vld [tilespmem:s3+$0x0]  }
0x5fd: {  	s13 =	sadd.s32 s20, s18;
	s2 =	sadd.s32 s21, s2;
	s3 =	sld [smem:$0x7B3];
	[tilespmem:s16+$0x7780] =	vst.add.f32.msk $0xffff, v8  }
.LBB2_11:
0x5fe: {  	p0 =	sne.s32 s10, $0x1F0;
	v4 =	vadd.f32 v5, v4;
	v5 =	vld [tilespmem:s2+$0x0];
	s2 =	sadd.s32 s21, s13  }
0x5ff: {  	s6 =	sadd.s32 s22, s6;
	s13 =	sld [smem:$0x79A];
	v8 =	vld [tilespmem:s2+$0x0]  }
0x600: {  	s6 =	sadd.s32 s24, s6;
	s3 =	sadd.s32 s22, s3;
	s2 =	sld [smem:$0x79B];
	[tilespmem:s23+$0x6900] =	vst.add.f32.msk $0xffff, v4  }
0x601: {  	s3 =	sadd.s32 s24, s3;
	v4 =	vadd.f32 v7, v6;
	v6 =	vld [tilespmem:s6+$0x0]  }
0x602: {  	s6 =	sadd.s32 s26, s13;
	v7 =	vld [tilespmem:s3+$0x0];
	s3 =	sld [smem:$0x794]  }
0x603: {  	[tilespmem:s28+$0x6680] =	vst.add.f32.msk $0xffff, v4;
	s6 =	sadd.s32 s25, s6;
	s2 =	sadd.s32 s26, s2;
	s13 =	sld [smem:$0x795]  }
0x604: {  	v4 =	vld [tilespmem:s6+$0x0];
	s2 =	sadd.s32 s25, s2;
	v5 =	vadd.f32 v8, v5  }
0x605: {  	v8 =	vld [tilespmem:s2+$0x0];
	s2 =	sld [smem:$0x79C];
	s3 =	sadd.s32 s20, s3  }
0x606: {  	s6 =	sld [smem:$0x79D];
	[tilespmem:s16+$0x7800] =	vst.add.f32.msk $0xffff, v5;
	s3 =	sadd.s32 s21, s3;
	s13 =	sadd.s32 s20, s13  }
0x607: {  	s0 =	sor.u32 s29, s0;
	s29 =	smov.u32 s8;
	v5 =	vadd.f32 v7, v6;
	v6 =	vld [tilespmem:s3+$0x0];
	s3 =	sadd.s32 s21, s13  }
0x608: {  	s0 =	sor.u32 $0x380, s0;
	s13 =	sld [smem:$0x79E];
	s2 =	sadd.s32 s22, s2;
	v7 =	vld [tilespmem:s3+$0x0]  }
0x609: {  	s3 =	sld [smem:$0x79F];
	[tilespmem:s0+$0x6600] =	vst.add.f32.msk $0xffff, v5;
	s0 =	sadd.s32 s24, s2;
	s2 =	sadd.s32 s22, s6  }
0x60a: {  	v4 =	vadd.f32 v8, v4;
	v5 =	vld [tilespmem:s0+$0x0];
	s2 =	sadd.s32 s24, s2;
	s0 =	smov.u32 s9;
	s9 =	smov.u32 s10  }
0x60b: {  	s6 =	sadd.s32 s26, s13;
	v8 =	vld [tilespmem:s2+$0x0];
	s2 =	sld [smem:$0x796]  }
0x60c: {  	[tilespmem:s28+$0x6700] =	vst.add.f32.msk $0xffff, v4;
	s6 =	sadd.s32 s25, s6;
	s3 =	sadd.s32 s26, s3;
	s13 =	sld [smem:$0x797]  }
0x60d: {  	v4 =	vld [tilespmem:s6+$0x0];
	s3 =	sadd.s32 s25, s3;
	v6 =	vadd.f32 v7, v6  }
0x60e: {  	v7 =	vld [tilespmem:s3+$0x0];
	s3 =	sld [smem:$0x7A0];
	s2 =	sadd.s32 s20, s2  }
0x60f: {  	s6 =	sld [smem:$0x7A1];
	[tilespmem:s16+$0x7880] =	vst.add.f32.msk $0xffff, v6;
	s2 =	sadd.s32 s21, s2;
	s13 =	sadd.s32 s20, s13  }
0x610: {  	v5 =	vadd.f32 v8, v5;
	v6 =	vld [tilespmem:s2+$0x0];
	s2 =	sadd.s32 s21, s13  }
0x611: {  	s13 =	sld [smem:$0x7A2];
	s3 =	sadd.s32 s22, s3;
	v8 =	vld [tilespmem:s2+$0x0]  }
0x612: {  	s2 =	sld [smem:$0x7A3];
	[tilespmem:s23+$0x7600] =	vst.add.f32.msk $0xffff, v5;
	s3 =	sadd.s32 s24, s3;
	s6 =	sadd.s32 s22, s6  }
0x613: {  	v4 =	vadd.f32 v7, v4;
	v5 =	vld [tilespmem:s3+$0x0];
	s3 =	sadd.s32 s24, s6  }
0x614: {  	s6 =	sadd.s32 s26, s13;
	v7 =	vld [tilespmem:s3+$0x0];
	s3 =	sld [smem:$0x798]  }
0x615: {  	[tilespmem:s28+$0x6780] =	vst.add.f32.msk $0xffff, v4;
	s6 =	sadd.s32 s25, s6;
	s2 =	sadd.s32 s26, s2;
	s13 =	sld [smem:$0x799]  }
0x616: {  	v4 =	vld [tilespmem:s6+$0x0];
	s2 =	sadd.s32 s25, s2;
	v6 =	vadd.f32 v8, v6  }
0x617: {  	v8 =	vld [tilespmem:s2+$0x0];
	s2 =	sld [smem:$0x7A4];
	s3 =	sadd.s32 s20, s3  }
0x618: {  	s6 =	sld [smem:$0x7A5];
	[tilespmem:s16+$0x7900] =	vst.add.f32.msk $0xffff, v6;
	s3 =	sadd.s32 s21, s3;
	s13 =	sadd.s32 s20, s13  }
0x619: {  	s20 =	smov.u32 s22;
	s22 =	smov.u32 s26;
	v5 =	vadd.f32 v7, v5;
	v6 =	vld [tilespmem:s3+$0x0];
	s3 =	sadd.s32 s21, s13  }
0x61a: {  	s21 =	smov.u32 s24;
	s13 =	sld [smem:$0x7A6];
	s2 =	sadd.s32 s20, s2;
	v7 =	vld [tilespmem:s3+$0x0]  }
0x61b: {  	s3 =	sld [smem:$0x7A7];
	[tilespmem:s23+$0x7680] =	vst.add.f32.msk $0xffff, v5;
	s2 =	sadd.s32 s21, s2;
	s6 =	sadd.s32 s20, s6  }
0x61c: {  	s24 =	smov.u32 s25;
	v4 =	vadd.f32 v8, v4;
	v5 =	vld [tilespmem:s2+$0x0];
	s2 =	sadd.s32 s21, s6  }
0x61d: {  	s8 =	sadd.s32 $0x80, s8;
	s6 =	sld [smem:$0x7A8];
	s13 =	sadd.s32 s22, s13;
	v8 =	vld [tilespmem:s2+$0x0]  }
0x61e: {  	s2 =	sld [smem:$0x7A9];
	[tilespmem:s28+$0x6800] =	vst.add.f32.msk $0xffff, v4;
	s13 =	sadd.s32 s24, s13;
	s3 =	sadd.s32 s22, s3  }
0x61f: {  	s26 =	sand.u32 $0xC00, s8;
	v4 =	vld [tilespmem:s13+$0x0];
	s3 =	sadd.s32 s24, s3;
	v6 =	vadd.f32 v7, v6  }
0x620: {  	s25 =	sand.u32 $0x70, s10;
	s6 =	sadd.s32 s26, s6;
	v7 =	vld [tilespmem:s3+$0x0];
	s3 =	sld [smem:$0x7AA]  }
0x621: {  	s6 =	sadd.s32 s25, s6;
	s2 =	sadd.s32 s26, s2;
	s13 =	sld [smem:$0x7AB];
	[tilespmem:s16+$0x7980] =	vst.add.f32.msk $0xffff, v6  }
0x622: {  	s16 =	smov.u32 s23;
	s23 =	smov.u32 s28;
	v6 =	vld [tilespmem:s6+$0x0];
	s2 =	sadd.s32 s25, s2;
	v5 =	vadd.f32 v8, v5  }
0x623: {  	v8 =	vld [tilespmem:s2+$0x0];
	s2 =	sld [smem:$0x7AC];
	s3 =	sadd.s32 s20, s3  }
0x624: {  	s6 =	sld [smem:$0x7AD];
	[tilespmem:s16+$0x7700] =	vst.add.f32.msk $0xffff, v5;
	s3 =	sadd.s32 s21, s3;
	s13 =	sadd.s32 s20, s13  }
0x625: {  	v4 =	vadd.f32 v7, v4;
	v7 =	vld [tilespmem:s3+$0x0];
	s3 =	sadd.s32 s21, s13  }
0x626: {  	s13 =	sld [smem:$0x7AE];
	s2 =	sadd.s32 s22, s2;
	v9 =	vld [tilespmem:s3+$0x0]  }
0x627: {  	s3 =	sld [smem:$0x7AF];
	[tilespmem:s23+$0x6880] =	vst.add.f32.msk $0xffff, v4;
	s2 =	sadd.s32 s24, s2;
	s6 =	sadd.s32 s22, s6  }
0x628: {  	s28 =	sor.u32 s25, s26;
	v6 =	vadd.f32 v8, v6;
	v4 =	vld [tilespmem:s2+$0x0];
	s2 =	sadd.s32 s24, s6  }
.Ltmp4:
0x629: {  	s6 =	sadd.s32 s26, s13;
	v5 =	vld [tilespmem:s2+$0x0];
	s2 =	sld [smem:$0x7B0];
	(pc) =	sbr.rel @p0 .LBB2_11-.Ltmp4, $4  }
0x62a: {  	[tilespmem:s28+$0x6600] =	vst.add.f32.msk $0xffff, v6;
	s6 =	sadd.s32 s25, s6;
	s3 =	sadd.s32 s26, s3;
	s13 =	sld [smem:$0x7B1]  }
0x62b: {  	v6 =	vld [tilespmem:s6+$0x0];
	s3 =	sadd.s32 s25, s3;
	s6 =	sld [smem:$0x7B2];
	v8 =	vadd.f32 v9, v7  }
0x62c: {  	v7 =	vld [tilespmem:s3+$0x0];
	s3 =	sld [smem:$0x7B3];
	s2 =	sadd.s32 s20, s2  }
0x62d: {  	s10 =	sadd.s32 $0x10, s10;
	[tilespmem:s16+$0x7780] =	vst.add.f32.msk $0xffff, v8;
	s2 =	sadd.s32 s21, s2;
	s13 =	sadd.s32 s20, s13  }
0x62e: {  	_ = 	snop  }
0x62f: {  	s10 =	sld [smem:$0x79A]  }
0x630: {  	s18 =	sld [smem:$0x79B]  }
0x631: {  	v6 =	vadd.f32 v7, v6  }
0x632: {  	s10 =	sadd.s32 s26, s10  }
0x633: {  	s18 =	sadd.s32 s26, s18;
	s10 =	sadd.s32 s25, s10;
	[tilespmem:s28+$0x6680] =	vst.add.f32.msk $0xffff, v6  }
0x634: {  	s18 =	sadd.s32 s25, s18;
	v6 =	vld [tilespmem:s10+$0x0]  }
0x635: {  	v37 =	vld [tilespmem:s18+$0x0];
	_ =	sdelay $0x2  }
0x636: {  	s10 =	sld [smem:$0x79E]  }
0x637: {  	s18 =	sld [smem:$0x79F]  }
0x638: {  	v6 =	vadd.f32 v37, v6  }
0x639: {  	s10 =	sadd.s32 s26, s10  }
0x63a: {  	s18 =	sadd.s32 s26, s18;
	s10 =	sadd.s32 s25, s10;
	[tilespmem:s28+$0x6700] =	vst.add.f32.msk $0xffff, v6  }
0x63b: {  	s18 =	sadd.s32 s25, s18;
	v6 =	vld [tilespmem:s10+$0x0]  }
0x63c: {  	v38 =	vld [tilespmem:s18+$0x0];
	_ =	sdelay $0x2  }
0x63d: {  	s10 =	sld [smem:$0x7A2]  }
0x63e: {  	s18 =	sld [smem:$0x7A3]  }
0x63f: {  	v6 =	vadd.f32 v38, v6  }
0x640: {  	s10 =	sadd.s32 s26, s10  }
0x641: {  	s18 =	sadd.s32 s26, s18;
	s10 =	sadd.s32 s25, s10;
	[tilespmem:s28+$0x6780] =	vst.add.f32.msk $0xffff, v6  }
0x642: {  	s18 =	sadd.s32 s25, s18;
	v6 =	vld [tilespmem:s10+$0x0]  }
0x643: {  	v39 =	vld [tilespmem:s18+$0x0];
	_ =	sdelay $0x2  }
0x644: {  	s10 =	sld [smem:$0x7A6]  }
0x645: {  	s18 =	sld [smem:$0x7A7]  }
0x646: {  	v6 =	vadd.f32 v39, v6  }
0x647: {  	s10 =	sadd.s32 s26, s10  }
0x648: {  	s18 =	sadd.s32 s26, s18;
	s10 =	sadd.s32 s25, s10;
	[tilespmem:s28+$0x6800] =	vst.add.f32.msk $0xffff, v6  }
0x649: {  	s18 =	sadd.s32 s25, s18;
	v6 =	vld [tilespmem:s10+$0x0]  }
0x64a: {  	v40 =	vld [tilespmem:s18+$0x0];
	_ =	sdelay $0x2  }
0x64b: {  	s10 =	sld [smem:$0x7AC]  }
0x64c: {  	s18 =	sld [smem:$0x7AD]  }
0x64d: {  	v6 =	vadd.f32 v40, v6  }
0x64e: {  	s10 =	sadd.s32 s26, s10  }
0x64f: {  	s18 =	sadd.s32 s26, s18;
	s10 =	sadd.s32 s25, s10;
	[tilespmem:s28+$0x6880] =	vst.add.f32.msk $0xffff, v6  }
0x650: {  	s18 =	sadd.s32 s25, s18;
	v6 =	vld [tilespmem:s10+$0x0]  }
0x651: {  	v41 =	vld [tilespmem:s18+$0x0];
	_ =	sdelay $0x1  }
0x652: {  	v4 =	vadd.f32 v5, v4  }
0x653: {  	s6 =	sadd.s32 s22, s6;
	s10 =	sld [smem:$0x7B2]  }
0x654: {  	s6 =	sadd.s32 s24, s6;
	s3 =	sadd.s32 s22, s3;
	[tilespmem:s23+$0x6900] =	vst.add.f32.msk $0xffff, v4;
	s18 =	sld [smem:$0x7B3]  }
0x655: {  	s3 =	sadd.s32 s24, s3;
	v4 =	vld [tilespmem:s6+$0x0];
	v5 =	vadd.f32 v41, v6  }
0x656: {  	v42 =	vld [tilespmem:s3+$0x0];
	s10 =	sadd.s32 s26, s10  }
0x657: {  	s18 =	sadd.s32 s26, s18;
	s3 =	sadd.s32 s25, s10;
	[tilespmem:s28+$0x6900] =	vst.add.f32.msk $0xffff, v5  }
0x658: {  	s6 =	sadd.s32 s25, s18;
	v5 =	vld [tilespmem:s3+$0x0]  }
0x659: {  	s10 =	sld [smem:$0x79C];
	v43 =	vld [tilespmem:s6+$0x0]  }
0x65a: {  	s3 =	sld [smem:$0x79D]  }
0x65b: {  	s0 =	sor.u32 s29, s0;
	v4 =	vadd.f32 v42, v4  }
0x65c: {  	s0 =	sor.u32 $0x380, s0;
	s6 =	sadd.s32 s22, s10;
	s10 =	sld [smem:$0x79C]  }
0x65d: {  	[tilespmem:s0+$0x6600] =	vst.add.f32.msk $0xffff, v4;
	s29 =	sld [smem:$0x79D];
	s18 =	sadd.s32 s24, s6;
	s3 =	sadd.s32 s22, s3  }
0x65e: {  	s9 =	sor.u32 s8, s9;
	v4 =	vld [tilespmem:s18+$0x0];
	s3 =	sadd.s32 s24, s3;
	v5 =	vadd.f32 v43, v5  }
0x65f: {  	s0 =	sor.u32 $0x380, s9;
	s10 =	sadd.s32 s26, s10;
	v44 =	vld [tilespmem:s3+$0x0]  }
0x660: {  	s29 =	sadd.s32 s26, s29;
	s18 =	sadd.s32 s25, s10;
	[tilespmem:s0+$0x6600] =	vst.add.f32.msk $0xffff, v5  }
0x661: {  	s3 =	sadd.s32 s25, s29;
	v5 =	vld [tilespmem:s18+$0x0]  }
0x662: {  	s6 =	sld [smem:$0x7A0];
	v45 =	vld [tilespmem:s3+$0x0]  }
0x663: {  	s8 =	sld [smem:$0x7A1]  }
0x664: {  	v4 =	vadd.f32 v44, v4  }
0x665: {  	s3 =	sadd.s32 s22, s6;
	s9 =	sld [smem:$0x7A0]  }
0x666: {  	s0 =	sadd.s32 s22, s8;
	s10 =	sld [smem:$0x7A1];
	s3 =	sadd.s32 s24, s3;
	[tilespmem:s23+$0x7600] =	vst.add.f32.msk $0xffff, v4  }
0x667: {  	s0 =	sadd.s32 s24, s0;
	v4 =	vld [tilespmem:s3+$0x0];
	v5 =	vadd.f32 v45, v5  }
0x668: {  	s18 =	sadd.s32 s26, s9;
	v46 =	vld [tilespmem:s0+$0x0]  }
0x669: {  	s29 =	sadd.s32 s26, s10;
	s0 =	sadd.s32 s25, s18;
	[tilespmem:s28+$0x7600] =	vst.add.f32.msk $0xffff, v5  }
0x66a: {  	s3 =	sadd.s32 s25, s29;
	v5 =	vld [tilespmem:s0+$0x0]  }
0x66b: {  	s6 =	sld [smem:$0x7A4];
	v47 =	vld [tilespmem:s3+$0x0]  }
0x66c: {  	s8 =	sld [smem:$0x7A5]  }
0x66d: {  	v4 =	vadd.f32 v46, v4  }
0x66e: {  	s3 =	sadd.s32 s22, s6;
	s9 =	sld [smem:$0x7A4]  }
0x66f: {  	s0 =	sadd.s32 s22, s8;
	s10 =	sld [smem:$0x7A5];
	s3 =	sadd.s32 s24, s3;
	[tilespmem:s23+$0x7680] =	vst.add.f32.msk $0xffff, v4  }
0x670: {  	s0 =	sadd.s32 s24, s0;
	v4 =	vld [tilespmem:s3+$0x0];
	v5 =	vadd.f32 v47, v5  }
0x671: {  	s18 =	sadd.s32 s26, s9;
	v48 =	vld [tilespmem:s0+$0x0]  }
0x672: {  	s29 =	sadd.s32 s26, s10;
	s0 =	sadd.s32 s25, s18;
	[tilespmem:s28+$0x7680] =	vst.add.f32.msk $0xffff, v5  }
0x673: {  	s3 =	sadd.s32 s25, s29;
	v5 =	vld [tilespmem:s0+$0x0]  }
0x674: {  	s6 =	sld [smem:$0x7AA];
	v49 =	vld [tilespmem:s3+$0x0]  }
0x675: {  	s8 =	sld [smem:$0x7AB]  }
0x676: {  	v4 =	vadd.f32 v48, v4  }
0x677: {  	s3 =	sadd.s32 s22, s6;
	s9 =	sld [smem:$0x7AA]  }
0x678: {  	s0 =	sadd.s32 s22, s8;
	s10 =	sld [smem:$0x7AB];
	s3 =	sadd.s32 s24, s3;
	[tilespmem:s23+$0x7700] =	vst.add.f32.msk $0xffff, v4  }
0x679: {  	s0 =	sadd.s32 s24, s0;
	v4 =	vld [tilespmem:s3+$0x0];
	v5 =	vadd.f32 v49, v5  }
0x67a: {  	s18 =	sadd.s32 s26, s9;
	v50 =	vld [tilespmem:s0+$0x0]  }
0x67b: {  	s29 =	sadd.s32 s26, s10;
	s0 =	sadd.s32 s25, s18;
	[tilespmem:s28+$0x7700] =	vst.add.f32.msk $0xffff, v5  }
0x67c: {  	s3 =	sadd.s32 s25, s29;
	v5 =	vld [tilespmem:s0+$0x0]  }
0x67d: {  	s6 =	sld [smem:$0x7B0];
	v51 =	vld [tilespmem:s3+$0x0]  }
0x67e: {  	s8 =	sld [smem:$0x7B1]  }
0x67f: {  	v8 =	vld [tilespmem:s2+$0x0];
	s9 =	sadd.s32 s21, s13;
	v4 =	vadd.f32 v50, v4  }
0x680: {  	v52 =	vld [tilespmem:s9+$0x0];
	s10 =	sadd.s32 s22, s6;
	s13 =	sld [smem:$0x7B0]  }
0x681: {  	s0 =	sadd.s32 s22, s8;
	s18 =	sld [smem:$0x7B1];
	s2 =	sadd.s32 s24, s10;
	[tilespmem:s23+$0x7780] =	vst.add.f32.msk $0xffff, v4  }
0x682: {  	s0 =	sadd.s32 s24, s0;
	v4 =	vld [tilespmem:s2+$0x0];
	v5 =	vadd.f32 v51, v5  }
0x683: {  	s29 =	sld [smem:$0x794];
	s3 =	sadd.s32 s26, s13;
	v53 =	vld [tilespmem:s0+$0x0]  }
0x684: {  	s8 =	sld [smem:$0x795];
	s6 =	sadd.s32 s26, s18;
	s0 =	sadd.s32 s25, s3;
	[tilespmem:s28+$0x7780] =	vst.add.f32.msk $0xffff, v5  }
0x685: {  	s9 =	sadd.s32 s25, s6;
	v5 =	vadd.f32 v52, v8;
	v54 =	vld [tilespmem:s0+$0x0]  }
0x686: {  	s2 =	sadd.s32 s20, s29;
	s10 =	sld [smem:$0x794];
	v55 =	vld [tilespmem:s9+$0x0]  }
0x687: {  	s18 =	sadd.s32 s20, s8;
	s29 =	sld [smem:$0x795];
	s13 =	sadd.s32 s21, s2;
	[tilespmem:s16+$0x7800] =	vst.add.f32.msk $0xffff, v5  }
0x688: {  	s8 =	sadd.s32 s21, s18;
	v5 =	vld [tilespmem:s13+$0x0];
	v4 =	vadd.f32 v53, v4  }
0x689: {  	s9 =	sadd.s32 s22, s10;
	s10 =	sld [smem:$0x794];
	v56 =	vld [tilespmem:s8+$0x0]  }
0x68a: {  	s3 =	sadd.s32 s22, s29;
	s0 =	sadd.s32 s24, s9;
	s13 =	sld [smem:$0x795];
	[tilespmem:s23+$0x7800] =	vst.add.f32.msk $0xffff, v4  }
0x68b: {  	s18 =	sadd.s32 s24, s3;
	v4 =	vld [tilespmem:s0+$0x0];
	v6 =	vadd.f32 v55, v54  }
0x68c: {  	s29 =	sld [smem:$0x796];
	s8 =	sadd.s32 s26, s10;
	v57 =	vld [tilespmem:s18+$0x0]  }
0x68d: {  	s9 =	sld [smem:$0x797];
	s0 =	sadd.s32 s25, s8;
	s6 =	sadd.s32 s26, s13;
	[tilespmem:s28+$0x7800] =	vst.add.f32.msk $0xffff, v6  }
0x68e: {  	s10 =	sadd.s32 s25, s6;
	v5 =	vadd.f32 v56, v5;
	v6 =	vld [tilespmem:s0+$0x0]  }
0x68f: {  	s3 =	sadd.s32 s20, s29;
	s13 =	sld [smem:$0x796];
	v58 =	vld [tilespmem:s10+$0x0]  }
0x690: {  	s2 =	sadd.s32 s20, s9;
	s29 =	sld [smem:$0x797];
	s18 =	sadd.s32 s21, s3;
	[tilespmem:s16+$0x7880] =	vst.add.f32.msk $0xffff, v5  }
0x691: {  	s8 =	sadd.s32 s21, s2;
	v5 =	vld [tilespmem:s18+$0x0];
	v4 =	vadd.f32 v57, v4  }
0x692: {  	s9 =	sadd.s32 s22, s13;
	s10 =	sld [smem:$0x796];
	v59 =	vld [tilespmem:s8+$0x0]  }
0x693: {  	s3 =	sadd.s32 s22, s29;
	s13 =	sld [smem:$0x797];
	s0 =	sadd.s32 s24, s9;
	[tilespmem:s23+$0x7880] =	vst.add.f32.msk $0xffff, v4  }
0x694: {  	s18 =	sadd.s32 s24, s3;
	v4 =	vld [tilespmem:s0+$0x0];
	v6 =	vadd.f32 v58, v6  }
0x695: {  	s29 =	sld [smem:$0x798];
	s8 =	sadd.s32 s26, s10;
	v60 =	vld [tilespmem:s18+$0x0]  }
0x696: {  	s9 =	sld [smem:$0x799];
	s6 =	sadd.s32 s26, s13;
	s0 =	sadd.s32 s25, s8;
	[tilespmem:s28+$0x7880] =	vst.add.f32.msk $0xffff, v6  }
0x697: {  	s10 =	sadd.s32 s25, s6;
	v5 =	vadd.f32 v59, v5;
	v6 =	vld [tilespmem:s0+$0x0]  }
0x698: {  	s3 =	sadd.s32 s20, s29;
	s13 =	sld [smem:$0x798];
	v61 =	vld [tilespmem:s10+$0x0]  }
0x699: {  	s2 =	sadd.s32 s20, s9;
	s18 =	sld [smem:$0x799];
	s3 =	sadd.s32 s21, s3;
	[tilespmem:s16+$0x7900] =	vst.add.f32.msk $0xffff, v5  }
0x69a: {  	s2 =	sadd.s32 s21, s2;
	v5 =	vld [tilespmem:s3+$0x0];
	v4 =	vadd.f32 v60, v4  }
0x69b: {  	s0 =	sadd.s32 s22, s13;
	s20 =	sld [smem:$0x798];
	v62 =	vld [tilespmem:s2+$0x0]  }
0x69c: {  	s21 =	sadd.s32 s22, s18;
	s22 =	sld [smem:$0x799];
	s0 =	sadd.s32 s24, s0;
	[tilespmem:s23+$0x7900] =	vst.add.f32.msk $0xffff, v4  }
0x69d: {  	s29 =	sadd.s32 s24, s21;
	v4 =	vld [tilespmem:s0+$0x0];
	v6 =	vadd.f32 v61, v6  }
0x69e: {  	s3 =	sadd.s32 s26, s20;
	v63 =	vld [tilespmem:s29+$0x0]  }
0x69f: {  	s6 =	sadd.s32 s26, s22;
	s0 =	sadd.s32 s25, s3;
	[tilespmem:s28+$0x7900] =	vst.add.f32.msk $0xffff, v6  }
0x6a0: {  	s8 =	sadd.s32 s25, s6;
	v6 =	vld [tilespmem:s0+$0x0]  }
0x6a1: {  	v9 =	vld [tilespmem:s8+$0x0];
	_ =	sdelay $0x2  }
0x6a2: {  	s9 =	sadd.s32 s5, s17;
	v5 =	vadd.f32 v62, v5  }
0x6a3: {  	s0 =	sshll.u32 s9, $0xA;
	v4 =	vadd.f32 v63, v4  }
0x6a4: {  	[tilespmem:s16+$0x7980] =	vst.add.f32.msk $0xffff, v5;
	s0 =	sor.u32 s12, s0;
	v5 =	vadd.f32 v9, v6  }
0x6a5: {  	s0 =	sshrl.u32 s0, $0x3;
	[tilespmem:s23+$0x7980] =	vst.add.f32.msk $0xffff, v4  }
0x6a6: {  	s10 =	simm.s32 $0x6600;
	s0 =	sadd.s32 s4, s0;
	[tilespmem:s28+$0x7980] =	vst.add.f32.msk $0xffff, v5  }
0x6a7: {  	[hbm4b:s0+s14] =	stream.strided.scatter [tilespmem:s10], [sflag:$0x8], $0x400, s19, s14, $0x38;
	[tilespmem:$0x18600] =	vst v63  }
0x6a8: {  	s16 =	simm.s32 $0x6A00;
	s13 =	sadd.s32 $0x20, s0  }
0x6a9: {  	[hbm4b:s13+s14] =	stream.strided.scatter [tilespmem:s16], [sflag:$0x8], $0x400, s19, s14, $0x38;
	[tilespmem:$0x18600] =	vst v63  }
0x6aa: {  	s18 =	simm.s32 $0x6E00;
	s17 =	sadd.s32 $0x40, s0  }
0x6ab: {  	[hbm4b:s17+s14] =	stream.strided.scatter [tilespmem:s18], [sflag:$0x8], $0x400, s19, s14, $0x38;
	[tilespmem:$0x18600] =	vst v63  }
0x6ac: {  	s21 =	simm.s32 $0x7200;
	s20 =	sadd.s32 $0x60, s0  }
0x6ad: {  	[hbm4b:s20+s14] =	stream.strided.scatter [tilespmem:s21], [sflag:$0x8], $0x400, s19, s14, $0x38;
	[tilespmem:$0x18600] =	vst v63  }
0x6ae: {  	s15 =	sadd.s32 $0x1, s15;
	s22 =	sadd.s32 $0x400, s0;
	s23 =	simm.s32 $0x7600  }
0x6af: {  	[hbm4b:s22+s14] =	stream.strided.scatter [tilespmem:s23], [sflag:$0x8], $0x400, s19, s14, $0x38;
	[tilespmem:$0x18600] =	vst v63  }
0x6b0: {  	p0 =	sne.s32 s15, $0x8;
	s25 =	simm.s32 $0x7A00;
	s24 =	sadd.s32 $0x420, s0  }
0x6b1: {  	[hbm4b:s24+s14] =	stream.strided.scatter [tilespmem:s25], [sflag:$0x8], $0x400, s19, s14, $0x38;
	[tilespmem:$0x18600] =	vst v63  }
.Ltmp5:
0x6b2: {  	_ = 	snop;
	(pc) =	sbr.rel @p0 .LBB2_4-.Ltmp5, $4  }
0x6b3: {  	s26 =	sadd.s32 $0x440, s0;
	s28 =	simm.s32 $0x7E00  }
0x6b4: {  	[hbm4b:s26+s14] =	stream.strided.scatter [tilespmem:s28], [sflag:$0x8], $0x400, s19, s14, $0x38;
	[tilespmem:$0x18600] =	vst v63  }
0x6b5: {  	s29 =	simm.s32 $0x8200;
	s0 =	sadd.s32 $0x460, s0  }
0x6b6: {  	[hbm4b:s0+s14] =	stream.strided.scatter [tilespmem:s29], [sflag:$0x8], $0x400, s19, s14, $0x38;
	[tilespmem:$0x18600] =	vst v63  }
0x6b7: {  	s0 =	simm.s32 $0x5  }
0x6b8: {  	_ =	swait.ge [sflag:s0], $0x2000  }
0x6b9: {  	[sflag:s0] =	ssyncset.done $0x0  }
0x6ba: {  	s26 =	simm.s32 $0x6;
	[sflag:s0] =	ssyncadd.s32 $0xFFFFE000  }
0x6bb: {  	_ =	swait.ge [sflag:s26], $0x2000  }
0x6bc: {  	[sflag:s26] =	ssyncset.done $0x0  }
0x6bd: {  	s28 =	simm.s32 $0x7;
	[sflag:s26] =	ssyncadd.s32 $0xFFFFE000  }
0x6be: {  	_ =	swait.ge [sflag:s28], $0x2000  }
0x6bf: {  	[sflag:s28] =	ssyncset.done $0x0  }
0x6c0: {  	s2 =	simm.s32 $0x8;
	[sflag:s28] =	ssyncadd.s32 $0xFFFFE000  }
0x6c1: {  	_ =	swait.ge [sflag:s2], $0x2000  }
0x6c2: {  	s3 =	sld [smem:$0x7F7]  }
0x6c3: {  	s29 =	sld [smem:$0x7FD];
	_ =	sdelay $0x1  }
0x6c4: {  	s3 =	sadd.s32 $0x1, s3  }
0x6c5: {  	p0 =	sne.s32 s3, s29  }
.Ltmp6:
0x6c6: {  	_ = 	snop;
	(pc) =	sbr.rel @p0 .LBB2_1-.Ltmp6, $3  }
0x6c7: {  	_ =	sdelay $0x1  }
0x6c8: {  	[sflag:s2] =	ssyncset.done $0x0  }
0x6c9: {  	s7 =	simm.s32 $0x9;
	[sflag:s2] =	ssyncadd.s32 $0xFFFFE000  }
0x6ca: {  	_ =	sfence.sel $0x180000  }
0x6cb: {  	[bflag:$0x0] =	sbarrier.arrive $0xFFFF  }
0x6cc: {  	_ =	strace $0x90000047  }
0x6cd: {  	s0 =	stileid.u32;
	[bflag:$0x2] =	sbarrier.arrive $0xFFFF  }
0x6ce: {  	p0 =	sne.s32 s0, $0x0;
	s0 =	rddreg [dreg:$0x2]  }
0x6cf: {  	s0 =	sadd.s32 @!p0 $0x100000, s0  }
0x6d0: {  	[sflag:s0] =	ssyncadd.tile.s32 @!p0 $0x1;
	_ =	shalt  }
.Lfunc_end2:
_tile_overlayer_lowered:
.L_overlay_start_2:
0x6d1: {  	(tag) =	ssettag $0x2  }
0x6d2: {  	s0 =	rddreg [dreg:$0x0];
	s2 =	stileid.u32  }
0x6d3: {  	s1 =	rddreg [dreg:$0x1];
	p0 =	sne.s32 s2, $0x0  }
0x6d4: {  	s3 =	rddreg [dreg:$0x2];
	[bflag:$0x3] =	sbarrier.arrive $0xFFFF;
	s2 =	simm.s32 @!p0 $0x1C0A  }
0x6d5: {  	[timem:s3], [sflag:s2] =	dma.local @!p0 [hbm:s0], s1  }
0x6d6: {  	s0 =	simm.s32 @!p0 $0xA  }
0x6d7: {  	_ =	swait.ge @!p0 [sflag:s0], s1  }
0x6d8: {  	s1 =	ssub.s32 @!p0 $0x0, s1;
	[sflag:s0] =	ssyncset.done @!p0 $0x0  }
0x6d9: {  	[sflag:s0] =	ssyncadd.s32 @!p0 s1  }
0x6da: {  	[bflag:$0x3] =	sbarrier.arrive $0xFFFF  }
0x6db: {  	_ =	shalt  }

</sc_bundles>
